<compile_context>
chip_gen: v7x
topology: tpu7x:2x2x1
jax: 0.10.2.dev20260603
libtpu: 0.0.44.dev20260713+nightly
codegen_flags: <defaults>
</compile_context>

<pallas_src>
import functools

import jax
import jax.numpy as jnp
from jax import lax
from jax.experimental import pallas as pl
from jax.experimental.pallas import tpu as pltpu
from jax.experimental.pallas import tpu_sc as plsc

N_LABELS = 1000
N_DEPTHS = 4
BATCH = 16384
D_WORDS = 250
D_PAD = 256

NUM_CORES = 2
NUM_SUBCORES = 16
NUM_WORKERS = NUM_CORES * NUM_SUBCORES
B_PER_W = BATCH // NUM_WORKERS
CHUNK = 128
N_CHUNKS = B_PER_W // CHUNK
TOTAL_CHUNKS = N_DEPTHS * N_CHUNKS

BLK = 512


def _make_sc_gather():
  mesh = plsc.VectorSubcoreMesh(core_axis_name="c", subcore_axis_name="s")

  @functools.partial(
      pl.kernel,
      mesh=mesh,
      out_type=[jax.ShapeDtypeStruct((BATCH, D_PAD), jnp.int32)
                for _ in range(N_DEPTHS)],
      scratch_types=[
          pltpu.VMEM((B_PER_W,), jnp.int32),
          pltpu.VMEM((2, CHUNK), jnp.int32),
          pltpu.VMEM((2, CHUNK, D_PAD), jnp.int32),
          pltpu.SemaphoreType.DMA,
          pltpu.SemaphoreType.DMA,
      ],
  )
  def gather_kernel(table, labels, out0, out1, out2, out3,
                    lab_v, idx_v, rows_v, sem0, sem1):
    outs = (out0, out1, out2, out3)
    sems = (sem0, sem1)
    wid = lax.axis_index("s") * NUM_CORES + lax.axis_index("c")
    base = wid * B_PER_W

    pltpu.sync_copy(labels.at[pl.ds(base, B_PER_W)], lab_v)

    def fill_idx(g):
      d, c = divmod(g, N_CHUNKS)
      buf = g % 2
      off = jnp.int32(d * N_LABELS)
      for i in range(CHUNK // 16):
        sl = pl.ds(c * CHUNK + i * 16, 16)
        idx_v[buf, pl.ds(i * 16, 16)] = lab_v[sl] + off

    def start_gather(g):
      buf = g % 2
      copy = pltpu.make_async_copy(
          table.at[idx_v.at[buf]], rows_v.at[buf], sems[buf])
      copy.start()
      return copy

    def drain(g, copy):
      d, c = divmod(g, N_CHUNKS)
      buf = g % 2
      copy.wait()
      pltpu.sync_copy(rows_v.at[buf],
                      outs[d].at[pl.ds(base + c * CHUNK, CHUNK)])

    fill_idx(0)
    inflight = start_gather(0)
    for g in range(1, TOTAL_CHUNKS):
      fill_idx(g)
      nxt = start_gather(g)
      drain(g - 1, inflight)
      inflight = nxt
    drain(TOTAL_CHUNKS - 1, inflight)

  return gather_kernel


_sc_gather = _make_sc_gather()


def _unpack_tc_kernel(*refs):
  o_refs, out_refs = refs[:N_DEPTHS], refs[N_DEPTHS:]
  for o_ref, out_ref in zip(o_refs, out_refs):
    w = jnp.transpose(o_ref[...])
    x = pltpu.bitcast(w, jnp.int8)
    out_ref[...] = x[:N_LABELS, :]


_unpack_tc = pl.pallas_call(
    _unpack_tc_kernel,
    grid=(BATCH // BLK,),
    in_specs=[pl.BlockSpec((BLK, D_PAD), lambda j: (j, 0))
              for _ in range(N_DEPTHS)],
    out_specs=[pl.BlockSpec((N_LABELS, BLK), lambda j: (0, j))
               for _ in range(N_DEPTHS)],
    out_shape=[jax.ShapeDtypeStruct((N_LABELS, BATCH), jnp.int8)
               for _ in range(N_DEPTHS)],
)


@jax.jit
def kernel(labels, adversaries):
  a = jnp.pad(adversaries, ((0, 0), (0, 0), (0, 4 * D_PAD - N_LABELS)))
  a = a.reshape(N_DEPTHS, N_LABELS, D_PAD, 4).astype(jnp.uint32)
  w = (a[..., 0] | (a[..., 1] << 8) | (a[..., 2] << 16) | (a[..., 3] << 24))
  tbl = jax.lax.bitcast_convert_type(
      w.reshape(N_DEPTHS * N_LABELS, D_PAD), jnp.int32)
  lab = labels.reshape(BATCH)

  outs = _sc_gather(tbl, lab)
  u8s = _unpack_tc(*outs)
  return tuple(jnp.transpose(u).astype(jnp.bool_) for u in u8s)

# --- scband reference (transcript-rebuilt; emitter-appended) ---
"""Pipeline reference for scband-hierarchical-label-masking-7301444403563 (READ-ONLY COPY).

The authoritative reference and input builder live on the scoring server;
editing this copy changes nothing except your own understanding.
"""

import jax, jax.numpy as jnp
import numpy as np

N_LABELS = 1000
N_DEPTHS = 4
BATCH = 16384


def setup_inputs(seed: int = 0) -> dict:
    key = jax.random.key(seed)
    labels = jax.random.randint(key, (BATCH, 1), 0, N_LABELS, dtype=jnp.int32)
    # Non-trainable adversaries mask table, initialized to all-True as in the
    # original Keras layer (constant_initializer(True)).
    adversaries = jnp.ones((N_DEPTHS, N_LABELS, N_LABELS), dtype=bool)
    return {"labels": labels, "adversaries": adversaries}


def reference(labels, adversaries):
    # Original: for each depth d, gather_nd(adversaries, [[d, label_i]]) ->
    # row adversaries[d, label_i, :] of length n_labels, per sample.
    lab = labels[:, 0]
    masks = tuple(jnp.take(adversaries[d], lab, axis=0) for d in range(N_DEPTHS))
    return masks

if __name__ == "__main__":
    import jax
    _d = setup_inputs()
    print(jax.jit(kernel)(*tuple(_d.values())))

</pallas_src>

<mosaic_0001>
#map = affine_map<(d0, d1) -> (0, 0)>
#map1 = affine_map<(d0, d1) -> (0)>
module attributes {stable_mosaic.version = 14 : i64} {
  func.func @gather_kernel(%arg0: i32, %arg1: i32, %arg2: memref<4000x256xi32, #tpu.memory_space<hbm>>, %arg3: memref<16384xi32, #tpu.memory_space<hbm>>, %arg4: memref<16384x256xi32, #tpu.memory_space<hbm>>, %arg5: memref<16384x256xi32, #tpu.memory_space<hbm>>, %arg6: memref<16384x256xi32, #tpu.memory_space<hbm>>, %arg7: memref<16384x256xi32, #tpu.memory_space<hbm>>, %arg8: memref<512xi32, #tpu.memory_space<vmem>>, %arg9: memref<2x128xi32, #tpu.memory_space<vmem>>, %arg10: memref<2x128x256xi32, #tpu.memory_space<vmem>>, %arg11: memref<!tpu.dma_semaphore, #tpu.memory_space<semaphore_mem>>, %arg12: memref<!tpu.dma_semaphore, #tpu.memory_space<semaphore_mem>>) attributes {dimension_semantics = [#tpu.dimension_semantics<core_parallel>, #tpu.dimension_semantics<subcore_parallel>], iteration_bounds = array<i64: 2, 16>, scalar_prefetch = 0 : i64, scratch_operands = 5 : i64, tpu.core_type = #tpu.core_type<sc_vector_subcore>, window_params = [{transform_indices = #map}, {transform_indices = #map1}, {transform_indices = #map}, {transform_indices = #map}, {transform_indices = #map}, {transform_indices = #map}]} {
    %mul3A = arith.constant 2 : i32
    %mul3A_0 = arith.muli %arg1, %mul3A : i32
    %add3A = arith.addi %mul3A_0, %arg0 : i32
    %mul3A_1 = arith.constant 512 : i32
    %mul3A_2 = arith.muli %add3A, %mul3A_1 : i32
    "tpu.region"() ({
      %run_scoped3A_1966 = tpu.sem_alloc : memref<!tpu.dma_semaphore, #tpu.memory_space<semaphore_mem>>
      %dma_start3A_1967 = tpu.memref_slice %arg3[%mul3A_2] : memref<16384xi32, #tpu.memory_space<hbm>> -> memref<512xi32, #tpu.memory_space<hbm>>
      %dma_start3A_1968 = tpu.memref_slice %arg3[%mul3A_2] : memref<16384xi32, #tpu.memory_space<hbm>> -> memref<512xi32, #tpu.memory_space<hbm>>
      tpu.enqueue_dma source(%dma_start3A_1968 : memref<512xi32, #tpu.memory_space<hbm>>) target(%arg8 : memref<512xi32, #tpu.memory_space<vmem>>) target_semaphore(%run_scoped3A_1966 : memref<!tpu.dma_semaphore, #tpu.memory_space<semaphore_mem>>)
      %dma_wait3A_1969 = tpu.memref_slice %arg3[%mul3A_2] : memref<16384xi32, #tpu.memory_space<hbm>> -> memref<512xi32, #tpu.memory_space<hbm>>
      %dma_wait3A_1970 = tpu.memref_slice %arg3[%mul3A_2] : memref<16384xi32, #tpu.memory_space<hbm>> -> memref<512xi32, #tpu.memory_space<hbm>>
      tpu.wait_dma2 semaphore(%run_scoped3A_1966 : memref<!tpu.dma_semaphore, #tpu.memory_space<semaphore_mem>>) src(%dma_wait3A_1970 : memref<512xi32, #tpu.memory_space<hbm>>) dst(%arg8 : memref<512xi32, #tpu.memory_space<vmem>>)
      tpu.yield
    }) : () -> ()
    %get3A = arith.constant 0 : index
    %get3A_3 = tpu.vector_load %arg8[%get3A] {strides = array<i32>} : memref<512xi32, #tpu.memory_space<vmem>>, vector<16xi32>,
    %get3A_4 = vector.shape_cast %get3A_3 : vector<16xi32> to vector<16xi32>
    %add3A_5 = arith.constant 0 : i32
    %add3A_6 = vector.broadcast %add3A_5 : i32 to vector<16xi32>
    %add3A_7 = arith.addi %get3A_4, %add3A_6 : vector<16xi32>
    %swap3A = arith.constant 0 : i32
    %swap3A_8 = arith.index_cast %swap3A : i32 to index
    %swap3A_9 = arith.constant 0 : index
    %swap3A_10 = tpu.vector_load %arg9[%swap3A_8, %swap3A_9] {strides = array<i32>} : memref<2x128xi32, #tpu.memory_space<vmem>>, vector<1x16xi32>,
    %swap3A_11 = vector.shape_cast %swap3A_10 : vector<1x16xi32> to vector<16xi32>
    %swap3A_12 = vector.shape_cast %add3A_7 : vector<16xi32> to vector<1x16xi32>
    tpu.vector_store %arg9[%swap3A_8, %swap3A_9], %swap3A_12 {strides = array<i32>} : memref<2x128xi32, #tpu.memory_space<vmem>>, vector<1x16xi32>,
    %get3A_13 = arith.constant 16 : index
    %get3A_14 = tpu.vector_load %arg8[%get3A_13] {strides = array<i32>} : memref<512xi32, #tpu.memory_space<vmem>>, vector<16xi32>,
    %get3A_15 = vector.shape_cast %get3A_14 : vector<16xi32> to vector<16xi32>
    %add3A_16 = arith.constant 0 : i32
    %add3A_17 = vector.broadcast %add3A_16 : i32 to vector<16xi32>
    %add3A_18 = arith.addi %get3A_15, %add3A_17 : vector<16xi32>
    %swap3A_19 = arith.constant 0 : i32
    %swap3A_20 = arith.index_cast %swap3A_19 : i32 to index
    %swap3A_21 = arith.constant 16 : index
    %swap3A_22 = tpu.vector_load %arg9[%swap3A_20, %swap3A_21] {strides = array<i32>} : memref<2x128xi32, #tpu.memory_space<vmem>>, vector<1x16xi32>,
    %swap3A_23 = vector.shape_cast %swap3A_22 : vector<1x16xi32> to vector<16xi32>
    %swap3A_24 = vector.shape_cast %add3A_18 : vector<16xi32> to vector<1x16xi32>
    tpu.vector_store %arg9[%swap3A_20, %swap3A_21], %swap3A_24 {strides = array<i32>} : memref<2x128xi32, #tpu.memory_space<vmem>>, vector<1x16xi32>,
    %get3A_25 = arith.constant 32 : index
    %get3A_26 = tpu.vector_load %arg8[%get3A_25] {strides = array<i32>} : memref<512xi32, #tpu.memory_space<vmem>>, vector<16xi32>,
    %get3A_27 = vector.shape_cast %get3A_26 : vector<16xi32> to vector<16xi32>
    %add3A_28 = arith.constant 0 : i32
    %add3A_29 = vector.broadcast %add3A_28 : i32 to vector<16xi32>
    %add3A_30 = arith.addi %get3A_27, %add3A_29 : vector<16xi32>
    %swap3A_31 = arith.constant 0 : i32
    %swap3A_32 = arith.index_cast %swap3A_31 : i32 to index
    %swap3A_33 = arith.constant 32 : index
    %swap3A_34 = tpu.vector_load %arg9[%swap3A_32, %swap3A_33] {strides = array<i32>} : memref<2x128xi32, #tpu.memory_space<vmem>>, vector<1x16xi32>,
    %swap3A_35 = vector.shape_cast %swap3A_34 : vector<1x16xi32> to vector<16xi32>
    %swap3A_36 = vector.shape_cast %add3A_30 : vector<16xi32> to vector<1x16xi32>
    tpu.vector_store %arg9[%swap3A_32, %swap3A_33], %swap3A_36 {strides = array<i32>} : memref<2x128xi32, #tpu.memory_space<vmem>>, vector<1x16xi32>,
    %get3A_37 = arith.constant 48 : index
    %get3A_38 = tpu.vector_load %arg8[%get3A_37] {strides = array<i32>} : memref<512xi32, #tpu.memory_space<vmem>>, vector<16xi32>,
    %get3A_39 = vector.shape_cast %get3A_38 : vector<16xi32> to vector<16xi32>
    %add3A_40 = arith.constant 0 : i32
    %add3A_41 = vector.broadcast %add3A_40 : i32 to vector<16xi32>
    %add3A_42 = arith.addi %get3A_39, %add3A_41 : vector<16xi32>
    %swap3A_43 = arith.constant 0 : i32
    %swap3A_44 = arith.index_cast %swap3A_43 : i32 to index
    %swap3A_45 = arith.constant 48 : index
    %swap3A_46 = tpu.vector_load %arg9[%swap3A_44, %swap3A_45] {strides = array<i32>} : memref<2x128xi32, #tpu.memory_space<vmem>>, vector<1x16xi32>,
    %swap3A_47 = vector.shape_cast %swap3A_46 : vector<1x16xi32> to vector<16xi32>
    %swap3A_48 = vector.shape_cast %add3A_42 : vector<16xi32> to vector<1x16xi32>
    tpu.vector_store %arg9[%swap3A_44, %swap3A_45], %swap3A_48 {strides = array<i32>} : memref<2x128xi32, #tpu.memory_space<vmem>>, vector<1x16xi32>,
    %get3A_49 = arith.constant 64 : index
    %get3A_50 = tpu.vector_load %arg8[%get3A_49] {strides = array<i32>} : memref<512xi32, #tpu.memory_space<vmem>>, vector<16xi32>,
    %get3A_51 = vector.shape_cast %get3A_50 : vector<16xi32> to vector<16xi32>
    %add3A_52 = arith.constant 0 : i32
    %add3A_53 = vector.broadcast %add3A_52 : i32 to vector<16xi32>
    %add3A_54 = arith.addi %get3A_51, %add3A_53 : vector<16xi32>
    %swap3A_55 = arith.constant 0 : i32
    %swap3A_56 = arith.index_cast %swap3A_55 : i32 to index
    %swap3A_57 = arith.constant 64 : index
    %swap3A_58 = tpu.vector_load %arg9[%swap3A_56, %swap3A_57] {strides = array<i32>} : memref<2x128xi32, #tpu.memory_space<vmem>>, vector<1x16xi32>,
    %swap3A_59 = vector.shape_cast %swap3A_58 : vector<1x16xi32> to vector<16xi32>
    %swap3A_60 = vector.shape_cast %add3A_54 : vector<16xi32> to vector<1x16xi32>
    tpu.vector_store %arg9[%swap3A_56, %swap3A_57], %swap3A_60 {strides = array<i32>} : memref<2x128xi32, #tpu.memory_space<vmem>>, vector<1x16xi32>,
    %get3A_61 = arith.constant 80 : index
    %get3A_62 = tpu.vector_load %arg8[%get3A_61] {strides = array<i32>} : memref<512xi32, #tpu.memory_space<vmem>>, vector<16xi32>,
    %get3A_63 = vector.shape_cast %get3A_62 : vector<16xi32> to vector<16xi32>
    %add3A_64 = arith.constant 0 : i32
    %add3A_65 = vector.broadcast %add3A_64 : i32 to vector<16xi32>
    %add3A_66 = arith.addi %get3A_63, %add3A_65 : vector<16xi32>
    %swap3A_67 = arith.constant 0 : i32
    %swap3A_68 = arith.index_cast %swap3A_67 : i32 to index
    %swap3A_69 = arith.constant 80 : index
    %swap3A_70 = tpu.vector_load %arg9[%swap3A_68, %swap3A_69] {strides = array<i32>} : memref<2x128xi32, #tpu.memory_space<vmem>>, vector<1x16xi32>,
    %swap3A_71 = vector.shape_cast %swap3A_70 : vector<1x16xi32> to vector<16xi32>
    %swap3A_72 = vector.shape_cast %add3A_66 : vector<16xi32> to vector<1x16xi32>
    tpu.vector_store %arg9[%swap3A_68, %swap3A_69], %swap3A_72 {strides = array<i32>} : memref<2x128xi32, #tpu.memory_space<vmem>>, vector<1x16xi32>,
    %get3A_73 = arith.constant 96 : index
    %get3A_74 = tpu.vector_load %arg8[%get3A_73] {strides = array<i32>} : memref<512xi32, #tpu.memory_space<vmem>>, vector<16xi32>,
    %get3A_75 = vector.shape_cast %get3A_74 : vector<16xi32> to vector<16xi32>
    %add3A_76 = arith.constant 0 : i32
    %add3A_77 = vector.broadcast %add3A_76 : i32 to vector<16xi32>
    %add3A_78 = arith.addi %get3A_75, %add3A_77 : vector<16xi32>
    %swap3A_79 = arith.constant 0 : i32
    %swap3A_80 = arith.index_cast %swap3A_79 : i32 to index
    %swap3A_81 = arith.constant 96 : index
    %swap3A_82 = tpu.vector_load %arg9[%swap3A_80, %swap3A_81] {strides = array<i32>} : memref<2x128xi32, #tpu.memory_space<vmem>>, vector<1x16xi32>,
    %swap3A_83 = vector.shape_cast %swap3A_82 : vector<1x16xi32> to vector<16xi32>
    %swap3A_84 = vector.shape_cast %add3A_78 : vector<16xi32> to vector<1x16xi32>
    tpu.vector_store %arg9[%swap3A_80, %swap3A_81], %swap3A_84 {strides = array<i32>} : memref<2x128xi32, #tpu.memory_space<vmem>>, vector<1x16xi32>,
    %get3A_85 = arith.constant 112 : index
    %get3A_86 = tpu.vector_load %arg8[%get3A_85] {strides = array<i32>} : memref<512xi32, #tpu.memory_space<vmem>>, vector<16xi32>,
    %get3A_87 = vector.shape_cast %get3A_86 : vector<16xi32> to vector<16xi32>
    %add3A_88 = arith.constant 0 : i32
    %add3A_89 = vector.broadcast %add3A_88 : i32 to vector<16xi32>
    %add3A_90 = arith.addi %get3A_87, %add3A_89 : vector<16xi32>
    %swap3A_91 = arith.constant 0 : i32
    %swap3A_92 = arith.index_cast %swap3A_91 : i32 to index
    %swap3A_93 = arith.constant 112 : index
    %swap3A_94 = tpu.vector_load %arg9[%swap3A_92, %swap3A_93] {strides = array<i32>} : memref<2x128xi32, #tpu.memory_space<vmem>>, vector<1x16xi32>,
    %swap3A_95 = vector.shape_cast %swap3A_94 : vector<1x16xi32> to vector<16xi32>
    %swap3A_96 = vector.shape_cast %add3A_90 : vector<16xi32> to vector<1x16xi32>
    tpu.vector_store %arg9[%swap3A_92, %swap3A_93], %swap3A_96 {strides = array<i32>} : memref<2x128xi32, #tpu.memory_space<vmem>>, vector<1x16xi32>,
    %dma_start3A = arith.constant 0 : i32
    %dma_start3A_97 = arith.constant 0 : i32
    %dma_start3A_98 = arith.constant 0 : i32
    %dma_start3A_99 = arith.constant 0 : i32
    %dma_start3A_100 = tpu.memref_slice %arg10[%dma_start3A_97, %dma_start3A_98, %dma_start3A_99] : memref<2x128x256xi32, #tpu.memory_space<vmem>> -> memref<1x128x256xi32, #tpu.memory_space<vmem>>
    %dma_start3A_101 = tpu.memref_squeeze %dma_start3A_100 : memref<1x128x256xi32, #tpu.memory_space<vmem>> -> memref<128x256xi32, #tpu.memory_space<vmem>>
    %dma_start3A_102 = arith.constant 0 : i32
    %dma_start3A_103 = tpu.memref_slice %arg9[%dma_start3A, %dma_start3A_102] : memref<2x128xi32, #tpu.memory_space<vmem>> -> memref<1x128xi32, #tpu.memory_space<vmem>>
    %dma_start3A_104 = tpu.memref_squeeze %dma_start3A_103 : memref<1x128xi32, #tpu.memory_space<vmem>> -> memref<128xi32, #tpu.memory_space<vmem>>
    %dma_start3A_105 = arith.constant 0 : i32
    %dma_start3A_106 = arith.constant 0 : i32
    %dma_start3A_107 = tpu.memref_slice %arg2[%dma_start3A_105, %dma_start3A_106] : memref<4000x256xi32, #tpu.memory_space<hbm>> -> memref<4000x256xi32, #tpu.memory_space<hbm>>
    tpu.enqueue_indirect_dma source(%dma_start3A_107 : memref<4000x256xi32, #tpu.memory_space<hbm>>) target(%dma_start3A_101 : memref<128x256xi32, #tpu.memory_space<vmem>>) offsets(%dma_start3A_104 : memref<128xi32, #tpu.memory_space<vmem>>) semaphore(%arg11 : memref<!tpu.dma_semaphore, #tpu.memory_space<semaphore_mem>>)
    %get3A_108 = arith.constant 128 : index
    %get3A_109 = tpu.vector_load %arg8[%get3A_108] {strides = array<i32>} : memref<512xi32, #tpu.memory_space<vmem>>, vector<16xi32>,
    %get3A_110 = vector.shape_cast %get3A_109 : vector<16xi32> to vector<16xi32>
    %add3A_111 = arith.constant 0 : i32
    %add3A_112 = vector.broadcast %add3A_111 : i32 to vector<16xi32>
    %add3A_113 = arith.addi %get3A_110, %add3A_112 : vector<16xi32>
    %swap3A_114 = arith.constant 1 : i32
    %swap3A_115 = arith.index_cast %swap3A_114 : i32 to index
    %swap3A_116 = arith.constant 0 : index
    %swap3A_117 = tpu.vector_load %arg9[%swap3A_115, %swap3A_116] {strides = array<i32>} : memref<2x128xi32, #tpu.memory_space<vmem>>, vector<1x16xi32>,
    %swap3A_118 = vector.shape_cast %swap3A_117 : vector<1x16xi32> to vector<16xi32>
    %swap3A_119 = vector.shape_cast %add3A_113 : vector<16xi32> to vector<1x16xi32>
    tpu.vector_store %arg9[%swap3A_115, %swap3A_116], %swap3A_119 {strides = array<i32>} : memref<2x128xi32, #tpu.memory_space<vmem>>, vector<1x16xi32>,
    %get3A_120 = arith.constant 144 : index
    %get3A_121 = tpu.vector_load %arg8[%get3A_120] {strides = array<i32>} : memref<512xi32, #tpu.memory_space<vmem>>, vector<16xi32>,
    %get3A_122 = vector.shape_cast %get3A_121 : vector<16xi32> to vector<16xi32>
    %add3A_123 = arith.constant 0 : i32
    %add3A_124 = vector.broadcast %add3A_123 : i32 to vector<16xi32>
    %add3A_125 = arith.addi %get3A_122, %add3A_124 : vector<16xi32>
    %swap3A_126 = arith.constant 1 : i32
    %swap3A_127 = arith.index_cast %swap3A_126 : i32 to index
    %swap3A_128 = arith.constant 16 : index
    %swap3A_129 = tpu.vector_load %arg9[%swap3A_127, %swap3A_128] {strides = array<i32>} : memref<2x128xi32, #tpu.memory_space<vmem>>, vector<1x16xi32>,
    %swap3A_130 = vector.shape_cast %swap3A_129 : vector<1x16xi32> to vector<16xi32>
    %swap3A_131 = vector.shape_cast %add3A_125 : vector<16xi32> to vector<1x16xi32>
    tpu.vector_store %arg9[%swap3A_127, %swap3A_128], %swap3A_131 {strides = array<i32>} : memref<2x128xi32, #tpu.memory_space<vmem>>, vector<1x16xi32>,
    %get3A_132 = arith.constant 160 : index
    %get3A_133 = tpu.vector_load %arg8[%get3A_132] {strides = array<i32>} : memref<512xi32, #tpu.memory_space<vmem>>, vector<16xi32>,
    %get3A_134 = vector.shape_cast %get3A_133 : vector<16xi32> to vector<16xi32>
    %add3A_135 = arith.constant 0 : i32
    %add3A_136 = vector.broadcast %add3A_135 : i32 to vector<16xi32>
    %add3A_137 = arith.addi %get3A_134, %add3A_136 : vector<16xi32>
    %swap3A_138 = arith.constant 1 : i32
    %swap3A_139 = arith.index_cast %swap3A_138 : i32 to index
    %swap3A_140 = arith.constant 32 : index
    %swap3A_141 = tpu.vector_load %arg9[%swap3A_139, %swap3A_140] {strides = array<i32>} : memref<2x128xi32, #tpu.memory_space<vmem>>, vector<1x16xi32>,
    %swap3A_142 = vector.shape_cast %swap3A_141 : vector<1x16xi32> to vector<16xi32>
    %swap3A_143 = vector.shape_cast %add3A_137 : vector<16xi32> to vector<1x16xi32>
    tpu.vector_store %arg9[%swap3A_139, %swap3A_140], %swap3A_143 {strides = array<i32>} : memref<2x128xi32, #tpu.memory_space<vmem>>, vector<1x16xi32>,
    %get3A_144 = arith.constant 176 : index
    %get3A_145 = tpu.vector_load %arg8[%get3A_144] {strides = array<i32>} : memref<512xi32, #tpu.memory_space<vmem>>, vector<16xi32>,
    %get3A_146 = vector.shape_cast %get3A_145 : vector<16xi32> to vector<16xi32>
    %add3A_147 = arith.constant 0 : i32
    %add3A_148 = vector.broadcast %add3A_147 : i32 to vector<16xi32>
    %add3A_149 = arith.addi %get3A_146, %add3A_148 : vector<16xi32>
    %swap3A_150 = arith.constant 1 : i32
    %swap3A_151 = arith.index_cast %swap3A_150 : i32 to index
    %swap3A_152 = arith.constant 48 : index
    %swap3A_153 = tpu.vector_load %arg9[%swap3A_151, %swap3A_152] {strides = array<i32>} : memref<2x128xi32, #tpu.memory_space<vmem>>, vector<1x16xi32>,
    %swap3A_154 = vector.shape_cast %swap3A_153 : vector<1x16xi32> to vector<16xi32>
    %swap3A_155 = vector.shape_cast %add3A_149 : vector<16xi32> to vector<1x16xi32>
    tpu.vector_store %arg9[%swap3A_151, %swap3A_152], %swap3A_155 {strides = array<i32>} : memref<2x128xi32, #tpu.memory_space<vmem>>, vector<1x16xi32>,
    %get3A_156 = arith.constant 192 : index
    %get3A_157 = tpu.vector_load %arg8[%get3A_156] {strides = array<i32>} : memref<512xi32, #tpu.memory_space<vmem>>, vector<16xi32>,
    %get3A_158 = vector.shape_cast %get3A_157 : vector<16xi32> to vector<16xi32>
    %add3A_159 = arith.constant 0 : i32
    %add3A_160 = vector.broadcast %add3A_159 : i32 to vector<16xi32>
    %add3A_161 = arith.addi %get3A_158, %add3A_160 : vector<16xi32>
    %swap3A_162 = arith.constant 1 : i32
    %swap3A_163 = arith.index_cast %swap3A_162 : i32 to index
    %swap3A_164 = arith.constant 64 : index
    %swap3A_165 = tpu.vector_load %arg9[%swap3A_163, %swap3A_164] {strides = array<i32>} : memref<2x128xi32, #tpu.memory_space<vmem>>, vector<1x16xi32>,
    %swap3A_166 = vector.shape_cast %swap3A_165 : vector<1x16xi32> to vector<16xi32>
    %swap3A_167 = vector.shape_cast %add3A_161 : vector<16xi32> to vector<1x16xi32>
    tpu.vector_store %arg9[%swap3A_163, %swap3A_164], %swap3A_167 {strides = array<i32>} : memref<2x128xi32, #tpu.memory_space<vmem>>, vector<1x16xi32>,
    %get3A_168 = arith.constant 208 : index
    %get3A_169 = tpu.vector_load %arg8[%get3A_168] {strides = array<i32>} : memref<512xi32, #tpu.memory_space<vmem>>, vector<16xi32>,
    %get3A_170 = vector.shape_cast %get3A_169 : vector<16xi32> to vector<16xi32>
    %add3A_171 = arith.constant 0 : i32
    %add3A_172 = vector.broadcast %add3A_171 : i32 to vector<16xi32>
    %add3A_173 = arith.addi %get3A_170, %add3A_172 : vector<16xi32>
    %swap3A_174 = arith.constant 1 : i32
    %swap3A_175 = arith.index_cast %swap3A_174 : i32 to index
    %swap3A_176 = arith.constant 80 : index
    %swap3A_177 = tpu.vector_load %arg9[%swap3A_175, %swap3A_176] {strides = array<i32>} : memref<2x128xi32, #tpu.memory_space<vmem>>, vector<1x16xi32>,
    %swap3A_178 = vector.shape_cast %swap3A_177 : vector<1x16xi32> to vector<16xi32>
    %swap3A_179 = vector.shape_cast %add3A_173 : vector<16xi32> to vector<1x16xi32>
    tpu.vector_store %arg9[%swap3A_175, %swap3A_176], %swap3A_179 {strides = array<i32>} : memref<2x128xi32, #tpu.memory_space<vmem>>, vector<1x16xi32>,
    %get3A_180 = arith.constant 224 : index
    %get3A_181 = tpu.vector_load %arg8[%get3A_180] {strides = array<i32>} : memref<512xi32, #tpu.memory_space<vmem>>, vector<16xi32>,
    %get3A_182 = vector.shape_cast %get3A_181 : vector<16xi32> to vector<16xi32>
    %add3A_183 = arith.constant 0 : i32
    %add3A_184 = vector.broadcast %add3A_183 : i32 to vector<16xi32>
    %add3A_185 = arith.addi %get3A_182, %add3A_184 : vector<16xi32>
    %swap3A_186 = arith.constant 1 : i32
    %swap3A_187 = arith.index_cast %swap3A_186 : i32 to index
    %swap3A_188 = arith.constant 96 : index
    %swap3A_189 = tpu.vector_load %arg9[%swap3A_187, %swap3A_188] {strides = array<i32>} : memref<2x128xi32, #tpu.memory_space<vmem>>, vector<1x16xi32>,
    %swap3A_190 = vector.shape_cast %swap3A_189 : vector<1x16xi32> to vector<16xi32>
    %swap3A_191 = vector.shape_cast %add3A_185 : vector<16xi32> to vector<1x16xi32>
    tpu.vector_store %arg9[%swap3A_187, %swap3A_188], %swap3A_191 {strides = array<i32>} : memref<2x128xi32, #tpu.memory_space<vmem>>, vector<1x16xi32>,
    %get3A_192 = arith.constant 240 : index
    %get3A_193 = tpu.vector_load %arg8[%get3A_192] {strides = array<i32>} : memref<512xi32, #tpu.memory_space<vmem>>, vector<16xi32>,
    %get3A_194 = vector.shape_cast %get3A_193 : vector<16xi32> to vector<16xi32>
    %add3A_195 = arith.constant 0 : i32
    %add3A_196 = vector.broadcast %add3A_195 : i32 to vector<16xi32>
    %add3A_197 = arith.addi %get3A_194, %add3A_196 : vector<16xi32>
    %swap3A_198 = arith.constant 1 : i32
    %swap3A_199 = arith.index_cast %swap3A_198 : i32 to index
    %swap3A_200 = arith.constant 112 : index
    %swap3A_201 = tpu.vector_load %arg9[%swap3A_199, %swap3A_200] {strides = array<i32>} : memref<2x128xi32, #tpu.memory_space<vmem>>, vector<1x16xi32>,
    %swap3A_202 = vector.shape_cast %swap3A_201 : vector<1x16xi32> to vector<16xi32>
    %swap3A_203 = vector.shape_cast %add3A_197 : vector<16xi32> to vector<1x16xi32>
    tpu.vector_store %arg9[%swap3A_199, %swap3A_200], %swap3A_203 {strides = array<i32>} : memref<2x128xi32, #tpu.memory_space<vmem>>, vector<1x16xi32>,
    %dma_start3A_204 = arith.constant 1 : i32
    %dma_start3A_205 = arith.constant 1 : i32
    %dma_start3A_206 = arith.constant 0 : i32
    %dma_start3A_207 = arith.constant 0 : i32
    %dma_start3A_208 = tpu.memref_slice %arg10[%dma_start3A_205, %dma_start3A_206, %dma_start3A_207] : memref<2x128x256xi32, #tpu.memory_space<vmem>> -> memref<1x128x256xi32, #tpu.memory_space<vmem>>
    %dma_start3A_209 = tpu.memref_squeeze %dma_start3A_208 : memref<1x128x256xi32, #tpu.memory_space<vmem>> -> memref<128x256xi32, #tpu.memory_space<vmem>>
    %dma_start3A_210 = arith.constant 0 : i32
    %dma_start3A_211 = tpu.memref_slice %arg9[%dma_start3A_204, %dma_start3A_210] : memref<2x128xi32, #tpu.memory_space<vmem>> -> memref<1x128xi32, #tpu.memory_space<vmem>>
    %dma_start3A_212 = tpu.memref_squeeze %dma_start3A_211 : memref<1x128xi32, #tpu.memory_space<vmem>> -> memref<128xi32, #tpu.memory_space<vmem>>
    %dma_start3A_213 = arith.constant 0 : i32
    %dma_start3A_214 = arith.constant 0 : i32
    %dma_start3A_215 = tpu.memref_slice %arg2[%dma_start3A_213, %dma_start3A_214] : memref<4000x256xi32, #tpu.memory_space<hbm>> -> memref<4000x256xi32, #tpu.memory_space<hbm>>
    tpu.enqueue_indirect_dma source(%dma_start3A_215 : memref<4000x256xi32, #tpu.memory_space<hbm>>) target(%dma_start3A_209 : memref<128x256xi32, #tpu.memory_space<vmem>>) offsets(%dma_start3A_212 : memref<128xi32, #tpu.memory_space<vmem>>) semaphore(%arg12 : memref<!tpu.dma_semaphore, #tpu.memory_space<semaphore_mem>>)
    %dma_wait3A = arith.constant 0 : i32
    %dma_wait3A_216 = arith.constant 0 : i32
    %dma_wait3A_217 = arith.constant 0 : i32
    %dma_wait3A_218 = arith.constant 0 : i32
    %dma_wait3A_219 = tpu.memref_slice %arg10[%dma_wait3A_216, %dma_wait3A_217, %dma_wait3A_218] : memref<2x128x256xi32, #tpu.memory_space<vmem>> -> memref<1x128x256xi32, #tpu.memory_space<vmem>>
    %dma_wait3A_220 = tpu.memref_squeeze %dma_wait3A_219 : memref<1x128x256xi32, #tpu.memory_space<vmem>> -> memref<128x256xi32, #tpu.memory_space<vmem>>
    %dma_wait3A_221 = arith.constant 0 : i32
    %dma_wait3A_222 = tpu.memref_slice %arg9[%dma_wait3A, %dma_wait3A_221] : memref<2x128xi32, #tpu.memory_space<vmem>> -> memref<1x128xi32, #tpu.memory_space<vmem>>
    %dma_wait3A_223 = tpu.memref_squeeze %dma_wait3A_222 : memref<1x128xi32, #tpu.memory_space<vmem>> -> memref<128xi32, #tpu.memory_space<vmem>>
    %dma_wait3A_224 = arith.constant 0 : i32
    %dma_wait3A_225 = arith.constant 0 : i32
    %dma_wait3A_226 = tpu.memref_slice %arg2[%dma_wait3A_224, %dma_wait3A_225] : memref<4000x256xi32, #tpu.memory_space<hbm>> -> memref<4000x256xi32, #tpu.memory_space<hbm>>
    tpu.wait_indirect_dma semaphore(%arg11 : memref<!tpu.dma_semaphore, #tpu.memory_space<semaphore_mem>>) src(%dma_wait3A_226 : memref<4000x256xi32, #tpu.memory_space<hbm>>) dst(%dma_wait3A_220 : memref<128x256xi32, #tpu.memory_space<vmem>>)
    %add3A_227 = arith.constant 0 : i32
    %add3A_228 = arith.addi %mul3A_2, %add3A_227 : i32
    %run_scoped3A = arith.constant 0 : i32
    "tpu.region"() ({
      %run_scoped3A_1966 = tpu.sem_alloc : memref<!tpu.dma_semaphore, #tpu.memory_space<semaphore_mem>>
      %dma_start3A_1967 = arith.constant 0 : i32
      %dma_start3A_1968 = arith.constant 0 : i32
      %dma_start3A_1969 = tpu.memref_slice %arg10[%run_scoped3A, %dma_start3A_1967, %dma_start3A_1968] : memref<2x128x256xi32, #tpu.memory_space<vmem>> -> memref<1x128x256xi32, #tpu.memory_space<vmem>>
      %dma_start3A_1970 = tpu.memref_squeeze %dma_start3A_1969 : memref<1x128x256xi32, #tpu.memory_space<vmem>> -> memref<128x256xi32, #tpu.memory_space<vmem>>
      %dma_start3A_1971 = arith.constant 0 : i32
      %dma_start3A_1972 = tpu.memref_slice %arg4[%add3A_228, %dma_start3A_1971] : memref<16384x256xi32, #tpu.memory_space<hbm>> -> memref<128x256xi32, #tpu.memory_space<hbm>>
      %dma_start3A_1973 = arith.constant 0 : i32
      %dma_start3A_1974 = tpu.memref_slice %arg4[%add3A_228, %dma_start3A_1973] : memref<16384x256xi32, #tpu.memory_space<hbm>> -> memref<128x256xi32, #tpu.memory_space<hbm>>
      %dma_start3A_1975 = arith.constant 0 : i32
      %dma_start3A_1976 = arith.constant 0 : i32
      %dma_start3A_1977 = tpu.memref_slice %arg10[%run_scoped3A, %dma_start3A_1975, %dma_start3A_1976] : memref<2x128x256xi32, #tpu.memory_space<vmem>> -> memref<1x128x256xi32, #tpu.memory_space<vmem>>
      %dma_start3A_1978 = tpu.memref_squeeze %dma_start3A_1977 : memref<1x128x256xi32, #tpu.memory_space<vmem>> -> memref<128x256xi32, #tpu.memory_space<vmem>>
      tpu.enqueue_dma source(%dma_start3A_1978 : memref<128x256xi32, #tpu.memory_space<vmem>>) target(%dma_start3A_1974 : memref<128x256xi32, #tpu.memory_space<hbm>>) target_semaphore(%run_scoped3A_1966 : memref<!tpu.dma_semaphore, #tpu.memory_space<semaphore_mem>>)
      %dma_wait3A_1979 = arith.constant 0 : i32
      %dma_wait3A_1980 = arith.constant 0 : i32
      %dma_wait3A_1981 = tpu.memref_slice %arg10[%run_scoped3A, %dma_wait3A_1979, %dma_wait3A_1980] : memref<2x128x256xi32, #tpu.memory_space<vmem>> -> memref<1x128x256xi32, #tpu.memory_space<vmem>>
      %dma_wait3A_1982 = tpu.memref_squeeze %dma_wait3A_1981 : memref<1x128x256xi32, #tpu.memory_space<vmem>> -> memref<128x256xi32, #tpu.memory_space<vmem>>
      %dma_wait3A_1983 = arith.constant 0 : i32
      %dma_wait3A_1984 = tpu.memref_slice %arg4[%add3A_228, %dma_wait3A_1983] : memref<16384x256xi32, #tpu.memory_space<hbm>> -> memref<128x256xi32, #tpu.memory_space<hbm>>
      %dma_wait3A_1985 = arith.constant 0 : i32
      %dma_wait3A_1986 = tpu.memref_slice %arg4[%add3A_228, %dma_wait3A_1985] : memref<16384x256xi32, #tpu.memory_space<hbm>> -> memref<128x256xi32, #tpu.memory_space<hbm>>
      %dma_wait3A_1987 = arith.constant 0 : i32
      %dma_wait3A_1988 = arith.constant 0 : i32
      %dma_wait3A_1989 = tpu.memref_slice %arg10[%run_scoped3A, %dma_wait3A_1987, %dma_wait3A_1988] : memref<2x128x256xi32, #tpu.memory_space<vmem>> -> memref<1x128x256xi32, #tpu.memory_space<vmem>>
      %dma_wait3A_1990 = tpu.memref_squeeze %dma_wait3A_1989 : memref<1x128x256xi32, #tpu.memory_space<vmem>> -> memref<128x256xi32, #tpu.memory_space<vmem>>
      tpu.wait_dma2 semaphore(%run_scoped3A_1966 : memref<!tpu.dma_semaphore, #tpu.memory_space<semaphore_mem>>) src(%dma_wait3A_1990 : memref<128x256xi32, #tpu.memory_space<vmem>>) dst(%dma_wait3A_1986 : memref<128x256xi32, #tpu.memory_space<hbm>>)
      tpu.yield
    }) : () -> ()
    %get3A_229 = arith.constant 256 : index
    %get3A_230 = tpu.vector_load %arg8[%get3A_229] {strides = array<i32>} : memref<512xi32, #tpu.memory_space<vmem>>, vector<16xi32>,
    %get3A_231 = vector.shape_cast %get3A_230 : vector<16xi32> to vector<16xi32>
    %add3A_232 = arith.constant 0 : i32
    %add3A_233 = vector.broadcast %add3A_232 : i32 to vector<16xi32>
    %add3A_234 = arith.addi %get3A_231, %add3A_233 : vector<16xi32>
    %swap3A_235 = arith.constant 0 : i32
    %swap3A_236 = arith.index_cast %swap3A_235 : i32 to index
    %swap3A_237 = arith.constant 0 : index
    %swap3A_238 = tpu.vector_load %arg9[%swap3A_236, %swap3A_237] {strides = array<i32>} : memref<2x128xi32, #tpu.memory_space<vmem>>, vector<1x16xi32>,
    %swap3A_239 = vector.shape_cast %swap3A_238 : vector<1x16xi32> to vector<16xi32>
    %swap3A_240 = vector.shape_cast %add3A_234 : vector<16xi32> to vector<1x16xi32>
    tpu.vector_store %arg9[%swap3A_236, %swap3A_237], %swap3A_240 {strides = array<i32>} : memref<2x128xi32, #tpu.memory_space<vmem>>, vector<1x16xi32>,
    %get3A_241 = arith.constant 272 : index
    %get3A_242 = tpu.vector_load %arg8[%get3A_241] {strides = array<i32>} : memref<512xi32, #tpu.memory_space<vmem>>, vector<16xi32>,
    %get3A_243 = vector.shape_cast %get3A_242 : vector<16xi32> to vector<16xi32>
    %add3A_244 = arith.constant 0 : i32
    %add3A_245 = vector.broadcast %add3A_244 : i32 to vector<16xi32>
    %add3A_246 = arith.addi %get3A_243, %add3A_245 : vector<16xi32>
    %swap3A_247 = arith.constant 0 : i32
    %swap3A_248 = arith.index_cast %swap3A_247 : i32 to index
    %swap3A_249 = arith.constant 16 : index
    %swap3A_250 = tpu.vector_load %arg9[%swap3A_248, %swap3A_249] {strides = array<i32>} : memref<2x128xi32, #tpu.memory_space<vmem>>, vector<1x16xi32>,
    %swap3A_251 = vector.shape_cast %swap3A_250 : vector<1x16xi32> to vector<16xi32>
    %swap3A_252 = vector.shape_cast %add3A_246 : vector<16xi32> to vector<1x16xi32>
    tpu.vector_store %arg9[%swap3A_248, %swap3A_249], %swap3A_252 {strides = array<i32>} : memref<2x128xi32, #tpu.memory_space<vmem>>, vector<1x16xi32>,
    %get3A_253 = arith.constant 288 : index
    %get3A_254 = tpu.vector_load %arg8[%get3A_253] {strides = array<i32>} : memref<512xi32, #tpu.memory_space<vmem>>, vector<16xi32>,
    %get3A_255 = vector.shape_cast %get3A_254 : vector<16xi32> to vector<16xi32>
    %add3A_256 = arith.constant 0 : i32
    %add3A_257 = vector.broadcast %add3A_256 : i32 to vector<16xi32>
    %add3A_258 = arith.addi %get3A_255, %add3A_257 : vector<16xi32>
    %swap3A_259 = arith.constant 0 : i32
    %swap3A_260 = arith.index_cast %swap3A_259 : i32 to index
    %swap3A_261 = arith.constant 32 : index
    %swap3A_262 = tpu.vector_load %arg9[%swap3A_260, %swap3A_261] {strides = array<i32>} : memref<2x128xi32, #tpu.memory_space<vmem>>, vector<1x16xi32>,
    %swap3A_263 = vector.shape_cast %swap3A_262 : vector<1x16xi32> to vector<16xi32>
    %swap3A_264 = vector.shape_cast %add3A_258 : vector<16xi32> to vector<1x16xi32>
    tpu.vector_store %arg9[%swap3A_260, %swap3A_261], %swap3A_264 {strides = array<i32>} : memref<2x128xi32, #tpu.memory_space<vmem>>, vector<1x16xi32>,
    %get3A_265 = arith.constant 304 : index
    %get3A_266 = tpu.vector_load %arg8[%get3A_265] {strides = array<i32>} : memref<512xi32, #tpu.memory_space<vmem>>, vector<16xi32>,
    %get3A_267 = vector.shape_cast %get3A_266 : vector<16xi32> to vector<16xi32>
    %add3A_268 = arith.constant 0 : i32
    %add3A_269 = vector.broadcast %add3A_268 : i32 to vector<16xi32>
    %add3A_270 = arith.addi %get3A_267, %add3A_269 : vector<16xi32>
    %swap3A_271 = arith.constant 0 : i32
    %swap3A_272 = arith.index_cast %swap3A_271 : i32 to index
    %swap3A_273 = arith.constant 48 : index
    %swap3A_274 = tpu.vector_load %arg9[%swap3A_272, %swap3A_273] {strides = array<i32>} : memref<2x128xi32, #tpu.memory_space<vmem>>, vector<1x16xi32>,
    %swap3A_275 = vector.shape_cast %swap3A_274 : vector<1x16xi32> to vector<16xi32>
    %swap3A_276 = vector.shape_cast %add3A_270 : vector<16xi32> to vector<1x16xi32>
    tpu.vector_store %arg9[%swap3A_272, %swap3A_273], %swap3A_276 {strides = array<i32>} : memref<2x128xi32, #tpu.memory_space<vmem>>, vector<1x16xi32>,
    %get3A_277 = arith.constant 320 : index
    %get3A_278 = tpu.vector_load %arg8[%get3A_277] {strides = array<i32>} : memref<512xi32, #tpu.memory_space<vmem>>, vector<16xi32>,
    %get3A_279 = vector.shape_cast %get3A_278 : vector<16xi32> to vector<16xi32>
    %add3A_280 = arith.constant 0 : i32
    %add3A_281 = vector.broadcast %add3A_280 : i32 to vector<16xi32>
    %add3A_282 = arith.addi %get3A_279, %add3A_281 : vector<16xi32>
    %swap3A_283 = arith.constant 0 : i32
    %swap3A_284 = arith.index_cast %swap3A_283 : i32 to index
    %swap3A_285 = arith.constant 64 : index
    %swap3A_286 = tpu.vector_load %arg9[%swap3A_284, %swap3A_285] {strides = array<i32>} : memref<2x128xi32, #tpu.memory_space<vmem>>, vector<1x16xi32>,
    %swap3A_287 = vector.shape_cast %swap3A_286 : vector<1x16xi32> to vector<16xi32>
    %swap3A_288 = vector.shape_cast %add3A_282 : vector<16xi32> to vector<1x16xi32>
    tpu.vector_store %arg9[%swap3A_284, %swap3A_285], %swap3A_288 {strides = array<i32>} : memref<2x128xi32, #tpu.memory_space<vmem>>, vector<1x16xi32>,
    %get3A_289 = arith.constant 336 : index
    %get3A_290 = tpu.vector_load %arg8[%get3A_289] {strides = array<i32>} : memref<512xi32, #tpu.memory_space<vmem>>, vector<16xi32>,
    %get3A_291 = vector.shape_cast %get3A_290 : vector<16xi32> to vector<16xi32>
    %add3A_292 = arith.constant 0 : i32
    %add3A_293 = vector.broadcast %add3A_292 : i32 to vector<16xi32>
    %add3A_294 = arith.addi %get3A_291, %add3A_293 : vector<16xi32>
    %swap3A_295 = arith.constant 0 : i32
    %swap3A_296 = arith.index_cast %swap3A_295 : i32 to index
    %swap3A_297 = arith.constant 80 : index
    %swap3A_298 = tpu.vector_load %arg9[%swap3A_296, %swap3A_297] {strides = array<i32>} : memref<2x128xi32, #tpu.memory_space<vmem>>, vector<1x16xi32>,
    %swap3A_299 = vector.shape_cast %swap3A_298 : vector<1x16xi32> to vector<16xi32>
    %swap3A_300 = vector.shape_cast %add3A_294 : vector<16xi32> to vector<1x16xi32>
    tpu.vector_store %arg9[%swap3A_296, %swap3A_297], %swap3A_300 {strides = array<i32>} : memref<2x128xi32, #tpu.memory_space<vmem>>, vector<1x16xi32>,
    %get3A_301 = arith.constant 352 : index
    %get3A_302 = tpu.vector_load %arg8[%get3A_301] {strides = array<i32>} : memref<512xi32, #tpu.memory_space<vmem>>, vector<16xi32>,
    %get3A_303 = vector.shape_cast %get3A_302 : vector<16xi32> to vector<16xi32>
    %add3A_304 = arith.constant 0 : i32
    %add3A_305 = vector.broadcast %add3A_304 : i32 to vector<16xi32>
    %add3A_306 = arith.addi %get3A_303, %add3A_305 : vector<16xi32>
    %swap3A_307 = arith.constant 0 : i32
    %swap3A_308 = arith.index_cast %swap3A_307 : i32 to index
    %swap3A_309 = arith.constant 96 : index
    %swap3A_310 = tpu.vector_load %arg9[%swap3A_308, %swap3A_309] {strides = array<i32>} : memref<2x128xi32, #tpu.memory_space<vmem>>, vector<1x16xi32>,
    %swap3A_311 = vector.shape_cast %swap3A_310 : vector<1x16xi32> to vector<16xi32>
    %swap3A_312 = vector.shape_cast %add3A_306 : vector<16xi32> to vector<1x16xi32>
    tpu.vector_store %arg9[%swap3A_308, %swap3A_309], %swap3A_312 {strides = array<i32>} : memref<2x128xi32, #tpu.memory_space<vmem>>, vector<1x16xi32>,
    %get3A_313 = arith.constant 368 : index
    %get3A_314 = tpu.vector_load %arg8[%get3A_313] {strides = array<i32>} : memref<512xi32, #tpu.memory_space<vmem>>, vector<16xi32>,
    %get3A_315 = vector.shape_cast %get3A_314 : vector<16xi32> to vector<16xi32>
    %add3A_316 = arith.constant 0 : i32
    %add3A_317 = vector.broadcast %add3A_316 : i32 to vector<16xi32>
    %add3A_318 = arith.addi %get3A_315, %add3A_317 : vector<16xi32>
    %swap3A_319 = arith.constant 0 : i32
    %swap3A_320 = arith.index_cast %swap3A_319 : i32 to index
    %swap3A_321 = arith.constant 112 : index
    %swap3A_322 = tpu.vector_load %arg9[%swap3A_320, %swap3A_321] {strides = array<i32>} : memref<2x128xi32, #tpu.memory_space<vmem>>, vector<1x16xi32>,
    %swap3A_323 = vector.shape_cast %swap3A_322 : vector<1x16xi32> to vector<16xi32>
    %swap3A_324 = vector.shape_cast %add3A_318 : vector<16xi32> to vector<1x16xi32>
    tpu.vector_store %arg9[%swap3A_320, %swap3A_321], %swap3A_324 {strides = array<i32>} : memref<2x128xi32, #tpu.memory_space<vmem>>, vector<1x16xi32>,
    %dma_start3A_325 = arith.constant 0 : i32
    %dma_start3A_326 = arith.constant 0 : i32
    %dma_start3A_327 = arith.constant 0 : i32
    %dma_start3A_328 = arith.constant 0 : i32
    %dma_start3A_329 = tpu.memref_slice %arg10[%dma_start3A_326, %dma_start3A_327, %dma_start3A_328] : memref<2x128x256xi32, #tpu.memory_space<vmem>> -> memref<1x128x256xi32, #tpu.memory_space<vmem>>
    %dma_start3A_330 = tpu.memref_squeeze %dma_start3A_329 : memref<1x128x256xi32, #tpu.memory_space<vmem>> -> memref<128x256xi32, #tpu.memory_space<vmem>>
    %dma_start3A_331 = arith.constant 0 : i32
    %dma_start3A_332 = tpu.memref_slice %arg9[%dma_start3A_325, %dma_start3A_331] : memref<2x128xi32, #tpu.memory_space<vmem>> -> memref<1x128xi32, #tpu.memory_space<vmem>>
    %dma_start3A_333 = tpu.memref_squeeze %dma_start3A_332 : memref<1x128xi32, #tpu.memory_space<vmem>> -> memref<128xi32, #tpu.memory_space<vmem>>
    %dma_start3A_334 = arith.constant 0 : i32
    %dma_start3A_335 = arith.constant 0 : i32
    %dma_start3A_336 = tpu.memref_slice %arg2[%dma_start3A_334, %dma_start3A_335] : memref<4000x256xi32, #tpu.memory_space<hbm>> -> memref<4000x256xi32, #tpu.memory_space<hbm>>
    tpu.enqueue_indirect_dma source(%dma_start3A_336 : memref<4000x256xi32, #tpu.memory_space<hbm>>) target(%dma_start3A_330 : memref<128x256xi32, #tpu.memory_space<vmem>>) offsets(%dma_start3A_333 : memref<128xi32, #tpu.memory_space<vmem>>) semaphore(%arg11 : memref<!tpu.dma_semaphore, #tpu.memory_space<semaphore_mem>>)
    %dma_wait3A_337 = arith.constant 1 : i32
    %dma_wait3A_338 = arith.constant 1 : i32
    %dma_wait3A_339 = arith.constant 0 : i32
    %dma_wait3A_340 = arith.constant 0 : i32
    %dma_wait3A_341 = tpu.memref_slice %arg10[%dma_wait3A_338, %dma_wait3A_339, %dma_wait3A_340] : memref<2x128x256xi32, #tpu.memory_space<vmem>> -> memref<1x128x256xi32, #tpu.memory_space<vmem>>
    %dma_wait3A_342 = tpu.memref_squeeze %dma_wait3A_341 : memref<1x128x256xi32, #tpu.memory_space<vmem>> -> memref<128x256xi32, #tpu.memory_space<vmem>>
    %dma_wait3A_343 = arith.constant 0 : i32
    %dma_wait3A_344 = tpu.memref_slice %arg9[%dma_wait3A_337, %dma_wait3A_343] : memref<2x128xi32, #tpu.memory_space<vmem>> -> memref<1x128xi32, #tpu.memory_space<vmem>>
    %dma_wait3A_345 = tpu.memref_squeeze %dma_wait3A_344 : memref<1x128xi32, #tpu.memory_space<vmem>> -> memref<128xi32, #tpu.memory_space<vmem>>
    %dma_wait3A_346 = arith.constant 0 : i32
    %dma_wait3A_347 = arith.constant 0 : i32
    %dma_wait3A_348 = tpu.memref_slice %arg2[%dma_wait3A_346, %dma_wait3A_347] : memref<4000x256xi32, #tpu.memory_space<hbm>> -> memref<4000x256xi32, #tpu.memory_space<hbm>>
    tpu.wait_indirect_dma semaphore(%arg12 : memref<!tpu.dma_semaphore, #tpu.memory_space<semaphore_mem>>) src(%dma_wait3A_348 : memref<4000x256xi32, #tpu.memory_space<hbm>>) dst(%dma_wait3A_342 : memref<128x256xi32, #tpu.memory_space<vmem>>)
    %add3A_349 = arith.constant 128 : i32
    %add3A_350 = arith.addi %mul3A_2, %add3A_349 : i32
    %run_scoped3A_351 = arith.constant 1 : i32
    "tpu.region"() ({
      %run_scoped3A_1966 = tpu.sem_alloc : memref<!tpu.dma_semaphore, #tpu.memory_space<semaphore_mem>>
      %dma_start3A_1967 = arith.constant 0 : i32
      %dma_start3A_1968 = arith.constant 0 : i32
      %dma_start3A_1969 = tpu.memref_slice %arg10[%run_scoped3A_351, %dma_start3A_1967, %dma_start3A_1968] : memref<2x128x256xi32, #tpu.memory_space<vmem>> -> memref<1x128x256xi32, #tpu.memory_space<vmem>>
      %dma_start3A_1970 = tpu.memref_squeeze %dma_start3A_1969 : memref<1x128x256xi32, #tpu.memory_space<vmem>> -> memref<128x256xi32, #tpu.memory_space<vmem>>
      %dma_start3A_1971 = arith.constant 0 : i32
      %dma_start3A_1972 = tpu.memref_slice %arg4[%add3A_350, %dma_start3A_1971] : memref<16384x256xi32, #tpu.memory_space<hbm>> -> memref<128x256xi32, #tpu.memory_space<hbm>>
      %dma_start3A_1973 = arith.constant 0 : i32
      %dma_start3A_1974 = tpu.memref_slice %arg4[%add3A_350, %dma_start3A_1973] : memref<16384x256xi32, #tpu.memory_space<hbm>> -> memref<128x256xi32, #tpu.memory_space<hbm>>
      %dma_start3A_1975 = arith.constant 0 : i32
      %dma_start3A_1976 = arith.constant 0 : i32
      %dma_start3A_1977 = tpu.memref_slice %arg10[%run_scoped3A_351, %dma_start3A_1975, %dma_start3A_1976] : memref<2x128x256xi32, #tpu.memory_space<vmem>> -> memref<1x128x256xi32, #tpu.memory_space<vmem>>
      %dma_start3A_1978 = tpu.memref_squeeze %dma_start3A_1977 : memref<1x128x256xi32, #tpu.memory_space<vmem>> -> memref<128x256xi32, #tpu.memory_space<vmem>>
      tpu.enqueue_dma source(%dma_start3A_1978 : memref<128x256xi32, #tpu.memory_space<vmem>>) target(%dma_start3A_1974 : memref<128x256xi32, #tpu.memory_space<hbm>>) target_semaphore(%run_scoped3A_1966 : memref<!tpu.dma_semaphore, #tpu.memory_space<semaphore_mem>>)
      %dma_wait3A_1979 = arith.constant 0 : i32
      %dma_wait3A_1980 = arith.constant 0 : i32
      %dma_wait3A_1981 = tpu.memref_slice %arg10[%run_scoped3A_351, %dma_wait3A_1979, %dma_wait3A_1980] : memref<2x128x256xi32, #tpu.memory_space<vmem>> -> memref<1x128x256xi32, #tpu.memory_space<vmem>>
      %dma_wait3A_1982 = tpu.memref_squeeze %dma_wait3A_1981 : memref<1x128x256xi32, #tpu.memory_space<vmem>> -> memref<128x256xi32, #tpu.memory_space<vmem>>
      %dma_wait3A_1983 = arith.constant 0 : i32
      %dma_wait3A_1984 = tpu.memref_slice %arg4[%add3A_350, %dma_wait3A_1983] : memref<16384x256xi32, #tpu.memory_space<hbm>> -> memref<128x256xi32, #tpu.memory_space<hbm>>
      %dma_wait3A_1985 = arith.constant 0 : i32
      %dma_wait3A_1986 = tpu.memref_slice %arg4[%add3A_350, %dma_wait3A_1985] : memref<16384x256xi32, #tpu.memory_space<hbm>> -> memref<128x256xi32, #tpu.memory_space<hbm>>
      %dma_wait3A_1987 = arith.constant 0 : i32
      %dma_wait3A_1988 = arith.constant 0 : i32
      %dma_wait3A_1989 = tpu.memref_slice %arg10[%run_scoped3A_351, %dma_wait3A_1987, %dma_wait3A_1988] : memref<2x128x256xi32, #tpu.memory_space<vmem>> -> memref<1x128x256xi32, #tpu.memory_space<vmem>>
      %dma_wait3A_1990 = tpu.memref_squeeze %dma_wait3A_1989 : memref<1x128x256xi32, #tpu.memory_space<vmem>> -> memref<128x256xi32, #tpu.memory_space<vmem>>
      tpu.wait_dma2 semaphore(%run_scoped3A_1966 : memref<!tpu.dma_semaphore, #tpu.memory_space<semaphore_mem>>) src(%dma_wait3A_1990 : memref<128x256xi32, #tpu.memory_space<vmem>>) dst(%dma_wait3A_1986 : memref<128x256xi32, #tpu.memory_space<hbm>>)
      tpu.yield
    }) : () -> ()
    %get3A_352 = arith.constant 384 : index
    %get3A_353 = tpu.vector_load %arg8[%get3A_352] {strides = array<i32>} : memref<512xi32, #tpu.memory_space<vmem>>, vector<16xi32>,
    %get3A_354 = vector.shape_cast %get3A_353 : vector<16xi32> to vector<16xi32>
    %add3A_355 = arith.constant 0 : i32
    %add3A_356 = vector.broadcast %add3A_355 : i32 to vector<16xi32>
    %add3A_357 = arith.addi %get3A_354, %add3A_356 : vector<16xi32>
    %swap3A_358 = arith.constant 1 : i32
    %swap3A_359 = arith.index_cast %swap3A_358 : i32 to index
    %swap3A_360 = arith.constant 0 : index
    %swap3A_361 = tpu.vector_load %arg9[%swap3A_359, %swap3A_360] {strides = array<i32>} : memref<2x128xi32, #tpu.memory_space<vmem>>, vector<1x16xi32>,
    %swap3A_362 = vector.shape_cast %swap3A_361 : vector<1x16xi32> to vector<16xi32>
    %swap3A_363 = vector.shape_cast %add3A_357 : vector<16xi32> to vector<1x16xi32>
    tpu.vector_store %arg9[%swap3A_359, %swap3A_360], %swap3A_363 {strides = array<i32>} : memref<2x128xi32, #tpu.memory_space<vmem>>, vector<1x16xi32>,
    %get3A_364 = arith.constant 400 : index
    %get3A_365 = tpu.vector_load %arg8[%get3A_364] {strides = array<i32>} : memref<512xi32, #tpu.memory_space<vmem>>, vector<16xi32>,
    %get3A_366 = vector.shape_cast %get3A_365 : vector<16xi32> to vector<16xi32>
    %add3A_367 = arith.constant 0 : i32
    %add3A_368 = vector.broadcast %add3A_367 : i32 to vector<16xi32>
    %add3A_369 = arith.addi %get3A_366, %add3A_368 : vector<16xi32>
    %swap3A_370 = arith.constant 1 : i32
    %swap3A_371 = arith.index_cast %swap3A_370 : i32 to index
    %swap3A_372 = arith.constant 16 : index
    %swap3A_373 = tpu.vector_load %arg9[%swap3A_371, %swap3A_372] {strides = array<i32>} : memref<2x128xi32, #tpu.memory_space<vmem>>, vector<1x16xi32>,
    %swap3A_374 = vector.shape_cast %swap3A_373 : vector<1x16xi32> to vector<16xi32>
    %swap3A_375 = vector.shape_cast %add3A_369 : vector<16xi32> to vector<1x16xi32>
    tpu.vector_store %arg9[%swap3A_371, %swap3A_372], %swap3A_375 {strides = array<i32>} : memref<2x128xi32, #tpu.memory_space<vmem>>, vector<1x16xi32>,
    %get3A_376 = arith.constant 416 : index
    %get3A_377 = tpu.vector_load %arg8[%get3A_376] {strides = array<i32>} : memref<512xi32, #tpu.memory_space<vmem>>, vector<16xi32>,
    %get3A_378 = vector.shape_cast %get3A_377 : vector<16xi32> to vector<16xi32>
    %add3A_379 = arith.constant 0 : i32
    %add3A_380 = vector.broadcast %add3A_379 : i32 to vector<16xi32>
    %add3A_381 = arith.addi %get3A_378, %add3A_380 : vector<16xi32>
    %swap3A_382 = arith.constant 1 : i32
    %swap3A_383 = arith.index_cast %swap3A_382 : i32 to index
    %swap3A_384 = arith.constant 32 : index
    %swap3A_385 = tpu.vector_load %arg9[%swap3A_383, %swap3A_384] {strides = array<i32>} : memref<2x128xi32, #tpu.memory_space<vmem>>, vector<1x16xi32>,
    %swap3A_386 = vector.shape_cast %swap3A_385 : vector<1x16xi32> to vector<16xi32>
    %swap3A_387 = vector.shape_cast %add3A_381 : vector<16xi32> to vector<1x16xi32>
    tpu.vector_store %arg9[%swap3A_383, %swap3A_384], %swap3A_387 {strides = array<i32>} : memref<2x128xi32, #tpu.memory_space<vmem>>, vector<1x16xi32>,
    %get3A_388 = arith.constant 432 : index
    %get3A_389 = tpu.vector_load %arg8[%get3A_388] {strides = array<i32>} : memref<512xi32, #tpu.memory_space<vmem>>, vector<16xi32>,
    %get3A_390 = vector.shape_cast %get3A_389 : vector<16xi32> to vector<16xi32>
    %add3A_391 = arith.constant 0 : i32
    %add3A_392 = vector.broadcast %add3A_391 : i32 to vector<16xi32>
    %add3A_393 = arith.addi %get3A_390, %add3A_392 : vector<16xi32>
    %swap3A_394 = arith.constant 1 : i32
    %swap3A_395 = arith.index_cast %swap3A_394 : i32 to index
    %swap3A_396 = arith.constant 48 : index
    %swap3A_397 = tpu.vector_load %arg9[%swap3A_395, %swap3A_396] {strides = array<i32>} : memref<2x128xi32, #tpu.memory_space<vmem>>, vector<1x16xi32>,
    %swap3A_398 = vector.shape_cast %swap3A_397 : vector<1x16xi32> to vector<16xi32>
    %swap3A_399 = vector.shape_cast %add3A_393 : vector<16xi32> to vector<1x16xi32>
    tpu.vector_store %arg9[%swap3A_395, %swap3A_396], %swap3A_399 {strides = array<i32>} : memref<2x128xi32, #tpu.memory_space<vmem>>, vector<1x16xi32>,
    %get3A_400 = arith.constant 448 : index
    %get3A_401 = tpu.vector_load %arg8[%get3A_400] {strides = array<i32>} : memref<512xi32, #tpu.memory_space<vmem>>, vector<16xi32>,
    %get3A_402 = vector.shape_cast %get3A_401 : vector<16xi32> to vector<16xi32>
    %add3A_403 = arith.constant 0 : i32
    %add3A_404 = vector.broadcast %add3A_403 : i32 to vector<16xi32>
    %add3A_405 = arith.addi %get3A_402, %add3A_404 : vector<16xi32>
    %swap3A_406 = arith.constant 1 : i32
    %swap3A_407 = arith.index_cast %swap3A_406 : i32 to index
    %swap3A_408 = arith.constant 64 : index
    %swap3A_409 = tpu.vector_load %arg9[%swap3A_407, %swap3A_408] {strides = array<i32>} : memref<2x128xi32, #tpu.memory_space<vmem>>, vector<1x16xi32>,
    %swap3A_410 = vector.shape_cast %swap3A_409 : vector<1x16xi32> to vector<16xi32>
    %swap3A_411 = vector.shape_cast %add3A_405 : vector<16xi32> to vector<1x16xi32>
    tpu.vector_store %arg9[%swap3A_407, %swap3A_408], %swap3A_411 {strides = array<i32>} : memref<2x128xi32, #tpu.memory_space<vmem>>, vector<1x16xi32>,
    %get3A_412 = arith.constant 464 : index
    %get3A_413 = tpu.vector_load %arg8[%get3A_412] {strides = array<i32>} : memref<512xi32, #tpu.memory_space<vmem>>, vector<16xi32>,
    %get3A_414 = vector.shape_cast %get3A_413 : vector<16xi32> to vector<16xi32>
    %add3A_415 = arith.constant 0 : i32
    %add3A_416 = vector.broadcast %add3A_415 : i32 to vector<16xi32>
    %add3A_417 = arith.addi %get3A_414, %add3A_416 : vector<16xi32>
    %swap3A_418 = arith.constant 1 : i32
    %swap3A_419 = arith.index_cast %swap3A_418 : i32 to index
    %swap3A_420 = arith.constant 80 : index
    %swap3A_421 = tpu.vector_load %arg9[%swap3A_419, %swap3A_420] {strides = array<i32>} : memref<2x128xi32, #tpu.memory_space<vmem>>, vector<1x16xi32>,
    %swap3A_422 = vector.shape_cast %swap3A_421 : vector<1x16xi32> to vector<16xi32>
    %swap3A_423 = vector.shape_cast %add3A_417 : vector<16xi32> to vector<1x16xi32>
    tpu.vector_store %arg9[%swap3A_419, %swap3A_420], %swap3A_423 {strides = array<i32>} : memref<2x128xi32, #tpu.memory_space<vmem>>, vector<1x16xi32>,
    %get3A_424 = arith.constant 480 : index
    %get3A_425 = tpu.vector_load %arg8[%get3A_424] {strides = array<i32>} : memref<512xi32, #tpu.memory_space<vmem>>, vector<16xi32>,
    %get3A_426 = vector.shape_cast %get3A_425 : vector<16xi32> to vector<16xi32>
    %add3A_427 = arith.constant 0 : i32
    %add3A_428 = vector.broadcast %add3A_427 : i32 to vector<16xi32>
    %add3A_429 = arith.addi %get3A_426, %add3A_428 : vector<16xi32>
    %swap3A_430 = arith.constant 1 : i32
    %swap3A_431 = arith.index_cast %swap3A_430 : i32 to index
    %swap3A_432 = arith.constant 96 : index
    %swap3A_433 = tpu.vector_load %arg9[%swap3A_431, %swap3A_432] {strides = array<i32>} : memref<2x128xi32, #tpu.memory_space<vmem>>, vector<1x16xi32>,
    %swap3A_434 = vector.shape_cast %swap3A_433 : vector<1x16xi32> to vector<16xi32>
    %swap3A_435 = vector.shape_cast %add3A_429 : vector<16xi32> to vector<1x16xi32>
    tpu.vector_store %arg9[%swap3A_431, %swap3A_432], %swap3A_435 {strides = array<i32>} : memref<2x128xi32, #tpu.memory_space<vmem>>, vector<1x16xi32>,
    %get3A_436 = arith.constant 496 : index
    %get3A_437 = tpu.vector_load %arg8[%get3A_436] {strides = array<i32>} : memref<512xi32, #tpu.memory_space<vmem>>, vector<16xi32>,
    %get3A_438 = vector.shape_cast %get3A_437 : vector<16xi32> to vector<16xi32>
    %add3A_439 = arith.constant 0 : i32
    %add3A_440 = vector.broadcast %add3A_439 : i32 to vector<16xi32>
    %add3A_441 = arith.addi %get3A_438, %add3A_440 : vector<16xi32>
    %swap3A_442 = arith.constant 1 : i32
    %swap3A_443 = arith.index_cast %swap3A_442 : i32 to index
    %swap3A_444 = arith.constant 112 : index
    %swap3A_445 = tpu.vector_load %arg9[%swap3A_443, %swap3A_444] {strides = array<i32>} : memref<2x128xi32, #tpu.memory_space<vmem>>, vector<1x16xi32>,
    %swap3A_446 = vector.shape_cast %swap3A_445 : vector<1x16xi32> to vector<16xi32>
    %swap3A_447 = vector.shape_cast %add3A_441 : vector<16xi32> to vector<1x16xi32>
    tpu.vector_store %arg9[%swap3A_443, %swap3A_444], %swap3A_447 {strides = array<i32>} : memref<2x128xi32, #tpu.memory_space<vmem>>, vector<1x16xi32>,
    %dma_start3A_448 = arith.constant 1 : i32
    %dma_start3A_449 = arith.constant 1 : i32
    %dma_start3A_450 = arith.constant 0 : i32
    %dma_start3A_451 = arith.constant 0 : i32
    %dma_start3A_452 = tpu.memref_slice %arg10[%dma_start3A_449, %dma_start3A_450, %dma_start3A_451] : memref<2x128x256xi32, #tpu.memory_space<vmem>> -> memref<1x128x256xi32, #tpu.memory_space<vmem>>
    %dma_start3A_453 = tpu.memref_squeeze %dma_start3A_452 : memref<1x128x256xi32, #tpu.memory_space<vmem>> -> memref<128x256xi32, #tpu.memory_space<vmem>>
    %dma_start3A_454 = arith.constant 0 : i32
    %dma_start3A_455 = tpu.memref_slice %arg9[%dma_start3A_448, %dma_start3A_454] : memref<2x128xi32, #tpu.memory_space<vmem>> -> memref<1x128xi32, #tpu.memory_space<vmem>>
    %dma_start3A_456 = tpu.memref_squeeze %dma_start3A_455 : memref<1x128xi32, #tpu.memory_space<vmem>> -> memref<128xi32, #tpu.memory_space<vmem>>
    %dma_start3A_457 = arith.constant 0 : i32
    %dma_start3A_458 = arith.constant 0 : i32
    %dma_start3A_459 = tpu.memref_slice %arg2[%dma_start3A_457, %dma_start3A_458] : memref<4000x256xi32, #tpu.memory_space<hbm>> -> memref<4000x256xi32, #tpu.memory_space<hbm>>
    tpu.enqueue_indirect_dma source(%dma_start3A_459 : memref<4000x256xi32, #tpu.memory_space<hbm>>) target(%dma_start3A_453 : memref<128x256xi32, #tpu.memory_space<vmem>>) offsets(%dma_start3A_456 : memref<128xi32, #tpu.memory_space<vmem>>) semaphore(%arg12 : memref<!tpu.dma_semaphore, #tpu.memory_space<semaphore_mem>>)
    %dma_wait3A_460 = arith.constant 0 : i32
    %dma_wait3A_461 = arith.constant 0 : i32
    %dma_wait3A_462 = arith.constant 0 : i32
    %dma_wait3A_463 = arith.constant 0 : i32
    %dma_wait3A_464 = tpu.memref_slice %arg10[%dma_wait3A_461, %dma_wait3A_462, %dma_wait3A_463] : memref<2x128x256xi32, #tpu.memory_space<vmem>> -> memref<1x128x256xi32, #tpu.memory_space<vmem>>
    %dma_wait3A_465 = tpu.memref_squeeze %dma_wait3A_464 : memref<1x128x256xi32, #tpu.memory_space<vmem>> -> memref<128x256xi32, #tpu.memory_space<vmem>>
    %dma_wait3A_466 = arith.constant 0 : i32
    %dma_wait3A_467 = tpu.memref_slice %arg9[%dma_wait3A_460, %dma_wait3A_466] : memref<2x128xi32, #tpu.memory_space<vmem>> -> memref<1x128xi32, #tpu.memory_space<vmem>>
    %dma_wait3A_468 = tpu.memref_squeeze %dma_wait3A_467 : memref<1x128xi32, #tpu.memory_space<vmem>> -> memref<128xi32, #tpu.memory_space<vmem>>
    %dma_wait3A_469 = arith.constant 0 : i32
    %dma_wait3A_470 = arith.constant 0 : i32
    %dma_wait3A_471 = tpu.memref_slice %arg2[%dma_wait3A_469, %dma_wait3A_470] : memref<4000x256xi32, #tpu.memory_space<hbm>> -> memref<4000x256xi32, #tpu.memory_space<hbm>>
    tpu.wait_indirect_dma semaphore(%arg11 : memref<!tpu.dma_semaphore, #tpu.memory_space<semaphore_mem>>) src(%dma_wait3A_471 : memref<4000x256xi32, #tpu.memory_space<hbm>>) dst(%dma_wait3A_465 : memref<128x256xi32, #tpu.memory_space<vmem>>)
    %add3A_472 = arith.constant 256 : i32
    %add3A_473 = arith.addi %mul3A_2, %add3A_472 : i32
    %run_scoped3A_474 = arith.constant 0 : i32
    "tpu.region"() ({
      %run_scoped3A_1966 = tpu.sem_alloc : memref<!tpu.dma_semaphore, #tpu.memory_space<semaphore_mem>>
      %dma_start3A_1967 = arith.constant 0 : i32
      %dma_start3A_1968 = arith.constant 0 : i32
      %dma_start3A_1969 = tpu.memref_slice %arg10[%run_scoped3A_474, %dma_start3A_1967, %dma_start3A_1968] : memref<2x128x256xi32, #tpu.memory_space<vmem>> -> memref<1x128x256xi32, #tpu.memory_space<vmem>>
      %dma_start3A_1970 = tpu.memref_squeeze %dma_start3A_1969 : memref<1x128x256xi32, #tpu.memory_space<vmem>> -> memref<128x256xi32, #tpu.memory_space<vmem>>
      %dma_start3A_1971 = arith.constant 0 : i32
      %dma_start3A_1972 = tpu.memref_slice %arg4[%add3A_473, %dma_start3A_1971] : memref<16384x256xi32, #tpu.memory_space<hbm>> -> memref<128x256xi32, #tpu.memory_space<hbm>>
      %dma_start3A_1973 = arith.constant 0 : i32
      %dma_start3A_1974 = tpu.memref_slice %arg4[%add3A_473, %dma_start3A_1973] : memref<16384x256xi32, #tpu.memory_space<hbm>> -> memref<128x256xi32, #tpu.memory_space<hbm>>
      %dma_start3A_1975 = arith.constant 0 : i32
      %dma_start3A_1976 = arith.constant 0 : i32
      %dma_start3A_1977 = tpu.memref_slice %arg10[%run_scoped3A_474, %dma_start3A_1975, %dma_start3A_1976] : memref<2x128x256xi32, #tpu.memory_space<vmem>> -> memref<1x128x256xi32, #tpu.memory_space<vmem>>
      %dma_start3A_1978 = tpu.memref_squeeze %dma_start3A_1977 : memref<1x128x256xi32, #tpu.memory_space<vmem>> -> memref<128x256xi32, #tpu.memory_space<vmem>>
      tpu.enqueue_dma source(%dma_start3A_1978 : memref<128x256xi32, #tpu.memory_space<vmem>>) target(%dma_start3A_1974 : memref<128x256xi32, #tpu.memory_space<hbm>>) target_semaphore(%run_scoped3A_1966 : memref<!tpu.dma_semaphore, #tpu.memory_space<semaphore_mem>>)
      %dma_wait3A_1979 = arith.constant 0 : i32
      %dma_wait3A_1980 = arith.constant 0 : i32
      %dma_wait3A_1981 = tpu.memref_slice %arg10[%run_scoped3A_474, %dma_wait3A_1979, %dma_wait3A_1980] : memref<2x128x256xi32, #tpu.memory_space<vmem>> -> memref<1x128x256xi32, #tpu.memory_space<vmem>>
      %dma_wait3A_1982 = tpu.memref_squeeze %dma_wait3A_1981 : memref<1x128x256xi32, #tpu.memory_space<vmem>> -> memref<128x256xi32, #tpu.memory_space<vmem>>
      %dma_wait3A_1983 = arith.constant 0 : i32
      %dma_wait3A_1984 = tpu.memref_slice %arg4[%add3A_473, %dma_wait3A_1983] : memref<16384x256xi32, #tpu.memory_space<hbm>> -> memref<128x256xi32, #tpu.memory_space<hbm>>
      %dma_wait3A_1985 = arith.constant 0 : i32
      %dma_wait3A_1986 = tpu.memref_slice %arg4[%add3A_473, %dma_wait3A_1985] : memref<16384x256xi32, #tpu.memory_space<hbm>> -> memref<128x256xi32, #tpu.memory_space<hbm>>
      %dma_wait3A_1987 = arith.constant 0 : i32
      %dma_wait3A_1988 = arith.constant 0 : i32
      %dma_wait3A_1989 = tpu.memref_slice %arg10[%run_scoped3A_474, %dma_wait3A_1987, %dma_wait3A_1988] : memref<2x128x256xi32, #tpu.memory_space<vmem>> -> memref<1x128x256xi32, #tpu.memory_space<vmem>>
      %dma_wait3A_1990 = tpu.memref_squeeze %dma_wait3A_1989 : memref<1x128x256xi32, #tpu.memory_space<vmem>> -> memref<128x256xi32, #tpu.memory_space<vmem>>
      tpu.wait_dma2 semaphore(%run_scoped3A_1966 : memref<!tpu.dma_semaphore, #tpu.memory_space<semaphore_mem>>) src(%dma_wait3A_1990 : memref<128x256xi32, #tpu.memory_space<vmem>>) dst(%dma_wait3A_1986 : memref<128x256xi32, #tpu.memory_space<hbm>>)
      tpu.yield
    }) : () -> ()
    %get3A_475 = arith.constant 0 : index
    %get3A_476 = tpu.vector_load %arg8[%get3A_475] {strides = array<i32>} : memref<512xi32, #tpu.memory_space<vmem>>, vector<16xi32>,
    %get3A_477 = vector.shape_cast %get3A_476 : vector<16xi32> to vector<16xi32>
    %add3A_478 = arith.constant 1000 : i32
    %add3A_479 = vector.broadcast %add3A_478 : i32 to vector<16xi32>
    %add3A_480 = arith.addi %get3A_477, %add3A_479 : vector<16xi32>
    %swap3A_481 = arith.constant 0 : i32
    %swap3A_482 = arith.index_cast %swap3A_481 : i32 to index
    %swap3A_483 = arith.constant 0 : index
    %swap3A_484 = tpu.vector_load %arg9[%swap3A_482, %swap3A_483] {strides = array<i32>} : memref<2x128xi32, #tpu.memory_space<vmem>>, vector<1x16xi32>,
    %swap3A_485 = vector.shape_cast %swap3A_484 : vector<1x16xi32> to vector<16xi32>
    %swap3A_486 = vector.shape_cast %add3A_480 : vector<16xi32> to vector<1x16xi32>
    tpu.vector_store %arg9[%swap3A_482, %swap3A_483], %swap3A_486 {strides = array<i32>} : memref<2x128xi32, #tpu.memory_space<vmem>>, vector<1x16xi32>,
    %get3A_487 = arith.constant 16 : index
    %get3A_488 = tpu.vector_load %arg8[%get3A_487] {strides = array<i32>} : memref<512xi32, #tpu.memory_space<vmem>>, vector<16xi32>,
    %get3A_489 = vector.shape_cast %get3A_488 : vector<16xi32> to vector<16xi32>
    %add3A_490 = arith.constant 1000 : i32
    %add3A_491 = vector.broadcast %add3A_490 : i32 to vector<16xi32>
    %add3A_492 = arith.addi %get3A_489, %add3A_491 : vector<16xi32>
    %swap3A_493 = arith.constant 0 : i32
    %swap3A_494 = arith.index_cast %swap3A_493 : i32 to index
    %swap3A_495 = arith.constant 16 : index
    %swap3A_496 = tpu.vector_load %arg9[%swap3A_494, %swap3A_495] {strides = array<i32>} : memref<2x128xi32, #tpu.memory_space<vmem>>, vector<1x16xi32>,
    %swap3A_497 = vector.shape_cast %swap3A_496 : vector<1x16xi32> to vector<16xi32>
    %swap3A_498 = vector.shape_cast %add3A_492 : vector<16xi32> to vector<1x16xi32>
    tpu.vector_store %arg9[%swap3A_494, %swap3A_495], %swap3A_498 {strides = array<i32>} : memref<2x128xi32, #tpu.memory_space<vmem>>, vector<1x16xi32>,
    %get3A_499 = arith.constant 32 : index
    %get3A_500 = tpu.vector_load %arg8[%get3A_499] {strides = array<i32>} : memref<512xi32, #tpu.memory_space<vmem>>, vector<16xi32>,
    %get3A_501 = vector.shape_cast %get3A_500 : vector<16xi32> to vector<16xi32>
    %add3A_502 = arith.constant 1000 : i32
    %add3A_503 = vector.broadcast %add3A_502 : i32 to vector<16xi32>
    %add3A_504 = arith.addi %get3A_501, %add3A_503 : vector<16xi32>
    %swap3A_505 = arith.constant 0 : i32
    %swap3A_506 = arith.index_cast %swap3A_505 : i32 to index
    %swap3A_507 = arith.constant 32 : index
    %swap3A_508 = tpu.vector_load %arg9[%swap3A_506, %swap3A_507] {strides = array<i32>} : memref<2x128xi32, #tpu.memory_space<vmem>>, vector<1x16xi32>,
    %swap3A_509 = vector.shape_cast %swap3A_508 : vector<1x16xi32> to vector<16xi32>
    %swap3A_510 = vector.shape_cast %add3A_504 : vector<16xi32> to vector<1x16xi32>
    tpu.vector_store %arg9[%swap3A_506, %swap3A_507], %swap3A_510 {strides = array<i32>} : memref<2x128xi32, #tpu.memory_space<vmem>>, vector<1x16xi32>,
    %get3A_511 = arith.constant 48 : index
    %get3A_512 = tpu.vector_load %arg8[%get3A_511] {strides = array<i32>} : memref<512xi32, #tpu.memory_space<vmem>>, vector<16xi32>,
    %get3A_513 = vector.shape_cast %get3A_512 : vector<16xi32> to vector<16xi32>
    %add3A_514 = arith.constant 1000 : i32
    %add3A_515 = vector.broadcast %add3A_514 : i32 to vector<16xi32>
    %add3A_516 = arith.addi %get3A_513, %add3A_515 : vector<16xi32>
    %swap3A_517 = arith.constant 0 : i32
    %swap3A_518 = arith.index_cast %swap3A_517 : i32 to index
    %swap3A_519 = arith.constant 48 : index
    %swap3A_520 = tpu.vector_load %arg9[%swap3A_518, %swap3A_519] {strides = array<i32>} : memref<2x128xi32, #tpu.memory_space<vmem>>, vector<1x16xi32>,
    %swap3A_521 = vector.shape_cast %swap3A_520 : vector<1x16xi32> to vector<16xi32>
    %swap3A_522 = vector.shape_cast %add3A_516 : vector<16xi32> to vector<1x16xi32>
    tpu.vector_store %arg9[%swap3A_518, %swap3A_519], %swap3A_522 {strides = array<i32>} : memref<2x128xi32, #tpu.memory_space<vmem>>, vector<1x16xi32>,
    %get3A_523 = arith.constant 64 : index
    %get3A_524 = tpu.vector_load %arg8[%get3A_523] {strides = array<i32>} : memref<512xi32, #tpu.memory_space<vmem>>, vector<16xi32>,
    %get3A_525 = vector.shape_cast %get3A_524 : vector<16xi32> to vector<16xi32>
    %add3A_526 = arith.constant 1000 : i32
    %add3A_527 = vector.broadcast %add3A_526 : i32 to vector<16xi32>
    %add3A_528 = arith.addi %get3A_525, %add3A_527 : vector<16xi32>
    %swap3A_529 = arith.constant 0 : i32
    %swap3A_530 = arith.index_cast %swap3A_529 : i32 to index
    %swap3A_531 = arith.constant 64 : index
    %swap3A_532 = tpu.vector_load %arg9[%swap3A_530, %swap3A_531] {strides = array<i32>} : memref<2x128xi32, #tpu.memory_space<vmem>>, vector<1x16xi32>,
    %swap3A_533 = vector.shape_cast %swap3A_532 : vector<1x16xi32> to vector<16xi32>
    %swap3A_534 = vector.shape_cast %add3A_528 : vector<16xi32> to vector<1x16xi32>
    tpu.vector_store %arg9[%swap3A_530, %swap3A_531], %swap3A_534 {strides = array<i32>} : memref<2x128xi32, #tpu.memory_space<vmem>>, vector<1x16xi32>,
    %get3A_535 = arith.constant 80 : index
    %get3A_536 = tpu.vector_load %arg8[%get3A_535] {strides = array<i32>} : memref<512xi32, #tpu.memory_space<vmem>>, vector<16xi32>,
    %get3A_537 = vector.shape_cast %get3A_536 : vector<16xi32> to vector<16xi32>
    %add3A_538 = arith.constant 1000 : i32
    %add3A_539 = vector.broadcast %add3A_538 : i32 to vector<16xi32>
    %add3A_540 = arith.addi %get3A_537, %add3A_539 : vector<16xi32>
    %swap3A_541 = arith.constant 0 : i32
    %swap3A_542 = arith.index_cast %swap3A_541 : i32 to index
    %swap3A_543 = arith.constant 80 : index
    %swap3A_544 = tpu.vector_load %arg9[%swap3A_542, %swap3A_543] {strides = array<i32>} : memref<2x128xi32, #tpu.memory_space<vmem>>, vector<1x16xi32>,
    %swap3A_545 = vector.shape_cast %swap3A_544 : vector<1x16xi32> to vector<16xi32>
    %swap3A_546 = vector.shape_cast %add3A_540 : vector<16xi32> to vector<1x16xi32>
    tpu.vector_store %arg9[%swap3A_542, %swap3A_543], %swap3A_546 {strides = array<i32>} : memref<2x128xi32, #tpu.memory_space<vmem>>, vector<1x16xi32>,
    %get3A_547 = arith.constant 96 : index
    %get3A_548 = tpu.vector_load %arg8[%get3A_547] {strides = array<i32>} : memref<512xi32, #tpu.memory_space<vmem>>, vector<16xi32>,
    %get3A_549 = vector.shape_cast %get3A_548 : vector<16xi32> to vector<16xi32>
    %add3A_550 = arith.constant 1000 : i32
    %add3A_551 = vector.broadcast %add3A_550 : i32 to vector<16xi32>
    %add3A_552 = arith.addi %get3A_549, %add3A_551 : vector<16xi32>
    %swap3A_553 = arith.constant 0 : i32
    %swap3A_554 = arith.index_cast %swap3A_553 : i32 to index
    %swap3A_555 = arith.constant 96 : index
    %swap3A_556 = tpu.vector_load %arg9[%swap3A_554, %swap3A_555] {strides = array<i32>} : memref<2x128xi32, #tpu.memory_space<vmem>>, vector<1x16xi32>,
    %swap3A_557 = vector.shape_cast %swap3A_556 : vector<1x16xi32> to vector<16xi32>
    %swap3A_558 = vector.shape_cast %add3A_552 : vector<16xi32> to vector<1x16xi32>
    tpu.vector_store %arg9[%swap3A_554, %swap3A_555], %swap3A_558 {strides = array<i32>} : memref<2x128xi32, #tpu.memory_space<vmem>>, vector<1x16xi32>,
    %get3A_559 = arith.constant 112 : index
    %get3A_560 = tpu.vector_load %arg8[%get3A_559] {strides = array<i32>} : memref<512xi32, #tpu.memory_space<vmem>>, vector<16xi32>,
    %get3A_561 = vector.shape_cast %get3A_560 : vector<16xi32> to vector<16xi32>
    %add3A_562 = arith.constant 1000 : i32
    %add3A_563 = vector.broadcast %add3A_562 : i32 to vector<16xi32>
    %add3A_564 = arith.addi %get3A_561, %add3A_563 : vector<16xi32>
    %swap3A_565 = arith.constant 0 : i32
    %swap3A_566 = arith.index_cast %swap3A_565 : i32 to index
    %swap3A_567 = arith.constant 112 : index
    %swap3A_568 = tpu.vector_load %arg9[%swap3A_566, %swap3A_567] {strides = array<i32>} : memref<2x128xi32, #tpu.memory_space<vmem>>, vector<1x16xi32>,
    %swap3A_569 = vector.shape_cast %swap3A_568 : vector<1x16xi32> to vector<16xi32>
    %swap3A_570 = vector.shape_cast %add3A_564 : vector<16xi32> to vector<1x16xi32>
    tpu.vector_store %arg9[%swap3A_566, %swap3A_567], %swap3A_570 {strides = array<i32>} : memref<2x128xi32, #tpu.memory_space<vmem>>, vector<1x16xi32>,
    %dma_start3A_571 = arith.constant 0 : i32
    %dma_start3A_572 = arith.constant 0 : i32
    %dma_start3A_573 = arith.constant 0 : i32
    %dma_start3A_574 = arith.constant 0 : i32
    %dma_start3A_575 = tpu.memref_slice %arg10[%dma_start3A_572, %dma_start3A_573, %dma_start3A_574] : memref<2x128x256xi32, #tpu.memory_space<vmem>> -> memref<1x128x256xi32, #tpu.memory_space<vmem>>
    %dma_start3A_576 = tpu.memref_squeeze %dma_start3A_575 : memref<1x128x256xi32, #tpu.memory_space<vmem>> -> memref<128x256xi32, #tpu.memory_space<vmem>>
    %dma_start3A_577 = arith.constant 0 : i32
    %dma_start3A_578 = tpu.memref_slice %arg9[%dma_start3A_571, %dma_start3A_577] : memref<2x128xi32, #tpu.memory_space<vmem>> -> memref<1x128xi32, #tpu.memory_space<vmem>>
    %dma_start3A_579 = tpu.memref_squeeze %dma_start3A_578 : memref<1x128xi32, #tpu.memory_space<vmem>> -> memref<128xi32, #tpu.memory_space<vmem>>
    %dma_start3A_580 = arith.constant 0 : i32
    %dma_start3A_581 = arith.constant 0 : i32
    %dma_start3A_582 = tpu.memref_slice %arg2[%dma_start3A_580, %dma_start3A_581] : memref<4000x256xi32, #tpu.memory_space<hbm>> -> memref<4000x256xi32, #tpu.memory_space<hbm>>
    tpu.enqueue_indirect_dma source(%dma_start3A_582 : memref<4000x256xi32, #tpu.memory_space<hbm>>) target(%dma_start3A_576 : memref<128x256xi32, #tpu.memory_space<vmem>>) offsets(%dma_start3A_579 : memref<128xi32, #tpu.memory_space<vmem>>) semaphore(%arg11 : memref<!tpu.dma_semaphore, #tpu.memory_space<semaphore_mem>>)
    %dma_wait3A_583 = arith.constant 1 : i32
    %dma_wait3A_584 = arith.constant 1 : i32
    %dma_wait3A_585 = arith.constant 0 : i32
    %dma_wait3A_586 = arith.constant 0 : i32
    %dma_wait3A_587 = tpu.memref_slice %arg10[%dma_wait3A_584, %dma_wait3A_585, %dma_wait3A_586] : memref<2x128x256xi32, #tpu.memory_space<vmem>> -> memref<1x128x256xi32, #tpu.memory_space<vmem>>
    %dma_wait3A_588 = tpu.memref_squeeze %dma_wait3A_587 : memref<1x128x256xi32, #tpu.memory_space<vmem>> -> memref<128x256xi32, #tpu.memory_space<vmem>>
    %dma_wait3A_589 = arith.constant 0 : i32
    %dma_wait3A_590 = tpu.memref_slice %arg9[%dma_wait3A_583, %dma_wait3A_589] : memref<2x128xi32, #tpu.memory_space<vmem>> -> memref<1x128xi32, #tpu.memory_space<vmem>>
    %dma_wait3A_591 = tpu.memref_squeeze %dma_wait3A_590 : memref<1x128xi32, #tpu.memory_space<vmem>> -> memref<128xi32, #tpu.memory_space<vmem>>
    %dma_wait3A_592 = arith.constant 0 : i32
    %dma_wait3A_593 = arith.constant 0 : i32
    %dma_wait3A_594 = tpu.memref_slice %arg2[%dma_wait3A_592, %dma_wait3A_593] : memref<4000x256xi32, #tpu.memory_space<hbm>> -> memref<4000x256xi32, #tpu.memory_space<hbm>>
    tpu.wait_indirect_dma semaphore(%arg12 : memref<!tpu.dma_semaphore, #tpu.memory_space<semaphore_mem>>) src(%dma_wait3A_594 : memref<4000x256xi32, #tpu.memory_space<hbm>>) dst(%dma_wait3A_588 : memref<128x256xi32, #tpu.memory_space<vmem>>)
    %add3A_595 = arith.constant 384 : i32
    %add3A_596 = arith.addi %mul3A_2, %add3A_595 : i32
    %run_scoped3A_597 = arith.constant 1 : i32
    "tpu.region"() ({
      %run_scoped3A_1966 = tpu.sem_alloc : memref<!tpu.dma_semaphore, #tpu.memory_space<semaphore_mem>>
      %dma_start3A_1967 = arith.constant 0 : i32
      %dma_start3A_1968 = arith.constant 0 : i32
      %dma_start3A_1969 = tpu.memref_slice %arg10[%run_scoped3A_597, %dma_start3A_1967, %dma_start3A_1968] : memref<2x128x256xi32, #tpu.memory_space<vmem>> -> memref<1x128x256xi32, #tpu.memory_space<vmem>>
      %dma_start3A_1970 = tpu.memref_squeeze %dma_start3A_1969 : memref<1x128x256xi32, #tpu.memory_space<vmem>> -> memref<128x256xi32, #tpu.memory_space<vmem>>
      %dma_start3A_1971 = arith.constant 0 : i32
      %dma_start3A_1972 = tpu.memref_slice %arg4[%add3A_596, %dma_start3A_1971] : memref<16384x256xi32, #tpu.memory_space<hbm>> -> memref<128x256xi32, #tpu.memory_space<hbm>>
      %dma_start3A_1973 = arith.constant 0 : i32
      %dma_start3A_1974 = tpu.memref_slice %arg4[%add3A_596, %dma_start3A_1973] : memref<16384x256xi32, #tpu.memory_space<hbm>> -> memref<128x256xi32, #tpu.memory_space<hbm>>
      %dma_start3A_1975 = arith.constant 0 : i32
      %dma_start3A_1976 = arith.constant 0 : i32
      %dma_start3A_1977 = tpu.memref_slice %arg10[%run_scoped3A_597, %dma_start3A_1975, %dma_start3A_1976] : memref<2x128x256xi32, #tpu.memory_space<vmem>> -> memref<1x128x256xi32, #tpu.memory_space<vmem>>
      %dma_start3A_1978 = tpu.memref_squeeze %dma_start3A_1977 : memref<1x128x256xi32, #tpu.memory_space<vmem>> -> memref<128x256xi32, #tpu.memory_space<vmem>>
      tpu.enqueue_dma source(%dma_start3A_1978 : memref<128x256xi32, #tpu.memory_space<vmem>>) target(%dma_start3A_1974 : memref<128x256xi32, #tpu.memory_space<hbm>>) target_semaphore(%run_scoped3A_1966 : memref<!tpu.dma_semaphore, #tpu.memory_space<semaphore_mem>>)
      %dma_wait3A_1979 = arith.constant 0 : i32
      %dma_wait3A_1980 = arith.constant 0 : i32
      %dma_wait3A_1981 = tpu.memref_slice %arg10[%run_scoped3A_597, %dma_wait3A_1979, %dma_wait3A_1980] : memref<2x128x256xi32, #tpu.memory_space<vmem>> -> memref<1x128x256xi32, #tpu.memory_space<vmem>>
      %dma_wait3A_1982 = tpu.memref_squeeze %dma_wait3A_1981 : memref<1x128x256xi32, #tpu.memory_space<vmem>> -> memref<128x256xi32, #tpu.memory_space<vmem>>
      %dma_wait3A_1983 = arith.constant 0 : i32
      %dma_wait3A_1984 = tpu.memref_slice %arg4[%add3A_596, %dma_wait3A_1983] : memref<16384x256xi32, #tpu.memory_space<hbm>> -> memref<128x256xi32, #tpu.memory_space<hbm>>
      %dma_wait3A_1985 = arith.constant 0 : i32
      %dma_wait3A_1986 = tpu.memref_slice %arg4[%add3A_596, %dma_wait3A_1985] : memref<16384x256xi32, #tpu.memory_space<hbm>> -> memref<128x256xi32, #tpu.memory_space<hbm>>
      %dma_wait3A_1987 = arith.constant 0 : i32
      %dma_wait3A_1988 = arith.constant 0 : i32
      %dma_wait3A_1989 = tpu.memref_slice %arg10[%run_scoped3A_597, %dma_wait3A_1987, %dma_wait3A_1988] : memref<2x128x256xi32, #tpu.memory_space<vmem>> -> memref<1x128x256xi32, #tpu.memory_space<vmem>>
      %dma_wait3A_1990 = tpu.memref_squeeze %dma_wait3A_1989 : memref<1x128x256xi32, #tpu.memory_space<vmem>> -> memref<128x256xi32, #tpu.memory_space<vmem>>
      tpu.wait_dma2 semaphore(%run_scoped3A_1966 : memref<!tpu.dma_semaphore, #tpu.memory_space<semaphore_mem>>) src(%dma_wait3A_1990 : memref<128x256xi32, #tpu.memory_space<vmem>>) dst(%dma_wait3A_1986 : memref<128x256xi32, #tpu.memory_space<hbm>>)
      tpu.yield
    }) : () -> ()
    %get3A_598 = arith.constant 128 : index
    %get3A_599 = tpu.vector_load %arg8[%get3A_598] {strides = array<i32>} : memref<512xi32, #tpu.memory_space<vmem>>, vector<16xi32>,
    %get3A_600 = vector.shape_cast %get3A_599 : vector<16xi32> to vector<16xi32>
    %add3A_601 = arith.constant 1000 : i32
    %add3A_602 = vector.broadcast %add3A_601 : i32 to vector<16xi32>
    %add3A_603 = arith.addi %get3A_600, %add3A_602 : vector<16xi32>
    %swap3A_604 = arith.constant 1 : i32
    %swap3A_605 = arith.index_cast %swap3A_604 : i32 to index
    %swap3A_606 = arith.constant 0 : index
    %swap3A_607 = tpu.vector_load %arg9[%swap3A_605, %swap3A_606] {strides = array<i32>} : memref<2x128xi32, #tpu.memory_space<vmem>>, vector<1x16xi32>,
    %swap3A_608 = vector.shape_cast %swap3A_607 : vector<1x16xi32> to vector<16xi32>
    %swap3A_609 = vector.shape_cast %add3A_603 : vector<16xi32> to vector<1x16xi32>
    tpu.vector_store %arg9[%swap3A_605, %swap3A_606], %swap3A_609 {strides = array<i32>} : memref<2x128xi32, #tpu.memory_space<vmem>>, vector<1x16xi32>,
    %get3A_610 = arith.constant 144 : index
    %get3A_611 = tpu.vector_load %arg8[%get3A_610] {strides = array<i32>} : memref<512xi32, #tpu.memory_space<vmem>>, vector<16xi32>,
    %get3A_612 = vector.shape_cast %get3A_611 : vector<16xi32> to vector<16xi32>
    %add3A_613 = arith.constant 1000 : i32
    %add3A_614 = vector.broadcast %add3A_613 : i32 to vector<16xi32>
    %add3A_615 = arith.addi %get3A_612, %add3A_614 : vector<16xi32>
    %swap3A_616 = arith.constant 1 : i32
    %swap3A_617 = arith.index_cast %swap3A_616 : i32 to index
    %swap3A_618 = arith.constant 16 : index
    %swap3A_619 = tpu.vector_load %arg9[%swap3A_617, %swap3A_618] {strides = array<i32>} : memref<2x128xi32, #tpu.memory_space<vmem>>, vector<1x16xi32>,
    %swap3A_620 = vector.shape_cast %swap3A_619 : vector<1x16xi32> to vector<16xi32>
    %swap3A_621 = vector.shape_cast %add3A_615 : vector<16xi32> to vector<1x16xi32>
    tpu.vector_store %arg9[%swap3A_617, %swap3A_618], %swap3A_621 {strides = array<i32>} : memref<2x128xi32, #tpu.memory_space<vmem>>, vector<1x16xi32>,
    %get3A_622 = arith.constant 160 : index
    %get3A_623 = tpu.vector_load %arg8[%get3A_622] {strides = array<i32>} : memref<512xi32, #tpu.memory_space<vmem>>, vector<16xi32>,
    %get3A_624 = vector.shape_cast %get3A_623 : vector<16xi32> to vector<16xi32>
    %add3A_625 = arith.constant 1000 : i32
    %add3A_626 = vector.broadcast %add3A_625 : i32 to vector<16xi32>
    %add3A_627 = arith.addi %get3A_624, %add3A_626 : vector<16xi32>
    %swap3A_628 = arith.constant 1 : i32
    %swap3A_629 = arith.index_cast %swap3A_628 : i32 to index
    %swap3A_630 = arith.constant 32 : index
    %swap3A_631 = tpu.vector_load %arg9[%swap3A_629, %swap3A_630] {strides = array<i32>} : memref<2x128xi32, #tpu.memory_space<vmem>>, vector<1x16xi32>,
    %swap3A_632 = vector.shape_cast %swap3A_631 : vector<1x16xi32> to vector<16xi32>
    %swap3A_633 = vector.shape_cast %add3A_627 : vector<16xi32> to vector<1x16xi32>
    tpu.vector_store %arg9[%swap3A_629, %swap3A_630], %swap3A_633 {strides = array<i32>} : memref<2x128xi32, #tpu.memory_space<vmem>>, vector<1x16xi32>,
    %get3A_634 = arith.constant 176 : index
    %get3A_635 = tpu.vector_load %arg8[%get3A_634] {strides = array<i32>} : memref<512xi32, #tpu.memory_space<vmem>>, vector<16xi32>,
    %get3A_636 = vector.shape_cast %get3A_635 : vector<16xi32> to vector<16xi32>
    %add3A_637 = arith.constant 1000 : i32
    %add3A_638 = vector.broadcast %add3A_637 : i32 to vector<16xi32>
    %add3A_639 = arith.addi %get3A_636, %add3A_638 : vector<16xi32>
    %swap3A_640 = arith.constant 1 : i32
    %swap3A_641 = arith.index_cast %swap3A_640 : i32 to index
    %swap3A_642 = arith.constant 48 : index
    %swap3A_643 = tpu.vector_load %arg9[%swap3A_641, %swap3A_642] {strides = array<i32>} : memref<2x128xi32, #tpu.memory_space<vmem>>, vector<1x16xi32>,
    %swap3A_644 = vector.shape_cast %swap3A_643 : vector<1x16xi32> to vector<16xi32>
    %swap3A_645 = vector.shape_cast %add3A_639 : vector<16xi32> to vector<1x16xi32>
    tpu.vector_store %arg9[%swap3A_641, %swap3A_642], %swap3A_645 {strides = array<i32>} : memref<2x128xi32, #tpu.memory_space<vmem>>, vector<1x16xi32>,
    %get3A_646 = arith.constant 192 : index
    %get3A_647 = tpu.vector_load %arg8[%get3A_646] {strides = array<i32>} : memref<512xi32, #tpu.memory_space<vmem>>, vector<16xi32>,
    %get3A_648 = vector.shape_cast %get3A_647 : vector<16xi32> to vector<16xi32>
    %add3A_649 = arith.constant 1000 : i32
    %add3A_650 = vector.broadcast %add3A_649 : i32 to vector<16xi32>
    %add3A_651 = arith.addi %get3A_648, %add3A_650 : vector<16xi32>
    %swap3A_652 = arith.constant 1 : i32
    %swap3A_653 = arith.index_cast %swap3A_652 : i32 to index
    %swap3A_654 = arith.constant 64 : index
    %swap3A_655 = tpu.vector_load %arg9[%swap3A_653, %swap3A_654] {strides = array<i32>} : memref<2x128xi32, #tpu.memory_space<vmem>>, vector<1x16xi32>,
    %swap3A_656 = vector.shape_cast %swap3A_655 : vector<1x16xi32> to vector<16xi32>
    %swap3A_657 = vector.shape_cast %add3A_651 : vector<16xi32> to vector<1x16xi32>
    tpu.vector_store %arg9[%swap3A_653, %swap3A_654], %swap3A_657 {strides = array<i32>} : memref<2x128xi32, #tpu.memory_space<vmem>>, vector<1x16xi32>,
    %get3A_658 = arith.constant 208 : index
    %get3A_659 = tpu.vector_load %arg8[%get3A_658] {strides = array<i32>} : memref<512xi32, #tpu.memory_space<vmem>>, vector<16xi32>,
    %get3A_660 = vector.shape_cast %get3A_659 : vector<16xi32> to vector<16xi32>
    %add3A_661 = arith.constant 1000 : i32
    %add3A_662 = vector.broadcast %add3A_661 : i32 to vector<16xi32>
    %add3A_663 = arith.addi %get3A_660, %add3A_662 : vector<16xi32>
    %swap3A_664 = arith.constant 1 : i32
    %swap3A_665 = arith.index_cast %swap3A_664 : i32 to index
    %swap3A_666 = arith.constant 80 : index
    %swap3A_667 = tpu.vector_load %arg9[%swap3A_665, %swap3A_666] {strides = array<i32>} : memref<2x128xi32, #tpu.memory_space<vmem>>, vector<1x16xi32>,
    %swap3A_668 = vector.shape_cast %swap3A_667 : vector<1x16xi32> to vector<16xi32>
    %swap3A_669 = vector.shape_cast %add3A_663 : vector<16xi32> to vector<1x16xi32>
    tpu.vector_store %arg9[%swap3A_665, %swap3A_666], %swap3A_669 {strides = array<i32>} : memref<2x128xi32, #tpu.memory_space<vmem>>, vector<1x16xi32>,
    %get3A_670 = arith.constant 224 : index
    %get3A_671 = tpu.vector_load %arg8[%get3A_670] {strides = array<i32>} : memref<512xi32, #tpu.memory_space<vmem>>, vector<16xi32>,
    %get3A_672 = vector.shape_cast %get3A_671 : vector<16xi32> to vector<16xi32>
    %add3A_673 = arith.constant 1000 : i32
    %add3A_674 = vector.broadcast %add3A_673 : i32 to vector<16xi32>
    %add3A_675 = arith.addi %get3A_672, %add3A_674 : vector<16xi32>
    %swap3A_676 = arith.constant 1 : i32
    %swap3A_677 = arith.index_cast %swap3A_676 : i32 to index
    %swap3A_678 = arith.constant 96 : index
    %swap3A_679 = tpu.vector_load %arg9[%swap3A_677, %swap3A_678] {strides = array<i32>} : memref<2x128xi32, #tpu.memory_space<vmem>>, vector<1x16xi32>,
    %swap3A_680 = vector.shape_cast %swap3A_679 : vector<1x16xi32> to vector<16xi32>
    %swap3A_681 = vector.shape_cast %add3A_675 : vector<16xi32> to vector<1x16xi32>
    tpu.vector_store %arg9[%swap3A_677, %swap3A_678], %swap3A_681 {strides = array<i32>} : memref<2x128xi32, #tpu.memory_space<vmem>>, vector<1x16xi32>,
    %get3A_682 = arith.constant 240 : index
    %get3A_683 = tpu.vector_load %arg8[%get3A_682] {strides = array<i32>} : memref<512xi32, #tpu.memory_space<vmem>>, vector<16xi32>,
    %get3A_684 = vector.shape_cast %get3A_683 : vector<16xi32> to vector<16xi32>
    %add3A_685 = arith.constant 1000 : i32
    %add3A_686 = vector.broadcast %add3A_685 : i32 to vector<16xi32>
    %add3A_687 = arith.addi %get3A_684, %add3A_686 : vector<16xi32>
    %swap3A_688 = arith.constant 1 : i32
    %swap3A_689 = arith.index_cast %swap3A_688 : i32 to index
    %swap3A_690 = arith.constant 112 : index
    %swap3A_691 = tpu.vector_load %arg9[%swap3A_689, %swap3A_690] {strides = array<i32>} : memref<2x128xi32, #tpu.memory_space<vmem>>, vector<1x16xi32>,
    %swap3A_692 = vector.shape_cast %swap3A_691 : vector<1x16xi32> to vector<16xi32>
    %swap3A_693 = vector.shape_cast %add3A_687 : vector<16xi32> to vector<1x16xi32>
    tpu.vector_store %arg9[%swap3A_689, %swap3A_690], %swap3A_693 {strides = array<i32>} : memref<2x128xi32, #tpu.memory_space<vmem>>, vector<1x16xi32>,
    %dma_start3A_694 = arith.constant 1 : i32
    %dma_start3A_695 = arith.constant 1 : i32
    %dma_start3A_696 = arith.constant 0 : i32
    %dma_start3A_697 = arith.constant 0 : i32
    %dma_start3A_698 = tpu.memref_slice %arg10[%dma_start3A_695, %dma_start3A_696, %dma_start3A_697] : memref<2x128x256xi32, #tpu.memory_space<vmem>> -> memref<1x128x256xi32, #tpu.memory_space<vmem>>
    %dma_start3A_699 = tpu.memref_squeeze %dma_start3A_698 : memref<1x128x256xi32, #tpu.memory_space<vmem>> -> memref<128x256xi32, #tpu.memory_space<vmem>>
    %dma_start3A_700 = arith.constant 0 : i32
    %dma_start3A_701 = tpu.memref_slice %arg9[%dma_start3A_694, %dma_start3A_700] : memref<2x128xi32, #tpu.memory_space<vmem>> -> memref<1x128xi32, #tpu.memory_space<vmem>>
    %dma_start3A_702 = tpu.memref_squeeze %dma_start3A_701 : memref<1x128xi32, #tpu.memory_space<vmem>> -> memref<128xi32, #tpu.memory_space<vmem>>
    %dma_start3A_703 = arith.constant 0 : i32
    %dma_start3A_704 = arith.constant 0 : i32
    %dma_start3A_705 = tpu.memref_slice %arg2[%dma_start3A_703, %dma_start3A_704] : memref<4000x256xi32, #tpu.memory_space<hbm>> -> memref<4000x256xi32, #tpu.memory_space<hbm>>
    tpu.enqueue_indirect_dma source(%dma_start3A_705 : memref<4000x256xi32, #tpu.memory_space<hbm>>) target(%dma_start3A_699 : memref<128x256xi32, #tpu.memory_space<vmem>>) offsets(%dma_start3A_702 : memref<128xi32, #tpu.memory_space<vmem>>) semaphore(%arg12 : memref<!tpu.dma_semaphore, #tpu.memory_space<semaphore_mem>>)
    %dma_wait3A_706 = arith.constant 0 : i32
    %dma_wait3A_707 = arith.constant 0 : i32
    %dma_wait3A_708 = arith.constant 0 : i32
    %dma_wait3A_709 = arith.constant 0 : i32
    %dma_wait3A_710 = tpu.memref_slice %arg10[%dma_wait3A_707, %dma_wait3A_708, %dma_wait3A_709] : memref<2x128x256xi32, #tpu.memory_space<vmem>> -> memref<1x128x256xi32, #tpu.memory_space<vmem>>
    %dma_wait3A_711 = tpu.memref_squeeze %dma_wait3A_710 : memref<1x128x256xi32, #tpu.memory_space<vmem>> -> memref<128x256xi32, #tpu.memory_space<vmem>>
    %dma_wait3A_712 = arith.constant 0 : i32
    %dma_wait3A_713 = tpu.memref_slice %arg9[%dma_wait3A_706, %dma_wait3A_712] : memref<2x128xi32, #tpu.memory_space<vmem>> -> memref<1x128xi32, #tpu.memory_space<vmem>>
    %dma_wait3A_714 = tpu.memref_squeeze %dma_wait3A_713 : memref<1x128xi32, #tpu.memory_space<vmem>> -> memref<128xi32, #tpu.memory_space<vmem>>
    %dma_wait3A_715 = arith.constant 0 : i32
    %dma_wait3A_716 = arith.constant 0 : i32
    %dma_wait3A_717 = tpu.memref_slice %arg2[%dma_wait3A_715, %dma_wait3A_716] : memref<4000x256xi32, #tpu.memory_space<hbm>> -> memref<4000x256xi32, #tpu.memory_space<hbm>>
    tpu.wait_indirect_dma semaphore(%arg11 : memref<!tpu.dma_semaphore, #tpu.memory_space<semaphore_mem>>) src(%dma_wait3A_717 : memref<4000x256xi32, #tpu.memory_space<hbm>>) dst(%dma_wait3A_711 : memref<128x256xi32, #tpu.memory_space<vmem>>)
    %add3A_718 = arith.constant 0 : i32
    %add3A_719 = arith.addi %mul3A_2, %add3A_718 : i32
    %run_scoped3A_720 = arith.constant 0 : i32
    "tpu.region"() ({
      %run_scoped3A_1966 = tpu.sem_alloc : memref<!tpu.dma_semaphore, #tpu.memory_space<semaphore_mem>>
      %dma_start3A_1967 = arith.constant 0 : i32
      %dma_start3A_1968 = arith.constant 0 : i32
      %dma_start3A_1969 = tpu.memref_slice %arg10[%run_scoped3A_720, %dma_start3A_1967, %dma_start3A_1968] : memref<2x128x256xi32, #tpu.memory_space<vmem>> -> memref<1x128x256xi32, #tpu.memory_space<vmem>>
      %dma_start3A_1970 = tpu.memref_squeeze %dma_start3A_1969 : memref<1x128x256xi32, #tpu.memory_space<vmem>> -> memref<128x256xi32, #tpu.memory_space<vmem>>
      %dma_start3A_1971 = arith.constant 0 : i32
      %dma_start3A_1972 = tpu.memref_slice %arg5[%add3A_719, %dma_start3A_1971] : memref<16384x256xi32, #tpu.memory_space<hbm>> -> memref<128x256xi32, #tpu.memory_space<hbm>>
      %dma_start3A_1973 = arith.constant 0 : i32
      %dma_start3A_1974 = tpu.memref_slice %arg5[%add3A_719, %dma_start3A_1973] : memref<16384x256xi32, #tpu.memory_space<hbm>> -> memref<128x256xi32, #tpu.memory_space<hbm>>
      %dma_start3A_1975 = arith.constant 0 : i32
      %dma_start3A_1976 = arith.constant 0 : i32
      %dma_start3A_1977 = tpu.memref_slice %arg10[%run_scoped3A_720, %dma_start3A_1975, %dma_start3A_1976] : memref<2x128x256xi32, #tpu.memory_space<vmem>> -> memref<1x128x256xi32, #tpu.memory_space<vmem>>
      %dma_start3A_1978 = tpu.memref_squeeze %dma_start3A_1977 : memref<1x128x256xi32, #tpu.memory_space<vmem>> -> memref<128x256xi32, #tpu.memory_space<vmem>>
      tpu.enqueue_dma source(%dma_start3A_1978 : memref<128x256xi32, #tpu.memory_space<vmem>>) target(%dma_start3A_1974 : memref<128x256xi32, #tpu.memory_space<hbm>>) target_semaphore(%run_scoped3A_1966 : memref<!tpu.dma_semaphore, #tpu.memory_space<semaphore_mem>>)
      %dma_wait3A_1979 = arith.constant 0 : i32
      %dma_wait3A_1980 = arith.constant 0 : i32
      %dma_wait3A_1981 = tpu.memref_slice %arg10[%run_scoped3A_720, %dma_wait3A_1979, %dma_wait3A_1980] : memref<2x128x256xi32, #tpu.memory_space<vmem>> -> memref<1x128x256xi32, #tpu.memory_space<vmem>>
      %dma_wait3A_1982 = tpu.memref_squeeze %dma_wait3A_1981 : memref<1x128x256xi32, #tpu.memory_space<vmem>> -> memref<128x256xi32, #tpu.memory_space<vmem>>
      %dma_wait3A_1983 = arith.constant 0 : i32
      %dma_wait3A_1984 = tpu.memref_slice %arg5[%add3A_719, %dma_wait3A_1983] : memref<16384x256xi32, #tpu.memory_space<hbm>> -> memref<128x256xi32, #tpu.memory_space<hbm>>
      %dma_wait3A_1985 = arith.constant 0 : i32
      %dma_wait3A_1986 = tpu.memref_slice %arg5[%add3A_719, %dma_wait3A_1985] : memref<16384x256xi32, #tpu.memory_space<hbm>> -> memref<128x256xi32, #tpu.memory_space<hbm>>
      %dma_wait3A_1987 = arith.constant 0 : i32
      %dma_wait3A_1988 = arith.constant 0 : i32
      %dma_wait3A_1989 = tpu.memref_slice %arg10[%run_scoped3A_720, %dma_wait3A_1987, %dma_wait3A_1988] : memref<2x128x256xi32, #tpu.memory_space<vmem>> -> memref<1x128x256xi32, #tpu.memory_space<vmem>>
      %dma_wait3A_1990 = tpu.memref_squeeze %dma_wait3A_1989 : memref<1x128x256xi32, #tpu.memory_space<vmem>> -> memref<128x256xi32, #tpu.memory_space<vmem>>
      tpu.wait_dma2 semaphore(%run_scoped3A_1966 : memref<!tpu.dma_semaphore, #tpu.memory_space<semaphore_mem>>) src(%dma_wait3A_1990 : memref<128x256xi32, #tpu.memory_space<vmem>>) dst(%dma_wait3A_1986 : memref<128x256xi32, #tpu.memory_space<hbm>>)
      tpu.yield
    }) : () -> ()
    %get3A_721 = arith.constant 256 : index
    %get3A_722 = tpu.vector_load %arg8[%get3A_721] {strides = array<i32>} : memref<512xi32, #tpu.memory_space<vmem>>, vector<16xi32>,
    %get3A_723 = vector.shape_cast %get3A_722 : vector<16xi32> to vector<16xi32>
    %add3A_724 = arith.constant 1000 : i32
    %add3A_725 = vector.broadcast %add3A_724 : i32 to vector<16xi32>
    %add3A_726 = arith.addi %get3A_723, %add3A_725 : vector<16xi32>
    %swap3A_727 = arith.constant 0 : i32
    %swap3A_728 = arith.index_cast %swap3A_727 : i32 to index
    %swap3A_729 = arith.constant 0 : index
    %swap3A_730 = tpu.vector_load %arg9[%swap3A_728, %swap3A_729] {strides = array<i32>} : memref<2x128xi32, #tpu.memory_space<vmem>>, vector<1x16xi32>,
    %swap3A_731 = vector.shape_cast %swap3A_730 : vector<1x16xi32> to vector<16xi32>
    %swap3A_732 = vector.shape_cast %add3A_726 : vector<16xi32> to vector<1x16xi32>
    tpu.vector_store %arg9[%swap3A_728, %swap3A_729], %swap3A_732 {strides = array<i32>} : memref<2x128xi32, #tpu.memory_space<vmem>>, vector<1x16xi32>,
    %get3A_733 = arith.constant 272 : index
    %get3A_734 = tpu.vector_load %arg8[%get3A_733] {strides = array<i32>} : memref<512xi32, #tpu.memory_space<vmem>>, vector<16xi32>,
    %get3A_735 = vector.shape_cast %get3A_734 : vector<16xi32> to vector<16xi32>
    %add3A_736 = arith.constant 1000 : i32
    %add3A_737 = vector.broadcast %add3A_736 : i32 to vector<16xi32>
    %add3A_738 = arith.addi %get3A_735, %add3A_737 : vector<16xi32>
    %swap3A_739 = arith.constant 0 : i32
    %swap3A_740 = arith.index_cast %swap3A_739 : i32 to index
    %swap3A_741 = arith.constant 16 : index
    %swap3A_742 = tpu.vector_load %arg9[%swap3A_740, %swap3A_741] {strides = array<i32>} : memref<2x128xi32, #tpu.memory_space<vmem>>, vector<1x16xi32>,
    %swap3A_743 = vector.shape_cast %swap3A_742 : vector<1x16xi32> to vector<16xi32>
    %swap3A_744 = vector.shape_cast %add3A_738 : vector<16xi32> to vector<1x16xi32>
    tpu.vector_store %arg9[%swap3A_740, %swap3A_741], %swap3A_744 {strides = array<i32>} : memref<2x128xi32, #tpu.memory_space<vmem>>, vector<1x16xi32>,
    %get3A_745 = arith.constant 288 : index
    %get3A_746 = tpu.vector_load %arg8[%get3A_745] {strides = array<i32>} : memref<512xi32, #tpu.memory_space<vmem>>, vector<16xi32>,
    %get3A_747 = vector.shape_cast %get3A_746 : vector<16xi32> to vector<16xi32>
    %add3A_748 = arith.constant 1000 : i32
    %add3A_749 = vector.broadcast %add3A_748 : i32 to vector<16xi32>
    %add3A_750 = arith.addi %get3A_747, %add3A_749 : vector<16xi32>
    %swap3A_751 = arith.constant 0 : i32
    %swap3A_752 = arith.index_cast %swap3A_751 : i32 to index
    %swap3A_753 = arith.constant 32 : index
    %swap3A_754 = tpu.vector_load %arg9[%swap3A_752, %swap3A_753] {strides = array<i32>} : memref<2x128xi32, #tpu.memory_space<vmem>>, vector<1x16xi32>,
    %swap3A_755 = vector.shape_cast %swap3A_754 : vector<1x16xi32> to vector<16xi32>
    %swap3A_756 = vector.shape_cast %add3A_750 : vector<16xi32> to vector<1x16xi32>
    tpu.vector_store %arg9[%swap3A_752, %swap3A_753], %swap3A_756 {strides = array<i32>} : memref<2x128xi32, #tpu.memory_space<vmem>>, vector<1x16xi32>,
    %get3A_757 = arith.constant 304 : index
    %get3A_758 = tpu.vector_load %arg8[%get3A_757] {strides = array<i32>} : memref<512xi32, #tpu.memory_space<vmem>>, vector<16xi32>,
    %get3A_759 = vector.shape_cast %get3A_758 : vector<16xi32> to vector<16xi32>
    %add3A_760 = arith.constant 1000 : i32
    %add3A_761 = vector.broadcast %add3A_760 : i32 to vector<16xi32>
    %add3A_762 = arith.addi %get3A_759, %add3A_761 : vector<16xi32>
    %swap3A_763 = arith.constant 0 : i32
    %swap3A_764 = arith.index_cast %swap3A_763 : i32 to index
    %swap3A_765 = arith.constant 48 : index
    %swap3A_766 = tpu.vector_load %arg9[%swap3A_764, %swap3A_765] {strides = array<i32>} : memref<2x128xi32, #tpu.memory_space<vmem>>, vector<1x16xi32>,
    %swap3A_767 = vector.shape_cast %swap3A_766 : vector<1x16xi32> to vector<16xi32>
    %swap3A_768 = vector.shape_cast %add3A_762 : vector<16xi32> to vector<1x16xi32>
    tpu.vector_store %arg9[%swap3A_764, %swap3A_765], %swap3A_768 {strides = array<i32>} : memref<2x128xi32, #tpu.memory_space<vmem>>, vector<1x16xi32>,
    %get3A_769 = arith.constant 320 : index
    %get3A_770 = tpu.vector_load %arg8[%get3A_769] {strides = array<i32>} : memref<512xi32, #tpu.memory_space<vmem>>, vector<16xi32>,
    %get3A_771 = vector.shape_cast %get3A_770 : vector<16xi32> to vector<16xi32>
    %add3A_772 = arith.constant 1000 : i32
    %add3A_773 = vector.broadcast %add3A_772 : i32 to vector<16xi32>
    %add3A_774 = arith.addi %get3A_771, %add3A_773 : vector<16xi32>
    %swap3A_775 = arith.constant 0 : i32
    %swap3A_776 = arith.index_cast %swap3A_775 : i32 to index
    %swap3A_777 = arith.constant 64 : index
    %swap3A_778 = tpu.vector_load %arg9[%swap3A_776, %swap3A_777] {strides = array<i32>} : memref<2x128xi32, #tpu.memory_space<vmem>>, vector<1x16xi32>,
    %swap3A_779 = vector.shape_cast %swap3A_778 : vector<1x16xi32> to vector<16xi32>
    %swap3A_780 = vector.shape_cast %add3A_774 : vector<16xi32> to vector<1x16xi32>
    tpu.vector_store %arg9[%swap3A_776, %swap3A_777], %swap3A_780 {strides = array<i32>} : memref<2x128xi32, #tpu.memory_space<vmem>>, vector<1x16xi32>,
    %get3A_781 = arith.constant 336 : index
    %get3A_782 = tpu.vector_load %arg8[%get3A_781] {strides = array<i32>} : memref<512xi32, #tpu.memory_space<vmem>>, vector<16xi32>,
    %get3A_783 = vector.shape_cast %get3A_782 : vector<16xi32> to vector<16xi32>
    %add3A_784 = arith.constant 1000 : i32
    %add3A_785 = vector.broadcast %add3A_784 : i32 to vector<16xi32>
    %add3A_786 = arith.addi %get3A_783, %add3A_785 : vector<16xi32>
    %swap3A_787 = arith.constant 0 : i32
    %swap3A_788 = arith.index_cast %swap3A_787 : i32 to index
    %swap3A_789 = arith.constant 80 : index
    %swap3A_790 = tpu.vector_load %arg9[%swap3A_788, %swap3A_789] {strides = array<i32>} : memref<2x128xi32, #tpu.memory_space<vmem>>, vector<1x16xi32>,
    %swap3A_791 = vector.shape_cast %swap3A_790 : vector<1x16xi32> to vector<16xi32>
    %swap3A_792 = vector.shape_cast %add3A_786 : vector<16xi32> to vector<1x16xi32>
    tpu.vector_store %arg9[%swap3A_788, %swap3A_789], %swap3A_792 {strides = array<i32>} : memref<2x128xi32, #tpu.memory_space<vmem>>, vector<1x16xi32>,
    %get3A_793 = arith.constant 352 : index
    %get3A_794 = tpu.vector_load %arg8[%get3A_793] {strides = array<i32>} : memref<512xi32, #tpu.memory_space<vmem>>, vector<16xi32>,
    %get3A_795 = vector.shape_cast %get3A_794 : vector<16xi32> to vector<16xi32>
    %add3A_796 = arith.constant 1000 : i32
    %add3A_797 = vector.broadcast %add3A_796 : i32 to vector<16xi32>
    %add3A_798 = arith.addi %get3A_795, %add3A_797 : vector<16xi32>
    %swap3A_799 = arith.constant 0 : i32
    %swap3A_800 = arith.index_cast %swap3A_799 : i32 to index
    %swap3A_801 = arith.constant 96 : index
    %swap3A_802 = tpu.vector_load %arg9[%swap3A_800, %swap3A_801] {strides = array<i32>} : memref<2x128xi32, #tpu.memory_space<vmem>>, vector<1x16xi32>,
    %swap3A_803 = vector.shape_cast %swap3A_802 : vector<1x16xi32> to vector<16xi32>
    %swap3A_804 = vector.shape_cast %add3A_798 : vector<16xi32> to vector<1x16xi32>
    tpu.vector_store %arg9[%swap3A_800, %swap3A_801], %swap3A_804 {strides = array<i32>} : memref<2x128xi32, #tpu.memory_space<vmem>>, vector<1x16xi32>,
    %get3A_805 = arith.constant 368 : index
    %get3A_806 = tpu.vector_load %arg8[%get3A_805] {strides = array<i32>} : memref<512xi32, #tpu.memory_space<vmem>>, vector<16xi32>,
    %get3A_807 = vector.shape_cast %get3A_806 : vector<16xi32> to vector<16xi32>
    %add3A_808 = arith.constant 1000 : i32
    %add3A_809 = vector.broadcast %add3A_808 : i32 to vector<16xi32>
    %add3A_810 = arith.addi %get3A_807, %add3A_809 : vector<16xi32>
    %swap3A_811 = arith.constant 0 : i32
    %swap3A_812 = arith.index_cast %swap3A_811 : i32 to index
    %swap3A_813 = arith.constant 112 : index
    %swap3A_814 = tpu.vector_load %arg9[%swap3A_812, %swap3A_813] {strides = array<i32>} : memref<2x128xi32, #tpu.memory_space<vmem>>, vector<1x16xi32>,
    %swap3A_815 = vector.shape_cast %swap3A_814 : vector<1x16xi32> to vector<16xi32>
    %swap3A_816 = vector.shape_cast %add3A_810 : vector<16xi32> to vector<1x16xi32>
    tpu.vector_store %arg9[%swap3A_812, %swap3A_813], %swap3A_816 {strides = array<i32>} : memref<2x128xi32, #tpu.memory_space<vmem>>, vector<1x16xi32>,
    %dma_start3A_817 = arith.constant 0 : i32
    %dma_start3A_818 = arith.constant 0 : i32
    %dma_start3A_819 = arith.constant 0 : i32
    %dma_start3A_820 = arith.constant 0 : i32
    %dma_start3A_821 = tpu.memref_slice %arg10[%dma_start3A_818, %dma_start3A_819, %dma_start3A_820] : memref<2x128x256xi32, #tpu.memory_space<vmem>> -> memref<1x128x256xi32, #tpu.memory_space<vmem>>
    %dma_start3A_822 = tpu.memref_squeeze %dma_start3A_821 : memref<1x128x256xi32, #tpu.memory_space<vmem>> -> memref<128x256xi32, #tpu.memory_space<vmem>>
    %dma_start3A_823 = arith.constant 0 : i32
    %dma_start3A_824 = tpu.memref_slice %arg9[%dma_start3A_817, %dma_start3A_823] : memref<2x128xi32, #tpu.memory_space<vmem>> -> memref<1x128xi32, #tpu.memory_space<vmem>>
    %dma_start3A_825 = tpu.memref_squeeze %dma_start3A_824 : memref<1x128xi32, #tpu.memory_space<vmem>> -> memref<128xi32, #tpu.memory_space<vmem>>
    %dma_start3A_826 = arith.constant 0 : i32
    %dma_start3A_827 = arith.constant 0 : i32
    %dma_start3A_828 = tpu.memref_slice %arg2[%dma_start3A_826, %dma_start3A_827] : memref<4000x256xi32, #tpu.memory_space<hbm>> -> memref<4000x256xi32, #tpu.memory_space<hbm>>
    tpu.enqueue_indirect_dma source(%dma_start3A_828 : memref<4000x256xi32, #tpu.memory_space<hbm>>) target(%dma_start3A_822 : memref<128x256xi32, #tpu.memory_space<vmem>>) offsets(%dma_start3A_825 : memref<128xi32, #tpu.memory_space<vmem>>) semaphore(%arg11 : memref<!tpu.dma_semaphore, #tpu.memory_space<semaphore_mem>>)
    %dma_wait3A_829 = arith.constant 1 : i32
    %dma_wait3A_830 = arith.constant 1 : i32
    %dma_wait3A_831 = arith.constant 0 : i32
    %dma_wait3A_832 = arith.constant 0 : i32
    %dma_wait3A_833 = tpu.memref_slice %arg10[%dma_wait3A_830, %dma_wait3A_831, %dma_wait3A_832] : memref<2x128x256xi32, #tpu.memory_space<vmem>> -> memref<1x128x256xi32, #tpu.memory_space<vmem>>
    %dma_wait3A_834 = tpu.memref_squeeze %dma_wait3A_833 : memref<1x128x256xi32, #tpu.memory_space<vmem>> -> memref<128x256xi32, #tpu.memory_space<vmem>>
    %dma_wait3A_835 = arith.constant 0 : i32
    %dma_wait3A_836 = tpu.memref_slice %arg9[%dma_wait3A_829, %dma_wait3A_835] : memref<2x128xi32, #tpu.memory_space<vmem>> -> memref<1x128xi32, #tpu.memory_space<vmem>>
    %dma_wait3A_837 = tpu.memref_squeeze %dma_wait3A_836 : memref<1x128xi32, #tpu.memory_space<vmem>> -> memref<128xi32, #tpu.memory_space<vmem>>
    %dma_wait3A_838 = arith.constant 0 : i32
    %dma_wait3A_839 = arith.constant 0 : i32
    %dma_wait3A_840 = tpu.memref_slice %arg2[%dma_wait3A_838, %dma_wait3A_839] : memref<4000x256xi32, #tpu.memory_space<hbm>> -> memref<4000x256xi32, #tpu.memory_space<hbm>>
    tpu.wait_indirect_dma semaphore(%arg12 : memref<!tpu.dma_semaphore, #tpu.memory_space<semaphore_mem>>) src(%dma_wait3A_840 : memref<4000x256xi32, #tpu.memory_space<hbm>>) dst(%dma_wait3A_834 : memref<128x256xi32, #tpu.memory_space<vmem>>)
    %add3A_841 = arith.constant 128 : i32
    %add3A_842 = arith.addi %mul3A_2, %add3A_841 : i32
    %run_scoped3A_843 = arith.constant 1 : i32
    "tpu.region"() ({
      %run_scoped3A_1966 = tpu.sem_alloc : memref<!tpu.dma_semaphore, #tpu.memory_space<semaphore_mem>>
      %dma_start3A_1967 = arith.constant 0 : i32
      %dma_start3A_1968 = arith.constant 0 : i32
      %dma_start3A_1969 = tpu.memref_slice %arg10[%run_scoped3A_843, %dma_start3A_1967, %dma_start3A_1968] : memref<2x128x256xi32, #tpu.memory_space<vmem>> -> memref<1x128x256xi32, #tpu.memory_space<vmem>>
      %dma_start3A_1970 = tpu.memref_squeeze %dma_start3A_1969 : memref<1x128x256xi32, #tpu.memory_space<vmem>> -> memref<128x256xi32, #tpu.memory_space<vmem>>
      %dma_start3A_1971 = arith.constant 0 : i32
      %dma_start3A_1972 = tpu.memref_slice %arg5[%add3A_842, %dma_start3A_1971] : memref<16384x256xi32, #tpu.memory_space<hbm>> -> memref<128x256xi32, #tpu.memory_space<hbm>>
      %dma_start3A_1973 = arith.constant 0 : i32
      %dma_start3A_1974 = tpu.memref_slice %arg5[%add3A_842, %dma_start3A_1973] : memref<16384x256xi32, #tpu.memory_space<hbm>> -> memref<128x256xi32, #tpu.memory_space<hbm>>
      %dma_start3A_1975 = arith.constant 0 : i32
      %dma_start3A_1976 = arith.constant 0 : i32
      %dma_start3A_1977 = tpu.memref_slice %arg10[%run_scoped3A_843, %dma_start3A_1975, %dma_start3A_1976] : memref<2x128x256xi32, #tpu.memory_space<vmem>> -> memref<1x128x256xi32, #tpu.memory_space<vmem>>
      %dma_start3A_1978 = tpu.memref_squeeze %dma_start3A_1977 : memref<1x128x256xi32, #tpu.memory_space<vmem>> -> memref<128x256xi32, #tpu.memory_space<vmem>>
      tpu.enqueue_dma source(%dma_start3A_1978 : memref<128x256xi32, #tpu.memory_space<vmem>>) target(%dma_start3A_1974 : memref<128x256xi32, #tpu.memory_space<hbm>>) target_semaphore(%run_scoped3A_1966 : memref<!tpu.dma_semaphore, #tpu.memory_space<semaphore_mem>>)
      %dma_wait3A_1979 = arith.constant 0 : i32
      %dma_wait3A_1980 = arith.constant 0 : i32
      %dma_wait3A_1981 = tpu.memref_slice %arg10[%run_scoped3A_843, %dma_wait3A_1979, %dma_wait3A_1980] : memref<2x128x256xi32, #tpu.memory_space<vmem>> -> memref<1x128x256xi32, #tpu.memory_space<vmem>>
      %dma_wait3A_1982 = tpu.memref_squeeze %dma_wait3A_1981 : memref<1x128x256xi32, #tpu.memory_space<vmem>> -> memref<128x256xi32, #tpu.memory_space<vmem>>
      %dma_wait3A_1983 = arith.constant 0 : i32
      %dma_wait3A_1984 = tpu.memref_slice %arg5[%add3A_842, %dma_wait3A_1983] : memref<16384x256xi32, #tpu.memory_space<hbm>> -> memref<128x256xi32, #tpu.memory_space<hbm>>
      %dma_wait3A_1985 = arith.constant 0 : i32
      %dma_wait3A_1986 = tpu.memref_slice %arg5[%add3A_842, %dma_wait3A_1985] : memref<16384x256xi32, #tpu.memory_space<hbm>> -> memref<128x256xi32, #tpu.memory_space<hbm>>
      %dma_wait3A_1987 = arith.constant 0 : i32
      %dma_wait3A_1988 = arith.constant 0 : i32
      %dma_wait3A_1989 = tpu.memref_slice %arg10[%run_scoped3A_843, %dma_wait3A_1987, %dma_wait3A_1988] : memref<2x128x256xi32, #tpu.memory_space<vmem>> -> memref<1x128x256xi32, #tpu.memory_space<vmem>>
      %dma_wait3A_1990 = tpu.memref_squeeze %dma_wait3A_1989 : memref<1x128x256xi32, #tpu.memory_space<vmem>> -> memref<128x256xi32, #tpu.memory_space<vmem>>
      tpu.wait_dma2 semaphore(%run_scoped3A_1966 : memref<!tpu.dma_semaphore, #tpu.memory_space<semaphore_mem>>) src(%dma_wait3A_1990 : memref<128x256xi32, #tpu.memory_space<vmem>>) dst(%dma_wait3A_1986 : memref<128x256xi32, #tpu.memory_space<hbm>>)
      tpu.yield
    }) : () -> ()
    %get3A_844 = arith.constant 384 : index
    %get3A_845 = tpu.vector_load %arg8[%get3A_844] {strides = array<i32>} : memref<512xi32, #tpu.memory_space<vmem>>, vector<16xi32>,
    %get3A_846 = vector.shape_cast %get3A_845 : vector<16xi32> to vector<16xi32>
    %add3A_847 = arith.constant 1000 : i32
    %add3A_848 = vector.broadcast %add3A_847 : i32 to vector<16xi32>
    %add3A_849 = arith.addi %get3A_846, %add3A_848 : vector<16xi32>
    %swap3A_850 = arith.constant 1 : i32
    %swap3A_851 = arith.index_cast %swap3A_850 : i32 to index
    %swap3A_852 = arith.constant 0 : index
    %swap3A_853 = tpu.vector_load %arg9[%swap3A_851, %swap3A_852] {strides = array<i32>} : memref<2x128xi32, #tpu.memory_space<vmem>>, vector<1x16xi32>,
    %swap3A_854 = vector.shape_cast %swap3A_853 : vector<1x16xi32> to vector<16xi32>
    %swap3A_855 = vector.shape_cast %add3A_849 : vector<16xi32> to vector<1x16xi32>
    tpu.vector_store %arg9[%swap3A_851, %swap3A_852], %swap3A_855 {strides = array<i32>} : memref<2x128xi32, #tpu.memory_space<vmem>>, vector<1x16xi32>,
    %get3A_856 = arith.constant 400 : index
    %get3A_857 = tpu.vector_load %arg8[%get3A_856] {strides = array<i32>} : memref<512xi32, #tpu.memory_space<vmem>>, vector<16xi32>,
    %get3A_858 = vector.shape_cast %get3A_857 : vector<16xi32> to vector<16xi32>
    %add3A_859 = arith.constant 1000 : i32
    %add3A_860 = vector.broadcast %add3A_859 : i32 to vector<16xi32>
    %add3A_861 = arith.addi %get3A_858, %add3A_860 : vector<16xi32>
    %swap3A_862 = arith.constant 1 : i32
    %swap3A_863 = arith.index_cast %swap3A_862 : i32 to index
    %swap3A_864 = arith.constant 16 : index
    %swap3A_865 = tpu.vector_load %arg9[%swap3A_863, %swap3A_864] {strides = array<i32>} : memref<2x128xi32, #tpu.memory_space<vmem>>, vector<1x16xi32>,
    %swap3A_866 = vector.shape_cast %swap3A_865 : vector<1x16xi32> to vector<16xi32>
    %swap3A_867 = vector.shape_cast %add3A_861 : vector<16xi32> to vector<1x16xi32>
    tpu.vector_store %arg9[%swap3A_863, %swap3A_864], %swap3A_867 {strides = array<i32>} : memref<2x128xi32, #tpu.memory_space<vmem>>, vector<1x16xi32>,
    %get3A_868 = arith.constant 416 : index
    %get3A_869 = tpu.vector_load %arg8[%get3A_868] {strides = array<i32>} : memref<512xi32, #tpu.memory_space<vmem>>, vector<16xi32>,
    %get3A_870 = vector.shape_cast %get3A_869 : vector<16xi32> to vector<16xi32>
    %add3A_871 = arith.constant 1000 : i32
    %add3A_872 = vector.broadcast %add3A_871 : i32 to vector<16xi32>
    %add3A_873 = arith.addi %get3A_870, %add3A_872 : vector<16xi32>
    %swap3A_874 = arith.constant 1 : i32
    %swap3A_875 = arith.index_cast %swap3A_874 : i32 to index
    %swap3A_876 = arith.constant 32 : index
    %swap3A_877 = tpu.vector_load %arg9[%swap3A_875, %swap3A_876] {strides = array<i32>} : memref<2x128xi32, #tpu.memory_space<vmem>>, vector<1x16xi32>,
    %swap3A_878 = vector.shape_cast %swap3A_877 : vector<1x16xi32> to vector<16xi32>
    %swap3A_879 = vector.shape_cast %add3A_873 : vector<16xi32> to vector<1x16xi32>
    tpu.vector_store %arg9[%swap3A_875, %swap3A_876], %swap3A_879 {strides = array<i32>} : memref<2x128xi32, #tpu.memory_space<vmem>>, vector<1x16xi32>,
    %get3A_880 = arith.constant 432 : index
    %get3A_881 = tpu.vector_load %arg8[%get3A_880] {strides = array<i32>} : memref<512xi32, #tpu.memory_space<vmem>>, vector<16xi32>,
    %get3A_882 = vector.shape_cast %get3A_881 : vector<16xi32> to vector<16xi32>
    %add3A_883 = arith.constant 1000 : i32
    %add3A_884 = vector.broadcast %add3A_883 : i32 to vector<16xi32>
    %add3A_885 = arith.addi %get3A_882, %add3A_884 : vector<16xi32>
    %swap3A_886 = arith.constant 1 : i32
    %swap3A_887 = arith.index_cast %swap3A_886 : i32 to index
    %swap3A_888 = arith.constant 48 : index
    %swap3A_889 = tpu.vector_load %arg9[%swap3A_887, %swap3A_888] {strides = array<i32>} : memref<2x128xi32, #tpu.memory_space<vmem>>, vector<1x16xi32>,
    %swap3A_890 = vector.shape_cast %swap3A_889 : vector<1x16xi32> to vector<16xi32>
    %swap3A_891 = vector.shape_cast %add3A_885 : vector<16xi32> to vector<1x16xi32>
    tpu.vector_store %arg9[%swap3A_887, %swap3A_888], %swap3A_891 {strides = array<i32>} : memref<2x128xi32, #tpu.memory_space<vmem>>, vector<1x16xi32>,
    %get3A_892 = arith.constant 448 : index
    %get3A_893 = tpu.vector_load %arg8[%get3A_892] {strides = array<i32>} : memref<512xi32, #tpu.memory_space<vmem>>, vector<16xi32>,
    %get3A_894 = vector.shape_cast %get3A_893 : vector<16xi32> to vector<16xi32>
    %add3A_895 = arith.constant 1000 : i32
    %add3A_896 = vector.broadcast %add3A_895 : i32 to vector<16xi32>
    %add3A_897 = arith.addi %get3A_894, %add3A_896 : vector<16xi32>
    %swap3A_898 = arith.constant 1 : i32
    %swap3A_899 = arith.index_cast %swap3A_898 : i32 to index
    %swap3A_900 = arith.constant 64 : index
    %swap3A_901 = tpu.vector_load %arg9[%swap3A_899, %swap3A_900] {strides = array<i32>} : memref<2x128xi32, #tpu.memory_space<vmem>>, vector<1x16xi32>,
    %swap3A_902 = vector.shape_cast %swap3A_901 : vector<1x16xi32> to vector<16xi32>
    %swap3A_903 = vector.shape_cast %add3A_897 : vector<16xi32> to vector<1x16xi32>
    tpu.vector_store %arg9[%swap3A_899, %swap3A_900], %swap3A_903 {strides = array<i32>} : memref<2x128xi32, #tpu.memory_space<vmem>>, vector<1x16xi32>,
    %get3A_904 = arith.constant 464 : index
    %get3A_905 = tpu.vector_load %arg8[%get3A_904] {strides = array<i32>} : memref<512xi32, #tpu.memory_space<vmem>>, vector<16xi32>,
    %get3A_906 = vector.shape_cast %get3A_905 : vector<16xi32> to vector<16xi32>
    %add3A_907 = arith.constant 1000 : i32
    %add3A_908 = vector.broadcast %add3A_907 : i32 to vector<16xi32>
    %add3A_909 = arith.addi %get3A_906, %add3A_908 : vector<16xi32>
    %swap3A_910 = arith.constant 1 : i32
    %swap3A_911 = arith.index_cast %swap3A_910 : i32 to index
    %swap3A_912 = arith.constant 80 : index
    %swap3A_913 = tpu.vector_load %arg9[%swap3A_911, %swap3A_912] {strides = array<i32>} : memref<2x128xi32, #tpu.memory_space<vmem>>, vector<1x16xi32>,
    %swap3A_914 = vector.shape_cast %swap3A_913 : vector<1x16xi32> to vector<16xi32>
    %swap3A_915 = vector.shape_cast %add3A_909 : vector<16xi32> to vector<1x16xi32>
    tpu.vector_store %arg9[%swap3A_911, %swap3A_912], %swap3A_915 {strides = array<i32>} : memref<2x128xi32, #tpu.memory_space<vmem>>, vector<1x16xi32>,
    %get3A_916 = arith.constant 480 : index
    %get3A_917 = tpu.vector_load %arg8[%get3A_916] {strides = array<i32>} : memref<512xi32, #tpu.memory_space<vmem>>, vector<16xi32>,
    %get3A_918 = vector.shape_cast %get3A_917 : vector<16xi32> to vector<16xi32>
    %add3A_919 = arith.constant 1000 : i32
    %add3A_920 = vector.broadcast %add3A_919 : i32 to vector<16xi32>
    %add3A_921 = arith.addi %get3A_918, %add3A_920 : vector<16xi32>
    %swap3A_922 = arith.constant 1 : i32
    %swap3A_923 = arith.index_cast %swap3A_922 : i32 to index
    %swap3A_924 = arith.constant 96 : index
    %swap3A_925 = tpu.vector_load %arg9[%swap3A_923, %swap3A_924] {strides = array<i32>} : memref<2x128xi32, #tpu.memory_space<vmem>>, vector<1x16xi32>,
    %swap3A_926 = vector.shape_cast %swap3A_925 : vector<1x16xi32> to vector<16xi32>
    %swap3A_927 = vector.shape_cast %add3A_921 : vector<16xi32> to vector<1x16xi32>
    tpu.vector_store %arg9[%swap3A_923, %swap3A_924], %swap3A_927 {strides = array<i32>} : memref<2x128xi32, #tpu.memory_space<vmem>>, vector<1x16xi32>,
    %get3A_928 = arith.constant 496 : index
    %get3A_929 = tpu.vector_load %arg8[%get3A_928] {strides = array<i32>} : memref<512xi32, #tpu.memory_space<vmem>>, vector<16xi32>,
    %get3A_930 = vector.shape_cast %get3A_929 : vector<16xi32> to vector<16xi32>
    %add3A_931 = arith.constant 1000 : i32
    %add3A_932 = vector.broadcast %add3A_931 : i32 to vector<16xi32>
    %add3A_933 = arith.addi %get3A_930, %add3A_932 : vector<16xi32>
    %swap3A_934 = arith.constant 1 : i32
    %swap3A_935 = arith.index_cast %swap3A_934 : i32 to index
    %swap3A_936 = arith.constant 112 : index
    %swap3A_937 = tpu.vector_load %arg9[%swap3A_935, %swap3A_936] {strides = array<i32>} : memref<2x128xi32, #tpu.memory_space<vmem>>, vector<1x16xi32>,
    %swap3A_938 = vector.shape_cast %swap3A_937 : vector<1x16xi32> to vector<16xi32>
    %swap3A_939 = vector.shape_cast %add3A_933 : vector<16xi32> to vector<1x16xi32>
    tpu.vector_store %arg9[%swap3A_935, %swap3A_936], %swap3A_939 {strides = array<i32>} : memref<2x128xi32, #tpu.memory_space<vmem>>, vector<1x16xi32>,
    %dma_start3A_940 = arith.constant 1 : i32
    %dma_start3A_941 = arith.constant 1 : i32
    %dma_start3A_942 = arith.constant 0 : i32
    %dma_start3A_943 = arith.constant 0 : i32
    %dma_start3A_944 = tpu.memref_slice %arg10[%dma_start3A_941, %dma_start3A_942, %dma_start3A_943] : memref<2x128x256xi32, #tpu.memory_space<vmem>> -> memref<1x128x256xi32, #tpu.memory_space<vmem>>
    %dma_start3A_945 = tpu.memref_squeeze %dma_start3A_944 : memref<1x128x256xi32, #tpu.memory_space<vmem>> -> memref<128x256xi32, #tpu.memory_space<vmem>>
    %dma_start3A_946 = arith.constant 0 : i32
    %dma_start3A_947 = tpu.memref_slice %arg9[%dma_start3A_940, %dma_start3A_946] : memref<2x128xi32, #tpu.memory_space<vmem>> -> memref<1x128xi32, #tpu.memory_space<vmem>>
    %dma_start3A_948 = tpu.memref_squeeze %dma_start3A_947 : memref<1x128xi32, #tpu.memory_space<vmem>> -> memref<128xi32, #tpu.memory_space<vmem>>
    %dma_start3A_949 = arith.constant 0 : i32
    %dma_start3A_950 = arith.constant 0 : i32
    %dma_start3A_951 = tpu.memref_slice %arg2[%dma_start3A_949, %dma_start3A_950] : memref<4000x256xi32, #tpu.memory_space<hbm>> -> memref<4000x256xi32, #tpu.memory_space<hbm>>
    tpu.enqueue_indirect_dma source(%dma_start3A_951 : memref<4000x256xi32, #tpu.memory_space<hbm>>) target(%dma_start3A_945 : memref<128x256xi32, #tpu.memory_space<vmem>>) offsets(%dma_start3A_948 : memref<128xi32, #tpu.memory_space<vmem>>) semaphore(%arg12 : memref<!tpu.dma_semaphore, #tpu.memory_space<semaphore_mem>>)
    %dma_wait3A_952 = arith.constant 0 : i32
    %dma_wait3A_953 = arith.constant 0 : i32
    %dma_wait3A_954 = arith.constant 0 : i32
    %dma_wait3A_955 = arith.constant 0 : i32
    %dma_wait3A_956 = tpu.memref_slice %arg10[%dma_wait3A_953, %dma_wait3A_954, %dma_wait3A_955] : memref<2x128x256xi32, #tpu.memory_space<vmem>> -> memref<1x128x256xi32, #tpu.memory_space<vmem>>
    %dma_wait3A_957 = tpu.memref_squeeze %dma_wait3A_956 : memref<1x128x256xi32, #tpu.memory_space<vmem>> -> memref<128x256xi32, #tpu.memory_space<vmem>>
    %dma_wait3A_958 = arith.constant 0 : i32
    %dma_wait3A_959 = tpu.memref_slice %arg9[%dma_wait3A_952, %dma_wait3A_958] : memref<2x128xi32, #tpu.memory_space<vmem>> -> memref<1x128xi32, #tpu.memory_space<vmem>>
    %dma_wait3A_960 = tpu.memref_squeeze %dma_wait3A_959 : memref<1x128xi32, #tpu.memory_space<vmem>> -> memref<128xi32, #tpu.memory_space<vmem>>
    %dma_wait3A_961 = arith.constant 0 : i32
    %dma_wait3A_962 = arith.constant 0 : i32
    %dma_wait3A_963 = tpu.memref_slice %arg2[%dma_wait3A_961, %dma_wait3A_962] : memref<4000x256xi32, #tpu.memory_space<hbm>> -> memref<4000x256xi32, #tpu.memory_space<hbm>>
    tpu.wait_indirect_dma semaphore(%arg11 : memref<!tpu.dma_semaphore, #tpu.memory_space<semaphore_mem>>) src(%dma_wait3A_963 : memref<4000x256xi32, #tpu.memory_space<hbm>>) dst(%dma_wait3A_957 : memref<128x256xi32, #tpu.memory_space<vmem>>)
    %add3A_964 = arith.constant 256 : i32
    %add3A_965 = arith.addi %mul3A_2, %add3A_964 : i32
    %run_scoped3A_966 = arith.constant 0 : i32
    "tpu.region"() ({
      %run_scoped3A_1966 = tpu.sem_alloc : memref<!tpu.dma_semaphore, #tpu.memory_space<semaphore_mem>>
      %dma_start3A_1967 = arith.constant 0 : i32
      %dma_start3A_1968 = arith.constant 0 : i32
      %dma_start3A_1969 = tpu.memref_slice %arg10[%run_scoped3A_966, %dma_start3A_1967, %dma_start3A_1968] : memref<2x128x256xi32, #tpu.memory_space<vmem>> -> memref<1x128x256xi32, #tpu.memory_space<vmem>>
      %dma_start3A_1970 = tpu.memref_squeeze %dma_start3A_1969 : memref<1x128x256xi32, #tpu.memory_space<vmem>> -> memref<128x256xi32, #tpu.memory_space<vmem>>
      %dma_start3A_1971 = arith.constant 0 : i32
      %dma_start3A_1972 = tpu.memref_slice %arg5[%add3A_965, %dma_start3A_1971] : memref<16384x256xi32, #tpu.memory_space<hbm>> -> memref<128x256xi32, #tpu.memory_space<hbm>>
      %dma_start3A_1973 = arith.constant 0 : i32
      %dma_start3A_1974 = tpu.memref_slice %arg5[%add3A_965, %dma_start3A_1973] : memref<16384x256xi32, #tpu.memory_space<hbm>> -> memref<128x256xi32, #tpu.memory_space<hbm>>
      %dma_start3A_1975 = arith.constant 0 : i32
      %dma_start3A_1976 = arith.constant 0 : i32
      %dma_start3A_1977 = tpu.memref_slice %arg10[%run_scoped3A_966, %dma_start3A_1975, %dma_start3A_1976] : memref<2x128x256xi32, #tpu.memory_space<vmem>> -> memref<1x128x256xi32, #tpu.memory_space<vmem>>
      %dma_start3A_1978 = tpu.memref_squeeze %dma_start3A_1977 : memref<1x128x256xi32, #tpu.memory_space<vmem>> -> memref<128x256xi32, #tpu.memory_space<vmem>>
      tpu.enqueue_dma source(%dma_start3A_1978 : memref<128x256xi32, #tpu.memory_space<vmem>>) target(%dma_start3A_1974 : memref<128x256xi32, #tpu.memory_space<hbm>>) target_semaphore(%run_scoped3A_1966 : memref<!tpu.dma_semaphore, #tpu.memory_space<semaphore_mem>>)
      %dma_wait3A_1979 = arith.constant 0 : i32
      %dma_wait3A_1980 = arith.constant 0 : i32
      %dma_wait3A_1981 = tpu.memref_slice %arg10[%run_scoped3A_966, %dma_wait3A_1979, %dma_wait3A_1980] : memref<2x128x256xi32, #tpu.memory_space<vmem>> -> memref<1x128x256xi32, #tpu.memory_space<vmem>>
      %dma_wait3A_1982 = tpu.memref_squeeze %dma_wait3A_1981 : memref<1x128x256xi32, #tpu.memory_space<vmem>> -> memref<128x256xi32, #tpu.memory_space<vmem>>
      %dma_wait3A_1983 = arith.constant 0 : i32
      %dma_wait3A_1984 = tpu.memref_slice %arg5[%add3A_965, %dma_wait3A_1983] : memref<16384x256xi32, #tpu.memory_space<hbm>> -> memref<128x256xi32, #tpu.memory_space<hbm>>
      %dma_wait3A_1985 = arith.constant 0 : i32
      %dma_wait3A_1986 = tpu.memref_slice %arg5[%add3A_965, %dma_wait3A_1985] : memref<16384x256xi32, #tpu.memory_space<hbm>> -> memref<128x256xi32, #tpu.memory_space<hbm>>
      %dma_wait3A_1987 = arith.constant 0 : i32
      %dma_wait3A_1988 = arith.constant 0 : i32
      %dma_wait3A_1989 = tpu.memref_slice %arg10[%run_scoped3A_966, %dma_wait3A_1987, %dma_wait3A_1988] : memref<2x128x256xi32, #tpu.memory_space<vmem>> -> memref<1x128x256xi32, #tpu.memory_space<vmem>>
      %dma_wait3A_1990 = tpu.memref_squeeze %dma_wait3A_1989 : memref<1x128x256xi32, #tpu.memory_space<vmem>> -> memref<128x256xi32, #tpu.memory_space<vmem>>
      tpu.wait_dma2 semaphore(%run_scoped3A_1966 : memref<!tpu.dma_semaphore, #tpu.memory_space<semaphore_mem>>) src(%dma_wait3A_1990 : memref<128x256xi32, #tpu.memory_space<vmem>>) dst(%dma_wait3A_1986 : memref<128x256xi32, #tpu.memory_space<hbm>>)
      tpu.yield
    }) : () -> ()
    %get3A_967 = arith.constant 0 : index
    %get3A_968 = tpu.vector_load %arg8[%get3A_967] {strides = array<i32>} : memref<512xi32, #tpu.memory_space<vmem>>, vector<16xi32>,
    %get3A_969 = vector.shape_cast %get3A_968 : vector<16xi32> to vector<16xi32>
    %add3A_970 = arith.constant 2000 : i32
    %add3A_971 = vector.broadcast %add3A_970 : i32 to vector<16xi32>
    %add3A_972 = arith.addi %get3A_969, %add3A_971 : vector<16xi32>
    %swap3A_973 = arith.constant 0 : i32
    %swap3A_974 = arith.index_cast %swap3A_973 : i32 to index
    %swap3A_975 = arith.constant 0 : index
    %swap3A_976 = tpu.vector_load %arg9[%swap3A_974, %swap3A_975] {strides = array<i32>} : memref<2x128xi32, #tpu.memory_space<vmem>>, vector<1x16xi32>,
    %swap3A_977 = vector.shape_cast %swap3A_976 : vector<1x16xi32> to vector<16xi32>
    %swap3A_978 = vector.shape_cast %add3A_972 : vector<16xi32> to vector<1x16xi32>
    tpu.vector_store %arg9[%swap3A_974, %swap3A_975], %swap3A_978 {strides = array<i32>} : memref<2x128xi32, #tpu.memory_space<vmem>>, vector<1x16xi32>,
    %get3A_979 = arith.constant 16 : index
    %get3A_980 = tpu.vector_load %arg8[%get3A_979] {strides = array<i32>} : memref<512xi32, #tpu.memory_space<vmem>>, vector<16xi32>,
    %get3A_981 = vector.shape_cast %get3A_980 : vector<16xi32> to vector<16xi32>
    %add3A_982 = arith.constant 2000 : i32
    %add3A_983 = vector.broadcast %add3A_982 : i32 to vector<16xi32>
    %add3A_984 = arith.addi %get3A_981, %add3A_983 : vector<16xi32>
    %swap3A_985 = arith.constant 0 : i32
    %swap3A_986 = arith.index_cast %swap3A_985 : i32 to index
    %swap3A_987 = arith.constant 16 : index
    %swap3A_988 = tpu.vector_load %arg9[%swap3A_986, %swap3A_987] {strides = array<i32>} : memref<2x128xi32, #tpu.memory_space<vmem>>, vector<1x16xi32>,
    %swap3A_989 = vector.shape_cast %swap3A_988 : vector<1x16xi32> to vector<16xi32>
    %swap3A_990 = vector.shape_cast %add3A_984 : vector<16xi32> to vector<1x16xi32>
    tpu.vector_store %arg9[%swap3A_986, %swap3A_987], %swap3A_990 {strides = array<i32>} : memref<2x128xi32, #tpu.memory_space<vmem>>, vector<1x16xi32>,
    %get3A_991 = arith.constant 32 : index
    %get3A_992 = tpu.vector_load %arg8[%get3A_991] {strides = array<i32>} : memref<512xi32, #tpu.memory_space<vmem>>, vector<16xi32>,
    %get3A_993 = vector.shape_cast %get3A_992 : vector<16xi32> to vector<16xi32>
    %add3A_994 = arith.constant 2000 : i32
    %add3A_995 = vector.broadcast %add3A_994 : i32 to vector<16xi32>
    %add3A_996 = arith.addi %get3A_993, %add3A_995 : vector<16xi32>
    %swap3A_997 = arith.constant 0 : i32
    %swap3A_998 = arith.index_cast %swap3A_997 : i32 to index
    %swap3A_999 = arith.constant 32 : index
    %swap3A_1000 = tpu.vector_load %arg9[%swap3A_998, %swap3A_999] {strides = array<i32>} : memref<2x128xi32, #tpu.memory_space<vmem>>, vector<1x16xi32>,
    %swap3A_1001 = vector.shape_cast %swap3A_1000 : vector<1x16xi32> to vector<16xi32>
    %swap3A_1002 = vector.shape_cast %add3A_996 : vector<16xi32> to vector<1x16xi32>
    tpu.vector_store %arg9[%swap3A_998, %swap3A_999], %swap3A_1002 {strides = array<i32>} : memref<2x128xi32, #tpu.memory_space<vmem>>, vector<1x16xi32>,
    %get3A_1003 = arith.constant 48 : index
    %get3A_1004 = tpu.vector_load %arg8[%get3A_1003] {strides = array<i32>} : memref<512xi32, #tpu.memory_space<vmem>>, vector<16xi32>,
    %get3A_1005 = vector.shape_cast %get3A_1004 : vector<16xi32> to vector<16xi32>
    %add3A_1006 = arith.constant 2000 : i32
    %add3A_1007 = vector.broadcast %add3A_1006 : i32 to vector<16xi32>
    %add3A_1008 = arith.addi %get3A_1005, %add3A_1007 : vector<16xi32>
    %swap3A_1009 = arith.constant 0 : i32
    %swap3A_1010 = arith.index_cast %swap3A_1009 : i32 to index
    %swap3A_1011 = arith.constant 48 : index
    %swap3A_1012 = tpu.vector_load %arg9[%swap3A_1010, %swap3A_1011] {strides = array<i32>} : memref<2x128xi32, #tpu.memory_space<vmem>>, vector<1x16xi32>,
    %swap3A_1013 = vector.shape_cast %swap3A_1012 : vector<1x16xi32> to vector<16xi32>
    %swap3A_1014 = vector.shape_cast %add3A_1008 : vector<16xi32> to vector<1x16xi32>
    tpu.vector_store %arg9[%swap3A_1010, %swap3A_1011], %swap3A_1014 {strides = array<i32>} : memref<2x128xi32, #tpu.memory_space<vmem>>, vector<1x16xi32>,
    %get3A_1015 = arith.constant 64 : index
    %get3A_1016 = tpu.vector_load %arg8[%get3A_1015] {strides = array<i32>} : memref<512xi32, #tpu.memory_space<vmem>>, vector<16xi32>,
    %get3A_1017 = vector.shape_cast %get3A_1016 : vector<16xi32> to vector<16xi32>
    %add3A_1018 = arith.constant 2000 : i32
    %add3A_1019 = vector.broadcast %add3A_1018 : i32 to vector<16xi32>
    %add3A_1020 = arith.addi %get3A_1017, %add3A_1019 : vector<16xi32>
    %swap3A_1021 = arith.constant 0 : i32
    %swap3A_1022 = arith.index_cast %swap3A_1021 : i32 to index
    %swap3A_1023 = arith.constant 64 : index
    %swap3A_1024 = tpu.vector_load %arg9[%swap3A_1022, %swap3A_1023] {strides = array<i32>} : memref<2x128xi32, #tpu.memory_space<vmem>>, vector<1x16xi32>,
    %swap3A_1025 = vector.shape_cast %swap3A_1024 : vector<1x16xi32> to vector<16xi32>
    %swap3A_1026 = vector.shape_cast %add3A_1020 : vector<16xi32> to vector<1x16xi32>
    tpu.vector_store %arg9[%swap3A_1022, %swap3A_1023], %swap3A_1026 {strides = array<i32>} : memref<2x128xi32, #tpu.memory_space<vmem>>, vector<1x16xi32>,
    %get3A_1027 = arith.constant 80 : index
    %get3A_1028 = tpu.vector_load %arg8[%get3A_1027] {strides = array<i32>} : memref<512xi32, #tpu.memory_space<vmem>>, vector<16xi32>,
    %get3A_1029 = vector.shape_cast %get3A_1028 : vector<16xi32> to vector<16xi32>
    %add3A_1030 = arith.constant 2000 : i32
    %add3A_1031 = vector.broadcast %add3A_1030 : i32 to vector<16xi32>
    %add3A_1032 = arith.addi %get3A_1029, %add3A_1031 : vector<16xi32>
    %swap3A_1033 = arith.constant 0 : i32
    %swap3A_1034 = arith.index_cast %swap3A_1033 : i32 to index
    %swap3A_1035 = arith.constant 80 : index
    %swap3A_1036 = tpu.vector_load %arg9[%swap3A_1034, %swap3A_1035] {strides = array<i32>} : memref<2x128xi32, #tpu.memory_space<vmem>>, vector<1x16xi32>,
    %swap3A_1037 = vector.shape_cast %swap3A_1036 : vector<1x16xi32> to vector<16xi32>
    %swap3A_1038 = vector.shape_cast %add3A_1032 : vector<16xi32> to vector<1x16xi32>
    tpu.vector_store %arg9[%swap3A_1034, %swap3A_1035], %swap3A_1038 {strides = array<i32>} : memref<2x128xi32, #tpu.memory_space<vmem>>, vector<1x16xi32>,
    %get3A_1039 = arith.constant 96 : index
    %get3A_1040 = tpu.vector_load %arg8[%get3A_1039] {strides = array<i32>} : memref<512xi32, #tpu.memory_space<vmem>>, vector<16xi32>,
    %get3A_1041 = vector.shape_cast %get3A_1040 : vector<16xi32> to vector<16xi32>
    %add3A_1042 = arith.constant 2000 : i32
    %add3A_1043 = vector.broadcast %add3A_1042 : i32 to vector<16xi32>
    %add3A_1044 = arith.addi %get3A_1041, %add3A_1043 : vector<16xi32>
    %swap3A_1045 = arith.constant 0 : i32
    %swap3A_1046 = arith.index_cast %swap3A_1045 : i32 to index
    %swap3A_1047 = arith.constant 96 : index
    %swap3A_1048 = tpu.vector_load %arg9[%swap3A_1046, %swap3A_1047] {strides = array<i32>} : memref<2x128xi32, #tpu.memory_space<vmem>>, vector<1x16xi32>,
    %swap3A_1049 = vector.shape_cast %swap3A_1048 : vector<1x16xi32> to vector<16xi32>
    %swap3A_1050 = vector.shape_cast %add3A_1044 : vector<16xi32> to vector<1x16xi32>
    tpu.vector_store %arg9[%swap3A_1046, %swap3A_1047], %swap3A_1050 {strides = array<i32>} : memref<2x128xi32, #tpu.memory_space<vmem>>, vector<1x16xi32>,
    %get3A_1051 = arith.constant 112 : index
    %get3A_1052 = tpu.vector_load %arg8[%get3A_1051] {strides = array<i32>} : memref<512xi32, #tpu.memory_space<vmem>>, vector<16xi32>,
    %get3A_1053 = vector.shape_cast %get3A_1052 : vector<16xi32> to vector<16xi32>
    %add3A_1054 = arith.constant 2000 : i32
    %add3A_1055 = vector.broadcast %add3A_1054 : i32 to vector<16xi32>
    %add3A_1056 = arith.addi %get3A_1053, %add3A_1055 : vector<16xi32>
    %swap3A_1057 = arith.constant 0 : i32
    %swap3A_1058 = arith.index_cast %swap3A_1057 : i32 to index
    %swap3A_1059 = arith.constant 112 : index
    %swap3A_1060 = tpu.vector_load %arg9[%swap3A_1058, %swap3A_1059] {strides = array<i32>} : memref<2x128xi32, #tpu.memory_space<vmem>>, vector<1x16xi32>,
    %swap3A_1061 = vector.shape_cast %swap3A_1060 : vector<1x16xi32> to vector<16xi32>
    %swap3A_1062 = vector.shape_cast %add3A_1056 : vector<16xi32> to vector<1x16xi32>
    tpu.vector_store %arg9[%swap3A_1058, %swap3A_1059], %swap3A_1062 {strides = array<i32>} : memref<2x128xi32, #tpu.memory_space<vmem>>, vector<1x16xi32>,
    %dma_start3A_1063 = arith.constant 0 : i32
    %dma_start3A_1064 = arith.constant 0 : i32
    %dma_start3A_1065 = arith.constant 0 : i32
    %dma_start3A_1066 = arith.constant 0 : i32
    %dma_start3A_1067 = tpu.memref_slice %arg10[%dma_start3A_1064, %dma_start3A_1065, %dma_start3A_1066] : memref<2x128x256xi32, #tpu.memory_space<vmem>> -> memref<1x128x256xi32, #tpu.memory_space<vmem>>
    %dma_start3A_1068 = tpu.memref_squeeze %dma_start3A_1067 : memref<1x128x256xi32, #tpu.memory_space<vmem>> -> memref<128x256xi32, #tpu.memory_space<vmem>>
    %dma_start3A_1069 = arith.constant 0 : i32
    %dma_start3A_1070 = tpu.memref_slice %arg9[%dma_start3A_1063, %dma_start3A_1069] : memref<2x128xi32, #tpu.memory_space<vmem>> -> memref<1x128xi32, #tpu.memory_space<vmem>>
    %dma_start3A_1071 = tpu.memref_squeeze %dma_start3A_1070 : memref<1x128xi32, #tpu.memory_space<vmem>> -> memref<128xi32, #tpu.memory_space<vmem>>
    %dma_start3A_1072 = arith.constant 0 : i32
    %dma_start3A_1073 = arith.constant 0 : i32
    %dma_start3A_1074 = tpu.memref_slice %arg2[%dma_start3A_1072, %dma_start3A_1073] : memref<4000x256xi32, #tpu.memory_space<hbm>> -> memref<4000x256xi32, #tpu.memory_space<hbm>>
    tpu.enqueue_indirect_dma source(%dma_start3A_1074 : memref<4000x256xi32, #tpu.memory_space<hbm>>) target(%dma_start3A_1068 : memref<128x256xi32, #tpu.memory_space<vmem>>) offsets(%dma_start3A_1071 : memref<128xi32, #tpu.memory_space<vmem>>) semaphore(%arg11 : memref<!tpu.dma_semaphore, #tpu.memory_space<semaphore_mem>>)
    %dma_wait3A_1075 = arith.constant 1 : i32
    %dma_wait3A_1076 = arith.constant 1 : i32
    %dma_wait3A_1077 = arith.constant 0 : i32
    %dma_wait3A_1078 = arith.constant 0 : i32
    %dma_wait3A_1079 = tpu.memref_slice %arg10[%dma_wait3A_1076, %dma_wait3A_1077, %dma_wait3A_1078] : memref<2x128x256xi32, #tpu.memory_space<vmem>> -> memref<1x128x256xi32, #tpu.memory_space<vmem>>
    %dma_wait3A_1080 = tpu.memref_squeeze %dma_wait3A_1079 : memref<1x128x256xi32, #tpu.memory_space<vmem>> -> memref<128x256xi32, #tpu.memory_space<vmem>>
    %dma_wait3A_1081 = arith.constant 0 : i32
    %dma_wait3A_1082 = tpu.memref_slice %arg9[%dma_wait3A_1075, %dma_wait3A_1081] : memref<2x128xi32, #tpu.memory_space<vmem>> -> memref<1x128xi32, #tpu.memory_space<vmem>>
    %dma_wait3A_1083 = tpu.memref_squeeze %dma_wait3A_1082 : memref<1x128xi32, #tpu.memory_space<vmem>> -> memref<128xi32, #tpu.memory_space<vmem>>
    %dma_wait3A_1084 = arith.constant 0 : i32
    %dma_wait3A_1085 = arith.constant 0 : i32
    %dma_wait3A_1086 = tpu.memref_slice %arg2[%dma_wait3A_1084, %dma_wait3A_1085] : memref<4000x256xi32, #tpu.memory_space<hbm>> -> memref<4000x256xi32, #tpu.memory_space<hbm>>
    tpu.wait_indirect_dma semaphore(%arg12 : memref<!tpu.dma_semaphore, #tpu.memory_space<semaphore_mem>>) src(%dma_wait3A_1086 : memref<4000x256xi32, #tpu.memory_space<hbm>>) dst(%dma_wait3A_1080 : memref<128x256xi32, #tpu.memory_space<vmem>>)
    %add3A_1087 = arith.constant 384 : i32
    %add3A_1088 = arith.addi %mul3A_2, %add3A_1087 : i32
    %run_scoped3A_1089 = arith.constant 1 : i32
    "tpu.region"() ({
      %run_scoped3A_1966 = tpu.sem_alloc : memref<!tpu.dma_semaphore, #tpu.memory_space<semaphore_mem>>
      %dma_start3A_1967 = arith.constant 0 : i32
      %dma_start3A_1968 = arith.constant 0 : i32
      %dma_start3A_1969 = tpu.memref_slice %arg10[%run_scoped3A_1089, %dma_start3A_1967, %dma_start3A_1968] : memref<2x128x256xi32, #tpu.memory_space<vmem>> -> memref<1x128x256xi32, #tpu.memory_space<vmem>>
      %dma_start3A_1970 = tpu.memref_squeeze %dma_start3A_1969 : memref<1x128x256xi32, #tpu.memory_space<vmem>> -> memref<128x256xi32, #tpu.memory_space<vmem>>
      %dma_start3A_1971 = arith.constant 0 : i32
      %dma_start3A_1972 = tpu.memref_slice %arg5[%add3A_1088, %dma_start3A_1971] : memref<16384x256xi32, #tpu.memory_space<hbm>> -> memref<128x256xi32, #tpu.memory_space<hbm>>
      %dma_start3A_1973 = arith.constant 0 : i32
      %dma_start3A_1974 = tpu.memref_slice %arg5[%add3A_1088, %dma_start3A_1973] : memref<16384x256xi32, #tpu.memory_space<hbm>> -> memref<128x256xi32, #tpu.memory_space<hbm>>
      %dma_start3A_1975 = arith.constant 0 : i32
      %dma_start3A_1976 = arith.constant 0 : i32
      %dma_start3A_1977 = tpu.memref_slice %arg10[%run_scoped3A_1089, %dma_start3A_1975, %dma_start3A_1976] : memref<2x128x256xi32, #tpu.memory_space<vmem>> -> memref<1x128x256xi32, #tpu.memory_space<vmem>>
      %dma_start3A_1978 = tpu.memref_squeeze %dma_start3A_1977 : memref<1x128x256xi32, #tpu.memory_space<vmem>> -> memref<128x256xi32, #tpu.memory_space<vmem>>
      tpu.enqueue_dma source(%dma_start3A_1978 : memref<128x256xi32, #tpu.memory_space<vmem>>) target(%dma_start3A_1974 : memref<128x256xi32, #tpu.memory_space<hbm>>) target_semaphore(%run_scoped3A_1966 : memref<!tpu.dma_semaphore, #tpu.memory_space<semaphore_mem>>)
      %dma_wait3A_1979 = arith.constant 0 : i32
      %dma_wait3A_1980 = arith.constant 0 : i32
      %dma_wait3A_1981 = tpu.memref_slice %arg10[%run_scoped3A_1089, %dma_wait3A_1979, %dma_wait3A_1980] : memref<2x128x256xi32, #tpu.memory_space<vmem>> -> memref<1x128x256xi32, #tpu.memory_space<vmem>>
      %dma_wait3A_1982 = tpu.memref_squeeze %dma_wait3A_1981 : memref<1x128x256xi32, #tpu.memory_space<vmem>> -> memref<128x256xi32, #tpu.memory_space<vmem>>
      %dma_wait3A_1983 = arith.constant 0 : i32
      %dma_wait3A_1984 = tpu.memref_slice %arg5[%add3A_1088, %dma_wait3A_1983] : memref<16384x256xi32, #tpu.memory_space<hbm>> -> memref<128x256xi32, #tpu.memory_space<hbm>>
      %dma_wait3A_1985 = arith.constant 0 : i32
      %dma_wait3A_1986 = tpu.memref_slice %arg5[%add3A_1088, %dma_wait3A_1985] : memref<16384x256xi32, #tpu.memory_space<hbm>> -> memref<128x256xi32, #tpu.memory_space<hbm>>
      %dma_wait3A_1987 = arith.constant 0 : i32
      %dma_wait3A_1988 = arith.constant 0 : i32
      %dma_wait3A_1989 = tpu.memref_slice %arg10[%run_scoped3A_1089, %dma_wait3A_1987, %dma_wait3A_1988] : memref<2x128x256xi32, #tpu.memory_space<vmem>> -> memref<1x128x256xi32, #tpu.memory_space<vmem>>
      %dma_wait3A_1990 = tpu.memref_squeeze %dma_wait3A_1989 : memref<1x128x256xi32, #tpu.memory_space<vmem>> -> memref<128x256xi32, #tpu.memory_space<vmem>>
      tpu.wait_dma2 semaphore(%run_scoped3A_1966 : memref<!tpu.dma_semaphore, #tpu.memory_space<semaphore_mem>>) src(%dma_wait3A_1990 : memref<128x256xi32, #tpu.memory_space<vmem>>) dst(%dma_wait3A_1986 : memref<128x256xi32, #tpu.memory_space<hbm>>)
      tpu.yield
    }) : () -> ()
    %get3A_1090 = arith.constant 128 : index
    %get3A_1091 = tpu.vector_load %arg8[%get3A_1090] {strides = array<i32>} : memref<512xi32, #tpu.memory_space<vmem>>, vector<16xi32>,
    %get3A_1092 = vector.shape_cast %get3A_1091 : vector<16xi32> to vector<16xi32>
    %add3A_1093 = arith.constant 2000 : i32
    %add3A_1094 = vector.broadcast %add3A_1093 : i32 to vector<16xi32>
    %add3A_1095 = arith.addi %get3A_1092, %add3A_1094 : vector<16xi32>
    %swap3A_1096 = arith.constant 1 : i32
    %swap3A_1097 = arith.index_cast %swap3A_1096 : i32 to index
    %swap3A_1098 = arith.constant 0 : index
    %swap3A_1099 = tpu.vector_load %arg9[%swap3A_1097, %swap3A_1098] {strides = array<i32>} : memref<2x128xi32, #tpu.memory_space<vmem>>, vector<1x16xi32>,
    %swap3A_1100 = vector.shape_cast %swap3A_1099 : vector<1x16xi32> to vector<16xi32>
    %swap3A_1101 = vector.shape_cast %add3A_1095 : vector<16xi32> to vector<1x16xi32>
    tpu.vector_store %arg9[%swap3A_1097, %swap3A_1098], %swap3A_1101 {strides = array<i32>} : memref<2x128xi32, #tpu.memory_space<vmem>>, vector<1x16xi32>,
    %get3A_1102 = arith.constant 144 : index
    %get3A_1103 = tpu.vector_load %arg8[%get3A_1102] {strides = array<i32>} : memref<512xi32, #tpu.memory_space<vmem>>, vector<16xi32>,
    %get3A_1104 = vector.shape_cast %get3A_1103 : vector<16xi32> to vector<16xi32>
    %add3A_1105 = arith.constant 2000 : i32
    %add3A_1106 = vector.broadcast %add3A_1105 : i32 to vector<16xi32>
    %add3A_1107 = arith.addi %get3A_1104, %add3A_1106 : vector<16xi32>
    %swap3A_1108 = arith.constant 1 : i32
    %swap3A_1109 = arith.index_cast %swap3A_1108 : i32 to index
    %swap3A_1110 = arith.constant 16 : index
    %swap3A_1111 = tpu.vector_load %arg9[%swap3A_1109, %swap3A_1110] {strides = array<i32>} : memref<2x128xi32, #tpu.memory_space<vmem>>, vector<1x16xi32>,
    %swap3A_1112 = vector.shape_cast %swap3A_1111 : vector<1x16xi32> to vector<16xi32>
    %swap3A_1113 = vector.shape_cast %add3A_1107 : vector<16xi32> to vector<1x16xi32>
    tpu.vector_store %arg9[%swap3A_1109, %swap3A_1110], %swap3A_1113 {strides = array<i32>} : memref<2x128xi32, #tpu.memory_space<vmem>>, vector<1x16xi32>,
    %get3A_1114 = arith.constant 160 : index
    %get3A_1115 = tpu.vector_load %arg8[%get3A_1114] {strides = array<i32>} : memref<512xi32, #tpu.memory_space<vmem>>, vector<16xi32>,
    %get3A_1116 = vector.shape_cast %get3A_1115 : vector<16xi32> to vector<16xi32>
    %add3A_1117 = arith.constant 2000 : i32
    %add3A_1118 = vector.broadcast %add3A_1117 : i32 to vector<16xi32>
    %add3A_1119 = arith.addi %get3A_1116, %add3A_1118 : vector<16xi32>
    %swap3A_1120 = arith.constant 1 : i32
    %swap3A_1121 = arith.index_cast %swap3A_1120 : i32 to index
    %swap3A_1122 = arith.constant 32 : index
    %swap3A_1123 = tpu.vector_load %arg9[%swap3A_1121, %swap3A_1122] {strides = array<i32>} : memref<2x128xi32, #tpu.memory_space<vmem>>, vector<1x16xi32>,
    %swap3A_1124 = vector.shape_cast %swap3A_1123 : vector<1x16xi32> to vector<16xi32>
    %swap3A_1125 = vector.shape_cast %add3A_1119 : vector<16xi32> to vector<1x16xi32>
    tpu.vector_store %arg9[%swap3A_1121, %swap3A_1122], %swap3A_1125 {strides = array<i32>} : memref<2x128xi32, #tpu.memory_space<vmem>>, vector<1x16xi32>,
    %get3A_1126 = arith.constant 176 : index
    %get3A_1127 = tpu.vector_load %arg8[%get3A_1126] {strides = array<i32>} : memref<512xi32, #tpu.memory_space<vmem>>, vector<16xi32>,
    %get3A_1128 = vector.shape_cast %get3A_1127 : vector<16xi32> to vector<16xi32>
    %add3A_1129 = arith.constant 2000 : i32
    %add3A_1130 = vector.broadcast %add3A_1129 : i32 to vector<16xi32>
    %add3A_1131 = arith.addi %get3A_1128, %add3A_1130 : vector<16xi32>
    %swap3A_1132 = arith.constant 1 : i32
    %swap3A_1133 = arith.index_cast %swap3A_1132 : i32 to index
    %swap3A_1134 = arith.constant 48 : index
    %swap3A_1135 = tpu.vector_load %arg9[%swap3A_1133, %swap3A_1134] {strides = array<i32>} : memref<2x128xi32, #tpu.memory_space<vmem>>, vector<1x16xi32>,
    %swap3A_1136 = vector.shape_cast %swap3A_1135 : vector<1x16xi32> to vector<16xi32>
    %swap3A_1137 = vector.shape_cast %add3A_1131 : vector<16xi32> to vector<1x16xi32>
    tpu.vector_store %arg9[%swap3A_1133, %swap3A_1134], %swap3A_1137 {strides = array<i32>} : memref<2x128xi32, #tpu.memory_space<vmem>>, vector<1x16xi32>,
    %get3A_1138 = arith.constant 192 : index
    %get3A_1139 = tpu.vector_load %arg8[%get3A_1138] {strides = array<i32>} : memref<512xi32, #tpu.memory_space<vmem>>, vector<16xi32>,
    %get3A_1140 = vector.shape_cast %get3A_1139 : vector<16xi32> to vector<16xi32>
    %add3A_1141 = arith.constant 2000 : i32
    %add3A_1142 = vector.broadcast %add3A_1141 : i32 to vector<16xi32>
    %add3A_1143 = arith.addi %get3A_1140, %add3A_1142 : vector<16xi32>
    %swap3A_1144 = arith.constant 1 : i32
    %swap3A_1145 = arith.index_cast %swap3A_1144 : i32 to index
    %swap3A_1146 = arith.constant 64 : index
    %swap3A_1147 = tpu.vector_load %arg9[%swap3A_1145, %swap3A_1146] {strides = array<i32>} : memref<2x128xi32, #tpu.memory_space<vmem>>, vector<1x16xi32>,
    %swap3A_1148 = vector.shape_cast %swap3A_1147 : vector<1x16xi32> to vector<16xi32>
    %swap3A_1149 = vector.shape_cast %add3A_1143 : vector<16xi32> to vector<1x16xi32>
    tpu.vector_store %arg9[%swap3A_1145, %swap3A_1146], %swap3A_1149 {strides = array<i32>} : memref<2x128xi32, #tpu.memory_space<vmem>>, vector<1x16xi32>,
    %get3A_1150 = arith.constant 208 : index
    %get3A_1151 = tpu.vector_load %arg8[%get3A_1150] {strides = array<i32>} : memref<512xi32, #tpu.memory_space<vmem>>, vector<16xi32>,
    %get3A_1152 = vector.shape_cast %get3A_1151 : vector<16xi32> to vector<16xi32>
    %add3A_1153 = arith.constant 2000 : i32
    %add3A_1154 = vector.broadcast %add3A_1153 : i32 to vector<16xi32>
    %add3A_1155 = arith.addi %get3A_1152, %add3A_1154 : vector<16xi32>
    %swap3A_1156 = arith.constant 1 : i32
    %swap3A_1157 = arith.index_cast %swap3A_1156 : i32 to index
    %swap3A_1158 = arith.constant 80 : index
    %swap3A_1159 = tpu.vector_load %arg9[%swap3A_1157, %swap3A_1158] {strides = array<i32>} : memref<2x128xi32, #tpu.memory_space<vmem>>, vector<1x16xi32>,
    %swap3A_1160 = vector.shape_cast %swap3A_1159 : vector<1x16xi32> to vector<16xi32>
    %swap3A_1161 = vector.shape_cast %add3A_1155 : vector<16xi32> to vector<1x16xi32>
    tpu.vector_store %arg9[%swap3A_1157, %swap3A_1158], %swap3A_1161 {strides = array<i32>} : memref<2x128xi32, #tpu.memory_space<vmem>>, vector<1x16xi32>,
    %get3A_1162 = arith.constant 224 : index
    %get3A_1163 = tpu.vector_load %arg8[%get3A_1162] {strides = array<i32>} : memref<512xi32, #tpu.memory_space<vmem>>, vector<16xi32>,
    %get3A_1164 = vector.shape_cast %get3A_1163 : vector<16xi32> to vector<16xi32>
    %add3A_1165 = arith.constant 2000 : i32
    %add3A_1166 = vector.broadcast %add3A_1165 : i32 to vector<16xi32>
    %add3A_1167 = arith.addi %get3A_1164, %add3A_1166 : vector<16xi32>
    %swap3A_1168 = arith.constant 1 : i32
    %swap3A_1169 = arith.index_cast %swap3A_1168 : i32 to index
    %swap3A_1170 = arith.constant 96 : index
    %swap3A_1171 = tpu.vector_load %arg9[%swap3A_1169, %swap3A_1170] {strides = array<i32>} : memref<2x128xi32, #tpu.memory_space<vmem>>, vector<1x16xi32>,
    %swap3A_1172 = vector.shape_cast %swap3A_1171 : vector<1x16xi32> to vector<16xi32>
    %swap3A_1173 = vector.shape_cast %add3A_1167 : vector<16xi32> to vector<1x16xi32>
    tpu.vector_store %arg9[%swap3A_1169, %swap3A_1170], %swap3A_1173 {strides = array<i32>} : memref<2x128xi32, #tpu.memory_space<vmem>>, vector<1x16xi32>,
    %get3A_1174 = arith.constant 240 : index
    %get3A_1175 = tpu.vector_load %arg8[%get3A_1174] {strides = array<i32>} : memref<512xi32, #tpu.memory_space<vmem>>, vector<16xi32>,
    %get3A_1176 = vector.shape_cast %get3A_1175 : vector<16xi32> to vector<16xi32>
    %add3A_1177 = arith.constant 2000 : i32
    %add3A_1178 = vector.broadcast %add3A_1177 : i32 to vector<16xi32>
    %add3A_1179 = arith.addi %get3A_1176, %add3A_1178 : vector<16xi32>
    %swap3A_1180 = arith.constant 1 : i32
    %swap3A_1181 = arith.index_cast %swap3A_1180 : i32 to index
    %swap3A_1182 = arith.constant 112 : index
    %swap3A_1183 = tpu.vector_load %arg9[%swap3A_1181, %swap3A_1182] {strides = array<i32>} : memref<2x128xi32, #tpu.memory_space<vmem>>, vector<1x16xi32>,
    %swap3A_1184 = vector.shape_cast %swap3A_1183 : vector<1x16xi32> to vector<16xi32>
    %swap3A_1185 = vector.shape_cast %add3A_1179 : vector<16xi32> to vector<1x16xi32>
    tpu.vector_store %arg9[%swap3A_1181, %swap3A_1182], %swap3A_1185 {strides = array<i32>} : memref<2x128xi32, #tpu.memory_space<vmem>>, vector<1x16xi32>,
    %dma_start3A_1186 = arith.constant 1 : i32
    %dma_start3A_1187 = arith.constant 1 : i32
    %dma_start3A_1188 = arith.constant 0 : i32
    %dma_start3A_1189 = arith.constant 0 : i32
    %dma_start3A_1190 = tpu.memref_slice %arg10[%dma_start3A_1187, %dma_start3A_1188, %dma_start3A_1189] : memref<2x128x256xi32, #tpu.memory_space<vmem>> -> memref<1x128x256xi32, #tpu.memory_space<vmem>>
    %dma_start3A_1191 = tpu.memref_squeeze %dma_start3A_1190 : memref<1x128x256xi32, #tpu.memory_space<vmem>> -> memref<128x256xi32, #tpu.memory_space<vmem>>
    %dma_start3A_1192 = arith.constant 0 : i32
    %dma_start3A_1193 = tpu.memref_slice %arg9[%dma_start3A_1186, %dma_start3A_1192] : memref<2x128xi32, #tpu.memory_space<vmem>> -> memref<1x128xi32, #tpu.memory_space<vmem>>
    %dma_start3A_1194 = tpu.memref_squeeze %dma_start3A_1193 : memref<1x128xi32, #tpu.memory_space<vmem>> -> memref<128xi32, #tpu.memory_space<vmem>>
    %dma_start3A_1195 = arith.constant 0 : i32
    %dma_start3A_1196 = arith.constant 0 : i32
    %dma_start3A_1197 = tpu.memref_slice %arg2[%dma_start3A_1195, %dma_start3A_1196] : memref<4000x256xi32, #tpu.memory_space<hbm>> -> memref<4000x256xi32, #tpu.memory_space<hbm>>
    tpu.enqueue_indirect_dma source(%dma_start3A_1197 : memref<4000x256xi32, #tpu.memory_space<hbm>>) target(%dma_start3A_1191 : memref<128x256xi32, #tpu.memory_space<vmem>>) offsets(%dma_start3A_1194 : memref<128xi32, #tpu.memory_space<vmem>>) semaphore(%arg12 : memref<!tpu.dma_semaphore, #tpu.memory_space<semaphore_mem>>)
    %dma_wait3A_1198 = arith.constant 0 : i32
    %dma_wait3A_1199 = arith.constant 0 : i32
    %dma_wait3A_1200 = arith.constant 0 : i32
    %dma_wait3A_1201 = arith.constant 0 : i32
    %dma_wait3A_1202 = tpu.memref_slice %arg10[%dma_wait3A_1199, %dma_wait3A_1200, %dma_wait3A_1201] : memref<2x128x256xi32, #tpu.memory_space<vmem>> -> memref<1x128x256xi32, #tpu.memory_space<vmem>>
    %dma_wait3A_1203 = tpu.memref_squeeze %dma_wait3A_1202 : memref<1x128x256xi32, #tpu.memory_space<vmem>> -> memref<128x256xi32, #tpu.memory_space<vmem>>
    %dma_wait3A_1204 = arith.constant 0 : i32
    %dma_wait3A_1205 = tpu.memref_slice %arg9[%dma_wait3A_1198, %dma_wait3A_1204] : memref<2x128xi32, #tpu.memory_space<vmem>> -> memref<1x128xi32, #tpu.memory_space<vmem>>
    %dma_wait3A_1206 = tpu.memref_squeeze %dma_wait3A_1205 : memref<1x128xi32, #tpu.memory_space<vmem>> -> memref<128xi32, #tpu.memory_space<vmem>>
    %dma_wait3A_1207 = arith.constant 0 : i32
    %dma_wait3A_1208 = arith.constant 0 : i32
    %dma_wait3A_1209 = tpu.memref_slice %arg2[%dma_wait3A_1207, %dma_wait3A_1208] : memref<4000x256xi32, #tpu.memory_space<hbm>> -> memref<4000x256xi32, #tpu.memory_space<hbm>>
    tpu.wait_indirect_dma semaphore(%arg11 : memref<!tpu.dma_semaphore, #tpu.memory_space<semaphore_mem>>) src(%dma_wait3A_1209 : memref<4000x256xi32, #tpu.memory_space<hbm>>) dst(%dma_wait3A_1203 : memref<128x256xi32, #tpu.memory_space<vmem>>)
    %add3A_1210 = arith.constant 0 : i32
    %add3A_1211 = arith.addi %mul3A_2, %add3A_1210 : i32
    %run_scoped3A_1212 = arith.constant 0 : i32
    "tpu.region"() ({
      %run_scoped3A_1966 = tpu.sem_alloc : memref<!tpu.dma_semaphore, #tpu.memory_space<semaphore_mem>>
      %dma_start3A_1967 = arith.constant 0 : i32
      %dma_start3A_1968 = arith.constant 0 : i32
      %dma_start3A_1969 = tpu.memref_slice %arg10[%run_scoped3A_1212, %dma_start3A_1967, %dma_start3A_1968] : memref<2x128x256xi32, #tpu.memory_space<vmem>> -> memref<1x128x256xi32, #tpu.memory_space<vmem>>
      %dma_start3A_1970 = tpu.memref_squeeze %dma_start3A_1969 : memref<1x128x256xi32, #tpu.memory_space<vmem>> -> memref<128x256xi32, #tpu.memory_space<vmem>>
      %dma_start3A_1971 = arith.constant 0 : i32
      %dma_start3A_1972 = tpu.memref_slice %arg6[%add3A_1211, %dma_start3A_1971] : memref<16384x256xi32, #tpu.memory_space<hbm>> -> memref<128x256xi32, #tpu.memory_space<hbm>>
      %dma_start3A_1973 = arith.constant 0 : i32
      %dma_start3A_1974 = tpu.memref_slice %arg6[%add3A_1211, %dma_start3A_1973] : memref<16384x256xi32, #tpu.memory_space<hbm>> -> memref<128x256xi32, #tpu.memory_space<hbm>>
      %dma_start3A_1975 = arith.constant 0 : i32
      %dma_start3A_1976 = arith.constant 0 : i32
      %dma_start3A_1977 = tpu.memref_slice %arg10[%run_scoped3A_1212, %dma_start3A_1975, %dma_start3A_1976] : memref<2x128x256xi32, #tpu.memory_space<vmem>> -> memref<1x128x256xi32, #tpu.memory_space<vmem>>
      %dma_start3A_1978 = tpu.memref_squeeze %dma_start3A_1977 : memref<1x128x256xi32, #tpu.memory_space<vmem>> -> memref<128x256xi32, #tpu.memory_space<vmem>>
      tpu.enqueue_dma source(%dma_start3A_1978 : memref<128x256xi32, #tpu.memory_space<vmem>>) target(%dma_start3A_1974 : memref<128x256xi32, #tpu.memory_space<hbm>>) target_semaphore(%run_scoped3A_1966 : memref<!tpu.dma_semaphore, #tpu.memory_space<semaphore_mem>>)
      %dma_wait3A_1979 = arith.constant 0 : i32
      %dma_wait3A_1980 = arith.constant 0 : i32
      %dma_wait3A_1981 = tpu.memref_slice %arg10[%run_scoped3A_1212, %dma_wait3A_1979, %dma_wait3A_1980] : memref<2x128x256xi32, #tpu.memory_space<vmem>> -> memref<1x128x256xi32, #tpu.memory_space<vmem>>
      %dma_wait3A_1982 = tpu.memref_squeeze %dma_wait3A_1981 : memref<1x128x256xi32, #tpu.memory_space<vmem>> -> memref<128x256xi32, #tpu.memory_space<vmem>>
      %dma_wait3A_1983 = arith.constant 0 : i32
      %dma_wait3A_1984 = tpu.memref_slice %arg6[%add3A_1211, %dma_wait3A_1983] : memref<16384x256xi32, #tpu.memory_space<hbm>> -> memref<128x256xi32, #tpu.memory_space<hbm>>
      %dma_wait3A_1985 = arith.constant 0 : i32
      %dma_wait3A_1986 = tpu.memref_slice %arg6[%add3A_1211, %dma_wait3A_1985] : memref<16384x256xi32, #tpu.memory_space<hbm>> -> memref<128x256xi32, #tpu.memory_space<hbm>>
      %dma_wait3A_1987 = arith.constant 0 : i32
      %dma_wait3A_1988 = arith.constant 0 : i32
      %dma_wait3A_1989 = tpu.memref_slice %arg10[%run_scoped3A_1212, %dma_wait3A_1987, %dma_wait3A_1988] : memref<2x128x256xi32, #tpu.memory_space<vmem>> -> memref<1x128x256xi32, #tpu.memory_space<vmem>>
      %dma_wait3A_1990 = tpu.memref_squeeze %dma_wait3A_1989 : memref<1x128x256xi32, #tpu.memory_space<vmem>> -> memref<128x256xi32, #tpu.memory_space<vmem>>
      tpu.wait_dma2 semaphore(%run_scoped3A_1966 : memref<!tpu.dma_semaphore, #tpu.memory_space<semaphore_mem>>) src(%dma_wait3A_1990 : memref<128x256xi32, #tpu.memory_space<vmem>>) dst(%dma_wait3A_1986 : memref<128x256xi32, #tpu.memory_space<hbm>>)
      tpu.yield
    }) : () -> ()
    %get3A_1213 = arith.constant 256 : index
    %get3A_1214 = tpu.vector_load %arg8[%get3A_1213] {strides = array<i32>} : memref<512xi32, #tpu.memory_space<vmem>>, vector<16xi32>,
    %get3A_1215 = vector.shape_cast %get3A_1214 : vector<16xi32> to vector<16xi32>
    %add3A_1216 = arith.constant 2000 : i32
    %add3A_1217 = vector.broadcast %add3A_1216 : i32 to vector<16xi32>
    %add3A_1218 = arith.addi %get3A_1215, %add3A_1217 : vector<16xi32>
    %swap3A_1219 = arith.constant 0 : i32
    %swap3A_1220 = arith.index_cast %swap3A_1219 : i32 to index
    %swap3A_1221 = arith.constant 0 : index
    %swap3A_1222 = tpu.vector_load %arg9[%swap3A_1220, %swap3A_1221] {strides = array<i32>} : memref<2x128xi32, #tpu.memory_space<vmem>>, vector<1x16xi32>,
    %swap3A_1223 = vector.shape_cast %swap3A_1222 : vector<1x16xi32> to vector<16xi32>
    %swap3A_1224 = vector.shape_cast %add3A_1218 : vector<16xi32> to vector<1x16xi32>
    tpu.vector_store %arg9[%swap3A_1220, %swap3A_1221], %swap3A_1224 {strides = array<i32>} : memref<2x128xi32, #tpu.memory_space<vmem>>, vector<1x16xi32>,
    %get3A_1225 = arith.constant 272 : index
    %get3A_1226 = tpu.vector_load %arg8[%get3A_1225] {strides = array<i32>} : memref<512xi32, #tpu.memory_space<vmem>>, vector<16xi32>,
    %get3A_1227 = vector.shape_cast %get3A_1226 : vector<16xi32> to vector<16xi32>
    %add3A_1228 = arith.constant 2000 : i32
    %add3A_1229 = vector.broadcast %add3A_1228 : i32 to vector<16xi32>
    %add3A_1230 = arith.addi %get3A_1227, %add3A_1229 : vector<16xi32>
    %swap3A_1231 = arith.constant 0 : i32
    %swap3A_1232 = arith.index_cast %swap3A_1231 : i32 to index
    %swap3A_1233 = arith.constant 16 : index
    %swap3A_1234 = tpu.vector_load %arg9[%swap3A_1232, %swap3A_1233] {strides = array<i32>} : memref<2x128xi32, #tpu.memory_space<vmem>>, vector<1x16xi32>,
    %swap3A_1235 = vector.shape_cast %swap3A_1234 : vector<1x16xi32> to vector<16xi32>
    %swap3A_1236 = vector.shape_cast %add3A_1230 : vector<16xi32> to vector<1x16xi32>
    tpu.vector_store %arg9[%swap3A_1232, %swap3A_1233], %swap3A_1236 {strides = array<i32>} : memref<2x128xi32, #tpu.memory_space<vmem>>, vector<1x16xi32>,
    %get3A_1237 = arith.constant 288 : index
    %get3A_1238 = tpu.vector_load %arg8[%get3A_1237] {strides = array<i32>} : memref<512xi32, #tpu.memory_space<vmem>>, vector<16xi32>,
    %get3A_1239 = vector.shape_cast %get3A_1238 : vector<16xi32> to vector<16xi32>
    %add3A_1240 = arith.constant 2000 : i32
    %add3A_1241 = vector.broadcast %add3A_1240 : i32 to vector<16xi32>
    %add3A_1242 = arith.addi %get3A_1239, %add3A_1241 : vector<16xi32>
    %swap3A_1243 = arith.constant 0 : i32
    %swap3A_1244 = arith.index_cast %swap3A_1243 : i32 to index
    %swap3A_1245 = arith.constant 32 : index
    %swap3A_1246 = tpu.vector_load %arg9[%swap3A_1244, %swap3A_1245] {strides = array<i32>} : memref<2x128xi32, #tpu.memory_space<vmem>>, vector<1x16xi32>,
    %swap3A_1247 = vector.shape_cast %swap3A_1246 : vector<1x16xi32> to vector<16xi32>
    %swap3A_1248 = vector.shape_cast %add3A_1242 : vector<16xi32> to vector<1x16xi32>
    tpu.vector_store %arg9[%swap3A_1244, %swap3A_1245], %swap3A_1248 {strides = array<i32>} : memref<2x128xi32, #tpu.memory_space<vmem>>, vector<1x16xi32>,
    %get3A_1249 = arith.constant 304 : index
    %get3A_1250 = tpu.vector_load %arg8[%get3A_1249] {strides = array<i32>} : memref<512xi32, #tpu.memory_space<vmem>>, vector<16xi32>,
    %get3A_1251 = vector.shape_cast %get3A_1250 : vector<16xi32> to vector<16xi32>
    %add3A_1252 = arith.constant 2000 : i32
    %add3A_1253 = vector.broadcast %add3A_1252 : i32 to vector<16xi32>
    %add3A_1254 = arith.addi %get3A_1251, %add3A_1253 : vector<16xi32>
    %swap3A_1255 = arith.constant 0 : i32
    %swap3A_1256 = arith.index_cast %swap3A_1255 : i32 to index
    %swap3A_1257 = arith.constant 48 : index
    %swap3A_1258 = tpu.vector_load %arg9[%swap3A_1256, %swap3A_1257] {strides = array<i32>} : memref<2x128xi32, #tpu.memory_space<vmem>>, vector<1x16xi32>,
    %swap3A_1259 = vector.shape_cast %swap3A_1258 : vector<1x16xi32> to vector<16xi32>
    %swap3A_1260 = vector.shape_cast %add3A_1254 : vector<16xi32> to vector<1x16xi32>
    tpu.vector_store %arg9[%swap3A_1256, %swap3A_1257], %swap3A_1260 {strides = array<i32>} : memref<2x128xi32, #tpu.memory_space<vmem>>, vector<1x16xi32>,
    %get3A_1261 = arith.constant 320 : index
    %get3A_1262 = tpu.vector_load %arg8[%get3A_1261] {strides = array<i32>} : memref<512xi32, #tpu.memory_space<vmem>>, vector<16xi32>,
    %get3A_1263 = vector.shape_cast %get3A_1262 : vector<16xi32> to vector<16xi32>
    %add3A_1264 = arith.constant 2000 : i32
    %add3A_1265 = vector.broadcast %add3A_1264 : i32 to vector<16xi32>
    %add3A_1266 = arith.addi %get3A_1263, %add3A_1265 : vector<16xi32>
    %swap3A_1267 = arith.constant 0 : i32
    %swap3A_1268 = arith.index_cast %swap3A_1267 : i32 to index
    %swap3A_1269 = arith.constant 64 : index
    %swap3A_1270 = tpu.vector_load %arg9[%swap3A_1268, %swap3A_1269] {strides = array<i32>} : memref<2x128xi32, #tpu.memory_space<vmem>>, vector<1x16xi32>,
    %swap3A_1271 = vector.shape_cast %swap3A_1270 : vector<1x16xi32> to vector<16xi32>
    %swap3A_1272 = vector.shape_cast %add3A_1266 : vector<16xi32> to vector<1x16xi32>
    tpu.vector_store %arg9[%swap3A_1268, %swap3A_1269], %swap3A_1272 {strides = array<i32>} : memref<2x128xi32, #tpu.memory_space<vmem>>, vector<1x16xi32>,
    %get3A_1273 = arith.constant 336 : index
    %get3A_1274 = tpu.vector_load %arg8[%get3A_1273] {strides = array<i32>} : memref<512xi32, #tpu.memory_space<vmem>>, vector<16xi32>,
    %get3A_1275 = vector.shape_cast %get3A_1274 : vector<16xi32> to vector<16xi32>
    %add3A_1276 = arith.constant 2000 : i32
    %add3A_1277 = vector.broadcast %add3A_1276 : i32 to vector<16xi32>
    %add3A_1278 = arith.addi %get3A_1275, %add3A_1277 : vector<16xi32>
    %swap3A_1279 = arith.constant 0 : i32
    %swap3A_1280 = arith.index_cast %swap3A_1279 : i32 to index
    %swap3A_1281 = arith.constant 80 : index
    %swap3A_1282 = tpu.vector_load %arg9[%swap3A_1280, %swap3A_1281] {strides = array<i32>} : memref<2x128xi32, #tpu.memory_space<vmem>>, vector<1x16xi32>,
    %swap3A_1283 = vector.shape_cast %swap3A_1282 : vector<1x16xi32> to vector<16xi32>
    %swap3A_1284 = vector.shape_cast %add3A_1278 : vector<16xi32> to vector<1x16xi32>
    tpu.vector_store %arg9[%swap3A_1280, %swap3A_1281], %swap3A_1284 {strides = array<i32>} : memref<2x128xi32, #tpu.memory_space<vmem>>, vector<1x16xi32>,
    %get3A_1285 = arith.constant 352 : index
    %get3A_1286 = tpu.vector_load %arg8[%get3A_1285] {strides = array<i32>} : memref<512xi32, #tpu.memory_space<vmem>>, vector<16xi32>,
    %get3A_1287 = vector.shape_cast %get3A_1286 : vector<16xi32> to vector<16xi32>
    %add3A_1288 = arith.constant 2000 : i32
    %add3A_1289 = vector.broadcast %add3A_1288 : i32 to vector<16xi32>
    %add3A_1290 = arith.addi %get3A_1287, %add3A_1289 : vector<16xi32>
    %swap3A_1291 = arith.constant 0 : i32
    %swap3A_1292 = arith.index_cast %swap3A_1291 : i32 to index
    %swap3A_1293 = arith.constant 96 : index
    %swap3A_1294 = tpu.vector_load %arg9[%swap3A_1292, %swap3A_1293] {strides = array<i32>} : memref<2x128xi32, #tpu.memory_space<vmem>>, vector<1x16xi32>,
    %swap3A_1295 = vector.shape_cast %swap3A_1294 : vector<1x16xi32> to vector<16xi32>
    %swap3A_1296 = vector.shape_cast %add3A_1290 : vector<16xi32> to vector<1x16xi32>
    tpu.vector_store %arg9[%swap3A_1292, %swap3A_1293], %swap3A_1296 {strides = array<i32>} : memref<2x128xi32, #tpu.memory_space<vmem>>, vector<1x16xi32>,
    %get3A_1297 = arith.constant 368 : index
    %get3A_1298 = tpu.vector_load %arg8[%get3A_1297] {strides = array<i32>} : memref<512xi32, #tpu.memory_space<vmem>>, vector<16xi32>,
    %get3A_1299 = vector.shape_cast %get3A_1298 : vector<16xi32> to vector<16xi32>
    %add3A_1300 = arith.constant 2000 : i32
    %add3A_1301 = vector.broadcast %add3A_1300 : i32 to vector<16xi32>
    %add3A_1302 = arith.addi %get3A_1299, %add3A_1301 : vector<16xi32>
    %swap3A_1303 = arith.constant 0 : i32
    %swap3A_1304 = arith.index_cast %swap3A_1303 : i32 to index
    %swap3A_1305 = arith.constant 112 : index
    %swap3A_1306 = tpu.vector_load %arg9[%swap3A_1304, %swap3A_1305] {strides = array<i32>} : memref<2x128xi32, #tpu.memory_space<vmem>>, vector<1x16xi32>,
    %swap3A_1307 = vector.shape_cast %swap3A_1306 : vector<1x16xi32> to vector<16xi32>
    %swap3A_1308 = vector.shape_cast %add3A_1302 : vector<16xi32> to vector<1x16xi32>
    tpu.vector_store %arg9[%swap3A_1304, %swap3A_1305], %swap3A_1308 {strides = array<i32>} : memref<2x128xi32, #tpu.memory_space<vmem>>, vector<1x16xi32>,
    %dma_start3A_1309 = arith.constant 0 : i32
    %dma_start3A_1310 = arith.constant 0 : i32
    %dma_start3A_1311 = arith.constant 0 : i32
    %dma_start3A_1312 = arith.constant 0 : i32
    %dma_start3A_1313 = tpu.memref_slice %arg10[%dma_start3A_1310, %dma_start3A_1311, %dma_start3A_1312] : memref<2x128x256xi32, #tpu.memory_space<vmem>> -> memref<1x128x256xi32, #tpu.memory_space<vmem>>
    %dma_start3A_1314 = tpu.memref_squeeze %dma_start3A_1313 : memref<1x128x256xi32, #tpu.memory_space<vmem>> -> memref<128x256xi32, #tpu.memory_space<vmem>>
    %dma_start3A_1315 = arith.constant 0 : i32
    %dma_start3A_1316 = tpu.memref_slice %arg9[%dma_start3A_1309, %dma_start3A_1315] : memref<2x128xi32, #tpu.memory_space<vmem>> -> memref<1x128xi32, #tpu.memory_space<vmem>>
    %dma_start3A_1317 = tpu.memref_squeeze %dma_start3A_1316 : memref<1x128xi32, #tpu.memory_space<vmem>> -> memref<128xi32, #tpu.memory_space<vmem>>
    %dma_start3A_1318 = arith.constant 0 : i32
    %dma_start3A_1319 = arith.constant 0 : i32
    %dma_start3A_1320 = tpu.memref_slice %arg2[%dma_start3A_1318, %dma_start3A_1319] : memref<4000x256xi32, #tpu.memory_space<hbm>> -> memref<4000x256xi32, #tpu.memory_space<hbm>>
    tpu.enqueue_indirect_dma source(%dma_start3A_1320 : memref<4000x256xi32, #tpu.memory_space<hbm>>) target(%dma_start3A_1314 : memref<128x256xi32, #tpu.memory_space<vmem>>) offsets(%dma_start3A_1317 : memref<128xi32, #tpu.memory_space<vmem>>) semaphore(%arg11 : memref<!tpu.dma_semaphore, #tpu.memory_space<semaphore_mem>>)
    %dma_wait3A_1321 = arith.constant 1 : i32
    %dma_wait3A_1322 = arith.constant 1 : i32
    %dma_wait3A_1323 = arith.constant 0 : i32
    %dma_wait3A_1324 = arith.constant 0 : i32
    %dma_wait3A_1325 = tpu.memref_slice %arg10[%dma_wait3A_1322, %dma_wait3A_1323, %dma_wait3A_1324] : memref<2x128x256xi32, #tpu.memory_space<vmem>> -> memref<1x128x256xi32, #tpu.memory_space<vmem>>
    %dma_wait3A_1326 = tpu.memref_squeeze %dma_wait3A_1325 : memref<1x128x256xi32, #tpu.memory_space<vmem>> -> memref<128x256xi32, #tpu.memory_space<vmem>>
    %dma_wait3A_1327 = arith.constant 0 : i32
    %dma_wait3A_1328 = tpu.memref_slice %arg9[%dma_wait3A_1321, %dma_wait3A_1327] : memref<2x128xi32, #tpu.memory_space<vmem>> -> memref<1x128xi32, #tpu.memory_space<vmem>>
    %dma_wait3A_1329 = tpu.memref_squeeze %dma_wait3A_1328 : memref<1x128xi32, #tpu.memory_space<vmem>> -> memref<128xi32, #tpu.memory_space<vmem>>
    %dma_wait3A_1330 = arith.constant 0 : i32
    %dma_wait3A_1331 = arith.constant 0 : i32
    %dma_wait3A_1332 = tpu.memref_slice %arg2[%dma_wait3A_1330, %dma_wait3A_1331] : memref<4000x256xi32, #tpu.memory_space<hbm>> -> memref<4000x256xi32, #tpu.memory_space<hbm>>
    tpu.wait_indirect_dma semaphore(%arg12 : memref<!tpu.dma_semaphore, #tpu.memory_space<semaphore_mem>>) src(%dma_wait3A_1332 : memref<4000x256xi32, #tpu.memory_space<hbm>>) dst(%dma_wait3A_1326 : memref<128x256xi32, #tpu.memory_space<vmem>>)
    %add3A_1333 = arith.constant 128 : i32
    %add3A_1334 = arith.addi %mul3A_2, %add3A_1333 : i32
    %run_scoped3A_1335 = arith.constant 1 : i32
    "tpu.region"() ({
      %run_scoped3A_1966 = tpu.sem_alloc : memref<!tpu.dma_semaphore, #tpu.memory_space<semaphore_mem>>
      %dma_start3A_1967 = arith.constant 0 : i32
      %dma_start3A_1968 = arith.constant 0 : i32
      %dma_start3A_1969 = tpu.memref_slice %arg10[%run_scoped3A_1335, %dma_start3A_1967, %dma_start3A_1968] : memref<2x128x256xi32, #tpu.memory_space<vmem>> -> memref<1x128x256xi32, #tpu.memory_space<vmem>>
      %dma_start3A_1970 = tpu.memref_squeeze %dma_start3A_1969 : memref<1x128x256xi32, #tpu.memory_space<vmem>> -> memref<128x256xi32, #tpu.memory_space<vmem>>
      %dma_start3A_1971 = arith.constant 0 : i32
      %dma_start3A_1972 = tpu.memref_slice %arg6[%add3A_1334, %dma_start3A_1971] : memref<16384x256xi32, #tpu.memory_space<hbm>> -> memref<128x256xi32, #tpu.memory_space<hbm>>
      %dma_start3A_1973 = arith.constant 0 : i32
      %dma_start3A_1974 = tpu.memref_slice %arg6[%add3A_1334, %dma_start3A_1973] : memref<16384x256xi32, #tpu.memory_space<hbm>> -> memref<128x256xi32, #tpu.memory_space<hbm>>
      %dma_start3A_1975 = arith.constant 0 : i32
      %dma_start3A_1976 = arith.constant 0 : i32
      %dma_start3A_1977 = tpu.memref_slice %arg10[%run_scoped3A_1335, %dma_start3A_1975, %dma_start3A_1976] : memref<2x128x256xi32, #tpu.memory_space<vmem>> -> memref<1x128x256xi32, #tpu.memory_space<vmem>>
      %dma_start3A_1978 = tpu.memref_squeeze %dma_start3A_1977 : memref<1x128x256xi32, #tpu.memory_space<vmem>> -> memref<128x256xi32, #tpu.memory_space<vmem>>
      tpu.enqueue_dma source(%dma_start3A_1978 : memref<128x256xi32, #tpu.memory_space<vmem>>) target(%dma_start3A_1974 : memref<128x256xi32, #tpu.memory_space<hbm>>) target_semaphore(%run_scoped3A_1966 : memref<!tpu.dma_semaphore, #tpu.memory_space<semaphore_mem>>)
      %dma_wait3A_1979 = arith.constant 0 : i32
      %dma_wait3A_1980 = arith.constant 0 : i32
      %dma_wait3A_1981 = tpu.memref_slice %arg10[%run_scoped3A_1335, %dma_wait3A_1979, %dma_wait3A_1980] : memref<2x128x256xi32, #tpu.memory_space<vmem>> -> memref<1x128x256xi32, #tpu.memory_space<vmem>>
      %dma_wait3A_1982 = tpu.memref_squeeze %dma_wait3A_1981 : memref<1x128x256xi32, #tpu.memory_space<vmem>> -> memref<128x256xi32, #tpu.memory_space<vmem>>
      %dma_wait3A_1983 = arith.constant 0 : i32
      %dma_wait3A_1984 = tpu.memref_slice %arg6[%add3A_1334, %dma_wait3A_1983] : memref<16384x256xi32, #tpu.memory_space<hbm>> -> memref<128x256xi32, #tpu.memory_space<hbm>>
      %dma_wait3A_1985 = arith.constant 0 : i32
      %dma_wait3A_1986 = tpu.memref_slice %arg6[%add3A_1334, %dma_wait3A_1985] : memref<16384x256xi32, #tpu.memory_space<hbm>> -> memref<128x256xi32, #tpu.memory_space<hbm>>
      %dma_wait3A_1987 = arith.constant 0 : i32
      %dma_wait3A_1988 = arith.constant 0 : i32
      %dma_wait3A_1989 = tpu.memref_slice %arg10[%run_scoped3A_1335, %dma_wait3A_1987, %dma_wait3A_1988] : memref<2x128x256xi32, #tpu.memory_space<vmem>> -> memref<1x128x256xi32, #tpu.memory_space<vmem>>
      %dma_wait3A_1990 = tpu.memref_squeeze %dma_wait3A_1989 : memref<1x128x256xi32, #tpu.memory_space<vmem>> -> memref<128x256xi32, #tpu.memory_space<vmem>>
      tpu.wait_dma2 semaphore(%run_scoped3A_1966 : memref<!tpu.dma_semaphore, #tpu.memory_space<semaphore_mem>>) src(%dma_wait3A_1990 : memref<128x256xi32, #tpu.memory_space<vmem>>) dst(%dma_wait3A_1986 : memref<128x256xi32, #tpu.memory_space<hbm>>)
      tpu.yield
    }) : () -> ()
    %get3A_1336 = arith.constant 384 : index
    %get3A_1337 = tpu.vector_load %arg8[%get3A_1336] {strides = array<i32>} : memref<512xi32, #tpu.memory_space<vmem>>, vector<16xi32>,
    %get3A_1338 = vector.shape_cast %get3A_1337 : vector<16xi32> to vector<16xi32>
    %add3A_1339 = arith.constant 2000 : i32
    %add3A_1340 = vector.broadcast %add3A_1339 : i32 to vector<16xi32>
    %add3A_1341 = arith.addi %get3A_1338, %add3A_1340 : vector<16xi32>
    %swap3A_1342 = arith.constant 1 : i32
    %swap3A_1343 = arith.index_cast %swap3A_1342 : i32 to index
    %swap3A_1344 = arith.constant 0 : index
    %swap3A_1345 = tpu.vector_load %arg9[%swap3A_1343, %swap3A_1344] {strides = array<i32>} : memref<2x128xi32, #tpu.memory_space<vmem>>, vector<1x16xi32>,
    %swap3A_1346 = vector.shape_cast %swap3A_1345 : vector<1x16xi32> to vector<16xi32>
    %swap3A_1347 = vector.shape_cast %add3A_1341 : vector<16xi32> to vector<1x16xi32>
    tpu.vector_store %arg9[%swap3A_1343, %swap3A_1344], %swap3A_1347 {strides = array<i32>} : memref<2x128xi32, #tpu.memory_space<vmem>>, vector<1x16xi32>,
    %get3A_1348 = arith.constant 400 : index
    %get3A_1349 = tpu.vector_load %arg8[%get3A_1348] {strides = array<i32>} : memref<512xi32, #tpu.memory_space<vmem>>, vector<16xi32>,
    %get3A_1350 = vector.shape_cast %get3A_1349 : vector<16xi32> to vector<16xi32>
    %add3A_1351 = arith.constant 2000 : i32
    %add3A_1352 = vector.broadcast %add3A_1351 : i32 to vector<16xi32>
    %add3A_1353 = arith.addi %get3A_1350, %add3A_1352 : vector<16xi32>
    %swap3A_1354 = arith.constant 1 : i32
    %swap3A_1355 = arith.index_cast %swap3A_1354 : i32 to index
    %swap3A_1356 = arith.constant 16 : index
    %swap3A_1357 = tpu.vector_load %arg9[%swap3A_1355, %swap3A_1356] {strides = array<i32>} : memref<2x128xi32, #tpu.memory_space<vmem>>, vector<1x16xi32>,
    %swap3A_1358 = vector.shape_cast %swap3A_1357 : vector<1x16xi32> to vector<16xi32>
    %swap3A_1359 = vector.shape_cast %add3A_1353 : vector<16xi32> to vector<1x16xi32>
    tpu.vector_store %arg9[%swap3A_1355, %swap3A_1356], %swap3A_1359 {strides = array<i32>} : memref<2x128xi32, #tpu.memory_space<vmem>>, vector<1x16xi32>,
    %get3A_1360 = arith.constant 416 : index
    %get3A_1361 = tpu.vector_load %arg8[%get3A_1360] {strides = array<i32>} : memref<512xi32, #tpu.memory_space<vmem>>, vector<16xi32>,
    %get3A_1362 = vector.shape_cast %get3A_1361 : vector<16xi32> to vector<16xi32>
    %add3A_1363 = arith.constant 2000 : i32
    %add3A_1364 = vector.broadcast %add3A_1363 : i32 to vector<16xi32>
    %add3A_1365 = arith.addi %get3A_1362, %add3A_1364 : vector<16xi32>
    %swap3A_1366 = arith.constant 1 : i32
    %swap3A_1367 = arith.index_cast %swap3A_1366 : i32 to index
    %swap3A_1368 = arith.constant 32 : index
    %swap3A_1369 = tpu.vector_load %arg9[%swap3A_1367, %swap3A_1368] {strides = array<i32>} : memref<2x128xi32, #tpu.memory_space<vmem>>, vector<1x16xi32>,
    %swap3A_1370 = vector.shape_cast %swap3A_1369 : vector<1x16xi32> to vector<16xi32>
    %swap3A_1371 = vector.shape_cast %add3A_1365 : vector<16xi32> to vector<1x16xi32>
    tpu.vector_store %arg9[%swap3A_1367, %swap3A_1368], %swap3A_1371 {strides = array<i32>} : memref<2x128xi32, #tpu.memory_space<vmem>>, vector<1x16xi32>,
    %get3A_1372 = arith.constant 432 : index
    %get3A_1373 = tpu.vector_load %arg8[%get3A_1372] {strides = array<i32>} : memref<512xi32, #tpu.memory_space<vmem>>, vector<16xi32>,
    %get3A_1374 = vector.shape_cast %get3A_1373 : vector<16xi32> to vector<16xi32>
    %add3A_1375 = arith.constant 2000 : i32
    %add3A_1376 = vector.broadcast %add3A_1375 : i32 to vector<16xi32>
    %add3A_1377 = arith.addi %get3A_1374, %add3A_1376 : vector<16xi32>
    %swap3A_1378 = arith.constant 1 : i32
    %swap3A_1379 = arith.index_cast %swap3A_1378 : i32 to index
    %swap3A_1380 = arith.constant 48 : index
    %swap3A_1381 = tpu.vector_load %arg9[%swap3A_1379, %swap3A_1380] {strides = array<i32>} : memref<2x128xi32, #tpu.memory_space<vmem>>, vector<1x16xi32>,
    %swap3A_1382 = vector.shape_cast %swap3A_1381 : vector<1x16xi32> to vector<16xi32>
    %swap3A_1383 = vector.shape_cast %add3A_1377 : vector<16xi32> to vector<1x16xi32>
    tpu.vector_store %arg9[%swap3A_1379, %swap3A_1380], %swap3A_1383 {strides = array<i32>} : memref<2x128xi32, #tpu.memory_space<vmem>>, vector<1x16xi32>,
    %get3A_1384 = arith.constant 448 : index
    %get3A_1385 = tpu.vector_load %arg8[%get3A_1384] {strides = array<i32>} : memref<512xi32, #tpu.memory_space<vmem>>, vector<16xi32>,
    %get3A_1386 = vector.shape_cast %get3A_1385 : vector<16xi32> to vector<16xi32>
    %add3A_1387 = arith.constant 2000 : i32
    %add3A_1388 = vector.broadcast %add3A_1387 : i32 to vector<16xi32>
    %add3A_1389 = arith.addi %get3A_1386, %add3A_1388 : vector<16xi32>
    %swap3A_1390 = arith.constant 1 : i32
    %swap3A_1391 = arith.index_cast %swap3A_1390 : i32 to index
    %swap3A_1392 = arith.constant 64 : index
    %swap3A_1393 = tpu.vector_load %arg9[%swap3A_1391, %swap3A_1392] {strides = array<i32>} : memref<2x128xi32, #tpu.memory_space<vmem>>, vector<1x16xi32>,
    %swap3A_1394 = vector.shape_cast %swap3A_1393 : vector<1x16xi32> to vector<16xi32>
    %swap3A_1395 = vector.shape_cast %add3A_1389 : vector<16xi32> to vector<1x16xi32>
    tpu.vector_store %arg9[%swap3A_1391, %swap3A_1392], %swap3A_1395 {strides = array<i32>} : memref<2x128xi32, #tpu.memory_space<vmem>>, vector<1x16xi32>,
    %get3A_1396 = arith.constant 464 : index
    %get3A_1397 = tpu.vector_load %arg8[%get3A_1396] {strides = array<i32>} : memref<512xi32, #tpu.memory_space<vmem>>, vector<16xi32>,
    %get3A_1398 = vector.shape_cast %get3A_1397 : vector<16xi32> to vector<16xi32>
    %add3A_1399 = arith.constant 2000 : i32
    %add3A_1400 = vector.broadcast %add3A_1399 : i32 to vector<16xi32>
    %add3A_1401 = arith.addi %get3A_1398, %add3A_1400 : vector<16xi32>
    %swap3A_1402 = arith.constant 1 : i32
    %swap3A_1403 = arith.index_cast %swap3A_1402 : i32 to index
    %swap3A_1404 = arith.constant 80 : index
    %swap3A_1405 = tpu.vector_load %arg9[%swap3A_1403, %swap3A_1404] {strides = array<i32>} : memref<2x128xi32, #tpu.memory_space<vmem>>, vector<1x16xi32>,
    %swap3A_1406 = vector.shape_cast %swap3A_1405 : vector<1x16xi32> to vector<16xi32>
    %swap3A_1407 = vector.shape_cast %add3A_1401 : vector<16xi32> to vector<1x16xi32>
    tpu.vector_store %arg9[%swap3A_1403, %swap3A_1404], %swap3A_1407 {strides = array<i32>} : memref<2x128xi32, #tpu.memory_space<vmem>>, vector<1x16xi32>,
    %get3A_1408 = arith.constant 480 : index
    %get3A_1409 = tpu.vector_load %arg8[%get3A_1408] {strides = array<i32>} : memref<512xi32, #tpu.memory_space<vmem>>, vector<16xi32>,
    %get3A_1410 = vector.shape_cast %get3A_1409 : vector<16xi32> to vector<16xi32>
    %add3A_1411 = arith.constant 2000 : i32
    %add3A_1412 = vector.broadcast %add3A_1411 : i32 to vector<16xi32>
    %add3A_1413 = arith.addi %get3A_1410, %add3A_1412 : vector<16xi32>
    %swap3A_1414 = arith.constant 1 : i32
    %swap3A_1415 = arith.index_cast %swap3A_1414 : i32 to index
    %swap3A_1416 = arith.constant 96 : index
    %swap3A_1417 = tpu.vector_load %arg9[%swap3A_1415, %swap3A_1416] {strides = array<i32>} : memref<2x128xi32, #tpu.memory_space<vmem>>, vector<1x16xi32>,
    %swap3A_1418 = vector.shape_cast %swap3A_1417 : vector<1x16xi32> to vector<16xi32>
    %swap3A_1419 = vector.shape_cast %add3A_1413 : vector<16xi32> to vector<1x16xi32>
    tpu.vector_store %arg9[%swap3A_1415, %swap3A_1416], %swap3A_1419 {strides = array<i32>} : memref<2x128xi32, #tpu.memory_space<vmem>>, vector<1x16xi32>,
    %get3A_1420 = arith.constant 496 : index
    %get3A_1421 = tpu.vector_load %arg8[%get3A_1420] {strides = array<i32>} : memref<512xi32, #tpu.memory_space<vmem>>, vector<16xi32>,
    %get3A_1422 = vector.shape_cast %get3A_1421 : vector<16xi32> to vector<16xi32>
    %add3A_1423 = arith.constant 2000 : i32
    %add3A_1424 = vector.broadcast %add3A_1423 : i32 to vector<16xi32>
    %add3A_1425 = arith.addi %get3A_1422, %add3A_1424 : vector<16xi32>
    %swap3A_1426 = arith.constant 1 : i32
    %swap3A_1427 = arith.index_cast %swap3A_1426 : i32 to index
    %swap3A_1428 = arith.constant 112 : index
    %swap3A_1429 = tpu.vector_load %arg9[%swap3A_1427, %swap3A_1428] {strides = array<i32>} : memref<2x128xi32, #tpu.memory_space<vmem>>, vector<1x16xi32>,
    %swap3A_1430 = vector.shape_cast %swap3A_1429 : vector<1x16xi32> to vector<16xi32>
    %swap3A_1431 = vector.shape_cast %add3A_1425 : vector<16xi32> to vector<1x16xi32>
    tpu.vector_store %arg9[%swap3A_1427, %swap3A_1428], %swap3A_1431 {strides = array<i32>} : memref<2x128xi32, #tpu.memory_space<vmem>>, vector<1x16xi32>,
    %dma_start3A_1432 = arith.constant 1 : i32
    %dma_start3A_1433 = arith.constant 1 : i32
    %dma_start3A_1434 = arith.constant 0 : i32
    %dma_start3A_1435 = arith.constant 0 : i32
    %dma_start3A_1436 = tpu.memref_slice %arg10[%dma_start3A_1433, %dma_start3A_1434, %dma_start3A_1435] : memref<2x128x256xi32, #tpu.memory_space<vmem>> -> memref<1x128x256xi32, #tpu.memory_space<vmem>>
    %dma_start3A_1437 = tpu.memref_squeeze %dma_start3A_1436 : memref<1x128x256xi32, #tpu.memory_space<vmem>> -> memref<128x256xi32, #tpu.memory_space<vmem>>
    %dma_start3A_1438 = arith.constant 0 : i32
    %dma_start3A_1439 = tpu.memref_slice %arg9[%dma_start3A_1432, %dma_start3A_1438] : memref<2x128xi32, #tpu.memory_space<vmem>> -> memref<1x128xi32, #tpu.memory_space<vmem>>
    %dma_start3A_1440 = tpu.memref_squeeze %dma_start3A_1439 : memref<1x128xi32, #tpu.memory_space<vmem>> -> memref<128xi32, #tpu.memory_space<vmem>>
    %dma_start3A_1441 = arith.constant 0 : i32
    %dma_start3A_1442 = arith.constant 0 : i32
    %dma_start3A_1443 = tpu.memref_slice %arg2[%dma_start3A_1441, %dma_start3A_1442] : memref<4000x256xi32, #tpu.memory_space<hbm>> -> memref<4000x256xi32, #tpu.memory_space<hbm>>
    tpu.enqueue_indirect_dma source(%dma_start3A_1443 : memref<4000x256xi32, #tpu.memory_space<hbm>>) target(%dma_start3A_1437 : memref<128x256xi32, #tpu.memory_space<vmem>>) offsets(%dma_start3A_1440 : memref<128xi32, #tpu.memory_space<vmem>>) semaphore(%arg12 : memref<!tpu.dma_semaphore, #tpu.memory_space<semaphore_mem>>)
    %dma_wait3A_1444 = arith.constant 0 : i32
    %dma_wait3A_1445 = arith.constant 0 : i32
    %dma_wait3A_1446 = arith.constant 0 : i32
    %dma_wait3A_1447 = arith.constant 0 : i32
    %dma_wait3A_1448 = tpu.memref_slice %arg10[%dma_wait3A_1445, %dma_wait3A_1446, %dma_wait3A_1447] : memref<2x128x256xi32, #tpu.memory_space<vmem>> -> memref<1x128x256xi32, #tpu.memory_space<vmem>>
    %dma_wait3A_1449 = tpu.memref_squeeze %dma_wait3A_1448 : memref<1x128x256xi32, #tpu.memory_space<vmem>> -> memref<128x256xi32, #tpu.memory_space<vmem>>
    %dma_wait3A_1450 = arith.constant 0 : i32
    %dma_wait3A_1451 = tpu.memref_slice %arg9[%dma_wait3A_1444, %dma_wait3A_1450] : memref<2x128xi32, #tpu.memory_space<vmem>> -> memref<1x128xi32, #tpu.memory_space<vmem>>
    %dma_wait3A_1452 = tpu.memref_squeeze %dma_wait3A_1451 : memref<1x128xi32, #tpu.memory_space<vmem>> -> memref<128xi32, #tpu.memory_space<vmem>>
    %dma_wait3A_1453 = arith.constant 0 : i32
    %dma_wait3A_1454 = arith.constant 0 : i32
    %dma_wait3A_1455 = tpu.memref_slice %arg2[%dma_wait3A_1453, %dma_wait3A_1454] : memref<4000x256xi32, #tpu.memory_space<hbm>> -> memref<4000x256xi32, #tpu.memory_space<hbm>>
    tpu.wait_indirect_dma semaphore(%arg11 : memref<!tpu.dma_semaphore, #tpu.memory_space<semaphore_mem>>) src(%dma_wait3A_1455 : memref<4000x256xi32, #tpu.memory_space<hbm>>) dst(%dma_wait3A_1449 : memref<128x256xi32, #tpu.memory_space<vmem>>)
    %add3A_1456 = arith.constant 256 : i32
    %add3A_1457 = arith.addi %mul3A_2, %add3A_1456 : i32
    %run_scoped3A_1458 = arith.constant 0 : i32
    "tpu.region"() ({
      %run_scoped3A_1966 = tpu.sem_alloc : memref<!tpu.dma_semaphore, #tpu.memory_space<semaphore_mem>>
      %dma_start3A_1967 = arith.constant 0 : i32
      %dma_start3A_1968 = arith.constant 0 : i32
      %dma_start3A_1969 = tpu.memref_slice %arg10[%run_scoped3A_1458, %dma_start3A_1967, %dma_start3A_1968] : memref<2x128x256xi32, #tpu.memory_space<vmem>> -> memref<1x128x256xi32, #tpu.memory_space<vmem>>
      %dma_start3A_1970 = tpu.memref_squeeze %dma_start3A_1969 : memref<1x128x256xi32, #tpu.memory_space<vmem>> -> memref<128x256xi32, #tpu.memory_space<vmem>>
      %dma_start3A_1971 = arith.constant 0 : i32
      %dma_start3A_1972 = tpu.memref_slice %arg6[%add3A_1457, %dma_start3A_1971] : memref<16384x256xi32, #tpu.memory_space<hbm>> -> memref<128x256xi32, #tpu.memory_space<hbm>>
      %dma_start3A_1973 = arith.constant 0 : i32
      %dma_start3A_1974 = tpu.memref_slice %arg6[%add3A_1457, %dma_start3A_1973] : memref<16384x256xi32, #tpu.memory_space<hbm>> -> memref<128x256xi32, #tpu.memory_space<hbm>>
      %dma_start3A_1975 = arith.constant 0 : i32
      %dma_start3A_1976 = arith.constant 0 : i32
      %dma_start3A_1977 = tpu.memref_slice %arg10[%run_scoped3A_1458, %dma_start3A_1975, %dma_start3A_1976] : memref<2x128x256xi32, #tpu.memory_space<vmem>> -> memref<1x128x256xi32, #tpu.memory_space<vmem>>
      %dma_start3A_1978 = tpu.memref_squeeze %dma_start3A_1977 : memref<1x128x256xi32, #tpu.memory_space<vmem>> -> memref<128x256xi32, #tpu.memory_space<vmem>>
      tpu.enqueue_dma source(%dma_start3A_1978 : memref<128x256xi32, #tpu.memory_space<vmem>>) target(%dma_start3A_1974 : memref<128x256xi32, #tpu.memory_space<hbm>>) target_semaphore(%run_scoped3A_1966 : memref<!tpu.dma_semaphore, #tpu.memory_space<semaphore_mem>>)
      %dma_wait3A_1979 = arith.constant 0 : i32
      %dma_wait3A_1980 = arith.constant 0 : i32
      %dma_wait3A_1981 = tpu.memref_slice %arg10[%run_scoped3A_1458, %dma_wait3A_1979, %dma_wait3A_1980] : memref<2x128x256xi32, #tpu.memory_space<vmem>> -> memref<1x128x256xi32, #tpu.memory_space<vmem>>
      %dma_wait3A_1982 = tpu.memref_squeeze %dma_wait3A_1981 : memref<1x128x256xi32, #tpu.memory_space<vmem>> -> memref<128x256xi32, #tpu.memory_space<vmem>>
      %dma_wait3A_1983 = arith.constant 0 : i32
      %dma_wait3A_1984 = tpu.memref_slice %arg6[%add3A_1457, %dma_wait3A_1983] : memref<16384x256xi32, #tpu.memory_space<hbm>> -> memref<128x256xi32, #tpu.memory_space<hbm>>
      %dma_wait3A_1985 = arith.constant 0 : i32
      %dma_wait3A_1986 = tpu.memref_slice %arg6[%add3A_1457, %dma_wait3A_1985] : memref<16384x256xi32, #tpu.memory_space<hbm>> -> memref<128x256xi32, #tpu.memory_space<hbm>>
      %dma_wait3A_1987 = arith.constant 0 : i32
      %dma_wait3A_1988 = arith.constant 0 : i32
      %dma_wait3A_1989 = tpu.memref_slice %arg10[%run_scoped3A_1458, %dma_wait3A_1987, %dma_wait3A_1988] : memref<2x128x256xi32, #tpu.memory_space<vmem>> -> memref<1x128x256xi32, #tpu.memory_space<vmem>>
      %dma_wait3A_1990 = tpu.memref_squeeze %dma_wait3A_1989 : memref<1x128x256xi32, #tpu.memory_space<vmem>> -> memref<128x256xi32, #tpu.memory_space<vmem>>
      tpu.wait_dma2 semaphore(%run_scoped3A_1966 : memref<!tpu.dma_semaphore, #tpu.memory_space<semaphore_mem>>) src(%dma_wait3A_1990 : memref<128x256xi32, #tpu.memory_space<vmem>>) dst(%dma_wait3A_1986 : memref<128x256xi32, #tpu.memory_space<hbm>>)
      tpu.yield
    }) : () -> ()
    %get3A_1459 = arith.constant 0 : index
    %get3A_1460 = tpu.vector_load %arg8[%get3A_1459] {strides = array<i32>} : memref<512xi32, #tpu.memory_space<vmem>>, vector<16xi32>,
    %get3A_1461 = vector.shape_cast %get3A_1460 : vector<16xi32> to vector<16xi32>
    %add3A_1462 = arith.constant 3000 : i32
    %add3A_1463 = vector.broadcast %add3A_1462 : i32 to vector<16xi32>
    %add3A_1464 = arith.addi %get3A_1461, %add3A_1463 : vector<16xi32>
    %swap3A_1465 = arith.constant 0 : i32
    %swap3A_1466 = arith.index_cast %swap3A_1465 : i32 to index
    %swap3A_1467 = arith.constant 0 : index
    %swap3A_1468 = tpu.vector_load %arg9[%swap3A_1466, %swap3A_1467] {strides = array<i32>} : memref<2x128xi32, #tpu.memory_space<vmem>>, vector<1x16xi32>,
    %swap3A_1469 = vector.shape_cast %swap3A_1468 : vector<1x16xi32> to vector<16xi32>
    %swap3A_1470 = vector.shape_cast %add3A_1464 : vector<16xi32> to vector<1x16xi32>
    tpu.vector_store %arg9[%swap3A_1466, %swap3A_1467], %swap3A_1470 {strides = array<i32>} : memref<2x128xi32, #tpu.memory_space<vmem>>, vector<1x16xi32>,
    %get3A_1471 = arith.constant 16 : index
    %get3A_1472 = tpu.vector_load %arg8[%get3A_1471] {strides = array<i32>} : memref<512xi32, #tpu.memory_space<vmem>>, vector<16xi32>,
    %get3A_1473 = vector.shape_cast %get3A_1472 : vector<16xi32> to vector<16xi32>
    %add3A_1474 = arith.constant 3000 : i32
    %add3A_1475 = vector.broadcast %add3A_1474 : i32 to vector<16xi32>
    %add3A_1476 = arith.addi %get3A_1473, %add3A_1475 : vector<16xi32>
    %swap3A_1477 = arith.constant 0 : i32
    %swap3A_1478 = arith.index_cast %swap3A_1477 : i32 to index
    %swap3A_1479 = arith.constant 16 : index
    %swap3A_1480 = tpu.vector_load %arg9[%swap3A_1478, %swap3A_1479] {strides = array<i32>} : memref<2x128xi32, #tpu.memory_space<vmem>>, vector<1x16xi32>,
    %swap3A_1481 = vector.shape_cast %swap3A_1480 : vector<1x16xi32> to vector<16xi32>
    %swap3A_1482 = vector.shape_cast %add3A_1476 : vector<16xi32> to vector<1x16xi32>
    tpu.vector_store %arg9[%swap3A_1478, %swap3A_1479], %swap3A_1482 {strides = array<i32>} : memref<2x128xi32, #tpu.memory_space<vmem>>, vector<1x16xi32>,
    %get3A_1483 = arith.constant 32 : index
    %get3A_1484 = tpu.vector_load %arg8[%get3A_1483] {strides = array<i32>} : memref<512xi32, #tpu.memory_space<vmem>>, vector<16xi32>,
    %get3A_1485 = vector.shape_cast %get3A_1484 : vector<16xi32> to vector<16xi32>
    %add3A_1486 = arith.constant 3000 : i32
    %add3A_1487 = vector.broadcast %add3A_1486 : i32 to vector<16xi32>
    %add3A_1488 = arith.addi %get3A_1485, %add3A_1487 : vector<16xi32>
    %swap3A_1489 = arith.constant 0 : i32
    %swap3A_1490 = arith.index_cast %swap3A_1489 : i32 to index
    %swap3A_1491 = arith.constant 32 : index
    %swap3A_1492 = tpu.vector_load %arg9[%swap3A_1490, %swap3A_1491] {strides = array<i32>} : memref<2x128xi32, #tpu.memory_space<vmem>>, vector<1x16xi32>,
    %swap3A_1493 = vector.shape_cast %swap3A_1492 : vector<1x16xi32> to vector<16xi32>
    %swap3A_1494 = vector.shape_cast %add3A_1488 : vector<16xi32> to vector<1x16xi32>
    tpu.vector_store %arg9[%swap3A_1490, %swap3A_1491], %swap3A_1494 {strides = array<i32>} : memref<2x128xi32, #tpu.memory_space<vmem>>, vector<1x16xi32>,
    %get3A_1495 = arith.constant 48 : index
    %get3A_1496 = tpu.vector_load %arg8[%get3A_1495] {strides = array<i32>} : memref<512xi32, #tpu.memory_space<vmem>>, vector<16xi32>,
    %get3A_1497 = vector.shape_cast %get3A_1496 : vector<16xi32> to vector<16xi32>
    %add3A_1498 = arith.constant 3000 : i32
    %add3A_1499 = vector.broadcast %add3A_1498 : i32 to vector<16xi32>
    %add3A_1500 = arith.addi %get3A_1497, %add3A_1499 : vector<16xi32>
    %swap3A_1501 = arith.constant 0 : i32
    %swap3A_1502 = arith.index_cast %swap3A_1501 : i32 to index
    %swap3A_1503 = arith.constant 48 : index
    %swap3A_1504 = tpu.vector_load %arg9[%swap3A_1502, %swap3A_1503] {strides = array<i32>} : memref<2x128xi32, #tpu.memory_space<vmem>>, vector<1x16xi32>,
    %swap3A_1505 = vector.shape_cast %swap3A_1504 : vector<1x16xi32> to vector<16xi32>
    %swap3A_1506 = vector.shape_cast %add3A_1500 : vector<16xi32> to vector<1x16xi32>
    tpu.vector_store %arg9[%swap3A_1502, %swap3A_1503], %swap3A_1506 {strides = array<i32>} : memref<2x128xi32, #tpu.memory_space<vmem>>, vector<1x16xi32>,
    %get3A_1507 = arith.constant 64 : index
    %get3A_1508 = tpu.vector_load %arg8[%get3A_1507] {strides = array<i32>} : memref<512xi32, #tpu.memory_space<vmem>>, vector<16xi32>,
    %get3A_1509 = vector.shape_cast %get3A_1508 : vector<16xi32> to vector<16xi32>
    %add3A_1510 = arith.constant 3000 : i32
    %add3A_1511 = vector.broadcast %add3A_1510 : i32 to vector<16xi32>
    %add3A_1512 = arith.addi %get3A_1509, %add3A_1511 : vector<16xi32>
    %swap3A_1513 = arith.constant 0 : i32
    %swap3A_1514 = arith.index_cast %swap3A_1513 : i32 to index
    %swap3A_1515 = arith.constant 64 : index
    %swap3A_1516 = tpu.vector_load %arg9[%swap3A_1514, %swap3A_1515] {strides = array<i32>} : memref<2x128xi32, #tpu.memory_space<vmem>>, vector<1x16xi32>,
    %swap3A_1517 = vector.shape_cast %swap3A_1516 : vector<1x16xi32> to vector<16xi32>
    %swap3A_1518 = vector.shape_cast %add3A_1512 : vector<16xi32> to vector<1x16xi32>
    tpu.vector_store %arg9[%swap3A_1514, %swap3A_1515], %swap3A_1518 {strides = array<i32>} : memref<2x128xi32, #tpu.memory_space<vmem>>, vector<1x16xi32>,
    %get3A_1519 = arith.constant 80 : index
    %get3A_1520 = tpu.vector_load %arg8[%get3A_1519] {strides = array<i32>} : memref<512xi32, #tpu.memory_space<vmem>>, vector<16xi32>,
    %get3A_1521 = vector.shape_cast %get3A_1520 : vector<16xi32> to vector<16xi32>
    %add3A_1522 = arith.constant 3000 : i32
    %add3A_1523 = vector.broadcast %add3A_1522 : i32 to vector<16xi32>
    %add3A_1524 = arith.addi %get3A_1521, %add3A_1523 : vector<16xi32>
    %swap3A_1525 = arith.constant 0 : i32
    %swap3A_1526 = arith.index_cast %swap3A_1525 : i32 to index
    %swap3A_1527 = arith.constant 80 : index
    %swap3A_1528 = tpu.vector_load %arg9[%swap3A_1526, %swap3A_1527] {strides = array<i32>} : memref<2x128xi32, #tpu.memory_space<vmem>>, vector<1x16xi32>,
    %swap3A_1529 = vector.shape_cast %swap3A_1528 : vector<1x16xi32> to vector<16xi32>
    %swap3A_1530 = vector.shape_cast %add3A_1524 : vector<16xi32> to vector<1x16xi32>
    tpu.vector_store %arg9[%swap3A_1526, %swap3A_1527], %swap3A_1530 {strides = array<i32>} : memref<2x128xi32, #tpu.memory_space<vmem>>, vector<1x16xi32>,
    %get3A_1531 = arith.constant 96 : index
    %get3A_1532 = tpu.vector_load %arg8[%get3A_1531] {strides = array<i32>} : memref<512xi32, #tpu.memory_space<vmem>>, vector<16xi32>,
    %get3A_1533 = vector.shape_cast %get3A_1532 : vector<16xi32> to vector<16xi32>
    %add3A_1534 = arith.constant 3000 : i32
    %add3A_1535 = vector.broadcast %add3A_1534 : i32 to vector<16xi32>
    %add3A_1536 = arith.addi %get3A_1533, %add3A_1535 : vector<16xi32>
    %swap3A_1537 = arith.constant 0 : i32
    %swap3A_1538 = arith.index_cast %swap3A_1537 : i32 to index
    %swap3A_1539 = arith.constant 96 : index
    %swap3A_1540 = tpu.vector_load %arg9[%swap3A_1538, %swap3A_1539] {strides = array<i32>} : memref<2x128xi32, #tpu.memory_space<vmem>>, vector<1x16xi32>,
    %swap3A_1541 = vector.shape_cast %swap3A_1540 : vector<1x16xi32> to vector<16xi32>
    %swap3A_1542 = vector.shape_cast %add3A_1536 : vector<16xi32> to vector<1x16xi32>
    tpu.vector_store %arg9[%swap3A_1538, %swap3A_1539], %swap3A_1542 {strides = array<i32>} : memref<2x128xi32, #tpu.memory_space<vmem>>, vector<1x16xi32>,
    %get3A_1543 = arith.constant 112 : index
    %get3A_1544 = tpu.vector_load %arg8[%get3A_1543] {strides = array<i32>} : memref<512xi32, #tpu.memory_space<vmem>>, vector<16xi32>,
    %get3A_1545 = vector.shape_cast %get3A_1544 : vector<16xi32> to vector<16xi32>
    %add3A_1546 = arith.constant 3000 : i32
    %add3A_1547 = vector.broadcast %add3A_1546 : i32 to vector<16xi32>
    %add3A_1548 = arith.addi %get3A_1545, %add3A_1547 : vector<16xi32>
    %swap3A_1549 = arith.constant 0 : i32
    %swap3A_1550 = arith.index_cast %swap3A_1549 : i32 to index
    %swap3A_1551 = arith.constant 112 : index
    %swap3A_1552 = tpu.vector_load %arg9[%swap3A_1550, %swap3A_1551] {strides = array<i32>} : memref<2x128xi32, #tpu.memory_space<vmem>>, vector<1x16xi32>,
    %swap3A_1553 = vector.shape_cast %swap3A_1552 : vector<1x16xi32> to vector<16xi32>
    %swap3A_1554 = vector.shape_cast %add3A_1548 : vector<16xi32> to vector<1x16xi32>
    tpu.vector_store %arg9[%swap3A_1550, %swap3A_1551], %swap3A_1554 {strides = array<i32>} : memref<2x128xi32, #tpu.memory_space<vmem>>, vector<1x16xi32>,
    %dma_start3A_1555 = arith.constant 0 : i32
    %dma_start3A_1556 = arith.constant 0 : i32
    %dma_start3A_1557 = arith.constant 0 : i32
    %dma_start3A_1558 = arith.constant 0 : i32
    %dma_start3A_1559 = tpu.memref_slice %arg10[%dma_start3A_1556, %dma_start3A_1557, %dma_start3A_1558] : memref<2x128x256xi32, #tpu.memory_space<vmem>> -> memref<1x128x256xi32, #tpu.memory_space<vmem>>
    %dma_start3A_1560 = tpu.memref_squeeze %dma_start3A_1559 : memref<1x128x256xi32, #tpu.memory_space<vmem>> -> memref<128x256xi32, #tpu.memory_space<vmem>>
    %dma_start3A_1561 = arith.constant 0 : i32
    %dma_start3A_1562 = tpu.memref_slice %arg9[%dma_start3A_1555, %dma_start3A_1561] : memref<2x128xi32, #tpu.memory_space<vmem>> -> memref<1x128xi32, #tpu.memory_space<vmem>>
    %dma_start3A_1563 = tpu.memref_squeeze %dma_start3A_1562 : memref<1x128xi32, #tpu.memory_space<vmem>> -> memref<128xi32, #tpu.memory_space<vmem>>
    %dma_start3A_1564 = arith.constant 0 : i32
    %dma_start3A_1565 = arith.constant 0 : i32
    %dma_start3A_1566 = tpu.memref_slice %arg2[%dma_start3A_1564, %dma_start3A_1565] : memref<4000x256xi32, #tpu.memory_space<hbm>> -> memref<4000x256xi32, #tpu.memory_space<hbm>>
    tpu.enqueue_indirect_dma source(%dma_start3A_1566 : memref<4000x256xi32, #tpu.memory_space<hbm>>) target(%dma_start3A_1560 : memref<128x256xi32, #tpu.memory_space<vmem>>) offsets(%dma_start3A_1563 : memref<128xi32, #tpu.memory_space<vmem>>) semaphore(%arg11 : memref<!tpu.dma_semaphore, #tpu.memory_space<semaphore_mem>>)
    %dma_wait3A_1567 = arith.constant 1 : i32
    %dma_wait3A_1568 = arith.constant 1 : i32
    %dma_wait3A_1569 = arith.constant 0 : i32
    %dma_wait3A_1570 = arith.constant 0 : i32
    %dma_wait3A_1571 = tpu.memref_slice %arg10[%dma_wait3A_1568, %dma_wait3A_1569, %dma_wait3A_1570] : memref<2x128x256xi32, #tpu.memory_space<vmem>> -> memref<1x128x256xi32, #tpu.memory_space<vmem>>
    %dma_wait3A_1572 = tpu.memref_squeeze %dma_wait3A_1571 : memref<1x128x256xi32, #tpu.memory_space<vmem>> -> memref<128x256xi32, #tpu.memory_space<vmem>>
    %dma_wait3A_1573 = arith.constant 0 : i32
    %dma_wait3A_1574 = tpu.memref_slice %arg9[%dma_wait3A_1567, %dma_wait3A_1573] : memref<2x128xi32, #tpu.memory_space<vmem>> -> memref<1x128xi32, #tpu.memory_space<vmem>>
    %dma_wait3A_1575 = tpu.memref_squeeze %dma_wait3A_1574 : memref<1x128xi32, #tpu.memory_space<vmem>> -> memref<128xi32, #tpu.memory_space<vmem>>
    %dma_wait3A_1576 = arith.constant 0 : i32
    %dma_wait3A_1577 = arith.constant 0 : i32
    %dma_wait3A_1578 = tpu.memref_slice %arg2[%dma_wait3A_1576, %dma_wait3A_1577] : memref<4000x256xi32, #tpu.memory_space<hbm>> -> memref<4000x256xi32, #tpu.memory_space<hbm>>
    tpu.wait_indirect_dma semaphore(%arg12 : memref<!tpu.dma_semaphore, #tpu.memory_space<semaphore_mem>>) src(%dma_wait3A_1578 : memref<4000x256xi32, #tpu.memory_space<hbm>>) dst(%dma_wait3A_1572 : memref<128x256xi32, #tpu.memory_space<vmem>>)
    %add3A_1579 = arith.constant 384 : i32
    %add3A_1580 = arith.addi %mul3A_2, %add3A_1579 : i32
    %run_scoped3A_1581 = arith.constant 1 : i32
    "tpu.region"() ({
      %run_scoped3A_1966 = tpu.sem_alloc : memref<!tpu.dma_semaphore, #tpu.memory_space<semaphore_mem>>
      %dma_start3A_1967 = arith.constant 0 : i32
      %dma_start3A_1968 = arith.constant 0 : i32
      %dma_start3A_1969 = tpu.memref_slice %arg10[%run_scoped3A_1581, %dma_start3A_1967, %dma_start3A_1968] : memref<2x128x256xi32, #tpu.memory_space<vmem>> -> memref<1x128x256xi32, #tpu.memory_space<vmem>>
      %dma_start3A_1970 = tpu.memref_squeeze %dma_start3A_1969 : memref<1x128x256xi32, #tpu.memory_space<vmem>> -> memref<128x256xi32, #tpu.memory_space<vmem>>
      %dma_start3A_1971 = arith.constant 0 : i32
      %dma_start3A_1972 = tpu.memref_slice %arg6[%add3A_1580, %dma_start3A_1971] : memref<16384x256xi32, #tpu.memory_space<hbm>> -> memref<128x256xi32, #tpu.memory_space<hbm>>
      %dma_start3A_1973 = arith.constant 0 : i32
      %dma_start3A_1974 = tpu.memref_slice %arg6[%add3A_1580, %dma_start3A_1973] : memref<16384x256xi32, #tpu.memory_space<hbm>> -> memref<128x256xi32, #tpu.memory_space<hbm>>
      %dma_start3A_1975 = arith.constant 0 : i32
      %dma_start3A_1976 = arith.constant 0 : i32
      %dma_start3A_1977 = tpu.memref_slice %arg10[%run_scoped3A_1581, %dma_start3A_1975, %dma_start3A_1976] : memref<2x128x256xi32, #tpu.memory_space<vmem>> -> memref<1x128x256xi32, #tpu.memory_space<vmem>>
      %dma_start3A_1978 = tpu.memref_squeeze %dma_start3A_1977 : memref<1x128x256xi32, #tpu.memory_space<vmem>> -> memref<128x256xi32, #tpu.memory_space<vmem>>
      tpu.enqueue_dma source(%dma_start3A_1978 : memref<128x256xi32, #tpu.memory_space<vmem>>) target(%dma_start3A_1974 : memref<128x256xi32, #tpu.memory_space<hbm>>) target_semaphore(%run_scoped3A_1966 : memref<!tpu.dma_semaphore, #tpu.memory_space<semaphore_mem>>)
      %dma_wait3A_1979 = arith.constant 0 : i32
      %dma_wait3A_1980 = arith.constant 0 : i32
      %dma_wait3A_1981 = tpu.memref_slice %arg10[%run_scoped3A_1581, %dma_wait3A_1979, %dma_wait3A_1980] : memref<2x128x256xi32, #tpu.memory_space<vmem>> -> memref<1x128x256xi32, #tpu.memory_space<vmem>>
      %dma_wait3A_1982 = tpu.memref_squeeze %dma_wait3A_1981 : memref<1x128x256xi32, #tpu.memory_space<vmem>> -> memref<128x256xi32, #tpu.memory_space<vmem>>
      %dma_wait3A_1983 = arith.constant 0 : i32
      %dma_wait3A_1984 = tpu.memref_slice %arg6[%add3A_1580, %dma_wait3A_1983] : memref<16384x256xi32, #tpu.memory_space<hbm>> -> memref<128x256xi32, #tpu.memory_space<hbm>>
      %dma_wait3A_1985 = arith.constant 0 : i32
      %dma_wait3A_1986 = tpu.memref_slice %arg6[%add3A_1580, %dma_wait3A_1985] : memref<16384x256xi32, #tpu.memory_space<hbm>> -> memref<128x256xi32, #tpu.memory_space<hbm>>
      %dma_wait3A_1987 = arith.constant 0 : i32
      %dma_wait3A_1988 = arith.constant 0 : i32
      %dma_wait3A_1989 = tpu.memref_slice %arg10[%run_scoped3A_1581, %dma_wait3A_1987, %dma_wait3A_1988] : memref<2x128x256xi32, #tpu.memory_space<vmem>> -> memref<1x128x256xi32, #tpu.memory_space<vmem>>
      %dma_wait3A_1990 = tpu.memref_squeeze %dma_wait3A_1989 : memref<1x128x256xi32, #tpu.memory_space<vmem>> -> memref<128x256xi32, #tpu.memory_space<vmem>>
      tpu.wait_dma2 semaphore(%run_scoped3A_1966 : memref<!tpu.dma_semaphore, #tpu.memory_space<semaphore_mem>>) src(%dma_wait3A_1990 : memref<128x256xi32, #tpu.memory_space<vmem>>) dst(%dma_wait3A_1986 : memref<128x256xi32, #tpu.memory_space<hbm>>)
      tpu.yield
    }) : () -> ()
    %get3A_1582 = arith.constant 128 : index
    %get3A_1583 = tpu.vector_load %arg8[%get3A_1582] {strides = array<i32>} : memref<512xi32, #tpu.memory_space<vmem>>, vector<16xi32>,
    %get3A_1584 = vector.shape_cast %get3A_1583 : vector<16xi32> to vector<16xi32>
    %add3A_1585 = arith.constant 3000 : i32
    %add3A_1586 = vector.broadcast %add3A_1585 : i32 to vector<16xi32>
    %add3A_1587 = arith.addi %get3A_1584, %add3A_1586 : vector<16xi32>
    %swap3A_1588 = arith.constant 1 : i32
    %swap3A_1589 = arith.index_cast %swap3A_1588 : i32 to index
    %swap3A_1590 = arith.constant 0 : index
    %swap3A_1591 = tpu.vector_load %arg9[%swap3A_1589, %swap3A_1590] {strides = array<i32>} : memref<2x128xi32, #tpu.memory_space<vmem>>, vector<1x16xi32>,
    %swap3A_1592 = vector.shape_cast %swap3A_1591 : vector<1x16xi32> to vector<16xi32>
    %swap3A_1593 = vector.shape_cast %add3A_1587 : vector<16xi32> to vector<1x16xi32>
    tpu.vector_store %arg9[%swap3A_1589, %swap3A_1590], %swap3A_1593 {strides = array<i32>} : memref<2x128xi32, #tpu.memory_space<vmem>>, vector<1x16xi32>,
    %get3A_1594 = arith.constant 144 : index
    %get3A_1595 = tpu.vector_load %arg8[%get3A_1594] {strides = array<i32>} : memref<512xi32, #tpu.memory_space<vmem>>, vector<16xi32>,
    %get3A_1596 = vector.shape_cast %get3A_1595 : vector<16xi32> to vector<16xi32>
    %add3A_1597 = arith.constant 3000 : i32
    %add3A_1598 = vector.broadcast %add3A_1597 : i32 to vector<16xi32>
    %add3A_1599 = arith.addi %get3A_1596, %add3A_1598 : vector<16xi32>
    %swap3A_1600 = arith.constant 1 : i32
    %swap3A_1601 = arith.index_cast %swap3A_1600 : i32 to index
    %swap3A_1602 = arith.constant 16 : index
    %swap3A_1603 = tpu.vector_load %arg9[%swap3A_1601, %swap3A_1602] {strides = array<i32>} : memref<2x128xi32, #tpu.memory_space<vmem>>, vector<1x16xi32>,
    %swap3A_1604 = vector.shape_cast %swap3A_1603 : vector<1x16xi32> to vector<16xi32>
    %swap3A_1605 = vector.shape_cast %add3A_1599 : vector<16xi32> to vector<1x16xi32>
    tpu.vector_store %arg9[%swap3A_1601, %swap3A_1602], %swap3A_1605 {strides = array<i32>} : memref<2x128xi32, #tpu.memory_space<vmem>>, vector<1x16xi32>,
    %get3A_1606 = arith.constant 160 : index
    %get3A_1607 = tpu.vector_load %arg8[%get3A_1606] {strides = array<i32>} : memref<512xi32, #tpu.memory_space<vmem>>, vector<16xi32>,
    %get3A_1608 = vector.shape_cast %get3A_1607 : vector<16xi32> to vector<16xi32>
    %add3A_1609 = arith.constant 3000 : i32
    %add3A_1610 = vector.broadcast %add3A_1609 : i32 to vector<16xi32>
    %add3A_1611 = arith.addi %get3A_1608, %add3A_1610 : vector<16xi32>
    %swap3A_1612 = arith.constant 1 : i32
    %swap3A_1613 = arith.index_cast %swap3A_1612 : i32 to index
    %swap3A_1614 = arith.constant 32 : index
    %swap3A_1615 = tpu.vector_load %arg9[%swap3A_1613, %swap3A_1614] {strides = array<i32>} : memref<2x128xi32, #tpu.memory_space<vmem>>, vector<1x16xi32>,
    %swap3A_1616 = vector.shape_cast %swap3A_1615 : vector<1x16xi32> to vector<16xi32>
    %swap3A_1617 = vector.shape_cast %add3A_1611 : vector<16xi32> to vector<1x16xi32>
    tpu.vector_store %arg9[%swap3A_1613, %swap3A_1614], %swap3A_1617 {strides = array<i32>} : memref<2x128xi32, #tpu.memory_space<vmem>>, vector<1x16xi32>,
    %get3A_1618 = arith.constant 176 : index
    %get3A_1619 = tpu.vector_load %arg8[%get3A_1618] {strides = array<i32>} : memref<512xi32, #tpu.memory_space<vmem>>, vector<16xi32>,
    %get3A_1620 = vector.shape_cast %get3A_1619 : vector<16xi32> to vector<16xi32>
    %add3A_1621 = arith.constant 3000 : i32
    %add3A_1622 = vector.broadcast %add3A_1621 : i32 to vector<16xi32>
    %add3A_1623 = arith.addi %get3A_1620, %add3A_1622 : vector<16xi32>
    %swap3A_1624 = arith.constant 1 : i32
    %swap3A_1625 = arith.index_cast %swap3A_1624 : i32 to index
    %swap3A_1626 = arith.constant 48 : index
    %swap3A_1627 = tpu.vector_load %arg9[%swap3A_1625, %swap3A_1626] {strides = array<i32>} : memref<2x128xi32, #tpu.memory_space<vmem>>, vector<1x16xi32>,
    %swap3A_1628 = vector.shape_cast %swap3A_1627 : vector<1x16xi32> to vector<16xi32>
    %swap3A_1629 = vector.shape_cast %add3A_1623 : vector<16xi32> to vector<1x16xi32>
    tpu.vector_store %arg9[%swap3A_1625, %swap3A_1626], %swap3A_1629 {strides = array<i32>} : memref<2x128xi32, #tpu.memory_space<vmem>>, vector<1x16xi32>,
    %get3A_1630 = arith.constant 192 : index
    %get3A_1631 = tpu.vector_load %arg8[%get3A_1630] {strides = array<i32>} : memref<512xi32, #tpu.memory_space<vmem>>, vector<16xi32>,
    %get3A_1632 = vector.shape_cast %get3A_1631 : vector<16xi32> to vector<16xi32>
    %add3A_1633 = arith.constant 3000 : i32
    %add3A_1634 = vector.broadcast %add3A_1633 : i32 to vector<16xi32>
    %add3A_1635 = arith.addi %get3A_1632, %add3A_1634 : vector<16xi32>
    %swap3A_1636 = arith.constant 1 : i32
    %swap3A_1637 = arith.index_cast %swap3A_1636 : i32 to index
    %swap3A_1638 = arith.constant 64 : index
    %swap3A_1639 = tpu.vector_load %arg9[%swap3A_1637, %swap3A_1638] {strides = array<i32>} : memref<2x128xi32, #tpu.memory_space<vmem>>, vector<1x16xi32>,
    %swap3A_1640 = vector.shape_cast %swap3A_1639 : vector<1x16xi32> to vector<16xi32>
    %swap3A_1641 = vector.shape_cast %add3A_1635 : vector<16xi32> to vector<1x16xi32>
    tpu.vector_store %arg9[%swap3A_1637, %swap3A_1638], %swap3A_1641 {strides = array<i32>} : memref<2x128xi32, #tpu.memory_space<vmem>>, vector<1x16xi32>,
    %get3A_1642 = arith.constant 208 : index
    %get3A_1643 = tpu.vector_load %arg8[%get3A_1642] {strides = array<i32>} : memref<512xi32, #tpu.memory_space<vmem>>, vector<16xi32>,
    %get3A_1644 = vector.shape_cast %get3A_1643 : vector<16xi32> to vector<16xi32>
    %add3A_1645 = arith.constant 3000 : i32
    %add3A_1646 = vector.broadcast %add3A_1645 : i32 to vector<16xi32>
    %add3A_1647 = arith.addi %get3A_1644, %add3A_1646 : vector<16xi32>
    %swap3A_1648 = arith.constant 1 : i32
    %swap3A_1649 = arith.index_cast %swap3A_1648 : i32 to index
    %swap3A_1650 = arith.constant 80 : index
    %swap3A_1651 = tpu.vector_load %arg9[%swap3A_1649, %swap3A_1650] {strides = array<i32>} : memref<2x128xi32, #tpu.memory_space<vmem>>, vector<1x16xi32>,
    %swap3A_1652 = vector.shape_cast %swap3A_1651 : vector<1x16xi32> to vector<16xi32>
    %swap3A_1653 = vector.shape_cast %add3A_1647 : vector<16xi32> to vector<1x16xi32>
    tpu.vector_store %arg9[%swap3A_1649, %swap3A_1650], %swap3A_1653 {strides = array<i32>} : memref<2x128xi32, #tpu.memory_space<vmem>>, vector<1x16xi32>,
    %get3A_1654 = arith.constant 224 : index
    %get3A_1655 = tpu.vector_load %arg8[%get3A_1654] {strides = array<i32>} : memref<512xi32, #tpu.memory_space<vmem>>, vector<16xi32>,
    %get3A_1656 = vector.shape_cast %get3A_1655 : vector<16xi32> to vector<16xi32>
    %add3A_1657 = arith.constant 3000 : i32
    %add3A_1658 = vector.broadcast %add3A_1657 : i32 to vector<16xi32>
    %add3A_1659 = arith.addi %get3A_1656, %add3A_1658 : vector<16xi32>
    %swap3A_1660 = arith.constant 1 : i32
    %swap3A_1661 = arith.index_cast %swap3A_1660 : i32 to index
    %swap3A_1662 = arith.constant 96 : index
    %swap3A_1663 = tpu.vector_load %arg9[%swap3A_1661, %swap3A_1662] {strides = array<i32>} : memref<2x128xi32, #tpu.memory_space<vmem>>, vector<1x16xi32>,
    %swap3A_1664 = vector.shape_cast %swap3A_1663 : vector<1x16xi32> to vector<16xi32>
    %swap3A_1665 = vector.shape_cast %add3A_1659 : vector<16xi32> to vector<1x16xi32>
    tpu.vector_store %arg9[%swap3A_1661, %swap3A_1662], %swap3A_1665 {strides = array<i32>} : memref<2x128xi32, #tpu.memory_space<vmem>>, vector<1x16xi32>,
    %get3A_1666 = arith.constant 240 : index
    %get3A_1667 = tpu.vector_load %arg8[%get3A_1666] {strides = array<i32>} : memref<512xi32, #tpu.memory_space<vmem>>, vector<16xi32>,
    %get3A_1668 = vector.shape_cast %get3A_1667 : vector<16xi32> to vector<16xi32>
    %add3A_1669 = arith.constant 3000 : i32
    %add3A_1670 = vector.broadcast %add3A_1669 : i32 to vector<16xi32>
    %add3A_1671 = arith.addi %get3A_1668, %add3A_1670 : vector<16xi32>
    %swap3A_1672 = arith.constant 1 : i32
    %swap3A_1673 = arith.index_cast %swap3A_1672 : i32 to index
    %swap3A_1674 = arith.constant 112 : index
    %swap3A_1675 = tpu.vector_load %arg9[%swap3A_1673, %swap3A_1674] {strides = array<i32>} : memref<2x128xi32, #tpu.memory_space<vmem>>, vector<1x16xi32>,
    %swap3A_1676 = vector.shape_cast %swap3A_1675 : vector<1x16xi32> to vector<16xi32>
    %swap3A_1677 = vector.shape_cast %add3A_1671 : vector<16xi32> to vector<1x16xi32>
    tpu.vector_store %arg9[%swap3A_1673, %swap3A_1674], %swap3A_1677 {strides = array<i32>} : memref<2x128xi32, #tpu.memory_space<vmem>>, vector<1x16xi32>,
    %dma_start3A_1678 = arith.constant 1 : i32
    %dma_start3A_1679 = arith.constant 1 : i32
    %dma_start3A_1680 = arith.constant 0 : i32
    %dma_start3A_1681 = arith.constant 0 : i32
    %dma_start3A_1682 = tpu.memref_slice %arg10[%dma_start3A_1679, %dma_start3A_1680, %dma_start3A_1681] : memref<2x128x256xi32, #tpu.memory_space<vmem>> -> memref<1x128x256xi32, #tpu.memory_space<vmem>>
    %dma_start3A_1683 = tpu.memref_squeeze %dma_start3A_1682 : memref<1x128x256xi32, #tpu.memory_space<vmem>> -> memref<128x256xi32, #tpu.memory_space<vmem>>
    %dma_start3A_1684 = arith.constant 0 : i32
    %dma_start3A_1685 = tpu.memref_slice %arg9[%dma_start3A_1678, %dma_start3A_1684] : memref<2x128xi32, #tpu.memory_space<vmem>> -> memref<1x128xi32, #tpu.memory_space<vmem>>
    %dma_start3A_1686 = tpu.memref_squeeze %dma_start3A_1685 : memref<1x128xi32, #tpu.memory_space<vmem>> -> memref<128xi32, #tpu.memory_space<vmem>>
    %dma_start3A_1687 = arith.constant 0 : i32
    %dma_start3A_1688 = arith.constant 0 : i32
    %dma_start3A_1689 = tpu.memref_slice %arg2[%dma_start3A_1687, %dma_start3A_1688] : memref<4000x256xi32, #tpu.memory_space<hbm>> -> memref<4000x256xi32, #tpu.memory_space<hbm>>
    tpu.enqueue_indirect_dma source(%dma_start3A_1689 : memref<4000x256xi32, #tpu.memory_space<hbm>>) target(%dma_start3A_1683 : memref<128x256xi32, #tpu.memory_space<vmem>>) offsets(%dma_start3A_1686 : memref<128xi32, #tpu.memory_space<vmem>>) semaphore(%arg12 : memref<!tpu.dma_semaphore, #tpu.memory_space<semaphore_mem>>)
    %dma_wait3A_1690 = arith.constant 0 : i32
    %dma_wait3A_1691 = arith.constant 0 : i32
    %dma_wait3A_1692 = arith.constant 0 : i32
    %dma_wait3A_1693 = arith.constant 0 : i32
    %dma_wait3A_1694 = tpu.memref_slice %arg10[%dma_wait3A_1691, %dma_wait3A_1692, %dma_wait3A_1693] : memref<2x128x256xi32, #tpu.memory_space<vmem>> -> memref<1x128x256xi32, #tpu.memory_space<vmem>>
    %dma_wait3A_1695 = tpu.memref_squeeze %dma_wait3A_1694 : memref<1x128x256xi32, #tpu.memory_space<vmem>> -> memref<128x256xi32, #tpu.memory_space<vmem>>
    %dma_wait3A_1696 = arith.constant 0 : i32
    %dma_wait3A_1697 = tpu.memref_slice %arg9[%dma_wait3A_1690, %dma_wait3A_1696] : memref<2x128xi32, #tpu.memory_space<vmem>> -> memref<1x128xi32, #tpu.memory_space<vmem>>
    %dma_wait3A_1698 = tpu.memref_squeeze %dma_wait3A_1697 : memref<1x128xi32, #tpu.memory_space<vmem>> -> memref<128xi32, #tpu.memory_space<vmem>>
    %dma_wait3A_1699 = arith.constant 0 : i32
    %dma_wait3A_1700 = arith.constant 0 : i32
    %dma_wait3A_1701 = tpu.memref_slice %arg2[%dma_wait3A_1699, %dma_wait3A_1700] : memref<4000x256xi32, #tpu.memory_space<hbm>> -> memref<4000x256xi32, #tpu.memory_space<hbm>>
    tpu.wait_indirect_dma semaphore(%arg11 : memref<!tpu.dma_semaphore, #tpu.memory_space<semaphore_mem>>) src(%dma_wait3A_1701 : memref<4000x256xi32, #tpu.memory_space<hbm>>) dst(%dma_wait3A_1695 : memref<128x256xi32, #tpu.memory_space<vmem>>)
    %add3A_1702 = arith.constant 0 : i32
    %add3A_1703 = arith.addi %mul3A_2, %add3A_1702 : i32
    %run_scoped3A_1704 = arith.constant 0 : i32
    "tpu.region"() ({
      %run_scoped3A_1966 = tpu.sem_alloc : memref<!tpu.dma_semaphore, #tpu.memory_space<semaphore_mem>>
      %dma_start3A_1967 = arith.constant 0 : i32
      %dma_start3A_1968 = arith.constant 0 : i32
      %dma_start3A_1969 = tpu.memref_slice %arg10[%run_scoped3A_1704, %dma_start3A_1967, %dma_start3A_1968] : memref<2x128x256xi32, #tpu.memory_space<vmem>> -> memref<1x128x256xi32, #tpu.memory_space<vmem>>
      %dma_start3A_1970 = tpu.memref_squeeze %dma_start3A_1969 : memref<1x128x256xi32, #tpu.memory_space<vmem>> -> memref<128x256xi32, #tpu.memory_space<vmem>>
      %dma_start3A_1971 = arith.constant 0 : i32
      %dma_start3A_1972 = tpu.memref_slice %arg7[%add3A_1703, %dma_start3A_1971] : memref<16384x256xi32, #tpu.memory_space<hbm>> -> memref<128x256xi32, #tpu.memory_space<hbm>>
      %dma_start3A_1973 = arith.constant 0 : i32
      %dma_start3A_1974 = tpu.memref_slice %arg7[%add3A_1703, %dma_start3A_1973] : memref<16384x256xi32, #tpu.memory_space<hbm>> -> memref<128x256xi32, #tpu.memory_space<hbm>>
      %dma_start3A_1975 = arith.constant 0 : i32
      %dma_start3A_1976 = arith.constant 0 : i32
      %dma_start3A_1977 = tpu.memref_slice %arg10[%run_scoped3A_1704, %dma_start3A_1975, %dma_start3A_1976] : memref<2x128x256xi32, #tpu.memory_space<vmem>> -> memref<1x128x256xi32, #tpu.memory_space<vmem>>
      %dma_start3A_1978 = tpu.memref_squeeze %dma_start3A_1977 : memref<1x128x256xi32, #tpu.memory_space<vmem>> -> memref<128x256xi32, #tpu.memory_space<vmem>>
      tpu.enqueue_dma source(%dma_start3A_1978 : memref<128x256xi32, #tpu.memory_space<vmem>>) target(%dma_start3A_1974 : memref<128x256xi32, #tpu.memory_space<hbm>>) target_semaphore(%run_scoped3A_1966 : memref<!tpu.dma_semaphore, #tpu.memory_space<semaphore_mem>>)
      %dma_wait3A_1979 = arith.constant 0 : i32
      %dma_wait3A_1980 = arith.constant 0 : i32
      %dma_wait3A_1981 = tpu.memref_slice %arg10[%run_scoped3A_1704, %dma_wait3A_1979, %dma_wait3A_1980] : memref<2x128x256xi32, #tpu.memory_space<vmem>> -> memref<1x128x256xi32, #tpu.memory_space<vmem>>
      %dma_wait3A_1982 = tpu.memref_squeeze %dma_wait3A_1981 : memref<1x128x256xi32, #tpu.memory_space<vmem>> -> memref<128x256xi32, #tpu.memory_space<vmem>>
      %dma_wait3A_1983 = arith.constant 0 : i32
      %dma_wait3A_1984 = tpu.memref_slice %arg7[%add3A_1703, %dma_wait3A_1983] : memref<16384x256xi32, #tpu.memory_space<hbm>> -> memref<128x256xi32, #tpu.memory_space<hbm>>
      %dma_wait3A_1985 = arith.constant 0 : i32
      %dma_wait3A_1986 = tpu.memref_slice %arg7[%add3A_1703, %dma_wait3A_1985] : memref<16384x256xi32, #tpu.memory_space<hbm>> -> memref<128x256xi32, #tpu.memory_space<hbm>>
      %dma_wait3A_1987 = arith.constant 0 : i32
      %dma_wait3A_1988 = arith.constant 0 : i32
      %dma_wait3A_1989 = tpu.memref_slice %arg10[%run_scoped3A_1704, %dma_wait3A_1987, %dma_wait3A_1988] : memref<2x128x256xi32, #tpu.memory_space<vmem>> -> memref<1x128x256xi32, #tpu.memory_space<vmem>>
      %dma_wait3A_1990 = tpu.memref_squeeze %dma_wait3A_1989 : memref<1x128x256xi32, #tpu.memory_space<vmem>> -> memref<128x256xi32, #tpu.memory_space<vmem>>
      tpu.wait_dma2 semaphore(%run_scoped3A_1966 : memref<!tpu.dma_semaphore, #tpu.memory_space<semaphore_mem>>) src(%dma_wait3A_1990 : memref<128x256xi32, #tpu.memory_space<vmem>>) dst(%dma_wait3A_1986 : memref<128x256xi32, #tpu.memory_space<hbm>>)
      tpu.yield
    }) : () -> ()
    %get3A_1705 = arith.constant 256 : index
    %get3A_1706 = tpu.vector_load %arg8[%get3A_1705] {strides = array<i32>} : memref<512xi32, #tpu.memory_space<vmem>>, vector<16xi32>,
    %get3A_1707 = vector.shape_cast %get3A_1706 : vector<16xi32> to vector<16xi32>
    %add3A_1708 = arith.constant 3000 : i32
    %add3A_1709 = vector.broadcast %add3A_1708 : i32 to vector<16xi32>
    %add3A_1710 = arith.addi %get3A_1707, %add3A_1709 : vector<16xi32>
    %swap3A_1711 = arith.constant 0 : i32
    %swap3A_1712 = arith.index_cast %swap3A_1711 : i32 to index
    %swap3A_1713 = arith.constant 0 : index
    %swap3A_1714 = tpu.vector_load %arg9[%swap3A_1712, %swap3A_1713] {strides = array<i32>} : memref<2x128xi32, #tpu.memory_space<vmem>>, vector<1x16xi32>,
    %swap3A_1715 = vector.shape_cast %swap3A_1714 : vector<1x16xi32> to vector<16xi32>
    %swap3A_1716 = vector.shape_cast %add3A_1710 : vector<16xi32> to vector<1x16xi32>
    tpu.vector_store %arg9[%swap3A_1712, %swap3A_1713], %swap3A_1716 {strides = array<i32>} : memref<2x128xi32, #tpu.memory_space<vmem>>, vector<1x16xi32>,
    %get3A_1717 = arith.constant 272 : index
    %get3A_1718 = tpu.vector_load %arg8[%get3A_1717] {strides = array<i32>} : memref<512xi32, #tpu.memory_space<vmem>>, vector<16xi32>,
    %get3A_1719 = vector.shape_cast %get3A_1718 : vector<16xi32> to vector<16xi32>
    %add3A_1720 = arith.constant 3000 : i32
    %add3A_1721 = vector.broadcast %add3A_1720 : i32 to vector<16xi32>
    %add3A_1722 = arith.addi %get3A_1719, %add3A_1721 : vector<16xi32>
    %swap3A_1723 = arith.constant 0 : i32
    %swap3A_1724 = arith.index_cast %swap3A_1723 : i32 to index
    %swap3A_1725 = arith.constant 16 : index
    %swap3A_1726 = tpu.vector_load %arg9[%swap3A_1724, %swap3A_1725] {strides = array<i32>} : memref<2x128xi32, #tpu.memory_space<vmem>>, vector<1x16xi32>,
    %swap3A_1727 = vector.shape_cast %swap3A_1726 : vector<1x16xi32> to vector<16xi32>
    %swap3A_1728 = vector.shape_cast %add3A_1722 : vector<16xi32> to vector<1x16xi32>
    tpu.vector_store %arg9[%swap3A_1724, %swap3A_1725], %swap3A_1728 {strides = array<i32>} : memref<2x128xi32, #tpu.memory_space<vmem>>, vector<1x16xi32>,
    %get3A_1729 = arith.constant 288 : index
    %get3A_1730 = tpu.vector_load %arg8[%get3A_1729] {strides = array<i32>} : memref<512xi32, #tpu.memory_space<vmem>>, vector<16xi32>,
    %get3A_1731 = vector.shape_cast %get3A_1730 : vector<16xi32> to vector<16xi32>
    %add3A_1732 = arith.constant 3000 : i32
    %add3A_1733 = vector.broadcast %add3A_1732 : i32 to vector<16xi32>
    %add3A_1734 = arith.addi %get3A_1731, %add3A_1733 : vector<16xi32>
    %swap3A_1735 = arith.constant 0 : i32
    %swap3A_1736 = arith.index_cast %swap3A_1735 : i32 to index
    %swap3A_1737 = arith.constant 32 : index
    %swap3A_1738 = tpu.vector_load %arg9[%swap3A_1736, %swap3A_1737] {strides = array<i32>} : memref<2x128xi32, #tpu.memory_space<vmem>>, vector<1x16xi32>,
    %swap3A_1739 = vector.shape_cast %swap3A_1738 : vector<1x16xi32> to vector<16xi32>
    %swap3A_1740 = vector.shape_cast %add3A_1734 : vector<16xi32> to vector<1x16xi32>
    tpu.vector_store %arg9[%swap3A_1736, %swap3A_1737], %swap3A_1740 {strides = array<i32>} : memref<2x128xi32, #tpu.memory_space<vmem>>, vector<1x16xi32>,
    %get3A_1741 = arith.constant 304 : index
    %get3A_1742 = tpu.vector_load %arg8[%get3A_1741] {strides = array<i32>} : memref<512xi32, #tpu.memory_space<vmem>>, vector<16xi32>,
    %get3A_1743 = vector.shape_cast %get3A_1742 : vector<16xi32> to vector<16xi32>
    %add3A_1744 = arith.constant 3000 : i32
    %add3A_1745 = vector.broadcast %add3A_1744 : i32 to vector<16xi32>
    %add3A_1746 = arith.addi %get3A_1743, %add3A_1745 : vector<16xi32>
    %swap3A_1747 = arith.constant 0 : i32
    %swap3A_1748 = arith.index_cast %swap3A_1747 : i32 to index
    %swap3A_1749 = arith.constant 48 : index
    %swap3A_1750 = tpu.vector_load %arg9[%swap3A_1748, %swap3A_1749] {strides = array<i32>} : memref<2x128xi32, #tpu.memory_space<vmem>>, vector<1x16xi32>,
    %swap3A_1751 = vector.shape_cast %swap3A_1750 : vector<1x16xi32> to vector<16xi32>
    %swap3A_1752 = vector.shape_cast %add3A_1746 : vector<16xi32> to vector<1x16xi32>
    tpu.vector_store %arg9[%swap3A_1748, %swap3A_1749], %swap3A_1752 {strides = array<i32>} : memref<2x128xi32, #tpu.memory_space<vmem>>, vector<1x16xi32>,
    %get3A_1753 = arith.constant 320 : index
    %get3A_1754 = tpu.vector_load %arg8[%get3A_1753] {strides = array<i32>} : memref<512xi32, #tpu.memory_space<vmem>>, vector<16xi32>,
    %get3A_1755 = vector.shape_cast %get3A_1754 : vector<16xi32> to vector<16xi32>
    %add3A_1756 = arith.constant 3000 : i32
    %add3A_1757 = vector.broadcast %add3A_1756 : i32 to vector<16xi32>
    %add3A_1758 = arith.addi %get3A_1755, %add3A_1757 : vector<16xi32>
    %swap3A_1759 = arith.constant 0 : i32
    %swap3A_1760 = arith.index_cast %swap3A_1759 : i32 to index
    %swap3A_1761 = arith.constant 64 : index
    %swap3A_1762 = tpu.vector_load %arg9[%swap3A_1760, %swap3A_1761] {strides = array<i32>} : memref<2x128xi32, #tpu.memory_space<vmem>>, vector<1x16xi32>,
    %swap3A_1763 = vector.shape_cast %swap3A_1762 : vector<1x16xi32> to vector<16xi32>
    %swap3A_1764 = vector.shape_cast %add3A_1758 : vector<16xi32> to vector<1x16xi32>
    tpu.vector_store %arg9[%swap3A_1760, %swap3A_1761], %swap3A_1764 {strides = array<i32>} : memref<2x128xi32, #tpu.memory_space<vmem>>, vector<1x16xi32>,
    %get3A_1765 = arith.constant 336 : index
    %get3A_1766 = tpu.vector_load %arg8[%get3A_1765] {strides = array<i32>} : memref<512xi32, #tpu.memory_space<vmem>>, vector<16xi32>,
    %get3A_1767 = vector.shape_cast %get3A_1766 : vector<16xi32> to vector<16xi32>
    %add3A_1768 = arith.constant 3000 : i32
    %add3A_1769 = vector.broadcast %add3A_1768 : i32 to vector<16xi32>
    %add3A_1770 = arith.addi %get3A_1767, %add3A_1769 : vector<16xi32>
    %swap3A_1771 = arith.constant 0 : i32
    %swap3A_1772 = arith.index_cast %swap3A_1771 : i32 to index
    %swap3A_1773 = arith.constant 80 : index
    %swap3A_1774 = tpu.vector_load %arg9[%swap3A_1772, %swap3A_1773] {strides = array<i32>} : memref<2x128xi32, #tpu.memory_space<vmem>>, vector<1x16xi32>,
    %swap3A_1775 = vector.shape_cast %swap3A_1774 : vector<1x16xi32> to vector<16xi32>
    %swap3A_1776 = vector.shape_cast %add3A_1770 : vector<16xi32> to vector<1x16xi32>
    tpu.vector_store %arg9[%swap3A_1772, %swap3A_1773], %swap3A_1776 {strides = array<i32>} : memref<2x128xi32, #tpu.memory_space<vmem>>, vector<1x16xi32>,
    %get3A_1777 = arith.constant 352 : index
    %get3A_1778 = tpu.vector_load %arg8[%get3A_1777] {strides = array<i32>} : memref<512xi32, #tpu.memory_space<vmem>>, vector<16xi32>,
    %get3A_1779 = vector.shape_cast %get3A_1778 : vector<16xi32> to vector<16xi32>
    %add3A_1780 = arith.constant 3000 : i32
    %add3A_1781 = vector.broadcast %add3A_1780 : i32 to vector<16xi32>
    %add3A_1782 = arith.addi %get3A_1779, %add3A_1781 : vector<16xi32>
    %swap3A_1783 = arith.constant 0 : i32
    %swap3A_1784 = arith.index_cast %swap3A_1783 : i32 to index
    %swap3A_1785 = arith.constant 96 : index
    %swap3A_1786 = tpu.vector_load %arg9[%swap3A_1784, %swap3A_1785] {strides = array<i32>} : memref<2x128xi32, #tpu.memory_space<vmem>>, vector<1x16xi32>,
    %swap3A_1787 = vector.shape_cast %swap3A_1786 : vector<1x16xi32> to vector<16xi32>
    %swap3A_1788 = vector.shape_cast %add3A_1782 : vector<16xi32> to vector<1x16xi32>
    tpu.vector_store %arg9[%swap3A_1784, %swap3A_1785], %swap3A_1788 {strides = array<i32>} : memref<2x128xi32, #tpu.memory_space<vmem>>, vector<1x16xi32>,
    %get3A_1789 = arith.constant 368 : index
    %get3A_1790 = tpu.vector_load %arg8[%get3A_1789] {strides = array<i32>} : memref<512xi32, #tpu.memory_space<vmem>>, vector<16xi32>,
    %get3A_1791 = vector.shape_cast %get3A_1790 : vector<16xi32> to vector<16xi32>
    %add3A_1792 = arith.constant 3000 : i32
    %add3A_1793 = vector.broadcast %add3A_1792 : i32 to vector<16xi32>
    %add3A_1794 = arith.addi %get3A_1791, %add3A_1793 : vector<16xi32>
    %swap3A_1795 = arith.constant 0 : i32
    %swap3A_1796 = arith.index_cast %swap3A_1795 : i32 to index
    %swap3A_1797 = arith.constant 112 : index
    %swap3A_1798 = tpu.vector_load %arg9[%swap3A_1796, %swap3A_1797] {strides = array<i32>} : memref<2x128xi32, #tpu.memory_space<vmem>>, vector<1x16xi32>,
    %swap3A_1799 = vector.shape_cast %swap3A_1798 : vector<1x16xi32> to vector<16xi32>
    %swap3A_1800 = vector.shape_cast %add3A_1794 : vector<16xi32> to vector<1x16xi32>
    tpu.vector_store %arg9[%swap3A_1796, %swap3A_1797], %swap3A_1800 {strides = array<i32>} : memref<2x128xi32, #tpu.memory_space<vmem>>, vector<1x16xi32>,
    %dma_start3A_1801 = arith.constant 0 : i32
    %dma_start3A_1802 = arith.constant 0 : i32
    %dma_start3A_1803 = arith.constant 0 : i32
    %dma_start3A_1804 = arith.constant 0 : i32
    %dma_start3A_1805 = tpu.memref_slice %arg10[%dma_start3A_1802, %dma_start3A_1803, %dma_start3A_1804] : memref<2x128x256xi32, #tpu.memory_space<vmem>> -> memref<1x128x256xi32, #tpu.memory_space<vmem>>
    %dma_start3A_1806 = tpu.memref_squeeze %dma_start3A_1805 : memref<1x128x256xi32, #tpu.memory_space<vmem>> -> memref<128x256xi32, #tpu.memory_space<vmem>>
    %dma_start3A_1807 = arith.constant 0 : i32
    %dma_start3A_1808 = tpu.memref_slice %arg9[%dma_start3A_1801, %dma_start3A_1807] : memref<2x128xi32, #tpu.memory_space<vmem>> -> memref<1x128xi32, #tpu.memory_space<vmem>>
    %dma_start3A_1809 = tpu.memref_squeeze %dma_start3A_1808 : memref<1x128xi32, #tpu.memory_space<vmem>> -> memref<128xi32, #tpu.memory_space<vmem>>
    %dma_start3A_1810 = arith.constant 0 : i32
    %dma_start3A_1811 = arith.constant 0 : i32
    %dma_start3A_1812 = tpu.memref_slice %arg2[%dma_start3A_1810, %dma_start3A_1811] : memref<4000x256xi32, #tpu.memory_space<hbm>> -> memref<4000x256xi32, #tpu.memory_space<hbm>>
    tpu.enqueue_indirect_dma source(%dma_start3A_1812 : memref<4000x256xi32, #tpu.memory_space<hbm>>) target(%dma_start3A_1806 : memref<128x256xi32, #tpu.memory_space<vmem>>) offsets(%dma_start3A_1809 : memref<128xi32, #tpu.memory_space<vmem>>) semaphore(%arg11 : memref<!tpu.dma_semaphore, #tpu.memory_space<semaphore_mem>>)
    %dma_wait3A_1813 = arith.constant 1 : i32
    %dma_wait3A_1814 = arith.constant 1 : i32
    %dma_wait3A_1815 = arith.constant 0 : i32
    %dma_wait3A_1816 = arith.constant 0 : i32
    %dma_wait3A_1817 = tpu.memref_slice %arg10[%dma_wait3A_1814, %dma_wait3A_1815, %dma_wait3A_1816] : memref<2x128x256xi32, #tpu.memory_space<vmem>> -> memref<1x128x256xi32, #tpu.memory_space<vmem>>
    %dma_wait3A_1818 = tpu.memref_squeeze %dma_wait3A_1817 : memref<1x128x256xi32, #tpu.memory_space<vmem>> -> memref<128x256xi32, #tpu.memory_space<vmem>>
    %dma_wait3A_1819 = arith.constant 0 : i32
    %dma_wait3A_1820 = tpu.memref_slice %arg9[%dma_wait3A_1813, %dma_wait3A_1819] : memref<2x128xi32, #tpu.memory_space<vmem>> -> memref<1x128xi32, #tpu.memory_space<vmem>>
    %dma_wait3A_1821 = tpu.memref_squeeze %dma_wait3A_1820 : memref<1x128xi32, #tpu.memory_space<vmem>> -> memref<128xi32, #tpu.memory_space<vmem>>
    %dma_wait3A_1822 = arith.constant 0 : i32
    %dma_wait3A_1823 = arith.constant 0 : i32
    %dma_wait3A_1824 = tpu.memref_slice %arg2[%dma_wait3A_1822, %dma_wait3A_1823] : memref<4000x256xi32, #tpu.memory_space<hbm>> -> memref<4000x256xi32, #tpu.memory_space<hbm>>
    tpu.wait_indirect_dma semaphore(%arg12 : memref<!tpu.dma_semaphore, #tpu.memory_space<semaphore_mem>>) src(%dma_wait3A_1824 : memref<4000x256xi32, #tpu.memory_space<hbm>>) dst(%dma_wait3A_1818 : memref<128x256xi32, #tpu.memory_space<vmem>>)
    %add3A_1825 = arith.constant 128 : i32
    %add3A_1826 = arith.addi %mul3A_2, %add3A_1825 : i32
    %run_scoped3A_1827 = arith.constant 1 : i32
    "tpu.region"() ({
      %run_scoped3A_1966 = tpu.sem_alloc : memref<!tpu.dma_semaphore, #tpu.memory_space<semaphore_mem>>
      %dma_start3A_1967 = arith.constant 0 : i32
      %dma_start3A_1968 = arith.constant 0 : i32
      %dma_start3A_1969 = tpu.memref_slice %arg10[%run_scoped3A_1827, %dma_start3A_1967, %dma_start3A_1968] : memref<2x128x256xi32, #tpu.memory_space<vmem>> -> memref<1x128x256xi32, #tpu.memory_space<vmem>>
      %dma_start3A_1970 = tpu.memref_squeeze %dma_start3A_1969 : memref<1x128x256xi32, #tpu.memory_space<vmem>> -> memref<128x256xi32, #tpu.memory_space<vmem>>
      %dma_start3A_1971 = arith.constant 0 : i32
      %dma_start3A_1972 = tpu.memref_slice %arg7[%add3A_1826, %dma_start3A_1971] : memref<16384x256xi32, #tpu.memory_space<hbm>> -> memref<128x256xi32, #tpu.memory_space<hbm>>
      %dma_start3A_1973 = arith.constant 0 : i32
      %dma_start3A_1974 = tpu.memref_slice %arg7[%add3A_1826, %dma_start3A_1973] : memref<16384x256xi32, #tpu.memory_space<hbm>> -> memref<128x256xi32, #tpu.memory_space<hbm>>
      %dma_start3A_1975 = arith.constant 0 : i32
      %dma_start3A_1976 = arith.constant 0 : i32
      %dma_start3A_1977 = tpu.memref_slice %arg10[%run_scoped3A_1827, %dma_start3A_1975, %dma_start3A_1976] : memref<2x128x256xi32, #tpu.memory_space<vmem>> -> memref<1x128x256xi32, #tpu.memory_space<vmem>>
      %dma_start3A_1978 = tpu.memref_squeeze %dma_start3A_1977 : memref<1x128x256xi32, #tpu.memory_space<vmem>> -> memref<128x256xi32, #tpu.memory_space<vmem>>
      tpu.enqueue_dma source(%dma_start3A_1978 : memref<128x256xi32, #tpu.memory_space<vmem>>) target(%dma_start3A_1974 : memref<128x256xi32, #tpu.memory_space<hbm>>) target_semaphore(%run_scoped3A_1966 : memref<!tpu.dma_semaphore, #tpu.memory_space<semaphore_mem>>)
      %dma_wait3A_1979 = arith.constant 0 : i32
      %dma_wait3A_1980 = arith.constant 0 : i32
      %dma_wait3A_1981 = tpu.memref_slice %arg10[%run_scoped3A_1827, %dma_wait3A_1979, %dma_wait3A_1980] : memref<2x128x256xi32, #tpu.memory_space<vmem>> -> memref<1x128x256xi32, #tpu.memory_space<vmem>>
      %dma_wait3A_1982 = tpu.memref_squeeze %dma_wait3A_1981 : memref<1x128x256xi32, #tpu.memory_space<vmem>> -> memref<128x256xi32, #tpu.memory_space<vmem>>
      %dma_wait3A_1983 = arith.constant 0 : i32
      %dma_wait3A_1984 = tpu.memref_slice %arg7[%add3A_1826, %dma_wait3A_1983] : memref<16384x256xi32, #tpu.memory_space<hbm>> -> memref<128x256xi32, #tpu.memory_space<hbm>>
      %dma_wait3A_1985 = arith.constant 0 : i32
      %dma_wait3A_1986 = tpu.memref_slice %arg7[%add3A_1826, %dma_wait3A_1985] : memref<16384x256xi32, #tpu.memory_space<hbm>> -> memref<128x256xi32, #tpu.memory_space<hbm>>
      %dma_wait3A_1987 = arith.constant 0 : i32
      %dma_wait3A_1988 = arith.constant 0 : i32
      %dma_wait3A_1989 = tpu.memref_slice %arg10[%run_scoped3A_1827, %dma_wait3A_1987, %dma_wait3A_1988] : memref<2x128x256xi32, #tpu.memory_space<vmem>> -> memref<1x128x256xi32, #tpu.memory_space<vmem>>
      %dma_wait3A_1990 = tpu.memref_squeeze %dma_wait3A_1989 : memref<1x128x256xi32, #tpu.memory_space<vmem>> -> memref<128x256xi32, #tpu.memory_space<vmem>>
      tpu.wait_dma2 semaphore(%run_scoped3A_1966 : memref<!tpu.dma_semaphore, #tpu.memory_space<semaphore_mem>>) src(%dma_wait3A_1990 : memref<128x256xi32, #tpu.memory_space<vmem>>) dst(%dma_wait3A_1986 : memref<128x256xi32, #tpu.memory_space<hbm>>)
      tpu.yield
    }) : () -> ()
    %get3A_1828 = arith.constant 384 : index
    %get3A_1829 = tpu.vector_load %arg8[%get3A_1828] {strides = array<i32>} : memref<512xi32, #tpu.memory_space<vmem>>, vector<16xi32>,
    %get3A_1830 = vector.shape_cast %get3A_1829 : vector<16xi32> to vector<16xi32>
    %add3A_1831 = arith.constant 3000 : i32
    %add3A_1832 = vector.broadcast %add3A_1831 : i32 to vector<16xi32>
    %add3A_1833 = arith.addi %get3A_1830, %add3A_1832 : vector<16xi32>
    %swap3A_1834 = arith.constant 1 : i32
    %swap3A_1835 = arith.index_cast %swap3A_1834 : i32 to index
    %swap3A_1836 = arith.constant 0 : index
    %swap3A_1837 = tpu.vector_load %arg9[%swap3A_1835, %swap3A_1836] {strides = array<i32>} : memref<2x128xi32, #tpu.memory_space<vmem>>, vector<1x16xi32>,
    %swap3A_1838 = vector.shape_cast %swap3A_1837 : vector<1x16xi32> to vector<16xi32>
    %swap3A_1839 = vector.shape_cast %add3A_1833 : vector<16xi32> to vector<1x16xi32>
    tpu.vector_store %arg9[%swap3A_1835, %swap3A_1836], %swap3A_1839 {strides = array<i32>} : memref<2x128xi32, #tpu.memory_space<vmem>>, vector<1x16xi32>,
    %get3A_1840 = arith.constant 400 : index
    %get3A_1841 = tpu.vector_load %arg8[%get3A_1840] {strides = array<i32>} : memref<512xi32, #tpu.memory_space<vmem>>, vector<16xi32>,
    %get3A_1842 = vector.shape_cast %get3A_1841 : vector<16xi32> to vector<16xi32>
    %add3A_1843 = arith.constant 3000 : i32
    %add3A_1844 = vector.broadcast %add3A_1843 : i32 to vector<16xi32>
    %add3A_1845 = arith.addi %get3A_1842, %add3A_1844 : vector<16xi32>
    %swap3A_1846 = arith.constant 1 : i32
    %swap3A_1847 = arith.index_cast %swap3A_1846 : i32 to index
    %swap3A_1848 = arith.constant 16 : index
    %swap3A_1849 = tpu.vector_load %arg9[%swap3A_1847, %swap3A_1848] {strides = array<i32>} : memref<2x128xi32, #tpu.memory_space<vmem>>, vector<1x16xi32>,
    %swap3A_1850 = vector.shape_cast %swap3A_1849 : vector<1x16xi32> to vector<16xi32>
    %swap3A_1851 = vector.shape_cast %add3A_1845 : vector<16xi32> to vector<1x16xi32>
    tpu.vector_store %arg9[%swap3A_1847, %swap3A_1848], %swap3A_1851 {strides = array<i32>} : memref<2x128xi32, #tpu.memory_space<vmem>>, vector<1x16xi32>,
    %get3A_1852 = arith.constant 416 : index
    %get3A_1853 = tpu.vector_load %arg8[%get3A_1852] {strides = array<i32>} : memref<512xi32, #tpu.memory_space<vmem>>, vector<16xi32>,
    %get3A_1854 = vector.shape_cast %get3A_1853 : vector<16xi32> to vector<16xi32>
    %add3A_1855 = arith.constant 3000 : i32
    %add3A_1856 = vector.broadcast %add3A_1855 : i32 to vector<16xi32>
    %add3A_1857 = arith.addi %get3A_1854, %add3A_1856 : vector<16xi32>
    %swap3A_1858 = arith.constant 1 : i32
    %swap3A_1859 = arith.index_cast %swap3A_1858 : i32 to index
    %swap3A_1860 = arith.constant 32 : index
    %swap3A_1861 = tpu.vector_load %arg9[%swap3A_1859, %swap3A_1860] {strides = array<i32>} : memref<2x128xi32, #tpu.memory_space<vmem>>, vector<1x16xi32>,
    %swap3A_1862 = vector.shape_cast %swap3A_1861 : vector<1x16xi32> to vector<16xi32>
    %swap3A_1863 = vector.shape_cast %add3A_1857 : vector<16xi32> to vector<1x16xi32>
    tpu.vector_store %arg9[%swap3A_1859, %swap3A_1860], %swap3A_1863 {strides = array<i32>} : memref<2x128xi32, #tpu.memory_space<vmem>>, vector<1x16xi32>,
    %get3A_1864 = arith.constant 432 : index
    %get3A_1865 = tpu.vector_load %arg8[%get3A_1864] {strides = array<i32>} : memref<512xi32, #tpu.memory_space<vmem>>, vector<16xi32>,
    %get3A_1866 = vector.shape_cast %get3A_1865 : vector<16xi32> to vector<16xi32>
    %add3A_1867 = arith.constant 3000 : i32
    %add3A_1868 = vector.broadcast %add3A_1867 : i32 to vector<16xi32>
    %add3A_1869 = arith.addi %get3A_1866, %add3A_1868 : vector<16xi32>
    %swap3A_1870 = arith.constant 1 : i32
    %swap3A_1871 = arith.index_cast %swap3A_1870 : i32 to index
    %swap3A_1872 = arith.constant 48 : index
    %swap3A_1873 = tpu.vector_load %arg9[%swap3A_1871, %swap3A_1872] {strides = array<i32>} : memref<2x128xi32, #tpu.memory_space<vmem>>, vector<1x16xi32>,
    %swap3A_1874 = vector.shape_cast %swap3A_1873 : vector<1x16xi32> to vector<16xi32>
    %swap3A_1875 = vector.shape_cast %add3A_1869 : vector<16xi32> to vector<1x16xi32>
    tpu.vector_store %arg9[%swap3A_1871, %swap3A_1872], %swap3A_1875 {strides = array<i32>} : memref<2x128xi32, #tpu.memory_space<vmem>>, vector<1x16xi32>,
    %get3A_1876 = arith.constant 448 : index
    %get3A_1877 = tpu.vector_load %arg8[%get3A_1876] {strides = array<i32>} : memref<512xi32, #tpu.memory_space<vmem>>, vector<16xi32>,
    %get3A_1878 = vector.shape_cast %get3A_1877 : vector<16xi32> to vector<16xi32>
    %add3A_1879 = arith.constant 3000 : i32
    %add3A_1880 = vector.broadcast %add3A_1879 : i32 to vector<16xi32>
    %add3A_1881 = arith.addi %get3A_1878, %add3A_1880 : vector<16xi32>
    %swap3A_1882 = arith.constant 1 : i32
    %swap3A_1883 = arith.index_cast %swap3A_1882 : i32 to index
    %swap3A_1884 = arith.constant 64 : index
    %swap3A_1885 = tpu.vector_load %arg9[%swap3A_1883, %swap3A_1884] {strides = array<i32>} : memref<2x128xi32, #tpu.memory_space<vmem>>, vector<1x16xi32>,
    %swap3A_1886 = vector.shape_cast %swap3A_1885 : vector<1x16xi32> to vector<16xi32>
    %swap3A_1887 = vector.shape_cast %add3A_1881 : vector<16xi32> to vector<1x16xi32>
    tpu.vector_store %arg9[%swap3A_1883, %swap3A_1884], %swap3A_1887 {strides = array<i32>} : memref<2x128xi32, #tpu.memory_space<vmem>>, vector<1x16xi32>,
    %get3A_1888 = arith.constant 464 : index
    %get3A_1889 = tpu.vector_load %arg8[%get3A_1888] {strides = array<i32>} : memref<512xi32, #tpu.memory_space<vmem>>, vector<16xi32>,
    %get3A_1890 = vector.shape_cast %get3A_1889 : vector<16xi32> to vector<16xi32>
    %add3A_1891 = arith.constant 3000 : i32
    %add3A_1892 = vector.broadcast %add3A_1891 : i32 to vector<16xi32>
    %add3A_1893 = arith.addi %get3A_1890, %add3A_1892 : vector<16xi32>
    %swap3A_1894 = arith.constant 1 : i32
    %swap3A_1895 = arith.index_cast %swap3A_1894 : i32 to index
    %swap3A_1896 = arith.constant 80 : index
    %swap3A_1897 = tpu.vector_load %arg9[%swap3A_1895, %swap3A_1896] {strides = array<i32>} : memref<2x128xi32, #tpu.memory_space<vmem>>, vector<1x16xi32>,
    %swap3A_1898 = vector.shape_cast %swap3A_1897 : vector<1x16xi32> to vector<16xi32>
    %swap3A_1899 = vector.shape_cast %add3A_1893 : vector<16xi32> to vector<1x16xi32>
    tpu.vector_store %arg9[%swap3A_1895, %swap3A_1896], %swap3A_1899 {strides = array<i32>} : memref<2x128xi32, #tpu.memory_space<vmem>>, vector<1x16xi32>,
    %get3A_1900 = arith.constant 480 : index
    %get3A_1901 = tpu.vector_load %arg8[%get3A_1900] {strides = array<i32>} : memref<512xi32, #tpu.memory_space<vmem>>, vector<16xi32>,
    %get3A_1902 = vector.shape_cast %get3A_1901 : vector<16xi32> to vector<16xi32>
    %add3A_1903 = arith.constant 3000 : i32
    %add3A_1904 = vector.broadcast %add3A_1903 : i32 to vector<16xi32>
    %add3A_1905 = arith.addi %get3A_1902, %add3A_1904 : vector<16xi32>
    %swap3A_1906 = arith.constant 1 : i32
    %swap3A_1907 = arith.index_cast %swap3A_1906 : i32 to index
    %swap3A_1908 = arith.constant 96 : index
    %swap3A_1909 = tpu.vector_load %arg9[%swap3A_1907, %swap3A_1908] {strides = array<i32>} : memref<2x128xi32, #tpu.memory_space<vmem>>, vector<1x16xi32>,
    %swap3A_1910 = vector.shape_cast %swap3A_1909 : vector<1x16xi32> to vector<16xi32>
    %swap3A_1911 = vector.shape_cast %add3A_1905 : vector<16xi32> to vector<1x16xi32>
    tpu.vector_store %arg9[%swap3A_1907, %swap3A_1908], %swap3A_1911 {strides = array<i32>} : memref<2x128xi32, #tpu.memory_space<vmem>>, vector<1x16xi32>,
    %get3A_1912 = arith.constant 496 : index
    %get3A_1913 = tpu.vector_load %arg8[%get3A_1912] {strides = array<i32>} : memref<512xi32, #tpu.memory_space<vmem>>, vector<16xi32>,
    %get3A_1914 = vector.shape_cast %get3A_1913 : vector<16xi32> to vector<16xi32>
    %add3A_1915 = arith.constant 3000 : i32
    %add3A_1916 = vector.broadcast %add3A_1915 : i32 to vector<16xi32>
    %add3A_1917 = arith.addi %get3A_1914, %add3A_1916 : vector<16xi32>
    %swap3A_1918 = arith.constant 1 : i32
    %swap3A_1919 = arith.index_cast %swap3A_1918 : i32 to index
    %swap3A_1920 = arith.constant 112 : index
    %swap3A_1921 = tpu.vector_load %arg9[%swap3A_1919, %swap3A_1920] {strides = array<i32>} : memref<2x128xi32, #tpu.memory_space<vmem>>, vector<1x16xi32>,
    %swap3A_1922 = vector.shape_cast %swap3A_1921 : vector<1x16xi32> to vector<16xi32>
    %swap3A_1923 = vector.shape_cast %add3A_1917 : vector<16xi32> to vector<1x16xi32>
    tpu.vector_store %arg9[%swap3A_1919, %swap3A_1920], %swap3A_1923 {strides = array<i32>} : memref<2x128xi32, #tpu.memory_space<vmem>>, vector<1x16xi32>,
    %dma_start3A_1924 = arith.constant 1 : i32
    %dma_start3A_1925 = arith.constant 1 : i32
    %dma_start3A_1926 = arith.constant 0 : i32
    %dma_start3A_1927 = arith.constant 0 : i32
    %dma_start3A_1928 = tpu.memref_slice %arg10[%dma_start3A_1925, %dma_start3A_1926, %dma_start3A_1927] : memref<2x128x256xi32, #tpu.memory_space<vmem>> -> memref<1x128x256xi32, #tpu.memory_space<vmem>>
    %dma_start3A_1929 = tpu.memref_squeeze %dma_start3A_1928 : memref<1x128x256xi32, #tpu.memory_space<vmem>> -> memref<128x256xi32, #tpu.memory_space<vmem>>
    %dma_start3A_1930 = arith.constant 0 : i32
    %dma_start3A_1931 = tpu.memref_slice %arg9[%dma_start3A_1924, %dma_start3A_1930] : memref<2x128xi32, #tpu.memory_space<vmem>> -> memref<1x128xi32, #tpu.memory_space<vmem>>
    %dma_start3A_1932 = tpu.memref_squeeze %dma_start3A_1931 : memref<1x128xi32, #tpu.memory_space<vmem>> -> memref<128xi32, #tpu.memory_space<vmem>>
    %dma_start3A_1933 = arith.constant 0 : i32
    %dma_start3A_1934 = arith.constant 0 : i32
    %dma_start3A_1935 = tpu.memref_slice %arg2[%dma_start3A_1933, %dma_start3A_1934] : memref<4000x256xi32, #tpu.memory_space<hbm>> -> memref<4000x256xi32, #tpu.memory_space<hbm>>
    tpu.enqueue_indirect_dma source(%dma_start3A_1935 : memref<4000x256xi32, #tpu.memory_space<hbm>>) target(%dma_start3A_1929 : memref<128x256xi32, #tpu.memory_space<vmem>>) offsets(%dma_start3A_1932 : memref<128xi32, #tpu.memory_space<vmem>>) semaphore(%arg12 : memref<!tpu.dma_semaphore, #tpu.memory_space<semaphore_mem>>)
    %dma_wait3A_1936 = arith.constant 0 : i32
    %dma_wait3A_1937 = arith.constant 0 : i32
    %dma_wait3A_1938 = arith.constant 0 : i32
    %dma_wait3A_1939 = arith.constant 0 : i32
    %dma_wait3A_1940 = tpu.memref_slice %arg10[%dma_wait3A_1937, %dma_wait3A_1938, %dma_wait3A_1939] : memref<2x128x256xi32, #tpu.memory_space<vmem>> -> memref<1x128x256xi32, #tpu.memory_space<vmem>>
    %dma_wait3A_1941 = tpu.memref_squeeze %dma_wait3A_1940 : memref<1x128x256xi32, #tpu.memory_space<vmem>> -> memref<128x256xi32, #tpu.memory_space<vmem>>
    %dma_wait3A_1942 = arith.constant 0 : i32
    %dma_wait3A_1943 = tpu.memref_slice %arg9[%dma_wait3A_1936, %dma_wait3A_1942] : memref<2x128xi32, #tpu.memory_space<vmem>> -> memref<1x128xi32, #tpu.memory_space<vmem>>
    %dma_wait3A_1944 = tpu.memref_squeeze %dma_wait3A_1943 : memref<1x128xi32, #tpu.memory_space<vmem>> -> memref<128xi32, #tpu.memory_space<vmem>>
    %dma_wait3A_1945 = arith.constant 0 : i32
    %dma_wait3A_1946 = arith.constant 0 : i32
    %dma_wait3A_1947 = tpu.memref_slice %arg2[%dma_wait3A_1945, %dma_wait3A_1946] : memref<4000x256xi32, #tpu.memory_space<hbm>> -> memref<4000x256xi32, #tpu.memory_space<hbm>>
    tpu.wait_indirect_dma semaphore(%arg11 : memref<!tpu.dma_semaphore, #tpu.memory_space<semaphore_mem>>) src(%dma_wait3A_1947 : memref<4000x256xi32, #tpu.memory_space<hbm>>) dst(%dma_wait3A_1941 : memref<128x256xi32, #tpu.memory_space<vmem>>)
    %add3A_1948 = arith.constant 256 : i32
    %add3A_1949 = arith.addi %mul3A_2, %add3A_1948 : i32
    %run_scoped3A_1950 = arith.constant 0 : i32
    "tpu.region"() ({
      %run_scoped3A_1966 = tpu.sem_alloc : memref<!tpu.dma_semaphore, #tpu.memory_space<semaphore_mem>>
      %dma_start3A_1967 = arith.constant 0 : i32
      %dma_start3A_1968 = arith.constant 0 : i32
      %dma_start3A_1969 = tpu.memref_slice %arg10[%run_scoped3A_1950, %dma_start3A_1967, %dma_start3A_1968] : memref<2x128x256xi32, #tpu.memory_space<vmem>> -> memref<1x128x256xi32, #tpu.memory_space<vmem>>
      %dma_start3A_1970 = tpu.memref_squeeze %dma_start3A_1969 : memref<1x128x256xi32, #tpu.memory_space<vmem>> -> memref<128x256xi32, #tpu.memory_space<vmem>>
      %dma_start3A_1971 = arith.constant 0 : i32
      %dma_start3A_1972 = tpu.memref_slice %arg7[%add3A_1949, %dma_start3A_1971] : memref<16384x256xi32, #tpu.memory_space<hbm>> -> memref<128x256xi32, #tpu.memory_space<hbm>>
      %dma_start3A_1973 = arith.constant 0 : i32
      %dma_start3A_1974 = tpu.memref_slice %arg7[%add3A_1949, %dma_start3A_1973] : memref<16384x256xi32, #tpu.memory_space<hbm>> -> memref<128x256xi32, #tpu.memory_space<hbm>>
      %dma_start3A_1975 = arith.constant 0 : i32
      %dma_start3A_1976 = arith.constant 0 : i32
      %dma_start3A_1977 = tpu.memref_slice %arg10[%run_scoped3A_1950, %dma_start3A_1975, %dma_start3A_1976] : memref<2x128x256xi32, #tpu.memory_space<vmem>> -> memref<1x128x256xi32, #tpu.memory_space<vmem>>
      %dma_start3A_1978 = tpu.memref_squeeze %dma_start3A_1977 : memref<1x128x256xi32, #tpu.memory_space<vmem>> -> memref<128x256xi32, #tpu.memory_space<vmem>>
      tpu.enqueue_dma source(%dma_start3A_1978 : memref<128x256xi32, #tpu.memory_space<vmem>>) target(%dma_start3A_1974 : memref<128x256xi32, #tpu.memory_space<hbm>>) target_semaphore(%run_scoped3A_1966 : memref<!tpu.dma_semaphore, #tpu.memory_space<semaphore_mem>>)
      %dma_wait3A_1979 = arith.constant 0 : i32
      %dma_wait3A_1980 = arith.constant 0 : i32
      %dma_wait3A_1981 = tpu.memref_slice %arg10[%run_scoped3A_1950, %dma_wait3A_1979, %dma_wait3A_1980] : memref<2x128x256xi32, #tpu.memory_space<vmem>> -> memref<1x128x256xi32, #tpu.memory_space<vmem>>
      %dma_wait3A_1982 = tpu.memref_squeeze %dma_wait3A_1981 : memref<1x128x256xi32, #tpu.memory_space<vmem>> -> memref<128x256xi32, #tpu.memory_space<vmem>>
      %dma_wait3A_1983 = arith.constant 0 : i32
      %dma_wait3A_1984 = tpu.memref_slice %arg7[%add3A_1949, %dma_wait3A_1983] : memref<16384x256xi32, #tpu.memory_space<hbm>> -> memref<128x256xi32, #tpu.memory_space<hbm>>
      %dma_wait3A_1985 = arith.constant 0 : i32
      %dma_wait3A_1986 = tpu.memref_slice %arg7[%add3A_1949, %dma_wait3A_1985] : memref<16384x256xi32, #tpu.memory_space<hbm>> -> memref<128x256xi32, #tpu.memory_space<hbm>>
      %dma_wait3A_1987 = arith.constant 0 : i32
      %dma_wait3A_1988 = arith.constant 0 : i32
      %dma_wait3A_1989 = tpu.memref_slice %arg10[%run_scoped3A_1950, %dma_wait3A_1987, %dma_wait3A_1988] : memref<2x128x256xi32, #tpu.memory_space<vmem>> -> memref<1x128x256xi32, #tpu.memory_space<vmem>>
      %dma_wait3A_1990 = tpu.memref_squeeze %dma_wait3A_1989 : memref<1x128x256xi32, #tpu.memory_space<vmem>> -> memref<128x256xi32, #tpu.memory_space<vmem>>
      tpu.wait_dma2 semaphore(%run_scoped3A_1966 : memref<!tpu.dma_semaphore, #tpu.memory_space<semaphore_mem>>) src(%dma_wait3A_1990 : memref<128x256xi32, #tpu.memory_space<vmem>>) dst(%dma_wait3A_1986 : memref<128x256xi32, #tpu.memory_space<hbm>>)
      tpu.yield
    }) : () -> ()
    %dma_wait3A_1951 = arith.constant 1 : i32
    %dma_wait3A_1952 = arith.constant 1 : i32
    %dma_wait3A_1953 = arith.constant 0 : i32
    %dma_wait3A_1954 = arith.constant 0 : i32
    %dma_wait3A_1955 = tpu.memref_slice %arg10[%dma_wait3A_1952, %dma_wait3A_1953, %dma_wait3A_1954] : memref<2x128x256xi32, #tpu.memory_space<vmem>> -> memref<1x128x256xi32, #tpu.memory_space<vmem>>
    %dma_wait3A_1956 = tpu.memref_squeeze %dma_wait3A_1955 : memref<1x128x256xi32, #tpu.memory_space<vmem>> -> memref<128x256xi32, #tpu.memory_space<vmem>>
    %dma_wait3A_1957 = arith.constant 0 : i32
    %dma_wait3A_1958 = tpu.memref_slice %arg9[%dma_wait3A_1951, %dma_wait3A_1957] : memref<2x128xi32, #tpu.memory_space<vmem>> -> memref<1x128xi32, #tpu.memory_space<vmem>>
    %dma_wait3A_1959 = tpu.memref_squeeze %dma_wait3A_1958 : memref<1x128xi32, #tpu.memory_space<vmem>> -> memref<128xi32, #tpu.memory_space<vmem>>
    %dma_wait3A_1960 = arith.constant 0 : i32
    %dma_wait3A_1961 = arith.constant 0 : i32
    %dma_wait3A_1962 = tpu.memref_slice %arg2[%dma_wait3A_1960, %dma_wait3A_1961] : memref<4000x256xi32, #tpu.memory_space<hbm>> -> memref<4000x256xi32, #tpu.memory_space<hbm>>
    tpu.wait_indirect_dma semaphore(%arg12 : memref<!tpu.dma_semaphore, #tpu.memory_space<semaphore_mem>>) src(%dma_wait3A_1962 : memref<4000x256xi32, #tpu.memory_space<hbm>>) dst(%dma_wait3A_1956 : memref<128x256xi32, #tpu.memory_space<vmem>>)
    %add3A_1963 = arith.constant 384 : i32
    %add3A_1964 = arith.addi %mul3A_2, %add3A_1963 : i32
    %run_scoped3A_1965 = arith.constant 1 : i32
    "tpu.region"() ({
      %run_scoped3A_1966 = tpu.sem_alloc : memref<!tpu.dma_semaphore, #tpu.memory_space<semaphore_mem>>
      %dma_start3A_1967 = arith.constant 0 : i32
      %dma_start3A_1968 = arith.constant 0 : i32
      %dma_start3A_1969 = tpu.memref_slice %arg10[%run_scoped3A_1965, %dma_start3A_1967, %dma_start3A_1968] : memref<2x128x256xi32, #tpu.memory_space<vmem>> -> memref<1x128x256xi32, #tpu.memory_space<vmem>>
      %dma_start3A_1970 = tpu.memref_squeeze %dma_start3A_1969 : memref<1x128x256xi32, #tpu.memory_space<vmem>> -> memref<128x256xi32, #tpu.memory_space<vmem>>
      %dma_start3A_1971 = arith.constant 0 : i32
      %dma_start3A_1972 = tpu.memref_slice %arg7[%add3A_1964, %dma_start3A_1971] : memref<16384x256xi32, #tpu.memory_space<hbm>> -> memref<128x256xi32, #tpu.memory_space<hbm>>
      %dma_start3A_1973 = arith.constant 0 : i32
      %dma_start3A_1974 = tpu.memref_slice %arg7[%add3A_1964, %dma_start3A_1973] : memref<16384x256xi32, #tpu.memory_space<hbm>> -> memref<128x256xi32, #tpu.memory_space<hbm>>
      %dma_start3A_1975 = arith.constant 0 : i32
      %dma_start3A_1976 = arith.constant 0 : i32
      %dma_start3A_1977 = tpu.memref_slice %arg10[%run_scoped3A_1965, %dma_start3A_1975, %dma_start3A_1976] : memref<2x128x256xi32, #tpu.memory_space<vmem>> -> memref<1x128x256xi32, #tpu.memory_space<vmem>>
      %dma_start3A_1978 = tpu.memref_squeeze %dma_start3A_1977 : memref<1x128x256xi32, #tpu.memory_space<vmem>> -> memref<128x256xi32, #tpu.memory_space<vmem>>
      tpu.enqueue_dma source(%dma_start3A_1978 : memref<128x256xi32, #tpu.memory_space<vmem>>) target(%dma_start3A_1974 : memref<128x256xi32, #tpu.memory_space<hbm>>) target_semaphore(%run_scoped3A_1966 : memref<!tpu.dma_semaphore, #tpu.memory_space<semaphore_mem>>)
      %dma_wait3A_1979 = arith.constant 0 : i32
      %dma_wait3A_1980 = arith.constant 0 : i32
      %dma_wait3A_1981 = tpu.memref_slice %arg10[%run_scoped3A_1965, %dma_wait3A_1979, %dma_wait3A_1980] : memref<2x128x256xi32, #tpu.memory_space<vmem>> -> memref<1x128x256xi32, #tpu.memory_space<vmem>>
      %dma_wait3A_1982 = tpu.memref_squeeze %dma_wait3A_1981 : memref<1x128x256xi32, #tpu.memory_space<vmem>> -> memref<128x256xi32, #tpu.memory_space<vmem>>
      %dma_wait3A_1983 = arith.constant 0 : i32
      %dma_wait3A_1984 = tpu.memref_slice %arg7[%add3A_1964, %dma_wait3A_1983] : memref<16384x256xi32, #tpu.memory_space<hbm>> -> memref<128x256xi32, #tpu.memory_space<hbm>>
      %dma_wait3A_1985 = arith.constant 0 : i32
      %dma_wait3A_1986 = tpu.memref_slice %arg7[%add3A_1964, %dma_wait3A_1985] : memref<16384x256xi32, #tpu.memory_space<hbm>> -> memref<128x256xi32, #tpu.memory_space<hbm>>
      %dma_wait3A_1987 = arith.constant 0 : i32
      %dma_wait3A_1988 = arith.constant 0 : i32
      %dma_wait3A_1989 = tpu.memref_slice %arg10[%run_scoped3A_1965, %dma_wait3A_1987, %dma_wait3A_1988] : memref<2x128x256xi32, #tpu.memory_space<vmem>> -> memref<1x128x256xi32, #tpu.memory_space<vmem>>
      %dma_wait3A_1990 = tpu.memref_squeeze %dma_wait3A_1989 : memref<1x128x256xi32, #tpu.memory_space<vmem>> -> memref<128x256xi32, #tpu.memory_space<vmem>>
      tpu.wait_dma2 semaphore(%run_scoped3A_1966 : memref<!tpu.dma_semaphore, #tpu.memory_space<semaphore_mem>>) src(%dma_wait3A_1990 : memref<128x256xi32, #tpu.memory_space<vmem>>) dst(%dma_wait3A_1986 : memref<128x256xi32, #tpu.memory_space<hbm>>)
      tpu.yield
    }) : () -> ()
    return
  }
}

module attributes {stable_mosaic.version = 14 : i64} {
  func.func @_unpack_tc_kernel(%arg0: i32, %arg1: memref<512x256xi32, #tpu.memory_space<vmem>>, %arg2: memref<512x256xi32, #tpu.memory_space<vmem>>, %arg3: memref<512x256xi32, #tpu.memory_space<vmem>>, %arg4: memref<512x256xi32, #tpu.memory_space<vmem>>, %arg5: memref<1000x512xi8, #tpu.memory_space<vmem>>, %arg6: memref<1000x512xi8, #tpu.memory_space<vmem>>, %arg7: memref<1000x512xi8, #tpu.memory_space<vmem>>, %arg8: memref<1000x512xi8, #tpu.memory_space<vmem>>) attributes {dimension_semantics = [#tpu.dimension_semantics<arbitrary>], iteration_bounds = array<i64: 32>, scalar_prefetch = 0 : i64, scratch_operands = 0 : i64, tpu.core_type = #tpu.core_type<tc>, window_params = [{transform_indices = @transform_0, window_bounds = array<i64: 512, 256>}, {transform_indices = @transform_1, window_bounds = array<i64: 512, 256>}, {transform_indices = @transform_2, window_bounds = array<i64: 512, 256>}, {transform_indices = @transform_3, window_bounds = array<i64: 512, 256>}, {transform_indices = @transform_4, window_bounds = array<i64: 1000, 512>}, {transform_indices = @transform_5, window_bounds = array<i64: 1000, 512>}, {transform_indices = @transform_6, window_bounds = array<i64: 1000, 512>}, {transform_indices = @transform_7, window_bounds = array<i64: 1000, 512>}]} {
    %get3A = arith.constant 0 : index
    %get3A_0 = arith.constant 0 : index
    %get3A_1 = vector.load %arg1[%get3A, %get3A_0] : memref<512x256xi32, #tpu.memory_space<vmem>>, vector<512x256xi32>
    %transpose3A = tpu.transpose %get3A_1, [1, 0] : vector<512x256xi32> -> vector<256x512xi32>
    %bitcast3A = tpu.bitcast %transpose3A : vector<256x512xi32> -> vector<1024x512xi8>
    %slice3A = vector.extract_strided_slice %bitcast3A {offsets = [0, 0], sizes = [1000, 512], strides = [1, 1]} : vector<1024x512xi8> to vector<1000x512xi8>
    %swap3A = arith.constant 0 : index
    %swap3A_2 = arith.constant 0 : index
    %swap3A_3 = vector.load %arg5[%swap3A, %swap3A_2] : memref<1000x512xi8, #tpu.memory_space<vmem>>, vector<1000x512xi8>
    tpu.vector_store %arg5[%swap3A, %swap3A_2], %slice3A {strides = array<i32>} : memref<1000x512xi8, #tpu.memory_space<vmem>>, vector<1000x512xi8>,
    %get3A_4 = arith.constant 0 : index
    %get3A_5 = arith.constant 0 : index
    %get3A_6 = vector.load %arg2[%get3A_4, %get3A_5] : memref<512x256xi32, #tpu.memory_space<vmem>>, vector<512x256xi32>
    %transpose3A_7 = tpu.transpose %get3A_6, [1, 0] : vector<512x256xi32> -> vector<256x512xi32>
    %bitcast3A_8 = tpu.bitcast %transpose3A_7 : vector<256x512xi32> -> vector<1024x512xi8>
    %slice3A_9 = vector.extract_strided_slice %bitcast3A_8 {offsets = [0, 0], sizes = [1000, 512], strides = [1, 1]} : vector<1024x512xi8> to vector<1000x512xi8>
    %swap3A_10 = arith.constant 0 : index
    %swap3A_11 = arith.constant 0 : index
    %swap3A_12 = vector.load %arg6[%swap3A_10, %swap3A_11] : memref<1000x512xi8, #tpu.memory_space<vmem>>, vector<1000x512xi8>
    tpu.vector_store %arg6[%swap3A_10, %swap3A_11], %slice3A_9 {strides = array<i32>} : memref<1000x512xi8, #tpu.memory_space<vmem>>, vector<1000x512xi8>,
    %get3A_13 = arith.constant 0 : index
    %get3A_14 = arith.constant 0 : index
    %get3A_15 = vector.load %arg3[%get3A_13, %get3A_14] : memref<512x256xi32, #tpu.memory_space<vmem>>, vector<512x256xi32>
    %transpose3A_16 = tpu.transpose %get3A_15, [1, 0] : vector<512x256xi32> -> vector<256x512xi32>
    %bitcast3A_17 = tpu.bitcast %transpose3A_16 : vector<256x512xi32> -> vector<1024x512xi8>
    %slice3A_18 = vector.extract_strided_slice %bitcast3A_17 {offsets = [0, 0], sizes = [1000, 512], strides = [1, 1]} : vector<1024x512xi8> to vector<1000x512xi8>
    %swap3A_19 = arith.constant 0 : index
    %swap3A_20 = arith.constant 0 : index
    %swap3A_21 = vector.load %arg7[%swap3A_19, %swap3A_20] : memref<1000x512xi8, #tpu.memory_space<vmem>>, vector<1000x512xi8>
    tpu.vector_store %arg7[%swap3A_19, %swap3A_20], %slice3A_18 {strides = array<i32>} : memref<1000x512xi8, #tpu.memory_space<vmem>>, vector<1000x512xi8>,
    %get3A_22 = arith.constant 0 : index
    %get3A_23 = arith.constant 0 : index
    %get3A_24 = vector.load %arg4[%get3A_22, %get3A_23] : memref<512x256xi32, #tpu.memory_space<vmem>>, vector<512x256xi32>
    %transpose3A_25 = tpu.transpose %get3A_24, [1, 0] : vector<512x256xi32> -> vector<256x512xi32>
    %bitcast3A_26 = tpu.bitcast %transpose3A_25 : vector<256x512xi32> -> vector<1024x512xi8>
    %slice3A_27 = vector.extract_strided_slice %bitcast3A_26 {offsets = [0, 0], sizes = [1000, 512], strides = [1, 1]} : vector<1024x512xi8> to vector<1000x512xi8>
    %swap3A_28 = arith.constant 0 : index
    %swap3A_29 = arith.constant 0 : index
    %swap3A_30 = vector.load %arg8[%swap3A_28, %swap3A_29] : memref<1000x512xi8, #tpu.memory_space<vmem>>, vector<1000x512xi8>
    tpu.vector_store %arg8[%swap3A_28, %swap3A_29], %slice3A_27 {strides = array<i32>} : memref<1000x512xi8, #tpu.memory_space<vmem>>, vector<1000x512xi8>,
    return
  }
  func.func @transform_0(%arg0: i32) -> (i32, i32) {
    %c0_i32 = arith.constant 0 : i32
    %c0_i32_0 = arith.constant 0 : i32
    return %arg0, %c0_i32 : i32, i32
  }
  func.func @transform_1(%arg0: i32) -> (i32, i32) {
    %c0_i32 = arith.constant 0 : i32
    %c0_i32_0 = arith.constant 0 : i32
    return %arg0, %c0_i32 : i32, i32
  }
  func.func @transform_2(%arg0: i32) -> (i32, i32) {
    %c0_i32 = arith.constant 0 : i32
    %c0_i32_0 = arith.constant 0 : i32
    return %arg0, %c0_i32 : i32, i32
  }
  func.func @transform_3(%arg0: i32) -> (i32, i32) {
    %c0_i32 = arith.constant 0 : i32
    %c0_i32_0 = arith.constant 0 : i32
    return %arg0, %c0_i32 : i32, i32
  }
  func.func @transform_4(%arg0: i32) -> (i32, i32) {
    %c0_i32 = arith.constant 0 : i32
    %c0_i32_0 = arith.constant 0 : i32
    return %c0_i32, %arg0 : i32, i32
  }
  func.func @transform_5(%arg0: i32) -> (i32, i32) {
    %c0_i32 = arith.constant 0 : i32
    %c0_i32_0 = arith.constant 0 : i32
    return %c0_i32, %arg0 : i32, i32
  }
  func.func @transform_6(%arg0: i32) -> (i32, i32) {
    %c0_i32 = arith.constant 0 : i32
    %c0_i32_0 = arith.constant 0 : i32
    return %c0_i32, %arg0 : i32, i32
  }
  func.func @transform_7(%arg0: i32) -> (i32, i32) {
    %c0_i32 = arith.constant 0 : i32
    %c0_i32_0 = arith.constant 0 : i32
    return %c0_i32, %arg0 : i32, i32
  }
}

</mosaic_0001>

<sc_bundles>
// kernel: kernel.4.cloned.1.call-start
scs
__scs_entry_jumppad:
0x0: {  	(pc) =	sbr.rel $0x88, $3  }
0x1: {  	(tag) =	ssettag $0x0;
	lr =	simm.s32 $0x1  }
0x2: {  	[smem:$0x3F9F] =	sst lr;
	_ =	strace $0xD0000000  }
0x3: {  	_ = 	snop  }
0x4: {  	_ = 	snop  }
0x5: {  	_ = 	snop  }
0x6: {  	_ = 	snop  }
0x7: {  	_ = 	snop  }
__scs_overlays_trampoline_lowered:
0x8: {  	[smem:$0x3FAE] =	sst s0  }
0x9: {  	[smem:$0x3FAF] =	sst s1  }
0xa: {  	[smem:$0x3FB0] =	sst s2  }
0xb: {  	[smem:$0x3FB1] =	sst s3  }
0xc: {  	[smem:$0x3FB2] =	sst s4  }
0xd: {  	[smem:$0x3FB3] =	sst s5  }
0xe: {  	[smem:$0x3FB4] =	sst s6  }
0xf: {  	[smem:$0x3FB5] =	sst s7  }
0x10: {  	[smem:$0x3FB6] =	sst s8  }
0x11: {  	[smem:$0x3FB7] =	sst s9;
	s0 =	simm.s32 @!p0 $0x0  }
0x12: {  	s1 =	sld [smem:$0x3F9D];
	s0 =	simm.s32 @p0 $0x1  }
0x13: {  	[smem:$0x3FB8] =	sst s0;
	s0 =	simm.s32 @!p1 $0x0  }
0x14: {  	s2 =	sld [smem:$0x3F9C];
	s0 =	simm.s32 @p1 $0x1  }
0x15: {  	[smem:$0x3FB9] =	sst s0;
	s0 =	simm.s32 @!p2 $0x0  }
0x16: {  	s3 =	sld [smem:$0x3FDB];
	s0 =	simm.s32 @p2 $0x1  }
0x17: {  	s4 =	simm.s32 $0x1BF5;
	[smem:$0x3FBB] =	sst s0  }
0x18: {  	s0 =	sld [smem:$0x3F9E];
	_ =	swait.ge [sflag:s4], $0x0  }
0x19: {  	s7 =	sld [smem:$0x3F9F]  }
0x1a: {  	s8 =	sadd.s32 $0xFFFFE003, lr  }
0x1b: {  	s9 =	sadd.s32 $0xFFFFFEF7, lr;
	s5 =	simm.s32 $0xFFFFFFFF;
	p2 =	slt.u32 s8, $0xFFFFF086  }
0x1c: {  	p1 =	slt.u32 s9, $0xF7A;
	s5 =	simm.s32 @!p2 $0x0  }
0x1d: {  	s5 =	simm.s32 @p1 $0x1;
	p0 =	seq.s32 s7, s2  }
0x1e: {  	s7 =	smul.u32 @!p0 $0xF7A, s2;
	p2 =	seq.s32 @!p0 s5, $0x0  }
0x1f: {  	s9 =	smul.u32 $0xF7A, s1;
	s8 =	simm.s32 @!p0 $0x1BF5;
	p2 =	por !p2, p0  }
0x20: {  	[sflag:s8] =	ssyncset.s32 @!p0 $0xFFFFF086;
	s6 =	sadd.s32 @!p0 s3, s7;
	s7 =	simm.s32 @!p0 $0x108  }
0x21: {  	s3 =	sadd.s32 s3, s9;
	s6 =	sadd.s32 @!p0 $0x88, s6;
	s7 =	simm.s32 @p2 $0x1082  }
0x22: {  	[simem:s7], [sflag:s8] =	dma.local @!p0 [hbm:s6], $0xF7A  }
0x23: {  	s9 =	sor.u32 $0xD0000000, s2;
	s6 =	simm.s32 $0x108;
	_ =	swait.ge @!p0 [sflag:s8], $0x0  }
0x24: {  	s3 =	sadd.s32 $0x88, s3;
	s6 =	simm.s32 @!p1 $0x1082;
	[sflag:s4] =	ssyncset.s32 $0xFFFFF086  }
0x25: {  	[simem:s6], [sflag:s4] =	dma.local [hbm:s3], $0xF7A  }
0x26: {  	[smem:$0x3F9F] =	sst s1;
	(tag) =	ssettag s2;
	_ =	strace s9  }
0x27: {  	s1 =	sld [smem:$0x3FAF]  }
0x28: {  	s2 =	sld [smem:$0x3FB0]  }
0x29: {  	s4 =	sld [smem:$0x3FB2]  }
0x2a: {  	p0 =	seq.s32 s5, $0x0;
	s5 =	sld [smem:$0x3FB3]  }
0x2b: {  	s6 =	sld [smem:$0x3FB4]  }
0x2c: {  	s7 =	sld [smem:$0x3FB5]  }
0x2d: {  	s3 =	simm.s32 $0x108;
	s8 =	sld [smem:$0x3FB6]  }
0x2e: {  	s3 =	simm.s32 @!p0 $0x1082;
	s9 =	sld [smem:$0x3FB7]  }
0x2f: {  	lr =	sadd.s32 s0, s3;
	s0 =	sld [smem:$0x3FAE]  }
0x30: {  	s3 =	sld [smem:$0x3FB1]  }
0x31: {  	[smem:$0x3FBA] =	sst s10  }
0x32: {  	s10 =	sld [smem:$0x3FB8];
	_ =	sdelay $0x3  }
0x33: {  	p0 =	seq.s32 s10, $0x1;
	s10 =	sld [smem:$0x3FBA];
	_ =	sdelay $0x3  }
0x34: {  	[smem:$0x3FBA] =	sst s10  }
0x35: {  	s10 =	sld [smem:$0x3FB9];
	_ =	sdelay $0x3  }
0x36: {  	p1 =	seq.s32 s10, $0x1;
	s10 =	sld [smem:$0x3FBA];
	_ =	sdelay $0x3  }
0x37: {  	[smem:$0x3FBA] =	sst s10  }
0x38: {  	s10 =	sld [smem:$0x3FBB]  }
0x39: {  	_ = 	snop;
	(pc) =	sbr.ind lr, $3  }
0x3a: {  	_ = 	snop  }
0x3b: {  	_ = 	snop  }
0x3c: {  	p2 =	seq.s32 s10, $0x1;
	s10 =	sld [smem:$0x3FBA]  }
0x3d: {  	_ =	shalt  }
0x3e: {  	_ =	shalt  }
0x3f: {  	_ =	shalt  }
0x40: {  	_ =	shalt  }
0x41: {  	_ =	shalt  }
0x42: {  	_ =	shalt  }
0x43: {  	_ =	shalt  }
0x44: {  	_ =	shalt  }
0x45: {  	_ =	shalt  }
0x46: {  	_ =	shalt  }
0x47: {  	_ =	shalt  }
0x48: {  	_ =	shalt  }
0x49: {  	_ =	shalt  }
0x4a: {  	_ =	shalt  }
0x4b: {  	_ =	shalt  }
0x4c: {  	_ =	shalt  }
0x4d: {  	_ =	shalt  }
0x4e: {  	_ =	shalt  }
0x4f: {  	_ =	shalt  }
0x50: {  	_ =	shalt  }
0x51: {  	_ =	shalt  }
0x52: {  	_ =	shalt  }
0x53: {  	_ =	shalt  }
0x54: {  	_ =	shalt  }
0x55: {  	_ =	shalt  }
0x56: {  	_ =	shalt  }
0x57: {  	_ =	shalt  }
0x58: {  	_ =	shalt  }
0x59: {  	_ =	shalt  }
0x5a: {  	_ =	shalt  }
0x5b: {  	_ =	shalt  }
0x5c: {  	_ =	shalt  }
0x5d: {  	_ =	shalt  }
0x5e: {  	_ =	shalt  }
0x5f: {  	_ =	shalt  }
0x60: {  	_ =	shalt  }
0x61: {  	_ =	shalt  }
0x62: {  	_ =	shalt  }
0x63: {  	_ =	shalt  }
0x64: {  	_ =	shalt  }
0x65: {  	_ =	shalt  }
0x66: {  	_ =	shalt  }
0x67: {  	_ =	shalt  }
0x68: {  	_ =	shalt  }
0x69: {  	_ =	shalt  }
0x6a: {  	_ =	shalt  }
0x6b: {  	_ =	shalt  }
0x6c: {  	_ =	shalt  }
0x6d: {  	_ =	shalt  }
0x6e: {  	_ =	shalt  }
0x6f: {  	_ =	shalt  }
0x70: {  	_ =	shalt  }
0x71: {  	_ =	shalt  }
0x72: {  	_ =	shalt  }
0x73: {  	_ =	shalt  }
0x74: {  	_ =	shalt  }
0x75: {  	_ =	shalt  }
0x76: {  	_ =	shalt  }
0x77: {  	_ =	shalt  }
0x78: {  	_ =	shalt  }
0x79: {  	_ =	shalt  }
0x7a: {  	_ =	shalt  }
0x7b: {  	_ =	shalt  }
0x7c: {  	_ =	shalt  }
0x7d: {  	_ =	shalt  }
0x7e: {  	_ =	shalt  }
0x7f: {  	_ =	shalt  }
0x80: {  	_ =	shalt  }
0x81: {  	_ =	shalt  }
0x82: {  	_ =	shalt  }
0x83: {  	_ =	shalt  }
0x84: {  	_ =	shalt  }
0x85: {  	_ =	shalt  }
0x86: {  	_ =	shalt  }
0x87: {  	_ =	shalt  }
.Lfunc_end0:
.L_simem_size_0:
called_computation_lowered:
.L_overlay_start_0:
0x88: {  	s2 =	sld [smem:$0x3FD9]  }
0x89: {  	s3 =	sld [smem:$0x3FFE];
	_ =	sdelay $0x1  }
0x8a: {  	s1 =	srdreg.scid  }
0x8b: {  	s0 =	sand.u32 $0x1, s1  }
0x8c: {  	s14 =	sshll.u32 s0, $0xA;
	s2 =	sadd.s32 s3, s2  }
0x8d: {  	s2 =	sadd.s32 s2, s14  }
0x8e: {  	[smem:$0x3FC6] =	sst s2  }
0x8f: {  	_ = 	snop  }
0x90: {  	s2 =	sld [smem:$0x3FD0];
	_ =	sdelay $0x2  }
0x91: {  	s4 =	simm.s32 $0xA;
	s5 =	simm.s32 $0x10;
	s15 =	sld [smem:$0x3FC9]  }
0x92: {  	[smem:s5], [sflag:s4] =	dma.local [hbm:s2], $0x1  }
0x93: {  	_ =	swait.eq [sflag:s4], $0x1  }
0x94: {  	[sflag:s4] =	ssyncset.done $0x0  }
0x95: {  	[sflag:s4] =	ssyncadd.s32 $0xFFFFFFFF  }
0x96: {  	s16 =	sld [smem:$0x12];
	(tm) =	ssettm $0x1  }
0x97: {  	s17 =	sld [smem:$0x3FFB];
	_ =	sdelay $0x3  }
0x98: {  	_ =	strace s17  }
0x99: {  	s4 =	sld [smem:$0x3FFC];
	_ =	sdelay $0x3  }
0x9a: {  	_ =	strace s4  }
0x9b: {  	s4 =	sld [smem:$0x3FFD];
	_ =	sdelay $0x3  }
0x9c: {  	_ =	strace s4  }
0x9d: {  	_ =	strace $0x8FFFFFFF  }
0x9e: {  	s18 =	sld [smem:$0x3FDB];
	_ =	sdelay $0x1  }
0x9f: {  	s19 =	simm.s32 $_scs_section_size  }
0xa0: {  	s6 =	simm.s32 $_size__tile_overlayer_lowered;
	s7 =	simm.s32 $_tile_overlayer_lowered  }
0xa1: {  	s22 =	simm.s32 $0x1BFF;
	s21 =	sshll.u32 s7, $0x1;
	s4 =	sadd.s32 s19, s18  }
0xa2: {  	s8 =	simm.s32 $0x0;
	s20 =	sshll.u32 s6, $0x1;
	s6 =	sadd.s32 s21, s4  }
0xa3: {  	[timem:s8], [sflag:s22] =	dma.local [hbm:s6], s20  }
0xa4: {  	_ =	swait.ge [sflag:s22], s20  }
0xa5: {  	s5 =	ssub.s32 $0x0, s20;
	[sflag:s22] =	ssyncset.done $0x0  }
0xa6: {  	[sflag:s22] =	ssyncadd.s32 s5;
	_ =	sdelay $0x1  }
0xa7: {  	s23 =	simm.s32 $0x1B8B  }
0xa8: {  	_ =	swait.ge [sflag:s23], $0x1  }
0xa9: {  	[sflag:s23] =	ssyncset.done $0x0  }
0xaa: {  	s25 =	simm.s32 $0x1B8E;
	s24 =	sld [smem:$0x3FFE];
	[sflag:s23] =	ssyncadd.s32 $0xFFFFFFFF  }
0xab: {  	s26 =	simm.s32 $execute0_lowered;
	[smem:$0x3FD2] =	sst s25  }
0xac: {  	s6 =	sshll.u32 s26, $0x1;
	_ =	strace $0x80000046;
	[dreg:$0x1] =	wrdreg $0xFFFFFFFF  }
0xad: {  	s28 =	simm.s32 $_size_execute0_lowered;
	s4 =	sadd.s32 s4, s6;
	[dreg:$0x0] =	wrdreg $0x0  }
0xae: {  	s6 =	sshll.u32 s28, $0x1;
	[dreg:$0x2] =	wrdreg s4  }
0xaf: {  	[dreg:$0x3] =	wrdreg s6  }
0xb0: {  	[dreg:$0x4] =	wrdreg $0xC0  }
0xb1: {  	_ =	task [dreg:s8], $0x5FFFF  }
0xb2: {  	[dreg:$0x1] =	wrdreg $0xFFFFFFFF  }
0xb3: {  	[dreg:$0x0] =	wrdreg $0x60  }
0xb4: {  	[dreg:$0x2] =	wrdreg s16  }
0xb5: {  	[dreg:$0x3] =	wrdreg s15  }
0xb6: {  	[dreg:$0x4] =	wrdreg s24  }
0xb7: {  	[dreg:$0x5] =	wrdreg $0x9  }
0xb8: {  	_ =	task.clear_ibuf [dreg:s8], $0x6FFFF;
	_ =	strace $0x90000046  }
0xb9: {  	s29 =	simm.s32 $0x9;
	_ =	strace $0x80000048  }
0xba: {  	_ =	swait.ge [sflag:s29], $0x1  }
0xbb: {  	[sflag:s29] =	ssyncadd.s32 $0xFFFFFFFF  }
0xbc: {  	_ =	strace $0x90000048  }
0xbd: {  	_ =	sfence  }
0xbe: {  	s30 =	sld [smem:$0x0];
	_ =	sdelay $0x2  }
0xbf: {  	s31 =	sshll.u32 s1, $0xD;
	s1 =	sshrl.u32 s1, $0x2  }
0xc0: {  	s3 =	sand.u32 $0x4000, s31;
	s1 =	sadd.s32 s1, s30  }
0xc1: {  	s0 =	sor.u32 s3, s0;
	s1 =	sshll.u32 s1, $0x11  }
0xc2: {  	s0 =	sor.u32 s1, s0  }
0xc3: {  	s0 =	sadd.s32 $0x8F2B, s0  }
0xc4: {  	[sflag:s0] =	ssyncadd.remote.s32 $0x1  }
0xc5: {  	_ =	sfence.sel $0xFFFF  }
0xc6: {  	[dreg:$0x0] =	wrdreg $0xFFFFFFFF;
	(pc) =	sbr.abs _section_cstart, $3  }
0xc7: {  	[dreg:$0x1] =	wrdreg $0xFFFFFFFF  }
0xc8: {  	_ =	task.clear_ibuf [dreg:s8], $0x2FFFF;
	_ =	strace $0x9FFFFFFF  }
0xc9: {  	(tm) =	ssettm $0x7FFFFFFF  }
tec
execute0_lowered:
.L_overlay_start_1:
0x0: {  	(tag) =	ssettag $0x1  }
0x1: {  	s3 =	srdreg.scid  }
0x2: {  	s1 =	rddreg [dreg:$0x0];
	s5 =	stileid.u32;
	s4 =	sand.u32 $0x1, s3  }
0x3: {  	s0 =	rddreg [dreg:$0x1];
	s5 =	sshll.u32 s5, $0xA;
	s6 =	sshll.u32 s4, $0x9  }
0x4: {  	s2 =	rddreg [dreg:$0x2];
	s3 =	simm.s32 $0x0;
	s5 =	sor.u32 s6, s5  }
0x5: {  	s7 =	sadd.s32 $0x1000, s2;
	s10 =	sadd.s32 $0x81000, s2;
	s6 =	sshrl.u32 s5, $0x3  }
0x6: {  	[smem:$0x7FF] =	sst s3;
	s5 =	sshll.u32 s5, $0x5;
	s0 =	sadd.s32 s0, s6  }
0x7: {  	_ =	strace $0x80000047;
	s11 =	sadd.s32 s7, s5;
	[dreg:$0x4] =	wrdreg s0  }
0x8: {  	s19 =	sadd.s32 $0x101000, s2;
	s16 =	sadd.s32 s10, s5;
	[dreg:$0x5] =	wrdreg s11  }
0x9: {  	s2 =	sadd.s32 $0x181000, s2;
	s21 =	sadd.s32 s19, s5;
	[dreg:$0x9] =	wrdreg s16  }
0xa: {  	s12 =	sor.u32 $0x1000, s5;
	s25 =	sadd.s32 s2, s5;
	[dreg:$0xd] =	wrdreg s21  }
0xb: {  	s8 =	sor.u32 $0x2000, s5;
	s13 =	sadd.s32 s7, s12;
	[dreg:$0x11] =	wrdreg s25  }
0xc: {  	s9 =	sor.u32 $0x3000, s5;
	s14 =	sadd.s32 s7, s8;
	[dreg:$0x6] =	wrdreg s13  }
0xd: {  	s15 =	sadd.s32 s7, s9;
	[dreg:$0x7] =	wrdreg s14  }
0xe: {  	s17 =	sadd.s32 s10, s12;
	[dreg:$0x8] =	wrdreg s15  }
0xf: {  	s18 =	sadd.s32 s10, s8;
	[dreg:$0xa] =	wrdreg s17  }
0x10: {  	s4 =	ssub.s32 $0x2, s4;
	s20 =	sadd.s32 s10, s9;
	[dreg:$0xb] =	wrdreg s18  }
0x11: {  	s29 =	sshrl.u32 s4, $0x1;
	s22 =	sadd.s32 s19, s12;
	[dreg:$0xc] =	wrdreg s20  }
0x12: {  	s31 =	ssub.s32 s4, s29;
	s23 =	sadd.s32 s19, s8;
	[dreg:$0xe] =	wrdreg s22  }
0x13: {  	s5 =	simm.s32 $0x3;
	s24 =	sadd.s32 s19, s9;
	[dreg:$0xf] =	wrdreg s23  }
0x14: {  	s6 =	simm.s32 $0x300;
	s26 =	sadd.s32 s2, s12;
	[dreg:$0x10] =	wrdreg s24  }
0x15: {  	v2 =	vlaneseq.u32;
	s28 =	sadd.s32 s2, s8;
	s30 =	sadd.s32 s2, s9;
	[dreg:$0x12] =	wrdreg s26  }
0x16: {  	vm0 =	vmmov $0xffff;
	v1 =	vshrl.u32 v2, $0x3;
	s0 =	smax.u32 s31, $0x1;
	s12 =	simm.s32 $0x1;
	[dreg:$0x13] =	wrdreg s28  }
0x17: {  	v0 =	vand.u32 $0x7, v2;
	v2 =	vor.u32 $0x8, v2;
	v1 =	vmul.u32 $0x8, v1;
	[dreg:$0x14] =	wrdreg s30;
	s22 =	simm.s32 $0x8300;
	s13 =	simm.s32 $0x2  }
.LBB2_1:
0x18: {  	[dreg:$0x15] =	wrdreg s0  }
0x19: {  	s14 =	rddreg [dreg:$0x4]  }
0x1a: {  	[tilespmem:s3], [sflag:$0x3] =	stream.linear.gather [hbm4b:s14+s3], $0x200, $0x38;
	[tilespmem:$0x10300] =	vst v63  }
0x1b: {  	_ =	swait.ge [sflag:s5], $0x200  }
0x1c: {  	[sflag:s5] =	ssyncset.done $0x0  }
0x1d: {  	[sflag:s5] =	ssyncadd.s32 $0xFFFFFE00  }
0x1e: {  	v3 =	vld [tilespmem:$0x0];
	_ =	sdelay $0x2  }
0x1f: {  	v4 =	vld [tilespmem:$0x10]  }
0x20: {  	v5 =	vld [tilespmem:$0x20]  }
0x21: {  	v6 =	vld [tilespmem:$0x30];
	v7 =	vshll.u32 v3, $0x1  }
0x22: {  	v8 =	vld [tilespmem:$0x40];
	v9 =	vand.u32 $0x7, v3;
	v7 =	vand.u32 $0xFFFFFFF0, v7  }
0x23: {  	[tilespmem:$0x200] =	vst v3;
	v3 =	vld [tilespmem:$0x50];
	v7 =	vor.u32 v9, v7  }
0x24: {  	v58 =	vld [tilespmem:$0x60];
	[tilespmem:$0x210] =	vst v4;
	v9 =	vperm.xlane v7, v0  }
0x25: {  	v59 =	vld [tilespmem:$0x70];
	[tilespmem:$0x220] =	vst v5  }
0x26: {  	[tilespmem:$0x230] =	vst v6;
	v7 =	vperm.xlane v7, v2;
	v60 =	vadd.s32 v1, v9  }
0x27: {  	[tilespmem:$0x240] =	vst v8  }
0x28: {  	[tilespmem:$0x250] =	vst v3;
	v3 =	vadd.s32 v1, v7  }
0x29: {  	[tilespmem:$0x260] =	vst v58  }
0x2a: {  	[tilespmem:$0x270] =	vst v59  }
0x2b: {  	[tilespmem:s6], [sflag:$0x1] =	stream.indirect_vreg.gather [hbm4b:s1+s3], $0x80, v60, vm0, $0xb8;
	[tilespmem:$0x10300] =	vst v63  }
0x2c: {  	s7 =	simm.s32 $0xB00  }
0x2d: {  	[tilespmem:s7], [sflag:$0x1] =	stream.indirect_vreg.gather [hbm4b:s1+s3], $0x80, v3, vm0, $0xb8;
	[tilespmem:$0x10300] =	vst v63  }
0x2e: {  	v3 =	vld [tilespmem:$0x210];
	_ =	sdelay $0x4  }
0x2f: {  	v61 =	vshll.u32 v3, $0x1  }
0x30: {  	v3 =	vand.u32 $0x7, v3;
	v4 =	vand.u32 $0xFFFFFFF0, v61  }
0x31: {  	v3 =	vor.u32 v3, v4  }
0x32: {  	v4 =	vperm.xlane v3, v0;
	_ =	sdelay $0x1  }
0x33: {  	v3 =	vperm.xlane v3, v2;
	v4 =	vadd.s32 v1, v4;
	_ =	sdelay $0x1  }
0x34: {  	v3 =	vadd.s32 v1, v3;
	_ =	sdelay $0x1  }
0x35: {  	s8 =	simm.s32 $0x1300  }
0x36: {  	[tilespmem:s8], [sflag:$0x1] =	stream.indirect_vreg.gather [hbm4b:s1+s3], $0x80, v4, vm0, $0xb8;
	[tilespmem:$0x10300] =	vst v63  }
0x37: {  	s9 =	simm.s32 $0x1B00  }
0x38: {  	[tilespmem:s9], [sflag:$0x1] =	stream.indirect_vreg.gather [hbm4b:s1+s3], $0x80, v3, vm0, $0xb8;
	[tilespmem:$0x10300] =	vst v63  }
0x39: {  	v3 =	vld [tilespmem:$0x220];
	_ =	sdelay $0x4  }
0x3a: {  	v62 =	vshll.u32 v3, $0x1  }
0x3b: {  	v3 =	vand.u32 $0x7, v3;
	v4 =	vand.u32 $0xFFFFFFF0, v62  }
0x3c: {  	v3 =	vor.u32 v3, v4  }
0x3d: {  	v4 =	vperm.xlane v3, v0;
	_ =	sdelay $0x1  }
0x3e: {  	v3 =	vperm.xlane v3, v2;
	v4 =	vadd.s32 v1, v4;
	_ =	sdelay $0x1  }
0x3f: {  	v3 =	vadd.s32 v1, v3;
	_ =	sdelay $0x1  }
0x40: {  	s10 =	simm.s32 $0x2300  }
0x41: {  	[tilespmem:s10], [sflag:$0x1] =	stream.indirect_vreg.gather [hbm4b:s1+s3], $0x80, v4, vm0, $0xb8;
	[tilespmem:$0x10300] =	vst v63  }
0x42: {  	s11 =	simm.s32 $0x2B00  }
0x43: {  	[tilespmem:s11], [sflag:$0x1] =	stream.indirect_vreg.gather [hbm4b:s1+s3], $0x80, v3, vm0, $0xb8;
	[tilespmem:$0x10300] =	vst v63  }
0x44: {  	v3 =	vld [tilespmem:$0x230];
	_ =	sdelay $0x4  }
0x45: {  	v63 =	vshll.u32 v3, $0x1  }
0x46: {  	v3 =	vand.u32 $0x7, v3;
	v4 =	vand.u32 $0xFFFFFFF0, v63  }
0x47: {  	v3 =	vor.u32 v3, v4  }
0x48: {  	v4 =	vperm.xlane v3, v0;
	_ =	sdelay $0x1  }
0x49: {  	v3 =	vperm.xlane v3, v2;
	v4 =	vadd.s32 v1, v4;
	_ =	sdelay $0x1  }
0x4a: {  	v3 =	vadd.s32 v1, v3;
	_ =	sdelay $0x1  }
0x4b: {  	s14 =	simm.s32 $0x3300  }
0x4c: {  	[tilespmem:s14], [sflag:$0x1] =	stream.indirect_vreg.gather [hbm4b:s1+s3], $0x80, v4, vm0, $0xb8;
	[tilespmem:$0x10300] =	vst v63  }
0x4d: {  	s15 =	simm.s32 $0x3B00  }
0x4e: {  	[tilespmem:s15], [sflag:$0x1] =	stream.indirect_vreg.gather [hbm4b:s1+s3], $0x80, v3, vm0, $0xb8;
	[tilespmem:$0x10300] =	vst v63  }
0x4f: {  	v3 =	vld [tilespmem:$0x240];
	_ =	sdelay $0x4  }
0x50: {  	v8 =	vshll.u32 v3, $0x1  }
0x51: {  	v3 =	vand.u32 $0x7, v3;
	v4 =	vand.u32 $0xFFFFFFF0, v8  }
0x52: {  	v3 =	vor.u32 v3, v4  }
0x53: {  	v4 =	vperm.xlane v3, v0;
	_ =	sdelay $0x1  }
0x54: {  	v3 =	vperm.xlane v3, v2;
	v4 =	vadd.s32 v1, v4;
	_ =	sdelay $0x1  }
0x55: {  	v3 =	vadd.s32 v1, v3;
	_ =	sdelay $0x1  }
0x56: {  	s16 =	simm.s32 $0x4300  }
0x57: {  	[tilespmem:s16], [sflag:$0x1] =	stream.indirect_vreg.gather [hbm4b:s1+s3], $0x80, v4, vm0, $0xb8;
	[tilespmem:$0x10300] =	vst v63  }
0x58: {  	s17 =	simm.s32 $0x4B00  }
0x59: {  	[tilespmem:s17], [sflag:$0x1] =	stream.indirect_vreg.gather [hbm4b:s1+s3], $0x80, v3, vm0, $0xb8;
	[tilespmem:$0x10300] =	vst v63  }
0x5a: {  	v3 =	vld [tilespmem:$0x250];
	_ =	sdelay $0x4  }
0x5b: {  	v9 =	vshll.u32 v3, $0x1  }
0x5c: {  	v3 =	vand.u32 $0x7, v3;
	v4 =	vand.u32 $0xFFFFFFF0, v9  }
0x5d: {  	v3 =	vor.u32 v3, v4  }
0x5e: {  	v4 =	vperm.xlane v3, v0;
	_ =	sdelay $0x1  }
0x5f: {  	v3 =	vperm.xlane v3, v2;
	v4 =	vadd.s32 v1, v4;
	_ =	sdelay $0x1  }
0x60: {  	v3 =	vadd.s32 v1, v3;
	_ =	sdelay $0x1  }
0x61: {  	s19 =	simm.s32 $0x5300  }
0x62: {  	[tilespmem:s19], [sflag:$0x1] =	stream.indirect_vreg.gather [hbm4b:s1+s3], $0x80, v4, vm0, $0xb8;
	[tilespmem:$0x10300] =	vst v63  }
0x63: {  	s24 =	simm.s32 $0x5B00  }
0x64: {  	[tilespmem:s24], [sflag:$0x1] =	stream.indirect_vreg.gather [hbm4b:s1+s3], $0x80, v3, vm0, $0xb8;
	[tilespmem:$0x10300] =	vst v63  }
0x65: {  	v3 =	vld [tilespmem:$0x260];
	_ =	sdelay $0x4  }
0x66: {  	v10 =	vshll.u32 v3, $0x1  }
0x67: {  	v3 =	vand.u32 $0x7, v3;
	v4 =	vand.u32 $0xFFFFFFF0, v10  }
0x68: {  	v3 =	vor.u32 v3, v4  }
0x69: {  	v4 =	vperm.xlane v3, v0;
	_ =	sdelay $0x1  }
0x6a: {  	v3 =	vperm.xlane v3, v2;
	v4 =	vadd.s32 v1, v4;
	_ =	sdelay $0x1  }
0x6b: {  	v3 =	vadd.s32 v1, v3;
	_ =	sdelay $0x1  }
0x6c: {  	s26 =	simm.s32 $0x6300  }
0x6d: {  	[tilespmem:s26], [sflag:$0x1] =	stream.indirect_vreg.gather [hbm4b:s1+s3], $0x80, v4, vm0, $0xb8;
	[tilespmem:$0x10300] =	vst v63  }
0x6e: {  	s28 =	simm.s32 $0x6B00  }
0x6f: {  	[tilespmem:s28], [sflag:$0x1] =	stream.indirect_vreg.gather [hbm4b:s1+s3], $0x80, v3, vm0, $0xb8;
	[tilespmem:$0x10300] =	vst v63  }
0x70: {  	v3 =	vld [tilespmem:$0x270];
	_ =	sdelay $0x4  }
0x71: {  	v11 =	vshll.u32 v3, $0x1  }
0x72: {  	v3 =	vand.u32 $0x7, v3;
	v4 =	vand.u32 $0xFFFFFFF0, v11  }
0x73: {  	v3 =	vor.u32 v3, v4  }
0x74: {  	v4 =	vperm.xlane v3, v0;
	_ =	sdelay $0x1  }
0x75: {  	v3 =	vperm.xlane v3, v2;
	v4 =	vadd.s32 v1, v4;
	_ =	sdelay $0x1  }
0x76: {  	v3 =	vadd.s32 v1, v3;
	_ =	sdelay $0x1  }
0x77: {  	s29 =	simm.s32 $0x7300  }
0x78: {  	[tilespmem:s29], [sflag:$0x1] =	stream.indirect_vreg.gather [hbm4b:s1+s3], $0x80, v4, vm0, $0xb8;
	[tilespmem:$0x10300] =	vst v63  }
0x79: {  	s30 =	simm.s32 $0x7B00  }
0x7a: {  	[tilespmem:s30], [sflag:$0x1] =	stream.indirect_vreg.gather [hbm4b:s1+s3], $0x80, v3, vm0, $0xb8;
	[tilespmem:$0x10300] =	vst v63  }
0x7b: {  	v3 =	vld [tilespmem:$0x80];
	_ =	sdelay $0x2  }
0x7c: {  	v4 =	vld [tilespmem:$0x90]  }
0x7d: {  	v12 =	vld [tilespmem:$0xA0]  }
0x7e: {  	v6 =	vld [tilespmem:$0xB0];
	v13 =	vshll.u32 v3, $0x1  }
0x7f: {  	v14 =	vld [tilespmem:$0xC0];
	v15 =	vand.u32 $0x7, v3;
	v7 =	vand.u32 $0xFFFFFFF0, v13  }
0x80: {  	[tilespmem:$0x280] =	vst v3;
	v3 =	vld [tilespmem:$0xD0];
	v7 =	vor.u32 v15, v7  }
0x81: {  	v16 =	vld [tilespmem:$0xE0];
	[tilespmem:$0x290] =	vst v4;
	v9 =	vperm.xlane v7, v0  }
0x82: {  	v17 =	vld [tilespmem:$0xF0];
	[tilespmem:$0x2A0] =	vst v12  }
0x83: {  	[tilespmem:$0x2B0] =	vst v6;
	v7 =	vperm.xlane v7, v2;
	v18 =	vadd.s32 v1, v9  }
0x84: {  	[tilespmem:$0x2C0] =	vst v14  }
0x85: {  	[tilespmem:$0x2D0] =	vst v3;
	v3 =	vadd.s32 v1, v7  }
0x86: {  	[tilespmem:$0x2E0] =	vst v16  }
0x87: {  	[tilespmem:$0x2F0] =	vst v17  }
0x88: {  	[tilespmem:s22], [sflag:$0x2] =	stream.indirect_vreg.gather [hbm4b:s1+s3], $0x80, v18, vm0, $0xb8;
	[tilespmem:$0x10300] =	vst v63  }
0x89: {  	s31 =	simm.s32 $0x8B00  }
0x8a: {  	[tilespmem:s31], [sflag:$0x2] =	stream.indirect_vreg.gather [hbm4b:s1+s3], $0x80, v3, vm0, $0xb8;
	[tilespmem:$0x10300] =	vst v63  }
0x8b: {  	v3 =	vld [tilespmem:$0x290];
	_ =	sdelay $0x4  }
0x8c: {  	v19 =	vshll.u32 v3, $0x1  }
0x8d: {  	v3 =	vand.u32 $0x7, v3;
	v4 =	vand.u32 $0xFFFFFFF0, v19  }
0x8e: {  	v3 =	vor.u32 v3, v4  }
0x8f: {  	v4 =	vperm.xlane v3, v0;
	_ =	sdelay $0x1  }
0x90: {  	v3 =	vperm.xlane v3, v2;
	v4 =	vadd.s32 v1, v4;
	_ =	sdelay $0x1  }
0x91: {  	v3 =	vadd.s32 v1, v3;
	_ =	sdelay $0x1  }
0x92: {  	s2 =	simm.s32 $0x9300  }
0x93: {  	[tilespmem:s2], [sflag:$0x2] =	stream.indirect_vreg.gather [hbm4b:s1+s3], $0x80, v4, vm0, $0xb8;
	[tilespmem:$0x10300] =	vst v63  }
0x94: {  	s4 =	simm.s32 $0x9B00  }
0x95: {  	[tilespmem:s4], [sflag:$0x2] =	stream.indirect_vreg.gather [hbm4b:s1+s3], $0x80, v3, vm0, $0xb8;
	[tilespmem:$0x10300] =	vst v63  }
0x96: {  	v3 =	vld [tilespmem:$0x2A0];
	_ =	sdelay $0x4  }
0x97: {  	v20 =	vshll.u32 v3, $0x1  }
0x98: {  	v3 =	vand.u32 $0x7, v3;
	v4 =	vand.u32 $0xFFFFFFF0, v20  }
0x99: {  	v3 =	vor.u32 v3, v4  }
0x9a: {  	v4 =	vperm.xlane v3, v0;
	_ =	sdelay $0x1  }
0x9b: {  	v3 =	vperm.xlane v3, v2;
	v4 =	vadd.s32 v1, v4;
	_ =	sdelay $0x1  }
0x9c: {  	v3 =	vadd.s32 v1, v3;
	_ =	sdelay $0x1  }
0x9d: {  	s7 =	simm.s32 $0xA300  }
0x9e: {  	[tilespmem:s7], [sflag:$0x2] =	stream.indirect_vreg.gather [hbm4b:s1+s3], $0x80, v4, vm0, $0xb8;
	[tilespmem:$0x10300] =	vst v63  }
0x9f: {  	s10 =	simm.s32 $0xAB00  }
0xa0: {  	[tilespmem:s10], [sflag:$0x2] =	stream.indirect_vreg.gather [hbm4b:s1+s3], $0x80, v3, vm0, $0xb8;
	[tilespmem:$0x10300] =	vst v63  }
0xa1: {  	v3 =	vld [tilespmem:$0x2B0];
	_ =	sdelay $0x4  }
0xa2: {  	v21 =	vshll.u32 v3, $0x1  }
0xa3: {  	v3 =	vand.u32 $0x7, v3;
	v4 =	vand.u32 $0xFFFFFFF0, v21  }
0xa4: {  	v3 =	vor.u32 v3, v4  }
0xa5: {  	v4 =	vperm.xlane v3, v0;
	_ =	sdelay $0x1  }
0xa6: {  	v3 =	vperm.xlane v3, v2;
	v4 =	vadd.s32 v1, v4;
	_ =	sdelay $0x1  }
0xa7: {  	v3 =	vadd.s32 v1, v3;
	_ =	sdelay $0x1  }
0xa8: {  	s11 =	simm.s32 $0xB300  }
0xa9: {  	[tilespmem:s11], [sflag:$0x2] =	stream.indirect_vreg.gather [hbm4b:s1+s3], $0x80, v4, vm0, $0xb8;
	[tilespmem:$0x10300] =	vst v63  }
0xaa: {  	s14 =	simm.s32 $0xBB00  }
0xab: {  	[tilespmem:s14], [sflag:$0x2] =	stream.indirect_vreg.gather [hbm4b:s1+s3], $0x80, v3, vm0, $0xb8;
	[tilespmem:$0x10300] =	vst v63  }
0xac: {  	v3 =	vld [tilespmem:$0x2C0];
	_ =	sdelay $0x4  }
0xad: {  	v22 =	vshll.u32 v3, $0x1  }
0xae: {  	v3 =	vand.u32 $0x7, v3;
	v4 =	vand.u32 $0xFFFFFFF0, v22  }
0xaf: {  	v3 =	vor.u32 v3, v4  }
0xb0: {  	v4 =	vperm.xlane v3, v0;
	_ =	sdelay $0x1  }
0xb1: {  	v3 =	vperm.xlane v3, v2;
	v4 =	vadd.s32 v1, v4;
	_ =	sdelay $0x1  }
0xb2: {  	v3 =	vadd.s32 v1, v3;
	_ =	sdelay $0x1  }
0xb3: {  	s15 =	simm.s32 $0xC300  }
0xb4: {  	[tilespmem:s15], [sflag:$0x2] =	stream.indirect_vreg.gather [hbm4b:s1+s3], $0x80, v4, vm0, $0xb8;
	[tilespmem:$0x10300] =	vst v63  }
0xb5: {  	s16 =	simm.s32 $0xCB00  }
0xb6: {  	[tilespmem:s16], [sflag:$0x2] =	stream.indirect_vreg.gather [hbm4b:s1+s3], $0x80, v3, vm0, $0xb8;
	[tilespmem:$0x10300] =	vst v63  }
0xb7: {  	v3 =	vld [tilespmem:$0x2D0];
	_ =	sdelay $0x4  }
0xb8: {  	v23 =	vshll.u32 v3, $0x1  }
0xb9: {  	v3 =	vand.u32 $0x7, v3;
	v4 =	vand.u32 $0xFFFFFFF0, v23  }
0xba: {  	v3 =	vor.u32 v3, v4  }
0xbb: {  	v4 =	vperm.xlane v3, v0;
	_ =	sdelay $0x1  }
0xbc: {  	v3 =	vperm.xlane v3, v2;
	v4 =	vadd.s32 v1, v4;
	_ =	sdelay $0x1  }
0xbd: {  	v3 =	vadd.s32 v1, v3;
	_ =	sdelay $0x1  }
0xbe: {  	s17 =	simm.s32 $0xD300  }
0xbf: {  	[tilespmem:s17], [sflag:$0x2] =	stream.indirect_vreg.gather [hbm4b:s1+s3], $0x80, v4, vm0, $0xb8;
	[tilespmem:$0x10300] =	vst v63  }
0xc0: {  	s24 =	simm.s32 $0xDB00  }
0xc1: {  	[tilespmem:s24], [sflag:$0x2] =	stream.indirect_vreg.gather [hbm4b:s1+s3], $0x80, v3, vm0, $0xb8;
	[tilespmem:$0x10300] =	vst v63  }
0xc2: {  	v3 =	vld [tilespmem:$0x2E0];
	_ =	sdelay $0x4  }
0xc3: {  	v24 =	vshll.u32 v3, $0x1  }
0xc4: {  	v3 =	vand.u32 $0x7, v3;
	v4 =	vand.u32 $0xFFFFFFF0, v24  }
0xc5: {  	v3 =	vor.u32 v3, v4  }
0xc6: {  	v4 =	vperm.xlane v3, v0;
	_ =	sdelay $0x1  }
0xc7: {  	v3 =	vperm.xlane v3, v2;
	v4 =	vadd.s32 v1, v4;
	_ =	sdelay $0x1  }
0xc8: {  	v3 =	vadd.s32 v1, v3;
	_ =	sdelay $0x1  }
0xc9: {  	s26 =	simm.s32 $0xE300  }
0xca: {  	[tilespmem:s26], [sflag:$0x2] =	stream.indirect_vreg.gather [hbm4b:s1+s3], $0x80, v4, vm0, $0xb8;
	[tilespmem:$0x10300] =	vst v63  }
0xcb: {  	s28 =	simm.s32 $0xEB00  }
0xcc: {  	[tilespmem:s28], [sflag:$0x2] =	stream.indirect_vreg.gather [hbm4b:s1+s3], $0x80, v3, vm0, $0xb8;
	[tilespmem:$0x10300] =	vst v63  }
0xcd: {  	v3 =	vld [tilespmem:$0x2F0];
	_ =	sdelay $0x4  }
0xce: {  	v25 =	vshll.u32 v3, $0x1  }
0xcf: {  	v3 =	vand.u32 $0x7, v3;
	v4 =	vand.u32 $0xFFFFFFF0, v25  }
0xd0: {  	v3 =	vor.u32 v3, v4  }
0xd1: {  	v4 =	vperm.xlane v3, v0;
	_ =	sdelay $0x1  }
0xd2: {  	v3 =	vperm.xlane v3, v2;
	v4 =	vadd.s32 v1, v4;
	_ =	sdelay $0x1  }
0xd3: {  	v3 =	vadd.s32 v1, v3;
	_ =	sdelay $0x1  }
0xd4: {  	s29 =	simm.s32 $0xF300  }
0xd5: {  	[tilespmem:s29], [sflag:$0x2] =	stream.indirect_vreg.gather [hbm4b:s1+s3], $0x80, v4, vm0, $0xb8;
	[tilespmem:$0x10300] =	vst v63  }
0xd6: {  	s30 =	simm.s32 $0xFB00  }
0xd7: {  	[tilespmem:s30], [sflag:$0x2] =	stream.indirect_vreg.gather [hbm4b:s1+s3], $0x80, v3, vm0, $0xb8;
	[tilespmem:$0x10300] =	vst v63  }
0xd8: {  	_ =	swait.ge [sflag:s12], $0x8000  }
0xd9: {  	[sflag:s12] =	ssyncset.done $0x0  }
0xda: {  	s31 =	rddreg [dreg:$0x5];
	[sflag:s12] =	ssyncadd.s32 $0xFFFF8000  }
0xdb: {  	[hbm4b:s31+s3] =	stream.linear.scatter [tilespmem:s6], [sflag:$0x3], $0x8000, $0x38;
	[tilespmem:$0x10300] =	vst v63  }
0xdc: {  	_ =	swait.ge [sflag:s5], $0x8000  }
0xdd: {  	[sflag:s5] =	ssyncset.done $0x0  }
0xde: {  	[sflag:s5] =	ssyncadd.s32 $0xFFFF8000  }
0xdf: {  	v3 =	vld [tilespmem:$0x100];
	_ =	sdelay $0x2  }
0xe0: {  	v26 =	vld [tilespmem:$0x110]  }
0xe1: {  	v27 =	vld [tilespmem:$0x120]  }
0xe2: {  	v28 =	vld [tilespmem:$0x130];
	v29 =	vshll.u32 v3, $0x1  }
0xe3: {  	v30 =	vld [tilespmem:$0x140];
	v31 =	vand.u32 $0x7, v3;
	v7 =	vand.u32 $0xFFFFFFF0, v29  }
0xe4: {  	[tilespmem:$0x200] =	vst v3;
	v3 =	vld [tilespmem:$0x150];
	v7 =	vor.u32 v31, v7  }
0xe5: {  	v32 =	vld [tilespmem:$0x160];
	[tilespmem:$0x210] =	vst v26;
	v9 =	vperm.xlane v7, v0  }
0xe6: {  	v33 =	vld [tilespmem:$0x170];
	[tilespmem:$0x220] =	vst v27  }
0xe7: {  	[tilespmem:$0x230] =	vst v28;
	v7 =	vperm.xlane v7, v2;
	v34 =	vadd.s32 v1, v9  }
0xe8: {  	[tilespmem:$0x240] =	vst v30  }
0xe9: {  	[tilespmem:$0x250] =	vst v3;
	v3 =	vadd.s32 v1, v7  }
0xea: {  	[tilespmem:$0x260] =	vst v32  }
0xeb: {  	[tilespmem:$0x270] =	vst v33  }
0xec: {  	[tilespmem:s6], [sflag:$0x1] =	stream.indirect_vreg.gather [hbm4b:s1+s3], $0x80, v34, vm0, $0xb8;
	[tilespmem:$0x10300] =	vst v63  }
0xed: {  	s20 =	simm.s32 $0xB00  }
0xee: {  	[tilespmem:s20], [sflag:$0x1] =	stream.indirect_vreg.gather [hbm4b:s1+s3], $0x80, v3, vm0, $0xb8;
	[tilespmem:$0x10300] =	vst v63  }
0xef: {  	v3 =	vld [tilespmem:$0x210];
	_ =	sdelay $0x4  }
0xf0: {  	v35 =	vshll.u32 v3, $0x1  }
0xf1: {  	v3 =	vand.u32 $0x7, v3;
	v4 =	vand.u32 $0xFFFFFFF0, v35  }
0xf2: {  	v3 =	vor.u32 v3, v4  }
0xf3: {  	v4 =	vperm.xlane v3, v0;
	_ =	sdelay $0x1  }
0xf4: {  	v3 =	vperm.xlane v3, v2;
	v4 =	vadd.s32 v1, v4;
	_ =	sdelay $0x1  }
0xf5: {  	v3 =	vadd.s32 v1, v3;
	_ =	sdelay $0x1  }
0xf6: {  	s18 =	simm.s32 $0x1300  }
0xf7: {  	[tilespmem:s18], [sflag:$0x1] =	stream.indirect_vreg.gather [hbm4b:s1+s3], $0x80, v4, vm0, $0xb8;
	[tilespmem:$0x10300] =	vst v63  }
0xf8: {  	s21 =	simm.s32 $0x1B00  }
0xf9: {  	[tilespmem:s21], [sflag:$0x1] =	stream.indirect_vreg.gather [hbm4b:s1+s3], $0x80, v3, vm0, $0xb8;
	[tilespmem:$0x10300] =	vst v63  }
0xfa: {  	v3 =	vld [tilespmem:$0x220];
	_ =	sdelay $0x4  }
0xfb: {  	v36 =	vshll.u32 v3, $0x1  }
0xfc: {  	v3 =	vand.u32 $0x7, v3;
	v4 =	vand.u32 $0xFFFFFFF0, v36  }
0xfd: {  	v3 =	vor.u32 v3, v4  }
0xfe: {  	v4 =	vperm.xlane v3, v0;
	_ =	sdelay $0x1  }
0xff: {  	v3 =	vperm.xlane v3, v2;
	v4 =	vadd.s32 v1, v4;
	_ =	sdelay $0x1  }
0x100: {  	v3 =	vadd.s32 v1, v3;
	_ =	sdelay $0x1  }
0x101: {  	s20 =	simm.s32 $0x2300  }
0x102: {  	[tilespmem:s20], [sflag:$0x1] =	stream.indirect_vreg.gather [hbm4b:s1+s3], $0x80, v4, vm0, $0xb8;
	[tilespmem:$0x10300] =	vst v63  }
0x103: {  	s23 =	simm.s32 $0x2B00  }
0x104: {  	[tilespmem:s23], [sflag:$0x1] =	stream.indirect_vreg.gather [hbm4b:s1+s3], $0x80, v3, vm0, $0xb8;
	[tilespmem:$0x10300] =	vst v63  }
0x105: {  	v3 =	vld [tilespmem:$0x230];
	_ =	sdelay $0x4  }
0x106: {  	v37 =	vshll.u32 v3, $0x1  }
0x107: {  	v3 =	vand.u32 $0x7, v3;
	v4 =	vand.u32 $0xFFFFFFF0, v37  }
0x108: {  	v3 =	vor.u32 v3, v4  }
0x109: {  	v4 =	vperm.xlane v3, v0;
	_ =	sdelay $0x1  }
0x10a: {  	v3 =	vperm.xlane v3, v2;
	v4 =	vadd.s32 v1, v4;
	_ =	sdelay $0x1  }
0x10b: {  	v3 =	vadd.s32 v1, v3;
	_ =	sdelay $0x1  }
0x10c: {  	s21 =	simm.s32 $0x3300  }
0x10d: {  	[tilespmem:s21], [sflag:$0x1] =	stream.indirect_vreg.gather [hbm4b:s1+s3], $0x80, v4, vm0, $0xb8;
	[tilespmem:$0x10300] =	vst v63  }
0x10e: {  	s24 =	simm.s32 $0x3B00  }
0x10f: {  	[tilespmem:s24], [sflag:$0x1] =	stream.indirect_vreg.gather [hbm4b:s1+s3], $0x80, v3, vm0, $0xb8;
	[tilespmem:$0x10300] =	vst v63  }
0x110: {  	v3 =	vld [tilespmem:$0x240];
	_ =	sdelay $0x4  }
0x111: {  	v38 =	vshll.u32 v3, $0x1  }
0x112: {  	v3 =	vand.u32 $0x7, v3;
	v4 =	vand.u32 $0xFFFFFFF0, v38  }
0x113: {  	v3 =	vor.u32 v3, v4  }
0x114: {  	v4 =	vperm.xlane v3, v0;
	_ =	sdelay $0x1  }
0x115: {  	v3 =	vperm.xlane v3, v2;
	v4 =	vadd.s32 v1, v4;
	_ =	sdelay $0x1  }
0x116: {  	v3 =	vadd.s32 v1, v3;
	_ =	sdelay $0x1  }
0x117: {  	s23 =	simm.s32 $0x4300  }
0x118: {  	[tilespmem:s23], [sflag:$0x1] =	stream.indirect_vreg.gather [hbm4b:s1+s3], $0x80, v4, vm0, $0xb8;
	[tilespmem:$0x10300] =	vst v63  }
0x119: {  	s25 =	simm.s32 $0x4B00  }
0x11a: {  	[tilespmem:s25], [sflag:$0x1] =	stream.indirect_vreg.gather [hbm4b:s1+s3], $0x80, v3, vm0, $0xb8;
	[tilespmem:$0x10300] =	vst v63  }
0x11b: {  	v3 =	vld [tilespmem:$0x250];
	_ =	sdelay $0x4  }
0x11c: {  	v39 =	vshll.u32 v3, $0x1  }
0x11d: {  	v3 =	vand.u32 $0x7, v3;
	v4 =	vand.u32 $0xFFFFFFF0, v39  }
0x11e: {  	v3 =	vor.u32 v3, v4  }
0x11f: {  	v4 =	vperm.xlane v3, v0;
	_ =	sdelay $0x1  }
0x120: {  	v3 =	vperm.xlane v3, v2;
	v4 =	vadd.s32 v1, v4;
	_ =	sdelay $0x1  }
0x121: {  	v3 =	vadd.s32 v1, v3;
	_ =	sdelay $0x1  }
0x122: {  	s25 =	simm.s32 $0x5300  }
0x123: {  	[tilespmem:s25], [sflag:$0x1] =	stream.indirect_vreg.gather [hbm4b:s1+s3], $0x80, v4, vm0, $0xb8;
	[tilespmem:$0x10300] =	vst v63  }
0x124: {  	s26 =	simm.s32 $0x5B00  }
0x125: {  	[tilespmem:s26], [sflag:$0x1] =	stream.indirect_vreg.gather [hbm4b:s1+s3], $0x80, v3, vm0, $0xb8;
	[tilespmem:$0x10300] =	vst v63  }
0x126: {  	v3 =	vld [tilespmem:$0x260];
	_ =	sdelay $0x4  }
0x127: {  	v40 =	vshll.u32 v3, $0x1  }
0x128: {  	v3 =	vand.u32 $0x7, v3;
	v4 =	vand.u32 $0xFFFFFFF0, v40  }
0x129: {  	v3 =	vor.u32 v3, v4  }
0x12a: {  	v4 =	vperm.xlane v3, v0;
	_ =	sdelay $0x1  }
0x12b: {  	v3 =	vperm.xlane v3, v2;
	v4 =	vadd.s32 v1, v4;
	_ =	sdelay $0x1  }
0x12c: {  	v3 =	vadd.s32 v1, v3;
	_ =	sdelay $0x1  }
0x12d: {  	s28 =	simm.s32 $0x6300  }
0x12e: {  	[tilespmem:s28], [sflag:$0x1] =	stream.indirect_vreg.gather [hbm4b:s1+s3], $0x80, v4, vm0, $0xb8;
	[tilespmem:$0x10300] =	vst v63  }
0x12f: {  	s29 =	simm.s32 $0x6B00  }
0x130: {  	[tilespmem:s29], [sflag:$0x1] =	stream.indirect_vreg.gather [hbm4b:s1+s3], $0x80, v3, vm0, $0xb8;
	[tilespmem:$0x10300] =	vst v63  }
0x131: {  	v3 =	vld [tilespmem:$0x270];
	_ =	sdelay $0x4  }
0x132: {  	v41 =	vshll.u32 v3, $0x1  }
0x133: {  	v3 =	vand.u32 $0x7, v3;
	v4 =	vand.u32 $0xFFFFFFF0, v41  }
0x134: {  	v3 =	vor.u32 v3, v4  }
0x135: {  	v4 =	vperm.xlane v3, v0;
	_ =	sdelay $0x1  }
0x136: {  	v3 =	vperm.xlane v3, v2;
	v4 =	vadd.s32 v1, v4;
	_ =	sdelay $0x1  }
0x137: {  	v3 =	vadd.s32 v1, v3;
	_ =	sdelay $0x1  }
0x138: {  	s30 =	simm.s32 $0x7300  }
0x139: {  	[tilespmem:s30], [sflag:$0x1] =	stream.indirect_vreg.gather [hbm4b:s1+s3], $0x80, v4, vm0, $0xb8;
	[tilespmem:$0x10300] =	vst v63  }
0x13a: {  	s31 =	simm.s32 $0x7B00  }
0x13b: {  	[tilespmem:s31], [sflag:$0x1] =	stream.indirect_vreg.gather [hbm4b:s1+s3], $0x80, v3, vm0, $0xb8;
	[tilespmem:$0x10300] =	vst v63  }
0x13c: {  	_ =	swait.ge [sflag:s13], $0x8000  }
0x13d: {  	[sflag:s13] =	ssyncset.done $0x0  }
0x13e: {  	s18 =	rddreg [dreg:$0x6];
	[sflag:s13] =	ssyncadd.s32 $0xFFFF8000  }
0x13f: {  	[hbm4b:s18+s3] =	stream.linear.scatter [tilespmem:s22], [sflag:$0x3], $0x8000, $0x38;
	[tilespmem:$0x10300] =	vst v63  }
0x140: {  	_ =	swait.ge [sflag:s5], $0x8000  }
0x141: {  	[sflag:s5] =	ssyncset.done $0x0  }
0x142: {  	[sflag:s5] =	ssyncadd.s32 $0xFFFF8000  }
0x143: {  	v3 =	vld [tilespmem:$0x180];
	_ =	sdelay $0x2  }
0x144: {  	v42 =	vld [tilespmem:$0x190]  }
0x145: {  	v43 =	vld [tilespmem:$0x1A0]  }
0x146: {  	v44 =	vld [tilespmem:$0x1B0];
	v45 =	vshll.u32 v3, $0x1  }
0x147: {  	v46 =	vld [tilespmem:$0x1C0];
	v47 =	vand.u32 $0x7, v3;
	v7 =	vand.u32 $0xFFFFFFF0, v45  }
0x148: {  	[tilespmem:$0x280] =	vst v3;
	v3 =	vld [tilespmem:$0x1D0];
	v7 =	vor.u32 v47, v7  }
0x149: {  	v48 =	vld [tilespmem:$0x1E0];
	[tilespmem:$0x290] =	vst v42;
	v9 =	vperm.xlane v7, v0  }
0x14a: {  	v49 =	vld [tilespmem:$0x1F0];
	[tilespmem:$0x2A0] =	vst v43  }
0x14b: {  	[tilespmem:$0x2B0] =	vst v44;
	v7 =	vperm.xlane v7, v2;
	v50 =	vadd.s32 v1, v9  }
0x14c: {  	[tilespmem:$0x2C0] =	vst v46  }
0x14d: {  	[tilespmem:$0x2D0] =	vst v3;
	v3 =	vadd.s32 v1, v7  }
0x14e: {  	[tilespmem:$0x2E0] =	vst v48  }
0x14f: {  	[tilespmem:$0x2F0] =	vst v49  }
0x150: {  	[tilespmem:s22], [sflag:$0x2] =	stream.indirect_vreg.gather [hbm4b:s1+s3], $0x80, v50, vm0, $0xb8;
	[tilespmem:$0x10300] =	vst v63  }
0x151: {  	s8 =	simm.s32 $0x8B00  }
0x152: {  	[tilespmem:s8], [sflag:$0x2] =	stream.indirect_vreg.gather [hbm4b:s1+s3], $0x80, v3, vm0, $0xb8;
	[tilespmem:$0x10300] =	vst v63  }
0x153: {  	v3 =	vld [tilespmem:$0x290];
	_ =	sdelay $0x4  }
0x154: {  	v51 =	vshll.u32 v3, $0x1  }
0x155: {  	v3 =	vand.u32 $0x7, v3;
	v4 =	vand.u32 $0xFFFFFFF0, v51  }
0x156: {  	v3 =	vor.u32 v3, v4  }
0x157: {  	v4 =	vperm.xlane v3, v0;
	_ =	sdelay $0x1  }
0x158: {  	v3 =	vperm.xlane v3, v2;
	v4 =	vadd.s32 v1, v4;
	_ =	sdelay $0x1  }
0x159: {  	v3 =	vadd.s32 v1, v3;
	_ =	sdelay $0x1  }
0x15a: {  	s8 =	simm.s32 $0x9300  }
0x15b: {  	[tilespmem:s8], [sflag:$0x2] =	stream.indirect_vreg.gather [hbm4b:s1+s3], $0x80, v4, vm0, $0xb8;
	[tilespmem:$0x10300] =	vst v63  }
0x15c: {  	s9 =	simm.s32 $0x9B00  }
0x15d: {  	[tilespmem:s9], [sflag:$0x2] =	stream.indirect_vreg.gather [hbm4b:s1+s3], $0x80, v3, vm0, $0xb8;
	[tilespmem:$0x10300] =	vst v63  }
0x15e: {  	v3 =	vld [tilespmem:$0x2A0];
	_ =	sdelay $0x4  }
0x15f: {  	v52 =	vshll.u32 v3, $0x1  }
0x160: {  	v3 =	vand.u32 $0x7, v3;
	v4 =	vand.u32 $0xFFFFFFF0, v52  }
0x161: {  	v3 =	vor.u32 v3, v4  }
0x162: {  	v4 =	vperm.xlane v3, v0;
	_ =	sdelay $0x1  }
0x163: {  	v3 =	vperm.xlane v3, v2;
	v4 =	vadd.s32 v1, v4;
	_ =	sdelay $0x1  }
0x164: {  	v3 =	vadd.s32 v1, v3;
	_ =	sdelay $0x1  }
0x165: {  	s9 =	simm.s32 $0xA300  }
0x166: {  	[tilespmem:s9], [sflag:$0x2] =	stream.indirect_vreg.gather [hbm4b:s1+s3], $0x80, v4, vm0, $0xb8;
	[tilespmem:$0x10300] =	vst v63  }
0x167: {  	s18 =	simm.s32 $0xAB00  }
0x168: {  	[tilespmem:s18], [sflag:$0x2] =	stream.indirect_vreg.gather [hbm4b:s1+s3], $0x80, v3, vm0, $0xb8;
	[tilespmem:$0x10300] =	vst v63  }
0x169: {  	v3 =	vld [tilespmem:$0x2B0];
	_ =	sdelay $0x4  }
0x16a: {  	v53 =	vshll.u32 v3, $0x1  }
0x16b: {  	v3 =	vand.u32 $0x7, v3;
	v4 =	vand.u32 $0xFFFFFFF0, v53  }
0x16c: {  	v3 =	vor.u32 v3, v4  }
0x16d: {  	v4 =	vperm.xlane v3, v0;
	_ =	sdelay $0x1  }
0x16e: {  	v3 =	vperm.xlane v3, v2;
	v4 =	vadd.s32 v1, v4;
	_ =	sdelay $0x1  }
0x16f: {  	v3 =	vadd.s32 v1, v3;
	_ =	sdelay $0x1  }
0x170: {  	s10 =	simm.s32 $0xB300  }
0x171: {  	[tilespmem:s10], [sflag:$0x2] =	stream.indirect_vreg.gather [hbm4b:s1+s3], $0x80, v4, vm0, $0xb8;
	[tilespmem:$0x10300] =	vst v63  }
0x172: {  	s19 =	simm.s32 $0xBB00  }
0x173: {  	[tilespmem:s19], [sflag:$0x2] =	stream.indirect_vreg.gather [hbm4b:s1+s3], $0x80, v3, vm0, $0xb8;
	[tilespmem:$0x10300] =	vst v63  }
0x174: {  	v3 =	vld [tilespmem:$0x2C0];
	_ =	sdelay $0x4  }
0x175: {  	v54 =	vshll.u32 v3, $0x1  }
0x176: {  	v3 =	vand.u32 $0x7, v3;
	v4 =	vand.u32 $0xFFFFFFF0, v54  }
0x177: {  	v3 =	vor.u32 v3, v4  }
0x178: {  	v4 =	vperm.xlane v3, v0;
	_ =	sdelay $0x1  }
0x179: {  	v3 =	vperm.xlane v3, v2;
	v4 =	vadd.s32 v1, v4;
	_ =	sdelay $0x1  }
0x17a: {  	v3 =	vadd.s32 v1, v3;
	_ =	sdelay $0x1  }
0x17b: {  	s0 =	simm.s32 $0xC300  }
0x17c: {  	[tilespmem:s0], [sflag:$0x2] =	stream.indirect_vreg.gather [hbm4b:s1+s3], $0x80, v4, vm0, $0xb8;
	[tilespmem:$0x10300] =	vst v63  }
0x17d: {  	s11 =	simm.s32 $0xCB00  }
0x17e: {  	[tilespmem:s11], [sflag:$0x2] =	stream.indirect_vreg.gather [hbm4b:s1+s3], $0x80, v3, vm0, $0xb8;
	[tilespmem:$0x10300] =	vst v63  }
0x17f: {  	v3 =	vld [tilespmem:$0x2D0];
	_ =	sdelay $0x4  }
0x180: {  	v55 =	vshll.u32 v3, $0x1  }
0x181: {  	v3 =	vand.u32 $0x7, v3;
	v4 =	vand.u32 $0xFFFFFFF0, v55  }
0x182: {  	v3 =	vor.u32 v3, v4  }
0x183: {  	v4 =	vperm.xlane v3, v0;
	_ =	sdelay $0x1  }
0x184: {  	v3 =	vperm.xlane v3, v2;
	v4 =	vadd.s32 v1, v4;
	_ =	sdelay $0x1  }
0x185: {  	v3 =	vadd.s32 v1, v3;
	_ =	sdelay $0x1  }
0x186: {  	s2 =	simm.s32 $0xD300  }
0x187: {  	[tilespmem:s2], [sflag:$0x2] =	stream.indirect_vreg.gather [hbm4b:s1+s3], $0x80, v4, vm0, $0xb8;
	[tilespmem:$0x10300] =	vst v63  }
0x188: {  	s15 =	simm.s32 $0xDB00  }
0x189: {  	[tilespmem:s15], [sflag:$0x2] =	stream.indirect_vreg.gather [hbm4b:s1+s3], $0x80, v3, vm0, $0xb8;
	[tilespmem:$0x10300] =	vst v63  }
0x18a: {  	v3 =	vld [tilespmem:$0x2E0];
	_ =	sdelay $0x4  }
0x18b: {  	v56 =	vshll.u32 v3, $0x1  }
0x18c: {  	v3 =	vand.u32 $0x7, v3;
	v4 =	vand.u32 $0xFFFFFFF0, v56  }
0x18d: {  	v3 =	vor.u32 v3, v4  }
0x18e: {  	v4 =	vperm.xlane v3, v0;
	_ =	sdelay $0x1  }
0x18f: {  	v3 =	vperm.xlane v3, v2;
	v4 =	vadd.s32 v1, v4;
	_ =	sdelay $0x1  }
0x190: {  	v3 =	vadd.s32 v1, v3;
	_ =	sdelay $0x1  }
0x191: {  	s4 =	simm.s32 $0xE300  }
0x192: {  	[tilespmem:s4], [sflag:$0x2] =	stream.indirect_vreg.gather [hbm4b:s1+s3], $0x80, v4, vm0, $0xb8;
	[tilespmem:$0x10300] =	vst v63  }
0x193: {  	s16 =	simm.s32 $0xEB00  }
0x194: {  	[tilespmem:s16], [sflag:$0x2] =	stream.indirect_vreg.gather [hbm4b:s1+s3], $0x80, v3, vm0, $0xb8;
	[tilespmem:$0x10300] =	vst v63  }
0x195: {  	v3 =	vld [tilespmem:$0x2F0];
	_ =	sdelay $0x4  }
0x196: {  	v57 =	vshll.u32 v3, $0x1  }
0x197: {  	v3 =	vand.u32 $0x7, v3;
	v4 =	vand.u32 $0xFFFFFFF0, v57  }
0x198: {  	v3 =	vor.u32 v3, v4  }
0x199: {  	v4 =	vperm.xlane v3, v0;
	_ =	sdelay $0x1  }
0x19a: {  	v3 =	vperm.xlane v3, v2;
	v4 =	vadd.s32 v1, v4;
	_ =	sdelay $0x1  }
0x19b: {  	v3 =	vadd.s32 v1, v3;
	_ =	sdelay $0x1  }
0x19c: {  	s7 =	simm.s32 $0xF300  }
0x19d: {  	[tilespmem:s7], [sflag:$0x2] =	stream.indirect_vreg.gather [hbm4b:s1+s3], $0x80, v4, vm0, $0xb8;
	[tilespmem:$0x10300] =	vst v63  }
0x19e: {  	s17 =	simm.s32 $0xFB00  }
0x19f: {  	[tilespmem:s17], [sflag:$0x2] =	stream.indirect_vreg.gather [hbm4b:s1+s3], $0x80, v3, vm0, $0xb8;
	[tilespmem:$0x10300] =	vst v63  }
0x1a0: {  	_ =	swait.ge [sflag:s12], $0x8000  }
0x1a1: {  	[sflag:s12] =	ssyncset.done $0x0  }
0x1a2: {  	s14 =	rddreg [dreg:$0x7];
	[sflag:s12] =	ssyncadd.s32 $0xFFFF8000  }
0x1a3: {  	[hbm4b:s14+s3] =	stream.linear.scatter [tilespmem:s6], [sflag:$0x3], $0x8000, $0x38;
	[tilespmem:$0x10300] =	vst v63  }
0x1a4: {  	_ =	swait.ge [sflag:s5], $0x8000  }
0x1a5: {  	[sflag:s5] =	ssyncset.done $0x0  }
0x1a6: {  	[sflag:s5] =	ssyncadd.s32 $0xFFFF8000  }
0x1a7: {  	v3 =	vld [tilespmem:$0x0];
	_ =	sdelay $0x2  }
0x1a8: {  	v58 =	vld [tilespmem:$0x10]  }
0x1a9: {  	v59 =	vld [tilespmem:$0x20]  }
0x1aa: {  	v61 =	vld [tilespmem:$0x30];
	v60 =	vadd.s32 $0x3E8, v3  }
0x1ab: {  	v62 =	vld [tilespmem:$0x40];
	v63 =	vshll.u32 v60, $0x1  }
0x1ac: {  	v10 =	vld [tilespmem:$0x50];
	v3 =	vand.u32 $0x7, v3;
	v9 =	vand.u32 $0xFFFFFFF0, v63  }
0x1ad: {  	v12 =	vld [tilespmem:$0x60];
	v4 =	vadd.s32 $0x3E8, v58;
	[tilespmem:$0x200] =	vst v60;
	v3 =	vor.u32 v3, v9  }
0x1ae: {  	v14 =	vld [tilespmem:$0x70];
	v13 =	vadd.s32 $0x3E8, v59;
	[tilespmem:$0x210] =	vst v4;
	v9 =	vperm.xlane v3, v0  }
0x1af: {  	v15 =	vadd.s32 $0x3E8, v61;
	[tilespmem:$0x220] =	vst v13  }
0x1b0: {  	v16 =	vadd.s32 $0x3E8, v62;
	[tilespmem:$0x230] =	vst v15;
	v3 =	vperm.xlane v3, v2;
	v17 =	vadd.s32 v1, v9  }
0x1b1: {  	v18 =	vadd.s32 $0x3E8, v10;
	[tilespmem:$0x240] =	vst v16  }
0x1b2: {  	v19 =	vadd.s32 $0x3E8, v12;
	[tilespmem:$0x250] =	vst v18;
	v3 =	vadd.s32 v1, v3  }
0x1b3: {  	v20 =	vadd.s32 $0x3E8, v14;
	[tilespmem:$0x260] =	vst v19  }
0x1b4: {  	[tilespmem:$0x270] =	vst v20  }
0x1b5: {  	[tilespmem:s6], [sflag:$0x1] =	stream.indirect_vreg.gather [hbm4b:s1+s3], $0x80, v17, vm0, $0xb8;
	[tilespmem:$0x10300] =	vst v63  }
0x1b6: {  	s14 =	simm.s32 $0xB00  }
0x1b7: {  	[tilespmem:s14], [sflag:$0x1] =	stream.indirect_vreg.gather [hbm4b:s1+s3], $0x80, v3, vm0, $0xb8;
	[tilespmem:$0x10300] =	vst v63  }
0x1b8: {  	v3 =	vld [tilespmem:$0x210];
	_ =	sdelay $0x4  }
0x1b9: {  	v21 =	vshll.u32 v3, $0x1  }
0x1ba: {  	v3 =	vand.u32 $0x7, v3;
	v4 =	vand.u32 $0xFFFFFFF0, v21  }
0x1bb: {  	v3 =	vor.u32 v3, v4  }
0x1bc: {  	v4 =	vperm.xlane v3, v0;
	_ =	sdelay $0x1  }
0x1bd: {  	v3 =	vperm.xlane v3, v2;
	v4 =	vadd.s32 v1, v4;
	_ =	sdelay $0x1  }
0x1be: {  	v3 =	vadd.s32 v1, v3;
	_ =	sdelay $0x1  }
0x1bf: {  	s14 =	simm.s32 $0x1300  }
0x1c0: {  	[tilespmem:s14], [sflag:$0x1] =	stream.indirect_vreg.gather [hbm4b:s1+s3], $0x80, v4, vm0, $0xb8;
	[tilespmem:$0x10300] =	vst v63  }
0x1c1: {  	s14 =	simm.s32 $0x1B00  }
0x1c2: {  	[tilespmem:s14], [sflag:$0x1] =	stream.indirect_vreg.gather [hbm4b:s1+s3], $0x80, v3, vm0, $0xb8;
	[tilespmem:$0x10300] =	vst v63  }
0x1c3: {  	v3 =	vld [tilespmem:$0x220];
	_ =	sdelay $0x4  }
0x1c4: {  	v22 =	vshll.u32 v3, $0x1  }
0x1c5: {  	v3 =	vand.u32 $0x7, v3;
	v4 =	vand.u32 $0xFFFFFFF0, v22  }
0x1c6: {  	v3 =	vor.u32 v3, v4  }
0x1c7: {  	v4 =	vperm.xlane v3, v0;
	_ =	sdelay $0x1  }
0x1c8: {  	v3 =	vperm.xlane v3, v2;
	v4 =	vadd.s32 v1, v4;
	_ =	sdelay $0x1  }
0x1c9: {  	v3 =	vadd.s32 v1, v3;
	_ =	sdelay $0x2  }
0x1ca: {  	[tilespmem:s20], [sflag:$0x1] =	stream.indirect_vreg.gather [hbm4b:s1+s3], $0x80, v4, vm0, $0xb8;
	[tilespmem:$0x10300] =	vst v63  }
0x1cb: {  	s14 =	simm.s32 $0x2B00  }
0x1cc: {  	[tilespmem:s14], [sflag:$0x1] =	stream.indirect_vreg.gather [hbm4b:s1+s3], $0x80, v3, vm0, $0xb8;
	[tilespmem:$0x10300] =	vst v63  }
0x1cd: {  	v3 =	vld [tilespmem:$0x230];
	_ =	sdelay $0x4  }
0x1ce: {  	v23 =	vshll.u32 v3, $0x1  }
0x1cf: {  	v3 =	vand.u32 $0x7, v3;
	v4 =	vand.u32 $0xFFFFFFF0, v23  }
0x1d0: {  	v3 =	vor.u32 v3, v4  }
0x1d1: {  	v4 =	vperm.xlane v3, v0;
	_ =	sdelay $0x1  }
0x1d2: {  	v3 =	vperm.xlane v3, v2;
	v4 =	vadd.s32 v1, v4;
	_ =	sdelay $0x1  }
0x1d3: {  	v3 =	vadd.s32 v1, v3;
	_ =	sdelay $0x2  }
0x1d4: {  	[tilespmem:s21], [sflag:$0x1] =	stream.indirect_vreg.gather [hbm4b:s1+s3], $0x80, v4, vm0, $0xb8;
	[tilespmem:$0x10300] =	vst v63  }
0x1d5: {  	_ = 	snop  }
0x1d6: {  	[tilespmem:s24], [sflag:$0x1] =	stream.indirect_vreg.gather [hbm4b:s1+s3], $0x80, v3, vm0, $0xb8;
	[tilespmem:$0x10300] =	vst v63  }
0x1d7: {  	v3 =	vld [tilespmem:$0x240];
	_ =	sdelay $0x4  }
0x1d8: {  	v24 =	vshll.u32 v3, $0x1  }
0x1d9: {  	v3 =	vand.u32 $0x7, v3;
	v4 =	vand.u32 $0xFFFFFFF0, v24  }
0x1da: {  	v3 =	vor.u32 v3, v4  }
0x1db: {  	v4 =	vperm.xlane v3, v0;
	_ =	sdelay $0x1  }
0x1dc: {  	v3 =	vperm.xlane v3, v2;
	v4 =	vadd.s32 v1, v4;
	_ =	sdelay $0x1  }
0x1dd: {  	v3 =	vadd.s32 v1, v3;
	_ =	sdelay $0x2  }
0x1de: {  	[tilespmem:s23], [sflag:$0x1] =	stream.indirect_vreg.gather [hbm4b:s1+s3], $0x80, v4, vm0, $0xb8;
	[tilespmem:$0x10300] =	vst v63  }
0x1df: {  	s14 =	simm.s32 $0x4B00  }
0x1e0: {  	[tilespmem:s14], [sflag:$0x1] =	stream.indirect_vreg.gather [hbm4b:s1+s3], $0x80, v3, vm0, $0xb8;
	[tilespmem:$0x10300] =	vst v63  }
0x1e1: {  	v3 =	vld [tilespmem:$0x250];
	_ =	sdelay $0x4  }
0x1e2: {  	v25 =	vshll.u32 v3, $0x1  }
0x1e3: {  	v3 =	vand.u32 $0x7, v3;
	v4 =	vand.u32 $0xFFFFFFF0, v25  }
0x1e4: {  	v3 =	vor.u32 v3, v4  }
0x1e5: {  	v4 =	vperm.xlane v3, v0;
	_ =	sdelay $0x1  }
0x1e6: {  	v3 =	vperm.xlane v3, v2;
	v4 =	vadd.s32 v1, v4;
	_ =	sdelay $0x1  }
0x1e7: {  	v3 =	vadd.s32 v1, v3;
	_ =	sdelay $0x2  }
0x1e8: {  	[tilespmem:s25], [sflag:$0x1] =	stream.indirect_vreg.gather [hbm4b:s1+s3], $0x80, v4, vm0, $0xb8;
	[tilespmem:$0x10300] =	vst v63  }
0x1e9: {  	_ = 	snop  }
0x1ea: {  	[tilespmem:s26], [sflag:$0x1] =	stream.indirect_vreg.gather [hbm4b:s1+s3], $0x80, v3, vm0, $0xb8;
	[tilespmem:$0x10300] =	vst v63  }
0x1eb: {  	v3 =	vld [tilespmem:$0x260];
	_ =	sdelay $0x4  }
0x1ec: {  	v26 =	vshll.u32 v3, $0x1  }
0x1ed: {  	v3 =	vand.u32 $0x7, v3;
	v4 =	vand.u32 $0xFFFFFFF0, v26  }
0x1ee: {  	v3 =	vor.u32 v3, v4  }
0x1ef: {  	v4 =	vperm.xlane v3, v0;
	_ =	sdelay $0x1  }
0x1f0: {  	v3 =	vperm.xlane v3, v2;
	v4 =	vadd.s32 v1, v4;
	_ =	sdelay $0x1  }
0x1f1: {  	v3 =	vadd.s32 v1, v3;
	_ =	sdelay $0x2  }
0x1f2: {  	[tilespmem:s28], [sflag:$0x1] =	stream.indirect_vreg.gather [hbm4b:s1+s3], $0x80, v4, vm0, $0xb8;
	[tilespmem:$0x10300] =	vst v63  }
0x1f3: {  	_ = 	snop  }
0x1f4: {  	[tilespmem:s29], [sflag:$0x1] =	stream.indirect_vreg.gather [hbm4b:s1+s3], $0x80, v3, vm0, $0xb8;
	[tilespmem:$0x10300] =	vst v63  }
0x1f5: {  	v3 =	vld [tilespmem:$0x270];
	_ =	sdelay $0x4  }
0x1f6: {  	v27 =	vshll.u32 v3, $0x1  }
0x1f7: {  	v3 =	vand.u32 $0x7, v3;
	v4 =	vand.u32 $0xFFFFFFF0, v27  }
0x1f8: {  	v3 =	vor.u32 v3, v4  }
0x1f9: {  	v4 =	vperm.xlane v3, v0;
	_ =	sdelay $0x1  }
0x1fa: {  	v3 =	vperm.xlane v3, v2;
	v4 =	vadd.s32 v1, v4;
	_ =	sdelay $0x1  }
0x1fb: {  	v3 =	vadd.s32 v1, v3;
	_ =	sdelay $0x2  }
0x1fc: {  	[tilespmem:s30], [sflag:$0x1] =	stream.indirect_vreg.gather [hbm4b:s1+s3], $0x80, v4, vm0, $0xb8;
	[tilespmem:$0x10300] =	vst v63  }
0x1fd: {  	_ = 	snop  }
0x1fe: {  	[tilespmem:s31], [sflag:$0x1] =	stream.indirect_vreg.gather [hbm4b:s1+s3], $0x80, v3, vm0, $0xb8;
	[tilespmem:$0x10300] =	vst v63  }
0x1ff: {  	_ =	swait.ge [sflag:s13], $0x8000  }
0x200: {  	[sflag:s13] =	ssyncset.done $0x0  }
0x201: {  	s14 =	rddreg [dreg:$0x8];
	[sflag:s13] =	ssyncadd.s32 $0xFFFF8000  }
0x202: {  	[hbm4b:s14+s3] =	stream.linear.scatter [tilespmem:s22], [sflag:$0x3], $0x8000, $0x38;
	[tilespmem:$0x10300] =	vst v63  }
0x203: {  	_ =	swait.ge [sflag:s5], $0x8000  }
0x204: {  	[sflag:s5] =	ssyncset.done $0x0  }
0x205: {  	[sflag:s5] =	ssyncadd.s32 $0xFFFF8000  }
0x206: {  	v3 =	vld [tilespmem:$0x80];
	_ =	sdelay $0x4  }
0x207: {  	v28 =	vadd.s32 $0x3E8, v3  }
0x208: {  	[tilespmem:$0x280] =	vst v28  }
0x209: {  	v29 =	vld [tilespmem:$0x90]  }
0x20a: {  	v30 =	vld [tilespmem:$0xA0]  }
0x20b: {  	v31 =	vld [tilespmem:$0xB0]  }
0x20c: {  	v4 =	vshll.u32 v28, $0x1;
	v32 =	vld [tilespmem:$0xC0]  }
0x20d: {  	v3 =	vand.u32 $0x7, v3;
	v33 =	vld [tilespmem:$0xD0];
	v4 =	vand.u32 $0xFFFFFFF0, v4  }
0x20e: {  	v34 =	vld [tilespmem:$0xE0];
	v3 =	vor.u32 v3, v4;
	v5 =	vadd.s32 $0x3E8, v29  }
0x20f: {  	v36 =	vld [tilespmem:$0xF0];
	v37 =	vperm.xlane v3, v0;
	v35 =	vadd.s32 $0x3E8, v30;
	[tilespmem:$0x290] =	vst v5  }
0x210: {  	v38 =	vadd.s32 $0x3E8, v31;
	[tilespmem:$0x2A0] =	vst v35  }
0x211: {  	v3 =	vperm.xlane v3, v2;
	v6 =	vadd.s32 v1, v37;
	v39 =	vadd.s32 $0x3E8, v32;
	[tilespmem:$0x2B0] =	vst v38  }
0x212: {  	v40 =	vadd.s32 $0x3E8, v33;
	[tilespmem:$0x2C0] =	vst v39  }
0x213: {  	v3 =	vadd.s32 v1, v3;
	v41 =	vadd.s32 $0x3E8, v34;
	[tilespmem:$0x2D0] =	vst v40  }
0x214: {  	v42 =	vadd.s32 $0x3E8, v36;
	[tilespmem:$0x2E0] =	vst v41  }
0x215: {  	[tilespmem:$0x2F0] =	vst v42  }
0x216: {  	[tilespmem:s22], [sflag:$0x2] =	stream.indirect_vreg.gather [hbm4b:s1+s3], $0x80, v6, vm0, $0xb8;
	[tilespmem:$0x10300] =	vst v63  }
0x217: {  	s14 =	simm.s32 $0x8B00  }
0x218: {  	[tilespmem:s14], [sflag:$0x2] =	stream.indirect_vreg.gather [hbm4b:s1+s3], $0x80, v3, vm0, $0xb8;
	[tilespmem:$0x10300] =	vst v63  }
0x219: {  	v3 =	vld [tilespmem:$0x290];
	_ =	sdelay $0x4  }
0x21a: {  	v43 =	vshll.u32 v3, $0x1  }
0x21b: {  	v3 =	vand.u32 $0x7, v3;
	v4 =	vand.u32 $0xFFFFFFF0, v43  }
0x21c: {  	v3 =	vor.u32 v3, v4  }
0x21d: {  	v4 =	vperm.xlane v3, v0;
	_ =	sdelay $0x1  }
0x21e: {  	v3 =	vperm.xlane v3, v2;
	v4 =	vadd.s32 v1, v4;
	_ =	sdelay $0x1  }
0x21f: {  	v3 =	vadd.s32 v1, v3;
	_ =	sdelay $0x2  }
0x220: {  	[tilespmem:s8], [sflag:$0x2] =	stream.indirect_vreg.gather [hbm4b:s1+s3], $0x80, v4, vm0, $0xb8;
	[tilespmem:$0x10300] =	vst v63  }
0x221: {  	s14 =	simm.s32 $0x9B00  }
0x222: {  	[tilespmem:s14], [sflag:$0x2] =	stream.indirect_vreg.gather [hbm4b:s1+s3], $0x80, v3, vm0, $0xb8;
	[tilespmem:$0x10300] =	vst v63  }
0x223: {  	v3 =	vld [tilespmem:$0x2A0];
	_ =	sdelay $0x4  }
0x224: {  	v44 =	vshll.u32 v3, $0x1  }
0x225: {  	v3 =	vand.u32 $0x7, v3;
	v4 =	vand.u32 $0xFFFFFFF0, v44  }
0x226: {  	v3 =	vor.u32 v3, v4  }
0x227: {  	v4 =	vperm.xlane v3, v0;
	_ =	sdelay $0x1  }
0x228: {  	v3 =	vperm.xlane v3, v2;
	v4 =	vadd.s32 v1, v4;
	_ =	sdelay $0x1  }
0x229: {  	v3 =	vadd.s32 v1, v3;
	_ =	sdelay $0x2  }
0x22a: {  	[tilespmem:s9], [sflag:$0x2] =	stream.indirect_vreg.gather [hbm4b:s1+s3], $0x80, v4, vm0, $0xb8;
	[tilespmem:$0x10300] =	vst v63  }
0x22b: {  	_ = 	snop  }
0x22c: {  	[tilespmem:s18], [sflag:$0x2] =	stream.indirect_vreg.gather [hbm4b:s1+s3], $0x80, v3, vm0, $0xb8;
	[tilespmem:$0x10300] =	vst v63  }
0x22d: {  	v3 =	vld [tilespmem:$0x2B0];
	_ =	sdelay $0x4  }
0x22e: {  	v45 =	vshll.u32 v3, $0x1  }
0x22f: {  	v3 =	vand.u32 $0x7, v3;
	v4 =	vand.u32 $0xFFFFFFF0, v45  }
0x230: {  	v3 =	vor.u32 v3, v4  }
0x231: {  	v4 =	vperm.xlane v3, v0;
	_ =	sdelay $0x1  }
0x232: {  	v3 =	vperm.xlane v3, v2;
	v4 =	vadd.s32 v1, v4;
	_ =	sdelay $0x1  }
0x233: {  	v3 =	vadd.s32 v1, v3;
	_ =	sdelay $0x1  }
0x234: {  	s10 =	simm.s32 $0xB300  }
0x235: {  	[tilespmem:s10], [sflag:$0x2] =	stream.indirect_vreg.gather [hbm4b:s1+s3], $0x80, v4, vm0, $0xb8;
	[tilespmem:$0x10300] =	vst v63  }
0x236: {  	s19 =	simm.s32 $0xBB00  }
0x237: {  	[tilespmem:s19], [sflag:$0x2] =	stream.indirect_vreg.gather [hbm4b:s1+s3], $0x80, v3, vm0, $0xb8;
	[tilespmem:$0x10300] =	vst v63  }
0x238: {  	v3 =	vld [tilespmem:$0x2C0];
	_ =	sdelay $0x4  }
0x239: {  	v46 =	vshll.u32 v3, $0x1  }
0x23a: {  	v3 =	vand.u32 $0x7, v3;
	v4 =	vand.u32 $0xFFFFFFF0, v46  }
0x23b: {  	v3 =	vor.u32 v3, v4  }
0x23c: {  	v4 =	vperm.xlane v3, v0;
	_ =	sdelay $0x1  }
0x23d: {  	v3 =	vperm.xlane v3, v2;
	v4 =	vadd.s32 v1, v4;
	_ =	sdelay $0x1  }
0x23e: {  	v3 =	vadd.s32 v1, v3;
	_ =	sdelay $0x1  }
0x23f: {  	s0 =	simm.s32 $0xC300  }
0x240: {  	[tilespmem:s0], [sflag:$0x2] =	stream.indirect_vreg.gather [hbm4b:s1+s3], $0x80, v4, vm0, $0xb8;
	[tilespmem:$0x10300] =	vst v63  }
0x241: {  	s11 =	simm.s32 $0xCB00  }
0x242: {  	[tilespmem:s11], [sflag:$0x2] =	stream.indirect_vreg.gather [hbm4b:s1+s3], $0x80, v3, vm0, $0xb8;
	[tilespmem:$0x10300] =	vst v63  }
0x243: {  	v3 =	vld [tilespmem:$0x2D0];
	_ =	sdelay $0x4  }
0x244: {  	v47 =	vshll.u32 v3, $0x1  }
0x245: {  	v3 =	vand.u32 $0x7, v3;
	v4 =	vand.u32 $0xFFFFFFF0, v47  }
0x246: {  	v3 =	vor.u32 v3, v4  }
0x247: {  	v4 =	vperm.xlane v3, v0;
	_ =	sdelay $0x1  }
0x248: {  	v3 =	vperm.xlane v3, v2;
	v4 =	vadd.s32 v1, v4;
	_ =	sdelay $0x1  }
0x249: {  	v3 =	vadd.s32 v1, v3;
	_ =	sdelay $0x1  }
0x24a: {  	s2 =	simm.s32 $0xD300  }
0x24b: {  	[tilespmem:s2], [sflag:$0x2] =	stream.indirect_vreg.gather [hbm4b:s1+s3], $0x80, v4, vm0, $0xb8;
	[tilespmem:$0x10300] =	vst v63  }
0x24c: {  	s15 =	simm.s32 $0xDB00  }
0x24d: {  	[tilespmem:s15], [sflag:$0x2] =	stream.indirect_vreg.gather [hbm4b:s1+s3], $0x80, v3, vm0, $0xb8;
	[tilespmem:$0x10300] =	vst v63  }
0x24e: {  	v3 =	vld [tilespmem:$0x2E0];
	_ =	sdelay $0x4  }
0x24f: {  	v48 =	vshll.u32 v3, $0x1  }
0x250: {  	v3 =	vand.u32 $0x7, v3;
	v4 =	vand.u32 $0xFFFFFFF0, v48  }
0x251: {  	v3 =	vor.u32 v3, v4  }
0x252: {  	v4 =	vperm.xlane v3, v0;
	_ =	sdelay $0x1  }
0x253: {  	v3 =	vperm.xlane v3, v2;
	v4 =	vadd.s32 v1, v4;
	_ =	sdelay $0x1  }
0x254: {  	v3 =	vadd.s32 v1, v3;
	_ =	sdelay $0x1  }
0x255: {  	s4 =	simm.s32 $0xE300  }
0x256: {  	[tilespmem:s4], [sflag:$0x2] =	stream.indirect_vreg.gather [hbm4b:s1+s3], $0x80, v4, vm0, $0xb8;
	[tilespmem:$0x10300] =	vst v63  }
0x257: {  	s16 =	simm.s32 $0xEB00  }
0x258: {  	[tilespmem:s16], [sflag:$0x2] =	stream.indirect_vreg.gather [hbm4b:s1+s3], $0x80, v3, vm0, $0xb8;
	[tilespmem:$0x10300] =	vst v63  }
0x259: {  	v3 =	vld [tilespmem:$0x2F0];
	_ =	sdelay $0x4  }
0x25a: {  	v49 =	vshll.u32 v3, $0x1  }
0x25b: {  	v3 =	vand.u32 $0x7, v3;
	v4 =	vand.u32 $0xFFFFFFF0, v49  }
0x25c: {  	v3 =	vor.u32 v3, v4  }
0x25d: {  	v4 =	vperm.xlane v3, v0;
	_ =	sdelay $0x1  }
0x25e: {  	v3 =	vperm.xlane v3, v2;
	v4 =	vadd.s32 v1, v4;
	_ =	sdelay $0x1  }
0x25f: {  	v3 =	vadd.s32 v1, v3;
	_ =	sdelay $0x1  }
0x260: {  	s7 =	simm.s32 $0xF300  }
0x261: {  	[tilespmem:s7], [sflag:$0x2] =	stream.indirect_vreg.gather [hbm4b:s1+s3], $0x80, v4, vm0, $0xb8;
	[tilespmem:$0x10300] =	vst v63  }
0x262: {  	s17 =	simm.s32 $0xFB00  }
0x263: {  	[tilespmem:s17], [sflag:$0x2] =	stream.indirect_vreg.gather [hbm4b:s1+s3], $0x80, v3, vm0, $0xb8;
	[tilespmem:$0x10300] =	vst v63  }
0x264: {  	_ =	swait.ge [sflag:s12], $0x8000  }
0x265: {  	[sflag:s12] =	ssyncset.done $0x0  }
0x266: {  	s14 =	rddreg [dreg:$0x9];
	[sflag:s12] =	ssyncadd.s32 $0xFFFF8000  }
0x267: {  	[hbm4b:s14+s3] =	stream.linear.scatter [tilespmem:s6], [sflag:$0x3], $0x8000, $0x38;
	[tilespmem:$0x10300] =	vst v63  }
0x268: {  	_ =	swait.ge [sflag:s5], $0x8000  }
0x269: {  	[sflag:s5] =	ssyncset.done $0x0  }
0x26a: {  	[sflag:s5] =	ssyncadd.s32 $0xFFFF8000  }
0x26b: {  	v3 =	vld [tilespmem:$0x100];
	_ =	sdelay $0x2  }
0x26c: {  	v50 =	vld [tilespmem:$0x110]  }
0x26d: {  	v51 =	vld [tilespmem:$0x120]  }
0x26e: {  	v53 =	vld [tilespmem:$0x130];
	v52 =	vadd.s32 $0x3E8, v3  }
0x26f: {  	v54 =	vld [tilespmem:$0x140];
	v55 =	vshll.u32 v52, $0x1  }
0x270: {  	v56 =	vld [tilespmem:$0x150];
	v3 =	vand.u32 $0x7, v3;
	v9 =	vand.u32 $0xFFFFFFF0, v55  }
0x271: {  	v57 =	vld [tilespmem:$0x160];
	v4 =	vadd.s32 $0x3E8, v50;
	[tilespmem:$0x200] =	vst v52;
	v3 =	vor.u32 v3, v9  }
0x272: {  	v59 =	vld [tilespmem:$0x170];
	v58 =	vadd.s32 $0x3E8, v51;
	[tilespmem:$0x210] =	vst v4;
	v9 =	vperm.xlane v3, v0  }
0x273: {  	v60 =	vadd.s32 $0x3E8, v53;
	[tilespmem:$0x220] =	vst v58  }
0x274: {  	v61 =	vadd.s32 $0x3E8, v54;
	[tilespmem:$0x230] =	vst v60;
	v3 =	vperm.xlane v3, v2;
	v62 =	vadd.s32 v1, v9  }
0x275: {  	v63 =	vadd.s32 $0x3E8, v56;
	[tilespmem:$0x240] =	vst v61  }
0x276: {  	v8 =	vadd.s32 $0x3E8, v57;
	[tilespmem:$0x250] =	vst v63;
	v3 =	vadd.s32 v1, v3  }
0x277: {  	[tilespmem:$0x260] =	vst v8;
	v9 =	vadd.s32 $0x3E8, v59  }
0x278: {  	[tilespmem:$0x270] =	vst v9  }
0x279: {  	[tilespmem:s6], [sflag:$0x1] =	stream.indirect_vreg.gather [hbm4b:s1+s3], $0x80, v62, vm0, $0xb8;
	[tilespmem:$0x10300] =	vst v63  }
0x27a: {  	s14 =	simm.s32 $0xB00  }
0x27b: {  	[tilespmem:s14], [sflag:$0x1] =	stream.indirect_vreg.gather [hbm4b:s1+s3], $0x80, v3, vm0, $0xb8;
	[tilespmem:$0x10300] =	vst v63  }
0x27c: {  	v3 =	vld [tilespmem:$0x210];
	_ =	sdelay $0x4  }
0x27d: {  	v10 =	vshll.u32 v3, $0x1  }
0x27e: {  	v3 =	vand.u32 $0x7, v3;
	v4 =	vand.u32 $0xFFFFFFF0, v10  }
0x27f: {  	v3 =	vor.u32 v3, v4  }
0x280: {  	v4 =	vperm.xlane v3, v0;
	_ =	sdelay $0x1  }
0x281: {  	v3 =	vperm.xlane v3, v2;
	v4 =	vadd.s32 v1, v4;
	_ =	sdelay $0x1  }
0x282: {  	v3 =	vadd.s32 v1, v3;
	_ =	sdelay $0x1  }
0x283: {  	s14 =	simm.s32 $0x1300  }
0x284: {  	[tilespmem:s14], [sflag:$0x1] =	stream.indirect_vreg.gather [hbm4b:s1+s3], $0x80, v4, vm0, $0xb8;
	[tilespmem:$0x10300] =	vst v63  }
0x285: {  	s14 =	simm.s32 $0x1B00  }
0x286: {  	[tilespmem:s14], [sflag:$0x1] =	stream.indirect_vreg.gather [hbm4b:s1+s3], $0x80, v3, vm0, $0xb8;
	[tilespmem:$0x10300] =	vst v63  }
0x287: {  	v3 =	vld [tilespmem:$0x220];
	_ =	sdelay $0x4  }
0x288: {  	v11 =	vshll.u32 v3, $0x1  }
0x289: {  	v3 =	vand.u32 $0x7, v3;
	v4 =	vand.u32 $0xFFFFFFF0, v11  }
0x28a: {  	v3 =	vor.u32 v3, v4  }
0x28b: {  	v4 =	vperm.xlane v3, v0;
	_ =	sdelay $0x1  }
0x28c: {  	v3 =	vperm.xlane v3, v2;
	v4 =	vadd.s32 v1, v4;
	_ =	sdelay $0x1  }
0x28d: {  	v3 =	vadd.s32 v1, v3;
	_ =	sdelay $0x1  }
0x28e: {  	s20 =	simm.s32 $0x2300  }
0x28f: {  	[tilespmem:s20], [sflag:$0x1] =	stream.indirect_vreg.gather [hbm4b:s1+s3], $0x80, v4, vm0, $0xb8;
	[tilespmem:$0x10300] =	vst v63  }
0x290: {  	s14 =	simm.s32 $0x2B00  }
0x291: {  	[tilespmem:s14], [sflag:$0x1] =	stream.indirect_vreg.gather [hbm4b:s1+s3], $0x80, v3, vm0, $0xb8;
	[tilespmem:$0x10300] =	vst v63  }
0x292: {  	v3 =	vld [tilespmem:$0x230];
	_ =	sdelay $0x4  }
0x293: {  	v12 =	vshll.u32 v3, $0x1  }
0x294: {  	v3 =	vand.u32 $0x7, v3;
	v4 =	vand.u32 $0xFFFFFFF0, v12  }
0x295: {  	v3 =	vor.u32 v3, v4  }
0x296: {  	v4 =	vperm.xlane v3, v0;
	_ =	sdelay $0x1  }
0x297: {  	v3 =	vperm.xlane v3, v2;
	v4 =	vadd.s32 v1, v4;
	_ =	sdelay $0x1  }
0x298: {  	v3 =	vadd.s32 v1, v3;
	_ =	sdelay $0x1  }
0x299: {  	s21 =	simm.s32 $0x3300  }
0x29a: {  	[tilespmem:s21], [sflag:$0x1] =	stream.indirect_vreg.gather [hbm4b:s1+s3], $0x80, v4, vm0, $0xb8;
	[tilespmem:$0x10300] =	vst v63  }
0x29b: {  	s24 =	simm.s32 $0x3B00  }
0x29c: {  	[tilespmem:s24], [sflag:$0x1] =	stream.indirect_vreg.gather [hbm4b:s1+s3], $0x80, v3, vm0, $0xb8;
	[tilespmem:$0x10300] =	vst v63  }
0x29d: {  	v3 =	vld [tilespmem:$0x240];
	_ =	sdelay $0x4  }
0x29e: {  	v13 =	vshll.u32 v3, $0x1  }
0x29f: {  	v3 =	vand.u32 $0x7, v3;
	v4 =	vand.u32 $0xFFFFFFF0, v13  }
0x2a0: {  	v3 =	vor.u32 v3, v4  }
0x2a1: {  	v4 =	vperm.xlane v3, v0;
	_ =	sdelay $0x1  }
0x2a2: {  	v3 =	vperm.xlane v3, v2;
	v4 =	vadd.s32 v1, v4;
	_ =	sdelay $0x1  }
0x2a3: {  	v3 =	vadd.s32 v1, v3;
	_ =	sdelay $0x1  }
0x2a4: {  	s23 =	simm.s32 $0x4300  }
0x2a5: {  	[tilespmem:s23], [sflag:$0x1] =	stream.indirect_vreg.gather [hbm4b:s1+s3], $0x80, v4, vm0, $0xb8;
	[tilespmem:$0x10300] =	vst v63  }
0x2a6: {  	s14 =	simm.s32 $0x4B00  }
0x2a7: {  	[tilespmem:s14], [sflag:$0x1] =	stream.indirect_vreg.gather [hbm4b:s1+s3], $0x80, v3, vm0, $0xb8;
	[tilespmem:$0x10300] =	vst v63  }
0x2a8: {  	v3 =	vld [tilespmem:$0x250];
	_ =	sdelay $0x4  }
0x2a9: {  	v14 =	vshll.u32 v3, $0x1  }
0x2aa: {  	v3 =	vand.u32 $0x7, v3;
	v4 =	vand.u32 $0xFFFFFFF0, v14  }
0x2ab: {  	v3 =	vor.u32 v3, v4  }
0x2ac: {  	v4 =	vperm.xlane v3, v0;
	_ =	sdelay $0x1  }
0x2ad: {  	v3 =	vperm.xlane v3, v2;
	v4 =	vadd.s32 v1, v4;
	_ =	sdelay $0x1  }
0x2ae: {  	v3 =	vadd.s32 v1, v3;
	_ =	sdelay $0x1  }
0x2af: {  	s25 =	simm.s32 $0x5300  }
0x2b0: {  	[tilespmem:s25], [sflag:$0x1] =	stream.indirect_vreg.gather [hbm4b:s1+s3], $0x80, v4, vm0, $0xb8;
	[tilespmem:$0x10300] =	vst v63  }
0x2b1: {  	s26 =	simm.s32 $0x5B00  }
0x2b2: {  	[tilespmem:s26], [sflag:$0x1] =	stream.indirect_vreg.gather [hbm4b:s1+s3], $0x80, v3, vm0, $0xb8;
	[tilespmem:$0x10300] =	vst v63  }
0x2b3: {  	v3 =	vld [tilespmem:$0x260];
	_ =	sdelay $0x4  }
0x2b4: {  	v15 =	vshll.u32 v3, $0x1  }
0x2b5: {  	v3 =	vand.u32 $0x7, v3;
	v4 =	vand.u32 $0xFFFFFFF0, v15  }
0x2b6: {  	v3 =	vor.u32 v3, v4  }
0x2b7: {  	v4 =	vperm.xlane v3, v0;
	_ =	sdelay $0x1  }
0x2b8: {  	v3 =	vperm.xlane v3, v2;
	v4 =	vadd.s32 v1, v4;
	_ =	sdelay $0x1  }
0x2b9: {  	v3 =	vadd.s32 v1, v3;
	_ =	sdelay $0x1  }
0x2ba: {  	s28 =	simm.s32 $0x6300  }
0x2bb: {  	[tilespmem:s28], [sflag:$0x1] =	stream.indirect_vreg.gather [hbm4b:s1+s3], $0x80, v4, vm0, $0xb8;
	[tilespmem:$0x10300] =	vst v63  }
0x2bc: {  	s29 =	simm.s32 $0x6B00  }
0x2bd: {  	[tilespmem:s29], [sflag:$0x1] =	stream.indirect_vreg.gather [hbm4b:s1+s3], $0x80, v3, vm0, $0xb8;
	[tilespmem:$0x10300] =	vst v63  }
0x2be: {  	v3 =	vld [tilespmem:$0x270];
	_ =	sdelay $0x4  }
0x2bf: {  	v16 =	vshll.u32 v3, $0x1  }
0x2c0: {  	v3 =	vand.u32 $0x7, v3;
	v4 =	vand.u32 $0xFFFFFFF0, v16  }
0x2c1: {  	v3 =	vor.u32 v3, v4  }
0x2c2: {  	v4 =	vperm.xlane v3, v0;
	_ =	sdelay $0x1  }
0x2c3: {  	v3 =	vperm.xlane v3, v2;
	v4 =	vadd.s32 v1, v4;
	_ =	sdelay $0x1  }
0x2c4: {  	v3 =	vadd.s32 v1, v3;
	_ =	sdelay $0x1  }
0x2c5: {  	s30 =	simm.s32 $0x7300  }
0x2c6: {  	[tilespmem:s30], [sflag:$0x1] =	stream.indirect_vreg.gather [hbm4b:s1+s3], $0x80, v4, vm0, $0xb8;
	[tilespmem:$0x10300] =	vst v63  }
0x2c7: {  	s31 =	simm.s32 $0x7B00  }
0x2c8: {  	[tilespmem:s31], [sflag:$0x1] =	stream.indirect_vreg.gather [hbm4b:s1+s3], $0x80, v3, vm0, $0xb8;
	[tilespmem:$0x10300] =	vst v63  }
0x2c9: {  	_ =	swait.ge [sflag:s13], $0x8000  }
0x2ca: {  	[sflag:s13] =	ssyncset.done $0x0  }
0x2cb: {  	s14 =	rddreg [dreg:$0xa];
	[sflag:s13] =	ssyncadd.s32 $0xFFFF8000  }
0x2cc: {  	[hbm4b:s14+s3] =	stream.linear.scatter [tilespmem:s22], [sflag:$0x3], $0x8000, $0x38;
	[tilespmem:$0x10300] =	vst v63  }
0x2cd: {  	_ =	swait.ge [sflag:s5], $0x8000  }
0x2ce: {  	[sflag:s5] =	ssyncset.done $0x0  }
0x2cf: {  	[sflag:s5] =	ssyncadd.s32 $0xFFFF8000  }
0x2d0: {  	v3 =	vld [tilespmem:$0x180];
	_ =	sdelay $0x2  }
0x2d1: {  	v17 =	vld [tilespmem:$0x190]  }
0x2d2: {  	v18 =	vld [tilespmem:$0x1A0]  }
0x2d3: {  	v20 =	vld [tilespmem:$0x1B0];
	v19 =	vadd.s32 $0x3E8, v3  }
0x2d4: {  	v21 =	vld [tilespmem:$0x1C0];
	v22 =	vshll.u32 v19, $0x1  }
0x2d5: {  	v23 =	vld [tilespmem:$0x1D0];
	v3 =	vand.u32 $0x7, v3;
	v9 =	vand.u32 $0xFFFFFFF0, v22  }
0x2d6: {  	v24 =	vld [tilespmem:$0x1E0];
	v4 =	vadd.s32 $0x3E8, v17;
	[tilespmem:$0x280] =	vst v19;
	v3 =	vor.u32 v3, v9  }
0x2d7: {  	v26 =	vld [tilespmem:$0x1F0];
	v25 =	vadd.s32 $0x3E8, v18;
	[tilespmem:$0x290] =	vst v4;
	v9 =	vperm.xlane v3, v0  }
0x2d8: {  	v27 =	vadd.s32 $0x3E8, v20;
	[tilespmem:$0x2A0] =	vst v25  }
0x2d9: {  	v28 =	vadd.s32 $0x3E8, v21;
	[tilespmem:$0x2B0] =	vst v27;
	v3 =	vperm.xlane v3, v2;
	v29 =	vadd.s32 v1, v9  }
0x2da: {  	v30 =	vadd.s32 $0x3E8, v23;
	[tilespmem:$0x2C0] =	vst v28  }
0x2db: {  	v31 =	vadd.s32 $0x3E8, v24;
	[tilespmem:$0x2D0] =	vst v30;
	v3 =	vadd.s32 v1, v3  }
0x2dc: {  	v32 =	vadd.s32 $0x3E8, v26;
	[tilespmem:$0x2E0] =	vst v31  }
0x2dd: {  	[tilespmem:$0x2F0] =	vst v32  }
0x2de: {  	[tilespmem:s22], [sflag:$0x2] =	stream.indirect_vreg.gather [hbm4b:s1+s3], $0x80, v29, vm0, $0xb8;
	[tilespmem:$0x10300] =	vst v63  }
0x2df: {  	s14 =	simm.s32 $0x8B00  }
0x2e0: {  	[tilespmem:s14], [sflag:$0x2] =	stream.indirect_vreg.gather [hbm4b:s1+s3], $0x80, v3, vm0, $0xb8;
	[tilespmem:$0x10300] =	vst v63  }
0x2e1: {  	v3 =	vld [tilespmem:$0x290];
	_ =	sdelay $0x4  }
0x2e2: {  	v33 =	vshll.u32 v3, $0x1  }
0x2e3: {  	v3 =	vand.u32 $0x7, v3;
	v4 =	vand.u32 $0xFFFFFFF0, v33  }
0x2e4: {  	v3 =	vor.u32 v3, v4  }
0x2e5: {  	v4 =	vperm.xlane v3, v0;
	_ =	sdelay $0x1  }
0x2e6: {  	v3 =	vperm.xlane v3, v2;
	v4 =	vadd.s32 v1, v4;
	_ =	sdelay $0x1  }
0x2e7: {  	v3 =	vadd.s32 v1, v3;
	_ =	sdelay $0x1  }
0x2e8: {  	s8 =	simm.s32 $0x9300  }
0x2e9: {  	[tilespmem:s8], [sflag:$0x2] =	stream.indirect_vreg.gather [hbm4b:s1+s3], $0x80, v4, vm0, $0xb8;
	[tilespmem:$0x10300] =	vst v63  }
0x2ea: {  	s14 =	simm.s32 $0x9B00  }
0x2eb: {  	[tilespmem:s14], [sflag:$0x2] =	stream.indirect_vreg.gather [hbm4b:s1+s3], $0x80, v3, vm0, $0xb8;
	[tilespmem:$0x10300] =	vst v63  }
0x2ec: {  	v3 =	vld [tilespmem:$0x2A0];
	_ =	sdelay $0x4  }
0x2ed: {  	v34 =	vshll.u32 v3, $0x1  }
0x2ee: {  	v3 =	vand.u32 $0x7, v3;
	v4 =	vand.u32 $0xFFFFFFF0, v34  }
0x2ef: {  	v3 =	vor.u32 v3, v4  }
0x2f0: {  	v4 =	vperm.xlane v3, v0;
	_ =	sdelay $0x1  }
0x2f1: {  	v3 =	vperm.xlane v3, v2;
	v4 =	vadd.s32 v1, v4;
	_ =	sdelay $0x1  }
0x2f2: {  	v3 =	vadd.s32 v1, v3;
	_ =	sdelay $0x1  }
0x2f3: {  	s9 =	simm.s32 $0xA300  }
0x2f4: {  	[tilespmem:s9], [sflag:$0x2] =	stream.indirect_vreg.gather [hbm4b:s1+s3], $0x80, v4, vm0, $0xb8;
	[tilespmem:$0x10300] =	vst v63  }
0x2f5: {  	s18 =	simm.s32 $0xAB00  }
0x2f6: {  	[tilespmem:s18], [sflag:$0x2] =	stream.indirect_vreg.gather [hbm4b:s1+s3], $0x80, v3, vm0, $0xb8;
	[tilespmem:$0x10300] =	vst v63  }
0x2f7: {  	v3 =	vld [tilespmem:$0x2B0];
	_ =	sdelay $0x4  }
0x2f8: {  	v35 =	vshll.u32 v3, $0x1  }
0x2f9: {  	v3 =	vand.u32 $0x7, v3;
	v4 =	vand.u32 $0xFFFFFFF0, v35  }
0x2fa: {  	v3 =	vor.u32 v3, v4  }
0x2fb: {  	v4 =	vperm.xlane v3, v0;
	_ =	sdelay $0x1  }
0x2fc: {  	v3 =	vperm.xlane v3, v2;
	v4 =	vadd.s32 v1, v4;
	_ =	sdelay $0x1  }
0x2fd: {  	v3 =	vadd.s32 v1, v3;
	_ =	sdelay $0x1  }
0x2fe: {  	s10 =	simm.s32 $0xB300  }
0x2ff: {  	[tilespmem:s10], [sflag:$0x2] =	stream.indirect_vreg.gather [hbm4b:s1+s3], $0x80, v4, vm0, $0xb8;
	[tilespmem:$0x10300] =	vst v63  }
0x300: {  	s19 =	simm.s32 $0xBB00  }
0x301: {  	[tilespmem:s19], [sflag:$0x2] =	stream.indirect_vreg.gather [hbm4b:s1+s3], $0x80, v3, vm0, $0xb8;
	[tilespmem:$0x10300] =	vst v63  }
0x302: {  	v3 =	vld [tilespmem:$0x2C0];
	_ =	sdelay $0x4  }
0x303: {  	v36 =	vshll.u32 v3, $0x1  }
0x304: {  	v3 =	vand.u32 $0x7, v3;
	v4 =	vand.u32 $0xFFFFFFF0, v36  }
0x305: {  	v3 =	vor.u32 v3, v4  }
0x306: {  	v4 =	vperm.xlane v3, v0;
	_ =	sdelay $0x1  }
0x307: {  	v3 =	vperm.xlane v3, v2;
	v4 =	vadd.s32 v1, v4;
	_ =	sdelay $0x1  }
0x308: {  	v3 =	vadd.s32 v1, v3;
	_ =	sdelay $0x1  }
0x309: {  	s0 =	simm.s32 $0xC300  }
0x30a: {  	[tilespmem:s0], [sflag:$0x2] =	stream.indirect_vreg.gather [hbm4b:s1+s3], $0x80, v4, vm0, $0xb8;
	[tilespmem:$0x10300] =	vst v63  }
0x30b: {  	s11 =	simm.s32 $0xCB00  }
0x30c: {  	[tilespmem:s11], [sflag:$0x2] =	stream.indirect_vreg.gather [hbm4b:s1+s3], $0x80, v3, vm0, $0xb8;
	[tilespmem:$0x10300] =	vst v63  }
0x30d: {  	v3 =	vld [tilespmem:$0x2D0];
	_ =	sdelay $0x4  }
0x30e: {  	v37 =	vshll.u32 v3, $0x1  }
0x30f: {  	v3 =	vand.u32 $0x7, v3;
	v4 =	vand.u32 $0xFFFFFFF0, v37  }
0x310: {  	v3 =	vor.u32 v3, v4  }
0x311: {  	v4 =	vperm.xlane v3, v0;
	_ =	sdelay $0x1  }
0x312: {  	v3 =	vperm.xlane v3, v2;
	v4 =	vadd.s32 v1, v4;
	_ =	sdelay $0x1  }
0x313: {  	v3 =	vadd.s32 v1, v3;
	_ =	sdelay $0x1  }
0x314: {  	s2 =	simm.s32 $0xD300  }
0x315: {  	[tilespmem:s2], [sflag:$0x2] =	stream.indirect_vreg.gather [hbm4b:s1+s3], $0x80, v4, vm0, $0xb8;
	[tilespmem:$0x10300] =	vst v63  }
0x316: {  	s15 =	simm.s32 $0xDB00  }
0x317: {  	[tilespmem:s15], [sflag:$0x2] =	stream.indirect_vreg.gather [hbm4b:s1+s3], $0x80, v3, vm0, $0xb8;
	[tilespmem:$0x10300] =	vst v63  }
0x318: {  	v3 =	vld [tilespmem:$0x2E0];
	_ =	sdelay $0x4  }
0x319: {  	v38 =	vshll.u32 v3, $0x1  }
0x31a: {  	v3 =	vand.u32 $0x7, v3;
	v4 =	vand.u32 $0xFFFFFFF0, v38  }
0x31b: {  	v3 =	vor.u32 v3, v4  }
0x31c: {  	v4 =	vperm.xlane v3, v0;
	_ =	sdelay $0x1  }
0x31d: {  	v3 =	vperm.xlane v3, v2;
	v4 =	vadd.s32 v1, v4;
	_ =	sdelay $0x1  }
0x31e: {  	v3 =	vadd.s32 v1, v3;
	_ =	sdelay $0x1  }
0x31f: {  	s4 =	simm.s32 $0xE300  }
0x320: {  	[tilespmem:s4], [sflag:$0x2] =	stream.indirect_vreg.gather [hbm4b:s1+s3], $0x80, v4, vm0, $0xb8;
	[tilespmem:$0x10300] =	vst v63  }
0x321: {  	s16 =	simm.s32 $0xEB00  }
0x322: {  	[tilespmem:s16], [sflag:$0x2] =	stream.indirect_vreg.gather [hbm4b:s1+s3], $0x80, v3, vm0, $0xb8;
	[tilespmem:$0x10300] =	vst v63  }
0x323: {  	v3 =	vld [tilespmem:$0x2F0];
	_ =	sdelay $0x4  }
0x324: {  	v39 =	vshll.u32 v3, $0x1  }
0x325: {  	v3 =	vand.u32 $0x7, v3;
	v4 =	vand.u32 $0xFFFFFFF0, v39  }
0x326: {  	v3 =	vor.u32 v3, v4  }
0x327: {  	v4 =	vperm.xlane v3, v0;
	_ =	sdelay $0x1  }
0x328: {  	v3 =	vperm.xlane v3, v2;
	v4 =	vadd.s32 v1, v4;
	_ =	sdelay $0x1  }
0x329: {  	v3 =	vadd.s32 v1, v3;
	_ =	sdelay $0x1  }
0x32a: {  	s7 =	simm.s32 $0xF300  }
0x32b: {  	[tilespmem:s7], [sflag:$0x2] =	stream.indirect_vreg.gather [hbm4b:s1+s3], $0x80, v4, vm0, $0xb8;
	[tilespmem:$0x10300] =	vst v63  }
0x32c: {  	s17 =	simm.s32 $0xFB00  }
0x32d: {  	[tilespmem:s17], [sflag:$0x2] =	stream.indirect_vreg.gather [hbm4b:s1+s3], $0x80, v3, vm0, $0xb8;
	[tilespmem:$0x10300] =	vst v63  }
0x32e: {  	_ =	swait.ge [sflag:s12], $0x8000  }
0x32f: {  	[sflag:s12] =	ssyncset.done $0x0  }
0x330: {  	s14 =	rddreg [dreg:$0xb];
	[sflag:s12] =	ssyncadd.s32 $0xFFFF8000  }
0x331: {  	[hbm4b:s14+s3] =	stream.linear.scatter [tilespmem:s6], [sflag:$0x3], $0x8000, $0x38;
	[tilespmem:$0x10300] =	vst v63  }
0x332: {  	_ =	swait.ge [sflag:s5], $0x8000  }
0x333: {  	[sflag:s5] =	ssyncset.done $0x0  }
0x334: {  	[sflag:s5] =	ssyncadd.s32 $0xFFFF8000  }
0x335: {  	v3 =	vld [tilespmem:$0x0];
	_ =	sdelay $0x2  }
0x336: {  	v40 =	vld [tilespmem:$0x10]  }
0x337: {  	v41 =	vld [tilespmem:$0x20]  }
0x338: {  	v43 =	vld [tilespmem:$0x30];
	v42 =	vadd.s32 $0x7D0, v3  }
0x339: {  	v44 =	vld [tilespmem:$0x40];
	v45 =	vshll.u32 v42, $0x1  }
0x33a: {  	v46 =	vld [tilespmem:$0x50];
	v3 =	vand.u32 $0x7, v3;
	v9 =	vand.u32 $0xFFFFFFF0, v45  }
0x33b: {  	v47 =	vld [tilespmem:$0x60];
	v4 =	vadd.s32 $0x7D0, v40;
	[tilespmem:$0x200] =	vst v42;
	v3 =	vor.u32 v3, v9  }
0x33c: {  	v49 =	vld [tilespmem:$0x70];
	v48 =	vadd.s32 $0x7D0, v41;
	[tilespmem:$0x210] =	vst v4;
	v9 =	vperm.xlane v3, v0  }
0x33d: {  	v50 =	vadd.s32 $0x7D0, v43;
	[tilespmem:$0x220] =	vst v48  }
0x33e: {  	v51 =	vadd.s32 $0x7D0, v44;
	[tilespmem:$0x230] =	vst v50;
	v3 =	vperm.xlane v3, v2;
	v52 =	vadd.s32 v1, v9  }
0x33f: {  	v53 =	vadd.s32 $0x7D0, v46;
	[tilespmem:$0x240] =	vst v51  }
0x340: {  	v54 =	vadd.s32 $0x7D0, v47;
	[tilespmem:$0x250] =	vst v53;
	v3 =	vadd.s32 v1, v3  }
0x341: {  	v55 =	vadd.s32 $0x7D0, v49;
	[tilespmem:$0x260] =	vst v54  }
0x342: {  	[tilespmem:$0x270] =	vst v55  }
0x343: {  	[tilespmem:s6], [sflag:$0x1] =	stream.indirect_vreg.gather [hbm4b:s1+s3], $0x80, v52, vm0, $0xb8;
	[tilespmem:$0x10300] =	vst v63  }
0x344: {  	s14 =	simm.s32 $0xB00  }
0x345: {  	[tilespmem:s14], [sflag:$0x1] =	stream.indirect_vreg.gather [hbm4b:s1+s3], $0x80, v3, vm0, $0xb8;
	[tilespmem:$0x10300] =	vst v63  }
0x346: {  	v3 =	vld [tilespmem:$0x210];
	_ =	sdelay $0x4  }
0x347: {  	v56 =	vshll.u32 v3, $0x1  }
0x348: {  	v3 =	vand.u32 $0x7, v3;
	v4 =	vand.u32 $0xFFFFFFF0, v56  }
0x349: {  	v3 =	vor.u32 v3, v4  }
0x34a: {  	v4 =	vperm.xlane v3, v0;
	_ =	sdelay $0x1  }
0x34b: {  	v3 =	vperm.xlane v3, v2;
	v4 =	vadd.s32 v1, v4;
	_ =	sdelay $0x1  }
0x34c: {  	v3 =	vadd.s32 v1, v3;
	_ =	sdelay $0x1  }
0x34d: {  	s14 =	simm.s32 $0x1300  }
0x34e: {  	[tilespmem:s14], [sflag:$0x1] =	stream.indirect_vreg.gather [hbm4b:s1+s3], $0x80, v4, vm0, $0xb8;
	[tilespmem:$0x10300] =	vst v63  }
0x34f: {  	s14 =	simm.s32 $0x1B00  }
0x350: {  	[tilespmem:s14], [sflag:$0x1] =	stream.indirect_vreg.gather [hbm4b:s1+s3], $0x80, v3, vm0, $0xb8;
	[tilespmem:$0x10300] =	vst v63  }
0x351: {  	v3 =	vld [tilespmem:$0x220];
	_ =	sdelay $0x4  }
0x352: {  	v57 =	vshll.u32 v3, $0x1  }
0x353: {  	v3 =	vand.u32 $0x7, v3;
	v4 =	vand.u32 $0xFFFFFFF0, v57  }
0x354: {  	v3 =	vor.u32 v3, v4  }
0x355: {  	v4 =	vperm.xlane v3, v0;
	_ =	sdelay $0x1  }
0x356: {  	v3 =	vperm.xlane v3, v2;
	v4 =	vadd.s32 v1, v4;
	_ =	sdelay $0x1  }
0x357: {  	v3 =	vadd.s32 v1, v3;
	_ =	sdelay $0x1  }
0x358: {  	s20 =	simm.s32 $0x2300  }
0x359: {  	[tilespmem:s20], [sflag:$0x1] =	stream.indirect_vreg.gather [hbm4b:s1+s3], $0x80, v4, vm0, $0xb8;
	[tilespmem:$0x10300] =	vst v63  }
0x35a: {  	s14 =	simm.s32 $0x2B00  }
0x35b: {  	[tilespmem:s14], [sflag:$0x1] =	stream.indirect_vreg.gather [hbm4b:s1+s3], $0x80, v3, vm0, $0xb8;
	[tilespmem:$0x10300] =	vst v63  }
0x35c: {  	v3 =	vld [tilespmem:$0x230];
	_ =	sdelay $0x4  }
0x35d: {  	v58 =	vshll.u32 v3, $0x1  }
0x35e: {  	v3 =	vand.u32 $0x7, v3;
	v4 =	vand.u32 $0xFFFFFFF0, v58  }
0x35f: {  	v3 =	vor.u32 v3, v4  }
0x360: {  	v4 =	vperm.xlane v3, v0;
	_ =	sdelay $0x1  }
0x361: {  	v3 =	vperm.xlane v3, v2;
	v4 =	vadd.s32 v1, v4;
	_ =	sdelay $0x1  }
0x362: {  	v3 =	vadd.s32 v1, v3;
	_ =	sdelay $0x1  }
0x363: {  	s21 =	simm.s32 $0x3300  }
0x364: {  	[tilespmem:s21], [sflag:$0x1] =	stream.indirect_vreg.gather [hbm4b:s1+s3], $0x80, v4, vm0, $0xb8;
	[tilespmem:$0x10300] =	vst v63  }
0x365: {  	s24 =	simm.s32 $0x3B00  }
0x366: {  	[tilespmem:s24], [sflag:$0x1] =	stream.indirect_vreg.gather [hbm4b:s1+s3], $0x80, v3, vm0, $0xb8;
	[tilespmem:$0x10300] =	vst v63  }
0x367: {  	v3 =	vld [tilespmem:$0x240];
	_ =	sdelay $0x4  }
0x368: {  	v59 =	vshll.u32 v3, $0x1  }
0x369: {  	v3 =	vand.u32 $0x7, v3;
	v4 =	vand.u32 $0xFFFFFFF0, v59  }
0x36a: {  	v3 =	vor.u32 v3, v4  }
0x36b: {  	v4 =	vperm.xlane v3, v0;
	_ =	sdelay $0x1  }
0x36c: {  	v3 =	vperm.xlane v3, v2;
	v4 =	vadd.s32 v1, v4;
	_ =	sdelay $0x1  }
0x36d: {  	v3 =	vadd.s32 v1, v3;
	_ =	sdelay $0x1  }
0x36e: {  	s23 =	simm.s32 $0x4300  }
0x36f: {  	[tilespmem:s23], [sflag:$0x1] =	stream.indirect_vreg.gather [hbm4b:s1+s3], $0x80, v4, vm0, $0xb8;
	[tilespmem:$0x10300] =	vst v63  }
0x370: {  	s14 =	simm.s32 $0x4B00  }
0x371: {  	[tilespmem:s14], [sflag:$0x1] =	stream.indirect_vreg.gather [hbm4b:s1+s3], $0x80, v3, vm0, $0xb8;
	[tilespmem:$0x10300] =	vst v63  }
0x372: {  	v3 =	vld [tilespmem:$0x250];
	_ =	sdelay $0x4  }
0x373: {  	v60 =	vshll.u32 v3, $0x1  }
0x374: {  	v3 =	vand.u32 $0x7, v3;
	v4 =	vand.u32 $0xFFFFFFF0, v60  }
0x375: {  	v3 =	vor.u32 v3, v4  }
0x376: {  	v4 =	vperm.xlane v3, v0;
	_ =	sdelay $0x1  }
0x377: {  	v3 =	vperm.xlane v3, v2;
	v4 =	vadd.s32 v1, v4;
	_ =	sdelay $0x1  }
0x378: {  	v3 =	vadd.s32 v1, v3;
	_ =	sdelay $0x1  }
0x379: {  	s25 =	simm.s32 $0x5300  }
0x37a: {  	[tilespmem:s25], [sflag:$0x1] =	stream.indirect_vreg.gather [hbm4b:s1+s3], $0x80, v4, vm0, $0xb8;
	[tilespmem:$0x10300] =	vst v63  }
0x37b: {  	s26 =	simm.s32 $0x5B00  }
0x37c: {  	[tilespmem:s26], [sflag:$0x1] =	stream.indirect_vreg.gather [hbm4b:s1+s3], $0x80, v3, vm0, $0xb8;
	[tilespmem:$0x10300] =	vst v63  }
0x37d: {  	v3 =	vld [tilespmem:$0x260];
	_ =	sdelay $0x4  }
0x37e: {  	v61 =	vshll.u32 v3, $0x1  }
0x37f: {  	v3 =	vand.u32 $0x7, v3;
	v4 =	vand.u32 $0xFFFFFFF0, v61  }
0x380: {  	v3 =	vor.u32 v3, v4  }
0x381: {  	v4 =	vperm.xlane v3, v0;
	_ =	sdelay $0x1  }
0x382: {  	v3 =	vperm.xlane v3, v2;
	v4 =	vadd.s32 v1, v4;
	_ =	sdelay $0x1  }
0x383: {  	v3 =	vadd.s32 v1, v3;
	_ =	sdelay $0x1  }
0x384: {  	s28 =	simm.s32 $0x6300  }
0x385: {  	[tilespmem:s28], [sflag:$0x1] =	stream.indirect_vreg.gather [hbm4b:s1+s3], $0x80, v4, vm0, $0xb8;
	[tilespmem:$0x10300] =	vst v63  }
0x386: {  	s29 =	simm.s32 $0x6B00  }
0x387: {  	[tilespmem:s29], [sflag:$0x1] =	stream.indirect_vreg.gather [hbm4b:s1+s3], $0x80, v3, vm0, $0xb8;
	[tilespmem:$0x10300] =	vst v63  }
0x388: {  	v3 =	vld [tilespmem:$0x270];
	_ =	sdelay $0x4  }
0x389: {  	v62 =	vshll.u32 v3, $0x1  }
0x38a: {  	v3 =	vand.u32 $0x7, v3;
	v4 =	vand.u32 $0xFFFFFFF0, v62  }
0x38b: {  	v3 =	vor.u32 v3, v4  }
0x38c: {  	v4 =	vperm.xlane v3, v0;
	_ =	sdelay $0x1  }
0x38d: {  	v3 =	vperm.xlane v3, v2;
	v4 =	vadd.s32 v1, v4;
	_ =	sdelay $0x1  }
0x38e: {  	v3 =	vadd.s32 v1, v3;
	_ =	sdelay $0x1  }
0x38f: {  	s30 =	simm.s32 $0x7300  }
0x390: {  	[tilespmem:s30], [sflag:$0x1] =	stream.indirect_vreg.gather [hbm4b:s1+s3], $0x80, v4, vm0, $0xb8;
	[tilespmem:$0x10300] =	vst v63  }
0x391: {  	s31 =	simm.s32 $0x7B00  }
0x392: {  	[tilespmem:s31], [sflag:$0x1] =	stream.indirect_vreg.gather [hbm4b:s1+s3], $0x80, v3, vm0, $0xb8;
	[tilespmem:$0x10300] =	vst v63  }
0x393: {  	_ =	swait.ge [sflag:s13], $0x8000  }
0x394: {  	[sflag:s13] =	ssyncset.done $0x0  }
0x395: {  	s14 =	rddreg [dreg:$0xc];
	[sflag:s13] =	ssyncadd.s32 $0xFFFF8000  }
0x396: {  	[hbm4b:s14+s3] =	stream.linear.scatter [tilespmem:s22], [sflag:$0x3], $0x8000, $0x38;
	[tilespmem:$0x10300] =	vst v63  }
0x397: {  	_ =	swait.ge [sflag:s5], $0x8000  }
0x398: {  	[sflag:s5] =	ssyncset.done $0x0  }
0x399: {  	[sflag:s5] =	ssyncadd.s32 $0xFFFF8000  }
0x39a: {  	v3 =	vld [tilespmem:$0x80];
	_ =	sdelay $0x2  }
0x39b: {  	v63 =	vld [tilespmem:$0x90]  }
0x39c: {  	v12 =	vld [tilespmem:$0xA0]  }
0x39d: {  	v14 =	vld [tilespmem:$0xB0];
	v13 =	vadd.s32 $0x7D0, v3  }
0x39e: {  	v15 =	vld [tilespmem:$0xC0];
	v16 =	vshll.u32 v13, $0x1  }
0x39f: {  	v17 =	vld [tilespmem:$0xD0];
	v3 =	vand.u32 $0x7, v3;
	v9 =	vand.u32 $0xFFFFFFF0, v16  }
0x3a0: {  	v18 =	vld [tilespmem:$0xE0];
	v4 =	vadd.s32 $0x7D0, v63;
	[tilespmem:$0x280] =	vst v13;
	v3 =	vor.u32 v3, v9  }
0x3a1: {  	v20 =	vld [tilespmem:$0xF0];
	v19 =	vadd.s32 $0x7D0, v12;
	[tilespmem:$0x290] =	vst v4;
	v9 =	vperm.xlane v3, v0  }
0x3a2: {  	v21 =	vadd.s32 $0x7D0, v14;
	[tilespmem:$0x2A0] =	vst v19  }
0x3a3: {  	v22 =	vadd.s32 $0x7D0, v15;
	[tilespmem:$0x2B0] =	vst v21;
	v3 =	vperm.xlane v3, v2;
	v23 =	vadd.s32 v1, v9  }
0x3a4: {  	v24 =	vadd.s32 $0x7D0, v17;
	[tilespmem:$0x2C0] =	vst v22  }
0x3a5: {  	v25 =	vadd.s32 $0x7D0, v18;
	[tilespmem:$0x2D0] =	vst v24;
	v3 =	vadd.s32 v1, v3  }
0x3a6: {  	v26 =	vadd.s32 $0x7D0, v20;
	[tilespmem:$0x2E0] =	vst v25  }
0x3a7: {  	[tilespmem:$0x2F0] =	vst v26  }
0x3a8: {  	[tilespmem:s22], [sflag:$0x2] =	stream.indirect_vreg.gather [hbm4b:s1+s3], $0x80, v23, vm0, $0xb8;
	[tilespmem:$0x10300] =	vst v63  }
0x3a9: {  	s14 =	simm.s32 $0x8B00  }
0x3aa: {  	[tilespmem:s14], [sflag:$0x2] =	stream.indirect_vreg.gather [hbm4b:s1+s3], $0x80, v3, vm0, $0xb8;
	[tilespmem:$0x10300] =	vst v63  }
0x3ab: {  	v3 =	vld [tilespmem:$0x290];
	_ =	sdelay $0x4  }
0x3ac: {  	v27 =	vshll.u32 v3, $0x1  }
0x3ad: {  	v3 =	vand.u32 $0x7, v3;
	v4 =	vand.u32 $0xFFFFFFF0, v27  }
0x3ae: {  	v3 =	vor.u32 v3, v4  }
0x3af: {  	v4 =	vperm.xlane v3, v0;
	_ =	sdelay $0x1  }
0x3b0: {  	v3 =	vperm.xlane v3, v2;
	v4 =	vadd.s32 v1, v4;
	_ =	sdelay $0x1  }
0x3b1: {  	v3 =	vadd.s32 v1, v3;
	_ =	sdelay $0x1  }
0x3b2: {  	s8 =	simm.s32 $0x9300  }
0x3b3: {  	[tilespmem:s8], [sflag:$0x2] =	stream.indirect_vreg.gather [hbm4b:s1+s3], $0x80, v4, vm0, $0xb8;
	[tilespmem:$0x10300] =	vst v63  }
0x3b4: {  	s14 =	simm.s32 $0x9B00  }
0x3b5: {  	[tilespmem:s14], [sflag:$0x2] =	stream.indirect_vreg.gather [hbm4b:s1+s3], $0x80, v3, vm0, $0xb8;
	[tilespmem:$0x10300] =	vst v63  }
0x3b6: {  	v3 =	vld [tilespmem:$0x2A0];
	_ =	sdelay $0x4  }
0x3b7: {  	v28 =	vshll.u32 v3, $0x1  }
0x3b8: {  	v3 =	vand.u32 $0x7, v3;
	v4 =	vand.u32 $0xFFFFFFF0, v28  }
0x3b9: {  	v3 =	vor.u32 v3, v4  }
0x3ba: {  	v4 =	vperm.xlane v3, v0;
	_ =	sdelay $0x1  }
0x3bb: {  	v3 =	vperm.xlane v3, v2;
	v4 =	vadd.s32 v1, v4;
	_ =	sdelay $0x1  }
0x3bc: {  	v3 =	vadd.s32 v1, v3;
	_ =	sdelay $0x1  }
0x3bd: {  	s9 =	simm.s32 $0xA300  }
0x3be: {  	[tilespmem:s9], [sflag:$0x2] =	stream.indirect_vreg.gather [hbm4b:s1+s3], $0x80, v4, vm0, $0xb8;
	[tilespmem:$0x10300] =	vst v63  }
0x3bf: {  	s18 =	simm.s32 $0xAB00  }
0x3c0: {  	[tilespmem:s18], [sflag:$0x2] =	stream.indirect_vreg.gather [hbm4b:s1+s3], $0x80, v3, vm0, $0xb8;
	[tilespmem:$0x10300] =	vst v63  }
0x3c1: {  	v3 =	vld [tilespmem:$0x2B0];
	_ =	sdelay $0x4  }
0x3c2: {  	v29 =	vshll.u32 v3, $0x1  }
0x3c3: {  	v3 =	vand.u32 $0x7, v3;
	v4 =	vand.u32 $0xFFFFFFF0, v29  }
0x3c4: {  	v3 =	vor.u32 v3, v4  }
0x3c5: {  	v4 =	vperm.xlane v3, v0;
	_ =	sdelay $0x1  }
0x3c6: {  	v3 =	vperm.xlane v3, v2;
	v4 =	vadd.s32 v1, v4;
	_ =	sdelay $0x1  }
0x3c7: {  	v3 =	vadd.s32 v1, v3;
	_ =	sdelay $0x1  }
0x3c8: {  	s10 =	simm.s32 $0xB300  }
0x3c9: {  	[tilespmem:s10], [sflag:$0x2] =	stream.indirect_vreg.gather [hbm4b:s1+s3], $0x80, v4, vm0, $0xb8;
	[tilespmem:$0x10300] =	vst v63  }
0x3ca: {  	s19 =	simm.s32 $0xBB00  }
0x3cb: {  	[tilespmem:s19], [sflag:$0x2] =	stream.indirect_vreg.gather [hbm4b:s1+s3], $0x80, v3, vm0, $0xb8;
	[tilespmem:$0x10300] =	vst v63  }
0x3cc: {  	v3 =	vld [tilespmem:$0x2C0];
	_ =	sdelay $0x4  }
0x3cd: {  	v30 =	vshll.u32 v3, $0x1  }
0x3ce: {  	v3 =	vand.u32 $0x7, v3;
	v4 =	vand.u32 $0xFFFFFFF0, v30  }
0x3cf: {  	v3 =	vor.u32 v3, v4  }
0x3d0: {  	v4 =	vperm.xlane v3, v0;
	_ =	sdelay $0x1  }
0x3d1: {  	v3 =	vperm.xlane v3, v2;
	v4 =	vadd.s32 v1, v4;
	_ =	sdelay $0x1  }
0x3d2: {  	v3 =	vadd.s32 v1, v3;
	_ =	sdelay $0x1  }
0x3d3: {  	s0 =	simm.s32 $0xC300  }
0x3d4: {  	[tilespmem:s0], [sflag:$0x2] =	stream.indirect_vreg.gather [hbm4b:s1+s3], $0x80, v4, vm0, $0xb8;
	[tilespmem:$0x10300] =	vst v63  }
0x3d5: {  	s11 =	simm.s32 $0xCB00  }
0x3d6: {  	[tilespmem:s11], [sflag:$0x2] =	stream.indirect_vreg.gather [hbm4b:s1+s3], $0x80, v3, vm0, $0xb8;
	[tilespmem:$0x10300] =	vst v63  }
0x3d7: {  	v3 =	vld [tilespmem:$0x2D0];
	_ =	sdelay $0x4  }
0x3d8: {  	v31 =	vshll.u32 v3, $0x1  }
0x3d9: {  	v3 =	vand.u32 $0x7, v3;
	v4 =	vand.u32 $0xFFFFFFF0, v31  }
0x3da: {  	v3 =	vor.u32 v3, v4  }
0x3db: {  	v4 =	vperm.xlane v3, v0;
	_ =	sdelay $0x1  }
0x3dc: {  	v3 =	vperm.xlane v3, v2;
	v4 =	vadd.s32 v1, v4;
	_ =	sdelay $0x1  }
0x3dd: {  	v3 =	vadd.s32 v1, v3;
	_ =	sdelay $0x1  }
0x3de: {  	s2 =	simm.s32 $0xD300  }
0x3df: {  	[tilespmem:s2], [sflag:$0x2] =	stream.indirect_vreg.gather [hbm4b:s1+s3], $0x80, v4, vm0, $0xb8;
	[tilespmem:$0x10300] =	vst v63  }
0x3e0: {  	s15 =	simm.s32 $0xDB00  }
0x3e1: {  	[tilespmem:s15], [sflag:$0x2] =	stream.indirect_vreg.gather [hbm4b:s1+s3], $0x80, v3, vm0, $0xb8;
	[tilespmem:$0x10300] =	vst v63  }
0x3e2: {  	v3 =	vld [tilespmem:$0x2E0];
	_ =	sdelay $0x4  }
0x3e3: {  	v32 =	vshll.u32 v3, $0x1  }
0x3e4: {  	v3 =	vand.u32 $0x7, v3;
	v4 =	vand.u32 $0xFFFFFFF0, v32  }
0x3e5: {  	v3 =	vor.u32 v3, v4  }
0x3e6: {  	v4 =	vperm.xlane v3, v0;
	_ =	sdelay $0x1  }
0x3e7: {  	v3 =	vperm.xlane v3, v2;
	v4 =	vadd.s32 v1, v4;
	_ =	sdelay $0x1  }
0x3e8: {  	v3 =	vadd.s32 v1, v3;
	_ =	sdelay $0x1  }
0x3e9: {  	s4 =	simm.s32 $0xE300  }
0x3ea: {  	[tilespmem:s4], [sflag:$0x2] =	stream.indirect_vreg.gather [hbm4b:s1+s3], $0x80, v4, vm0, $0xb8;
	[tilespmem:$0x10300] =	vst v63  }
0x3eb: {  	s16 =	simm.s32 $0xEB00  }
0x3ec: {  	[tilespmem:s16], [sflag:$0x2] =	stream.indirect_vreg.gather [hbm4b:s1+s3], $0x80, v3, vm0, $0xb8;
	[tilespmem:$0x10300] =	vst v63  }
0x3ed: {  	v3 =	vld [tilespmem:$0x2F0];
	_ =	sdelay $0x4  }
0x3ee: {  	v33 =	vshll.u32 v3, $0x1  }
0x3ef: {  	v3 =	vand.u32 $0x7, v3;
	v4 =	vand.u32 $0xFFFFFFF0, v33  }
0x3f0: {  	v3 =	vor.u32 v3, v4  }
0x3f1: {  	v4 =	vperm.xlane v3, v0;
	_ =	sdelay $0x1  }
0x3f2: {  	v3 =	vperm.xlane v3, v2;
	v4 =	vadd.s32 v1, v4;
	_ =	sdelay $0x1  }
0x3f3: {  	v3 =	vadd.s32 v1, v3;
	_ =	sdelay $0x1  }
0x3f4: {  	s7 =	simm.s32 $0xF300  }
0x3f5: {  	[tilespmem:s7], [sflag:$0x2] =	stream.indirect_vreg.gather [hbm4b:s1+s3], $0x80, v4, vm0, $0xb8;
	[tilespmem:$0x10300] =	vst v63  }
0x3f6: {  	s17 =	simm.s32 $0xFB00  }
0x3f7: {  	[tilespmem:s17], [sflag:$0x2] =	stream.indirect_vreg.gather [hbm4b:s1+s3], $0x80, v3, vm0, $0xb8;
	[tilespmem:$0x10300] =	vst v63  }
0x3f8: {  	_ =	swait.ge [sflag:s12], $0x8000  }
0x3f9: {  	[sflag:s12] =	ssyncset.done $0x0  }
0x3fa: {  	s14 =	rddreg [dreg:$0xd];
	[sflag:s12] =	ssyncadd.s32 $0xFFFF8000  }
0x3fb: {  	[hbm4b:s14+s3] =	stream.linear.scatter [tilespmem:s6], [sflag:$0x3], $0x8000, $0x38;
	[tilespmem:$0x10300] =	vst v63  }
0x3fc: {  	_ =	swait.ge [sflag:s5], $0x8000  }
0x3fd: {  	[sflag:s5] =	ssyncset.done $0x0  }
0x3fe: {  	[sflag:s5] =	ssyncadd.s32 $0xFFFF8000  }
0x3ff: {  	v3 =	vld [tilespmem:$0x100];
	_ =	sdelay $0x2  }
0x400: {  	v34 =	vld [tilespmem:$0x110]  }
0x401: {  	v35 =	vld [tilespmem:$0x120]  }
0x402: {  	v37 =	vld [tilespmem:$0x130];
	v36 =	vadd.s32 $0x7D0, v3  }
0x403: {  	v38 =	vld [tilespmem:$0x140];
	v39 =	vshll.u32 v36, $0x1  }
0x404: {  	v40 =	vld [tilespmem:$0x150];
	v3 =	vand.u32 $0x7, v3;
	v9 =	vand.u32 $0xFFFFFFF0, v39  }
0x405: {  	v41 =	vld [tilespmem:$0x160];
	v4 =	vadd.s32 $0x7D0, v34;
	[tilespmem:$0x200] =	vst v36;
	v3 =	vor.u32 v3, v9  }
0x406: {  	v43 =	vld [tilespmem:$0x170];
	v42 =	vadd.s32 $0x7D0, v35;
	[tilespmem:$0x210] =	vst v4;
	v9 =	vperm.xlane v3, v0  }
0x407: {  	v44 =	vadd.s32 $0x7D0, v37;
	[tilespmem:$0x220] =	vst v42  }
0x408: {  	v45 =	vadd.s32 $0x7D0, v38;
	[tilespmem:$0x230] =	vst v44;
	v3 =	vperm.xlane v3, v2;
	v46 =	vadd.s32 v1, v9  }
0x409: {  	v47 =	vadd.s32 $0x7D0, v40;
	[tilespmem:$0x240] =	vst v45  }
0x40a: {  	v48 =	vadd.s32 $0x7D0, v41;
	[tilespmem:$0x250] =	vst v47;
	v3 =	vadd.s32 v1, v3  }
0x40b: {  	v49 =	vadd.s32 $0x7D0, v43;
	[tilespmem:$0x260] =	vst v48  }
0x40c: {  	[tilespmem:$0x270] =	vst v49  }
0x40d: {  	[tilespmem:s6], [sflag:$0x1] =	stream.indirect_vreg.gather [hbm4b:s1+s3], $0x80, v46, vm0, $0xb8;
	[tilespmem:$0x10300] =	vst v63  }
0x40e: {  	s14 =	simm.s32 $0xB00  }
0x40f: {  	[tilespmem:s14], [sflag:$0x1] =	stream.indirect_vreg.gather [hbm4b:s1+s3], $0x80, v3, vm0, $0xb8;
	[tilespmem:$0x10300] =	vst v63  }
0x410: {  	v3 =	vld [tilespmem:$0x210];
	_ =	sdelay $0x4  }
0x411: {  	v50 =	vshll.u32 v3, $0x1  }
0x412: {  	v3 =	vand.u32 $0x7, v3;
	v4 =	vand.u32 $0xFFFFFFF0, v50  }
0x413: {  	v3 =	vor.u32 v3, v4  }
0x414: {  	v4 =	vperm.xlane v3, v0;
	_ =	sdelay $0x1  }
0x415: {  	v3 =	vperm.xlane v3, v2;
	v4 =	vadd.s32 v1, v4;
	_ =	sdelay $0x1  }
0x416: {  	v3 =	vadd.s32 v1, v3;
	_ =	sdelay $0x1  }
0x417: {  	s14 =	simm.s32 $0x1300  }
0x418: {  	[tilespmem:s14], [sflag:$0x1] =	stream.indirect_vreg.gather [hbm4b:s1+s3], $0x80, v4, vm0, $0xb8;
	[tilespmem:$0x10300] =	vst v63  }
0x419: {  	s14 =	simm.s32 $0x1B00  }
0x41a: {  	[tilespmem:s14], [sflag:$0x1] =	stream.indirect_vreg.gather [hbm4b:s1+s3], $0x80, v3, vm0, $0xb8;
	[tilespmem:$0x10300] =	vst v63  }
0x41b: {  	v3 =	vld [tilespmem:$0x220];
	_ =	sdelay $0x4  }
0x41c: {  	v51 =	vshll.u32 v3, $0x1  }
0x41d: {  	v3 =	vand.u32 $0x7, v3;
	v4 =	vand.u32 $0xFFFFFFF0, v51  }
0x41e: {  	v3 =	vor.u32 v3, v4  }
0x41f: {  	v4 =	vperm.xlane v3, v0;
	_ =	sdelay $0x1  }
0x420: {  	v3 =	vperm.xlane v3, v2;
	v4 =	vadd.s32 v1, v4;
	_ =	sdelay $0x1  }
0x421: {  	v3 =	vadd.s32 v1, v3;
	_ =	sdelay $0x1  }
0x422: {  	s20 =	simm.s32 $0x2300  }
0x423: {  	[tilespmem:s20], [sflag:$0x1] =	stream.indirect_vreg.gather [hbm4b:s1+s3], $0x80, v4, vm0, $0xb8;
	[tilespmem:$0x10300] =	vst v63  }
0x424: {  	s14 =	simm.s32 $0x2B00  }
0x425: {  	[tilespmem:s14], [sflag:$0x1] =	stream.indirect_vreg.gather [hbm4b:s1+s3], $0x80, v3, vm0, $0xb8;
	[tilespmem:$0x10300] =	vst v63  }
0x426: {  	v3 =	vld [tilespmem:$0x230];
	_ =	sdelay $0x4  }
0x427: {  	v52 =	vshll.u32 v3, $0x1  }
0x428: {  	v3 =	vand.u32 $0x7, v3;
	v4 =	vand.u32 $0xFFFFFFF0, v52  }
0x429: {  	v3 =	vor.u32 v3, v4  }
0x42a: {  	v4 =	vperm.xlane v3, v0;
	_ =	sdelay $0x1  }
0x42b: {  	v3 =	vperm.xlane v3, v2;
	v4 =	vadd.s32 v1, v4;
	_ =	sdelay $0x1  }
0x42c: {  	v3 =	vadd.s32 v1, v3;
	_ =	sdelay $0x1  }
0x42d: {  	s21 =	simm.s32 $0x3300  }
0x42e: {  	[tilespmem:s21], [sflag:$0x1] =	stream.indirect_vreg.gather [hbm4b:s1+s3], $0x80, v4, vm0, $0xb8;
	[tilespmem:$0x10300] =	vst v63  }
0x42f: {  	s24 =	simm.s32 $0x3B00  }
0x430: {  	[tilespmem:s24], [sflag:$0x1] =	stream.indirect_vreg.gather [hbm4b:s1+s3], $0x80, v3, vm0, $0xb8;
	[tilespmem:$0x10300] =	vst v63  }
0x431: {  	v3 =	vld [tilespmem:$0x240];
	_ =	sdelay $0x4  }
0x432: {  	v53 =	vshll.u32 v3, $0x1  }
0x433: {  	v3 =	vand.u32 $0x7, v3;
	v4 =	vand.u32 $0xFFFFFFF0, v53  }
0x434: {  	v3 =	vor.u32 v3, v4  }
0x435: {  	v4 =	vperm.xlane v3, v0;
	_ =	sdelay $0x1  }
0x436: {  	v3 =	vperm.xlane v3, v2;
	v4 =	vadd.s32 v1, v4;
	_ =	sdelay $0x1  }
0x437: {  	v3 =	vadd.s32 v1, v3;
	_ =	sdelay $0x1  }
0x438: {  	s23 =	simm.s32 $0x4300  }
0x439: {  	[tilespmem:s23], [sflag:$0x1] =	stream.indirect_vreg.gather [hbm4b:s1+s3], $0x80, v4, vm0, $0xb8;
	[tilespmem:$0x10300] =	vst v63  }
0x43a: {  	s14 =	simm.s32 $0x4B00  }
0x43b: {  	[tilespmem:s14], [sflag:$0x1] =	stream.indirect_vreg.gather [hbm4b:s1+s3], $0x80, v3, vm0, $0xb8;
	[tilespmem:$0x10300] =	vst v63  }
0x43c: {  	v3 =	vld [tilespmem:$0x250];
	_ =	sdelay $0x4  }
0x43d: {  	v54 =	vshll.u32 v3, $0x1  }
0x43e: {  	v3 =	vand.u32 $0x7, v3;
	v4 =	vand.u32 $0xFFFFFFF0, v54  }
0x43f: {  	v3 =	vor.u32 v3, v4  }
0x440: {  	v4 =	vperm.xlane v3, v0;
	_ =	sdelay $0x1  }
0x441: {  	v3 =	vperm.xlane v3, v2;
	v4 =	vadd.s32 v1, v4;
	_ =	sdelay $0x1  }
0x442: {  	v3 =	vadd.s32 v1, v3;
	_ =	sdelay $0x1  }
0x443: {  	s25 =	simm.s32 $0x5300  }
0x444: {  	[tilespmem:s25], [sflag:$0x1] =	stream.indirect_vreg.gather [hbm4b:s1+s3], $0x80, v4, vm0, $0xb8;
	[tilespmem:$0x10300] =	vst v63  }
0x445: {  	s26 =	simm.s32 $0x5B00  }
0x446: {  	[tilespmem:s26], [sflag:$0x1] =	stream.indirect_vreg.gather [hbm4b:s1+s3], $0x80, v3, vm0, $0xb8;
	[tilespmem:$0x10300] =	vst v63  }
0x447: {  	v3 =	vld [tilespmem:$0x260];
	_ =	sdelay $0x4  }
0x448: {  	v55 =	vshll.u32 v3, $0x1  }
0x449: {  	v3 =	vand.u32 $0x7, v3;
	v4 =	vand.u32 $0xFFFFFFF0, v55  }
0x44a: {  	v3 =	vor.u32 v3, v4  }
0x44b: {  	v4 =	vperm.xlane v3, v0;
	_ =	sdelay $0x1  }
0x44c: {  	v3 =	vperm.xlane v3, v2;
	v4 =	vadd.s32 v1, v4;
	_ =	sdelay $0x1  }
0x44d: {  	v3 =	vadd.s32 v1, v3;
	_ =	sdelay $0x1  }
0x44e: {  	s28 =	simm.s32 $0x6300  }
0x44f: {  	[tilespmem:s28], [sflag:$0x1] =	stream.indirect_vreg.gather [hbm4b:s1+s3], $0x80, v4, vm0, $0xb8;
	[tilespmem:$0x10300] =	vst v63  }
0x450: {  	s29 =	simm.s32 $0x6B00  }
0x451: {  	[tilespmem:s29], [sflag:$0x1] =	stream.indirect_vreg.gather [hbm4b:s1+s3], $0x80, v3, vm0, $0xb8;
	[tilespmem:$0x10300] =	vst v63  }
0x452: {  	v3 =	vld [tilespmem:$0x270];
	_ =	sdelay $0x4  }
0x453: {  	v56 =	vshll.u32 v3, $0x1  }
0x454: {  	v3 =	vand.u32 $0x7, v3;
	v4 =	vand.u32 $0xFFFFFFF0, v56  }
0x455: {  	v3 =	vor.u32 v3, v4  }
0x456: {  	v4 =	vperm.xlane v3, v0;
	_ =	sdelay $0x1  }
0x457: {  	v3 =	vperm.xlane v3, v2;
	v4 =	vadd.s32 v1, v4;
	_ =	sdelay $0x1  }
0x458: {  	v3 =	vadd.s32 v1, v3;
	_ =	sdelay $0x1  }
0x459: {  	s30 =	simm.s32 $0x7300  }
0x45a: {  	[tilespmem:s30], [sflag:$0x1] =	stream.indirect_vreg.gather [hbm4b:s1+s3], $0x80, v4, vm0, $0xb8;
	[tilespmem:$0x10300] =	vst v63  }
0x45b: {  	s31 =	simm.s32 $0x7B00  }
0x45c: {  	[tilespmem:s31], [sflag:$0x1] =	stream.indirect_vreg.gather [hbm4b:s1+s3], $0x80, v3, vm0, $0xb8;
	[tilespmem:$0x10300] =	vst v63  }
0x45d: {  	_ =	swait.ge [sflag:s13], $0x8000  }
0x45e: {  	[sflag:s13] =	ssyncset.done $0x0  }
0x45f: {  	s14 =	rddreg [dreg:$0xe];
	[sflag:s13] =	ssyncadd.s32 $0xFFFF8000  }
0x460: {  	[hbm4b:s14+s3] =	stream.linear.scatter [tilespmem:s22], [sflag:$0x3], $0x8000, $0x38;
	[tilespmem:$0x10300] =	vst v63  }
0x461: {  	_ =	swait.ge [sflag:s5], $0x8000  }
0x462: {  	[sflag:s5] =	ssyncset.done $0x0  }
0x463: {  	[sflag:s5] =	ssyncadd.s32 $0xFFFF8000  }
0x464: {  	v3 =	vld [tilespmem:$0x180];
	_ =	sdelay $0x2  }
0x465: {  	v57 =	vld [tilespmem:$0x190]  }
0x466: {  	v58 =	vld [tilespmem:$0x1A0]  }
0x467: {  	v60 =	vld [tilespmem:$0x1B0];
	v59 =	vadd.s32 $0x7D0, v3  }
0x468: {  	v61 =	vld [tilespmem:$0x1C0];
	v62 =	vshll.u32 v59, $0x1  }
0x469: {  	v63 =	vld [tilespmem:$0x1D0];
	v3 =	vand.u32 $0x7, v3;
	v9 =	vand.u32 $0xFFFFFFF0, v62  }
0x46a: {  	v12 =	vld [tilespmem:$0x1E0];
	v4 =	vadd.s32 $0x7D0, v57;
	[tilespmem:$0x280] =	vst v59;
	v3 =	vor.u32 v3, v9  }
0x46b: {  	v14 =	vld [tilespmem:$0x1F0];
	v13 =	vadd.s32 $0x7D0, v58;
	[tilespmem:$0x290] =	vst v4;
	v9 =	vperm.xlane v3, v0  }
0x46c: {  	v15 =	vadd.s32 $0x7D0, v60;
	[tilespmem:$0x2A0] =	vst v13  }
0x46d: {  	v16 =	vadd.s32 $0x7D0, v61;
	[tilespmem:$0x2B0] =	vst v15;
	v3 =	vperm.xlane v3, v2;
	v17 =	vadd.s32 v1, v9  }
0x46e: {  	v18 =	vadd.s32 $0x7D0, v63;
	[tilespmem:$0x2C0] =	vst v16  }
0x46f: {  	v19 =	vadd.s32 $0x7D0, v12;
	[tilespmem:$0x2D0] =	vst v18;
	v3 =	vadd.s32 v1, v3  }
0x470: {  	v20 =	vadd.s32 $0x7D0, v14;
	[tilespmem:$0x2E0] =	vst v19  }
0x471: {  	[tilespmem:$0x2F0] =	vst v20  }
0x472: {  	[tilespmem:s22], [sflag:$0x2] =	stream.indirect_vreg.gather [hbm4b:s1+s3], $0x80, v17, vm0, $0xb8;
	[tilespmem:$0x10300] =	vst v63  }
0x473: {  	s14 =	simm.s32 $0x8B00  }
0x474: {  	[tilespmem:s14], [sflag:$0x2] =	stream.indirect_vreg.gather [hbm4b:s1+s3], $0x80, v3, vm0, $0xb8;
	[tilespmem:$0x10300] =	vst v63  }
0x475: {  	v3 =	vld [tilespmem:$0x290];
	_ =	sdelay $0x4  }
0x476: {  	v21 =	vshll.u32 v3, $0x1  }
0x477: {  	v3 =	vand.u32 $0x7, v3;
	v4 =	vand.u32 $0xFFFFFFF0, v21  }
0x478: {  	v3 =	vor.u32 v3, v4  }
0x479: {  	v4 =	vperm.xlane v3, v0;
	_ =	sdelay $0x1  }
0x47a: {  	v3 =	vperm.xlane v3, v2;
	v4 =	vadd.s32 v1, v4;
	_ =	sdelay $0x1  }
0x47b: {  	v3 =	vadd.s32 v1, v3;
	_ =	sdelay $0x1  }
0x47c: {  	s8 =	simm.s32 $0x9300  }
0x47d: {  	[tilespmem:s8], [sflag:$0x2] =	stream.indirect_vreg.gather [hbm4b:s1+s3], $0x80, v4, vm0, $0xb8;
	[tilespmem:$0x10300] =	vst v63  }
0x47e: {  	s14 =	simm.s32 $0x9B00  }
0x47f: {  	[tilespmem:s14], [sflag:$0x2] =	stream.indirect_vreg.gather [hbm4b:s1+s3], $0x80, v3, vm0, $0xb8;
	[tilespmem:$0x10300] =	vst v63  }
0x480: {  	v3 =	vld [tilespmem:$0x2A0];
	_ =	sdelay $0x4  }
0x481: {  	v22 =	vshll.u32 v3, $0x1  }
0x482: {  	v3 =	vand.u32 $0x7, v3;
	v4 =	vand.u32 $0xFFFFFFF0, v22  }
0x483: {  	v3 =	vor.u32 v3, v4  }
0x484: {  	v4 =	vperm.xlane v3, v0;
	_ =	sdelay $0x1  }
0x485: {  	v3 =	vperm.xlane v3, v2;
	v4 =	vadd.s32 v1, v4;
	_ =	sdelay $0x1  }
0x486: {  	v3 =	vadd.s32 v1, v3;
	_ =	sdelay $0x1  }
0x487: {  	s9 =	simm.s32 $0xA300  }
0x488: {  	[tilespmem:s9], [sflag:$0x2] =	stream.indirect_vreg.gather [hbm4b:s1+s3], $0x80, v4, vm0, $0xb8;
	[tilespmem:$0x10300] =	vst v63  }
0x489: {  	s18 =	simm.s32 $0xAB00  }
0x48a: {  	[tilespmem:s18], [sflag:$0x2] =	stream.indirect_vreg.gather [hbm4b:s1+s3], $0x80, v3, vm0, $0xb8;
	[tilespmem:$0x10300] =	vst v63  }
0x48b: {  	v3 =	vld [tilespmem:$0x2B0];
	_ =	sdelay $0x4  }
0x48c: {  	v23 =	vshll.u32 v3, $0x1  }
0x48d: {  	v3 =	vand.u32 $0x7, v3;
	v4 =	vand.u32 $0xFFFFFFF0, v23  }
0x48e: {  	v3 =	vor.u32 v3, v4  }
0x48f: {  	v4 =	vperm.xlane v3, v0;
	_ =	sdelay $0x1  }
0x490: {  	v3 =	vperm.xlane v3, v2;
	v4 =	vadd.s32 v1, v4;
	_ =	sdelay $0x1  }
0x491: {  	v3 =	vadd.s32 v1, v3;
	_ =	sdelay $0x1  }
0x492: {  	s10 =	simm.s32 $0xB300  }
0x493: {  	[tilespmem:s10], [sflag:$0x2] =	stream.indirect_vreg.gather [hbm4b:s1+s3], $0x80, v4, vm0, $0xb8;
	[tilespmem:$0x10300] =	vst v63  }
0x494: {  	s19 =	simm.s32 $0xBB00  }
0x495: {  	[tilespmem:s19], [sflag:$0x2] =	stream.indirect_vreg.gather [hbm4b:s1+s3], $0x80, v3, vm0, $0xb8;
	[tilespmem:$0x10300] =	vst v63  }
0x496: {  	v3 =	vld [tilespmem:$0x2C0];
	_ =	sdelay $0x4  }
0x497: {  	v24 =	vshll.u32 v3, $0x1  }
0x498: {  	v3 =	vand.u32 $0x7, v3;
	v4 =	vand.u32 $0xFFFFFFF0, v24  }
0x499: {  	v3 =	vor.u32 v3, v4  }
0x49a: {  	v4 =	vperm.xlane v3, v0;
	_ =	sdelay $0x1  }
0x49b: {  	v3 =	vperm.xlane v3, v2;
	v4 =	vadd.s32 v1, v4;
	_ =	sdelay $0x1  }
0x49c: {  	v3 =	vadd.s32 v1, v3;
	_ =	sdelay $0x1  }
0x49d: {  	s0 =	simm.s32 $0xC300  }
0x49e: {  	[tilespmem:s0], [sflag:$0x2] =	stream.indirect_vreg.gather [hbm4b:s1+s3], $0x80, v4, vm0, $0xb8;
	[tilespmem:$0x10300] =	vst v63  }
0x49f: {  	s11 =	simm.s32 $0xCB00  }
0x4a0: {  	[tilespmem:s11], [sflag:$0x2] =	stream.indirect_vreg.gather [hbm4b:s1+s3], $0x80, v3, vm0, $0xb8;
	[tilespmem:$0x10300] =	vst v63  }
0x4a1: {  	v3 =	vld [tilespmem:$0x2D0];
	_ =	sdelay $0x4  }
0x4a2: {  	v25 =	vshll.u32 v3, $0x1  }
0x4a3: {  	v3 =	vand.u32 $0x7, v3;
	v4 =	vand.u32 $0xFFFFFFF0, v25  }
0x4a4: {  	v3 =	vor.u32 v3, v4  }
0x4a5: {  	v4 =	vperm.xlane v3, v0;
	_ =	sdelay $0x1  }
0x4a6: {  	v3 =	vperm.xlane v3, v2;
	v4 =	vadd.s32 v1, v4;
	_ =	sdelay $0x1  }
0x4a7: {  	v3 =	vadd.s32 v1, v3;
	_ =	sdelay $0x1  }
0x4a8: {  	s2 =	simm.s32 $0xD300  }
0x4a9: {  	[tilespmem:s2], [sflag:$0x2] =	stream.indirect_vreg.gather [hbm4b:s1+s3], $0x80, v4, vm0, $0xb8;
	[tilespmem:$0x10300] =	vst v63  }
0x4aa: {  	s15 =	simm.s32 $0xDB00  }
0x4ab: {  	[tilespmem:s15], [sflag:$0x2] =	stream.indirect_vreg.gather [hbm4b:s1+s3], $0x80, v3, vm0, $0xb8;
	[tilespmem:$0x10300] =	vst v63  }
0x4ac: {  	v3 =	vld [tilespmem:$0x2E0];
	_ =	sdelay $0x4  }
0x4ad: {  	v26 =	vshll.u32 v3, $0x1  }
0x4ae: {  	v3 =	vand.u32 $0x7, v3;
	v4 =	vand.u32 $0xFFFFFFF0, v26  }
0x4af: {  	v3 =	vor.u32 v3, v4  }
0x4b0: {  	v4 =	vperm.xlane v3, v0;
	_ =	sdelay $0x1  }
0x4b1: {  	v3 =	vperm.xlane v3, v2;
	v4 =	vadd.s32 v1, v4;
	_ =	sdelay $0x1  }
0x4b2: {  	v3 =	vadd.s32 v1, v3;
	_ =	sdelay $0x1  }
0x4b3: {  	s4 =	simm.s32 $0xE300  }
0x4b4: {  	[tilespmem:s4], [sflag:$0x2] =	stream.indirect_vreg.gather [hbm4b:s1+s3], $0x80, v4, vm0, $0xb8;
	[tilespmem:$0x10300] =	vst v63  }
0x4b5: {  	s16 =	simm.s32 $0xEB00  }
0x4b6: {  	[tilespmem:s16], [sflag:$0x2] =	stream.indirect_vreg.gather [hbm4b:s1+s3], $0x80, v3, vm0, $0xb8;
	[tilespmem:$0x10300] =	vst v63  }
0x4b7: {  	v3 =	vld [tilespmem:$0x2F0];
	_ =	sdelay $0x4  }
0x4b8: {  	v27 =	vshll.u32 v3, $0x1  }
0x4b9: {  	v3 =	vand.u32 $0x7, v3;
	v4 =	vand.u32 $0xFFFFFFF0, v27  }
0x4ba: {  	v3 =	vor.u32 v3, v4  }
0x4bb: {  	v4 =	vperm.xlane v3, v0;
	_ =	sdelay $0x1  }
0x4bc: {  	v3 =	vperm.xlane v3, v2;
	v4 =	vadd.s32 v1, v4;
	_ =	sdelay $0x1  }
0x4bd: {  	v3 =	vadd.s32 v1, v3;
	_ =	sdelay $0x1  }
0x4be: {  	s7 =	simm.s32 $0xF300  }
0x4bf: {  	[tilespmem:s7], [sflag:$0x2] =	stream.indirect_vreg.gather [hbm4b:s1+s3], $0x80, v4, vm0, $0xb8;
	[tilespmem:$0x10300] =	vst v63  }
0x4c0: {  	s17 =	simm.s32 $0xFB00  }
0x4c1: {  	[tilespmem:s17], [sflag:$0x2] =	stream.indirect_vreg.gather [hbm4b:s1+s3], $0x80, v3, vm0, $0xb8;
	[tilespmem:$0x10300] =	vst v63  }
0x4c2: {  	_ =	swait.ge [sflag:s12], $0x8000  }
0x4c3: {  	[sflag:s12] =	ssyncset.done $0x0  }
0x4c4: {  	s19 =	rddreg [dreg:$0xf];
	[sflag:s12] =	ssyncadd.s32 $0xFFFF8000  }
0x4c5: {  	[hbm4b:s19+s3] =	stream.linear.scatter [tilespmem:s6], [sflag:$0x3], $0x8000, $0x38;
	[tilespmem:$0x10300] =	vst v63  }
0x4c6: {  	_ =	swait.ge [sflag:s5], $0x8000  }
0x4c7: {  	[sflag:s5] =	ssyncset.done $0x0  }
0x4c8: {  	[sflag:s5] =	ssyncadd.s32 $0xFFFF8000  }
0x4c9: {  	v3 =	vld [tilespmem:$0x0];
	_ =	sdelay $0x2  }
0x4ca: {  	v28 =	vld [tilespmem:$0x10]  }
0x4cb: {  	v29 =	vld [tilespmem:$0x20]  }
0x4cc: {  	v31 =	vld [tilespmem:$0x30];
	v30 =	vadd.s32 $0xBB8, v3  }
0x4cd: {  	v32 =	vld [tilespmem:$0x40];
	v33 =	vshll.u32 v30, $0x1  }
0x4ce: {  	v34 =	vld [tilespmem:$0x50];
	v3 =	vand.u32 $0x7, v3;
	v9 =	vand.u32 $0xFFFFFFF0, v33  }
0x4cf: {  	v35 =	vld [tilespmem:$0x60];
	v4 =	vadd.s32 $0xBB8, v28;
	[tilespmem:$0x200] =	vst v30;
	v3 =	vor.u32 v3, v9  }
0x4d0: {  	v37 =	vld [tilespmem:$0x70];
	v36 =	vadd.s32 $0xBB8, v29;
	[tilespmem:$0x210] =	vst v4;
	v9 =	vperm.xlane v3, v0  }
0x4d1: {  	v38 =	vadd.s32 $0xBB8, v31;
	[tilespmem:$0x220] =	vst v36  }
0x4d2: {  	v39 =	vadd.s32 $0xBB8, v32;
	[tilespmem:$0x230] =	vst v38;
	v3 =	vperm.xlane v3, v2;
	v40 =	vadd.s32 v1, v9  }
0x4d3: {  	v41 =	vadd.s32 $0xBB8, v34;
	[tilespmem:$0x240] =	vst v39  }
0x4d4: {  	v42 =	vadd.s32 $0xBB8, v35;
	[tilespmem:$0x250] =	vst v41;
	v3 =	vadd.s32 v1, v3  }
0x4d5: {  	v43 =	vadd.s32 $0xBB8, v37;
	[tilespmem:$0x260] =	vst v42  }
0x4d6: {  	[tilespmem:$0x270] =	vst v43  }
0x4d7: {  	[tilespmem:s6], [sflag:$0x1] =	stream.indirect_vreg.gather [hbm4b:s1+s3], $0x80, v40, vm0, $0xb8;
	[tilespmem:$0x10300] =	vst v63  }
0x4d8: {  	s16 =	simm.s32 $0xB00  }
0x4d9: {  	[tilespmem:s16], [sflag:$0x1] =	stream.indirect_vreg.gather [hbm4b:s1+s3], $0x80, v3, vm0, $0xb8;
	[tilespmem:$0x10300] =	vst v63  }
0x4da: {  	v3 =	vld [tilespmem:$0x210];
	_ =	sdelay $0x4  }
0x4db: {  	v44 =	vshll.u32 v3, $0x1  }
0x4dc: {  	v3 =	vand.u32 $0x7, v3;
	v4 =	vand.u32 $0xFFFFFFF0, v44  }
0x4dd: {  	v3 =	vor.u32 v3, v4  }
0x4de: {  	v4 =	vperm.xlane v3, v0;
	_ =	sdelay $0x1  }
0x4df: {  	v3 =	vperm.xlane v3, v2;
	v4 =	vadd.s32 v1, v4;
	_ =	sdelay $0x1  }
0x4e0: {  	v3 =	vadd.s32 v1, v3;
	_ =	sdelay $0x1  }
0x4e1: {  	s17 =	simm.s32 $0x1300  }
0x4e2: {  	[tilespmem:s17], [sflag:$0x1] =	stream.indirect_vreg.gather [hbm4b:s1+s3], $0x80, v4, vm0, $0xb8;
	[tilespmem:$0x10300] =	vst v63  }
0x4e3: {  	s19 =	simm.s32 $0x1B00  }
0x4e4: {  	[tilespmem:s19], [sflag:$0x1] =	stream.indirect_vreg.gather [hbm4b:s1+s3], $0x80, v3, vm0, $0xb8;
	[tilespmem:$0x10300] =	vst v63  }
0x4e5: {  	v3 =	vld [tilespmem:$0x220];
	_ =	sdelay $0x4  }
0x4e6: {  	v45 =	vshll.u32 v3, $0x1  }
0x4e7: {  	v3 =	vand.u32 $0x7, v3;
	v4 =	vand.u32 $0xFFFFFFF0, v45  }
0x4e8: {  	v3 =	vor.u32 v3, v4  }
0x4e9: {  	v4 =	vperm.xlane v3, v0;
	_ =	sdelay $0x1  }
0x4ea: {  	v3 =	vperm.xlane v3, v2;
	v4 =	vadd.s32 v1, v4;
	_ =	sdelay $0x1  }
0x4eb: {  	v3 =	vadd.s32 v1, v3;
	_ =	sdelay $0x1  }
0x4ec: {  	s20 =	simm.s32 $0x2300  }
0x4ed: {  	[tilespmem:s20], [sflag:$0x1] =	stream.indirect_vreg.gather [hbm4b:s1+s3], $0x80, v4, vm0, $0xb8;
	[tilespmem:$0x10300] =	vst v63  }
0x4ee: {  	s20 =	simm.s32 $0x2B00  }
0x4ef: {  	[tilespmem:s20], [sflag:$0x1] =	stream.indirect_vreg.gather [hbm4b:s1+s3], $0x80, v3, vm0, $0xb8;
	[tilespmem:$0x10300] =	vst v63  }
0x4f0: {  	v3 =	vld [tilespmem:$0x230];
	_ =	sdelay $0x4  }
0x4f1: {  	v46 =	vshll.u32 v3, $0x1  }
0x4f2: {  	v3 =	vand.u32 $0x7, v3;
	v4 =	vand.u32 $0xFFFFFFF0, v46  }
0x4f3: {  	v3 =	vor.u32 v3, v4  }
0x4f4: {  	v4 =	vperm.xlane v3, v0;
	_ =	sdelay $0x1  }
0x4f5: {  	v3 =	vperm.xlane v3, v2;
	v4 =	vadd.s32 v1, v4;
	_ =	sdelay $0x1  }
0x4f6: {  	v3 =	vadd.s32 v1, v3;
	_ =	sdelay $0x1  }
0x4f7: {  	s21 =	simm.s32 $0x3300  }
0x4f8: {  	[tilespmem:s21], [sflag:$0x1] =	stream.indirect_vreg.gather [hbm4b:s1+s3], $0x80, v4, vm0, $0xb8;
	[tilespmem:$0x10300] =	vst v63  }
0x4f9: {  	s24 =	simm.s32 $0x3B00  }
0x4fa: {  	[tilespmem:s24], [sflag:$0x1] =	stream.indirect_vreg.gather [hbm4b:s1+s3], $0x80, v3, vm0, $0xb8;
	[tilespmem:$0x10300] =	vst v63  }
0x4fb: {  	v3 =	vld [tilespmem:$0x240];
	_ =	sdelay $0x4  }
0x4fc: {  	v47 =	vshll.u32 v3, $0x1  }
0x4fd: {  	v3 =	vand.u32 $0x7, v3;
	v4 =	vand.u32 $0xFFFFFFF0, v47  }
0x4fe: {  	v3 =	vor.u32 v3, v4  }
0x4ff: {  	v4 =	vperm.xlane v3, v0;
	_ =	sdelay $0x1  }
0x500: {  	v3 =	vperm.xlane v3, v2;
	v4 =	vadd.s32 v1, v4;
	_ =	sdelay $0x1  }
0x501: {  	v3 =	vadd.s32 v1, v3;
	_ =	sdelay $0x1  }
0x502: {  	s23 =	simm.s32 $0x4300  }
0x503: {  	[tilespmem:s23], [sflag:$0x1] =	stream.indirect_vreg.gather [hbm4b:s1+s3], $0x80, v4, vm0, $0xb8;
	[tilespmem:$0x10300] =	vst v63  }
0x504: {  	s24 =	simm.s32 $0x4B00  }
0x505: {  	[tilespmem:s24], [sflag:$0x1] =	stream.indirect_vreg.gather [hbm4b:s1+s3], $0x80, v3, vm0, $0xb8;
	[tilespmem:$0x10300] =	vst v63  }
0x506: {  	v3 =	vld [tilespmem:$0x250];
	_ =	sdelay $0x4  }
0x507: {  	v48 =	vshll.u32 v3, $0x1  }
0x508: {  	v3 =	vand.u32 $0x7, v3;
	v4 =	vand.u32 $0xFFFFFFF0, v48  }
0x509: {  	v3 =	vor.u32 v3, v4  }
0x50a: {  	v4 =	vperm.xlane v3, v0;
	_ =	sdelay $0x1  }
0x50b: {  	v3 =	vperm.xlane v3, v2;
	v4 =	vadd.s32 v1, v4;
	_ =	sdelay $0x1  }
0x50c: {  	v3 =	vadd.s32 v1, v3;
	_ =	sdelay $0x1  }
0x50d: {  	s25 =	simm.s32 $0x5300  }
0x50e: {  	[tilespmem:s25], [sflag:$0x1] =	stream.indirect_vreg.gather [hbm4b:s1+s3], $0x80, v4, vm0, $0xb8;
	[tilespmem:$0x10300] =	vst v63  }
0x50f: {  	s26 =	simm.s32 $0x5B00  }
0x510: {  	[tilespmem:s26], [sflag:$0x1] =	stream.indirect_vreg.gather [hbm4b:s1+s3], $0x80, v3, vm0, $0xb8;
	[tilespmem:$0x10300] =	vst v63  }
0x511: {  	v3 =	vld [tilespmem:$0x260];
	_ =	sdelay $0x4  }
0x512: {  	v49 =	vshll.u32 v3, $0x1  }
0x513: {  	v3 =	vand.u32 $0x7, v3;
	v4 =	vand.u32 $0xFFFFFFF0, v49  }
0x514: {  	v3 =	vor.u32 v3, v4  }
0x515: {  	v4 =	vperm.xlane v3, v0;
	_ =	sdelay $0x1  }
0x516: {  	v3 =	vperm.xlane v3, v2;
	v4 =	vadd.s32 v1, v4;
	_ =	sdelay $0x1  }
0x517: {  	v3 =	vadd.s32 v1, v3;
	_ =	sdelay $0x1  }
0x518: {  	s28 =	simm.s32 $0x6300  }
0x519: {  	[tilespmem:s28], [sflag:$0x1] =	stream.indirect_vreg.gather [hbm4b:s1+s3], $0x80, v4, vm0, $0xb8;
	[tilespmem:$0x10300] =	vst v63  }
0x51a: {  	s29 =	simm.s32 $0x6B00  }
0x51b: {  	[tilespmem:s29], [sflag:$0x1] =	stream.indirect_vreg.gather [hbm4b:s1+s3], $0x80, v3, vm0, $0xb8;
	[tilespmem:$0x10300] =	vst v63  }
0x51c: {  	v3 =	vld [tilespmem:$0x270];
	_ =	sdelay $0x4  }
0x51d: {  	v50 =	vshll.u32 v3, $0x1  }
0x51e: {  	v3 =	vand.u32 $0x7, v3;
	v4 =	vand.u32 $0xFFFFFFF0, v50  }
0x51f: {  	v3 =	vor.u32 v3, v4  }
0x520: {  	v4 =	vperm.xlane v3, v0;
	_ =	sdelay $0x1  }
0x521: {  	v3 =	vperm.xlane v3, v2;
	v4 =	vadd.s32 v1, v4;
	_ =	sdelay $0x1  }
0x522: {  	v3 =	vadd.s32 v1, v3;
	_ =	sdelay $0x1  }
0x523: {  	s30 =	simm.s32 $0x7300  }
0x524: {  	[tilespmem:s30], [sflag:$0x1] =	stream.indirect_vreg.gather [hbm4b:s1+s3], $0x80, v4, vm0, $0xb8;
	[tilespmem:$0x10300] =	vst v63  }
0x525: {  	s31 =	simm.s32 $0x7B00  }
0x526: {  	[tilespmem:s31], [sflag:$0x1] =	stream.indirect_vreg.gather [hbm4b:s1+s3], $0x80, v3, vm0, $0xb8;
	[tilespmem:$0x10300] =	vst v63  }
0x527: {  	_ =	swait.ge [sflag:s13], $0x8000  }
0x528: {  	[sflag:s13] =	ssyncset.done $0x0  }
0x529: {  	s31 =	rddreg [dreg:$0x10];
	[sflag:s13] =	ssyncadd.s32 $0xFFFF8000  }
0x52a: {  	[hbm4b:s31+s3] =	stream.linear.scatter [tilespmem:s22], [sflag:$0x3], $0x8000, $0x38;
	[tilespmem:$0x10300] =	vst v63  }
0x52b: {  	_ =	swait.ge [sflag:s5], $0x8000  }
0x52c: {  	[sflag:s5] =	ssyncset.done $0x0  }
0x52d: {  	[sflag:s5] =	ssyncadd.s32 $0xFFFF8000  }
0x52e: {  	v3 =	vld [tilespmem:$0x80];
	_ =	sdelay $0x2  }
0x52f: {  	v51 =	vld [tilespmem:$0x90]  }
0x530: {  	v52 =	vld [tilespmem:$0xA0]  }
0x531: {  	v54 =	vld [tilespmem:$0xB0];
	v53 =	vadd.s32 $0xBB8, v3  }
0x532: {  	v55 =	vld [tilespmem:$0xC0];
	v56 =	vshll.u32 v53, $0x1  }
0x533: {  	v57 =	vld [tilespmem:$0xD0];
	v3 =	vand.u32 $0x7, v3;
	v9 =	vand.u32 $0xFFFFFFF0, v56  }
0x534: {  	v60 =	vld [tilespmem:$0xF0];
	v4 =	vadd.s32 $0xBB8, v51;
	[tilespmem:$0x280] =	vst v53;
	v3 =	vor.u32 v3, v9  }
0x535: {  	v58 =	vld [tilespmem:$0xE0];
	v59 =	vadd.s32 $0xBB8, v52;
	[tilespmem:$0x290] =	vst v4;
	v9 =	vperm.xlane v3, v0  }
0x536: {  	v61 =	vadd.s32 $0xBB8, v54;
	[tilespmem:$0x2A0] =	vst v59  }
0x537: {  	v62 =	vadd.s32 $0xBB8, v55;
	[tilespmem:$0x2B0] =	vst v61;
	v3 =	vperm.xlane v3, v2;
	v63 =	vadd.s32 v1, v9  }
0x538: {  	v8 =	vadd.s32 $0xBB8, v57;
	[tilespmem:$0x2C0] =	vst v62  }
0x539: {  	v10 =	vadd.s32 $0xBB8, v60;
	[tilespmem:$0x2D0] =	vst v8;
	v3 =	vadd.s32 v1, v3  }
0x53a: {  	[tilespmem:$0x2F0] =	vst v10;
	v9 =	vadd.s32 $0xBB8, v58  }
0x53b: {  	[tilespmem:$0x2E0] =	vst v9  }
0x53c: {  	[tilespmem:s22], [sflag:$0x2] =	stream.indirect_vreg.gather [hbm4b:s1+s3], $0x80, v63, vm0, $0xb8;
	[tilespmem:$0x10300] =	vst v63  }
0x53d: {  	s28 =	simm.s32 $0x8B00  }
0x53e: {  	[tilespmem:s28], [sflag:$0x2] =	stream.indirect_vreg.gather [hbm4b:s1+s3], $0x80, v3, vm0, $0xb8;
	[tilespmem:$0x10300] =	vst v63  }
0x53f: {  	v3 =	vld [tilespmem:$0x290];
	_ =	sdelay $0x4  }
0x540: {  	v11 =	vshll.u32 v3, $0x1  }
0x541: {  	v3 =	vand.u32 $0x7, v3;
	v4 =	vand.u32 $0xFFFFFFF0, v11  }
0x542: {  	v3 =	vor.u32 v3, v4  }
0x543: {  	v4 =	vperm.xlane v3, v0;
	_ =	sdelay $0x1  }
0x544: {  	v3 =	vperm.xlane v3, v2;
	v4 =	vadd.s32 v1, v4;
	_ =	sdelay $0x1  }
0x545: {  	v3 =	vadd.s32 v1, v3;
	_ =	sdelay $0x1  }
0x546: {  	s8 =	simm.s32 $0x9300  }
0x547: {  	[tilespmem:s8], [sflag:$0x2] =	stream.indirect_vreg.gather [hbm4b:s1+s3], $0x80, v4, vm0, $0xb8;
	[tilespmem:$0x10300] =	vst v63  }
0x548: {  	s30 =	simm.s32 $0x9B00  }
0x549: {  	[tilespmem:s30], [sflag:$0x2] =	stream.indirect_vreg.gather [hbm4b:s1+s3], $0x80, v3, vm0, $0xb8;
	[tilespmem:$0x10300] =	vst v63  }
0x54a: {  	v3 =	vld [tilespmem:$0x2A0];
	_ =	sdelay $0x4  }
0x54b: {  	v12 =	vshll.u32 v3, $0x1  }
0x54c: {  	v3 =	vand.u32 $0x7, v3;
	v4 =	vand.u32 $0xFFFFFFF0, v12  }
0x54d: {  	v3 =	vor.u32 v3, v4  }
0x54e: {  	v4 =	vperm.xlane v3, v0;
	_ =	sdelay $0x1  }
0x54f: {  	v3 =	vperm.xlane v3, v2;
	v4 =	vadd.s32 v1, v4;
	_ =	sdelay $0x1  }
0x550: {  	v3 =	vadd.s32 v1, v3;
	_ =	sdelay $0x1  }
0x551: {  	s9 =	simm.s32 $0xA300  }
0x552: {  	[tilespmem:s9], [sflag:$0x2] =	stream.indirect_vreg.gather [hbm4b:s1+s3], $0x80, v4, vm0, $0xb8;
	[tilespmem:$0x10300] =	vst v63  }
0x553: {  	s18 =	simm.s32 $0xAB00  }
0x554: {  	[tilespmem:s18], [sflag:$0x2] =	stream.indirect_vreg.gather [hbm4b:s1+s3], $0x80, v3, vm0, $0xb8;
	[tilespmem:$0x10300] =	vst v63  }
0x555: {  	v3 =	vld [tilespmem:$0x2B0];
	_ =	sdelay $0x4  }
0x556: {  	v13 =	vshll.u32 v3, $0x1  }
0x557: {  	v3 =	vand.u32 $0x7, v3;
	v4 =	vand.u32 $0xFFFFFFF0, v13  }
0x558: {  	v3 =	vor.u32 v3, v4  }
0x559: {  	v4 =	vperm.xlane v3, v0;
	_ =	sdelay $0x1  }
0x55a: {  	v3 =	vperm.xlane v3, v2;
	v4 =	vadd.s32 v1, v4;
	_ =	sdelay $0x1  }
0x55b: {  	v3 =	vadd.s32 v1, v3;
	_ =	sdelay $0x1  }
0x55c: {  	s10 =	simm.s32 $0xB300  }
0x55d: {  	[tilespmem:s10], [sflag:$0x2] =	stream.indirect_vreg.gather [hbm4b:s1+s3], $0x80, v4, vm0, $0xb8;
	[tilespmem:$0x10300] =	vst v63  }
0x55e: {  	s14 =	simm.s32 $0xBB00  }
0x55f: {  	[tilespmem:s14], [sflag:$0x2] =	stream.indirect_vreg.gather [hbm4b:s1+s3], $0x80, v3, vm0, $0xb8;
	[tilespmem:$0x10300] =	vst v63  }
0x560: {  	v3 =	vld [tilespmem:$0x2C0];
	_ =	sdelay $0x4  }
0x561: {  	v14 =	vshll.u32 v3, $0x1  }
0x562: {  	v3 =	vand.u32 $0x7, v3;
	v4 =	vand.u32 $0xFFFFFFF0, v14  }
0x563: {  	v3 =	vor.u32 v3, v4  }
0x564: {  	v4 =	vperm.xlane v3, v0;
	_ =	sdelay $0x1  }
0x565: {  	v3 =	vperm.xlane v3, v2;
	v4 =	vadd.s32 v1, v4;
	_ =	sdelay $0x1  }
0x566: {  	v3 =	vadd.s32 v1, v3;
	_ =	sdelay $0x1  }
0x567: {  	s0 =	simm.s32 $0xC300  }
0x568: {  	[tilespmem:s0], [sflag:$0x2] =	stream.indirect_vreg.gather [hbm4b:s1+s3], $0x80, v4, vm0, $0xb8;
	[tilespmem:$0x10300] =	vst v63  }
0x569: {  	s11 =	simm.s32 $0xCB00  }
0x56a: {  	[tilespmem:s11], [sflag:$0x2] =	stream.indirect_vreg.gather [hbm4b:s1+s3], $0x80, v3, vm0, $0xb8;
	[tilespmem:$0x10300] =	vst v63  }
0x56b: {  	v3 =	vld [tilespmem:$0x2D0];
	_ =	sdelay $0x4  }
0x56c: {  	v15 =	vshll.u32 v3, $0x1  }
0x56d: {  	v3 =	vand.u32 $0x7, v3;
	v4 =	vand.u32 $0xFFFFFFF0, v15  }
0x56e: {  	v3 =	vor.u32 v3, v4  }
0x56f: {  	v4 =	vperm.xlane v3, v0;
	_ =	sdelay $0x1  }
0x570: {  	v3 =	vperm.xlane v3, v2;
	v4 =	vadd.s32 v1, v4;
	_ =	sdelay $0x1  }
0x571: {  	v3 =	vadd.s32 v1, v3;
	_ =	sdelay $0x1  }
0x572: {  	s2 =	simm.s32 $0xD300  }
0x573: {  	[tilespmem:s2], [sflag:$0x2] =	stream.indirect_vreg.gather [hbm4b:s1+s3], $0x80, v4, vm0, $0xb8;
	[tilespmem:$0x10300] =	vst v63  }
0x574: {  	s15 =	simm.s32 $0xDB00  }
0x575: {  	[tilespmem:s15], [sflag:$0x2] =	stream.indirect_vreg.gather [hbm4b:s1+s3], $0x80, v3, vm0, $0xb8;
	[tilespmem:$0x10300] =	vst v63  }
0x576: {  	v3 =	vld [tilespmem:$0x2E0];
	_ =	sdelay $0x4  }
0x577: {  	v16 =	vshll.u32 v3, $0x1  }
0x578: {  	v3 =	vand.u32 $0x7, v3;
	v4 =	vand.u32 $0xFFFFFFF0, v16  }
0x579: {  	v3 =	vor.u32 v3, v4  }
0x57a: {  	v4 =	vperm.xlane v3, v0;
	_ =	sdelay $0x1  }
0x57b: {  	v3 =	vperm.xlane v3, v2;
	v4 =	vadd.s32 v1, v4;
	_ =	sdelay $0x1  }
0x57c: {  	v3 =	vadd.s32 v1, v3;
	_ =	sdelay $0x1  }
0x57d: {  	s4 =	simm.s32 $0xE300  }
0x57e: {  	[tilespmem:s4], [sflag:$0x2] =	stream.indirect_vreg.gather [hbm4b:s1+s3], $0x80, v4, vm0, $0xb8;
	[tilespmem:$0x10300] =	vst v63  }
0x57f: {  	s15 =	simm.s32 $0xEB00  }
0x580: {  	[tilespmem:s15], [sflag:$0x2] =	stream.indirect_vreg.gather [hbm4b:s1+s3], $0x80, v3, vm0, $0xb8;
	[tilespmem:$0x10300] =	vst v63  }
0x581: {  	v3 =	vld [tilespmem:$0x2F0];
	_ =	sdelay $0x4  }
0x582: {  	v17 =	vshll.u32 v3, $0x1  }
0x583: {  	v3 =	vand.u32 $0x7, v3;
	v4 =	vand.u32 $0xFFFFFFF0, v17  }
0x584: {  	v3 =	vor.u32 v3, v4  }
0x585: {  	v4 =	vperm.xlane v3, v0;
	_ =	sdelay $0x1  }
0x586: {  	v3 =	vperm.xlane v3, v2;
	v4 =	vadd.s32 v1, v4;
	_ =	sdelay $0x1  }
0x587: {  	v3 =	vadd.s32 v1, v3;
	_ =	sdelay $0x1  }
0x588: {  	s7 =	simm.s32 $0xF300  }
0x589: {  	[tilespmem:s7], [sflag:$0x2] =	stream.indirect_vreg.gather [hbm4b:s1+s3], $0x80, v4, vm0, $0xb8;
	[tilespmem:$0x10300] =	vst v63  }
0x58a: {  	s14 =	simm.s32 $0xFB00  }
0x58b: {  	[tilespmem:s14], [sflag:$0x2] =	stream.indirect_vreg.gather [hbm4b:s1+s3], $0x80, v3, vm0, $0xb8;
	[tilespmem:$0x10300] =	vst v63  }
0x58c: {  	_ =	swait.ge [sflag:s12], $0x8000  }
0x58d: {  	[sflag:s12] =	ssyncset.done $0x0  }
0x58e: {  	s14 =	rddreg [dreg:$0x11];
	[sflag:s12] =	ssyncadd.s32 $0xFFFF8000  }
0x58f: {  	[hbm4b:s14+s3] =	stream.linear.scatter [tilespmem:s6], [sflag:$0x3], $0x8000, $0x38;
	[tilespmem:$0x10300] =	vst v63  }
0x590: {  	_ =	swait.ge [sflag:s5], $0x8000  }
0x591: {  	[sflag:s5] =	ssyncset.done $0x0  }
0x592: {  	[sflag:s5] =	ssyncadd.s32 $0xFFFF8000  }
0x593: {  	v3 =	vld [tilespmem:$0x100];
	_ =	sdelay $0x2  }
0x594: {  	v18 =	vld [tilespmem:$0x110]  }
0x595: {  	v19 =	vld [tilespmem:$0x120]  }
0x596: {  	v21 =	vld [tilespmem:$0x130];
	v20 =	vadd.s32 $0xBB8, v3  }
0x597: {  	v22 =	vld [tilespmem:$0x140];
	v23 =	vshll.u32 v20, $0x1  }
0x598: {  	v24 =	vld [tilespmem:$0x150];
	v3 =	vand.u32 $0x7, v3;
	v9 =	vand.u32 $0xFFFFFFF0, v23  }
0x599: {  	v25 =	vld [tilespmem:$0x160];
	v4 =	vadd.s32 $0xBB8, v18;
	[tilespmem:$0x200] =	vst v20;
	v3 =	vor.u32 v3, v9  }
0x59a: {  	v27 =	vld [tilespmem:$0x170];
	v26 =	vadd.s32 $0xBB8, v19;
	[tilespmem:$0x210] =	vst v4;
	v9 =	vperm.xlane v3, v0  }
0x59b: {  	v28 =	vadd.s32 $0xBB8, v21;
	[tilespmem:$0x220] =	vst v26  }
0x59c: {  	v29 =	vadd.s32 $0xBB8, v22;
	[tilespmem:$0x230] =	vst v28;
	v3 =	vperm.xlane v3, v2;
	v30 =	vadd.s32 v1, v9  }
0x59d: {  	v31 =	vadd.s32 $0xBB8, v24;
	[tilespmem:$0x240] =	vst v29  }
0x59e: {  	v32 =	vadd.s32 $0xBB8, v25;
	[tilespmem:$0x250] =	vst v31;
	v3 =	vadd.s32 v1, v3  }
0x59f: {  	v33 =	vadd.s32 $0xBB8, v27;
	[tilespmem:$0x260] =	vst v32  }
0x5a0: {  	[tilespmem:$0x270] =	vst v33  }
0x5a1: {  	[tilespmem:s6], [sflag:$0x1] =	stream.indirect_vreg.gather [hbm4b:s1+s3], $0x80, v30, vm0, $0xb8;
	[tilespmem:$0x10300] =	vst v63  }
0x5a2: {  	s14 =	simm.s32 $0xB00  }
0x5a3: {  	[tilespmem:s14], [sflag:$0x1] =	stream.indirect_vreg.gather [hbm4b:s1+s3], $0x80, v3, vm0, $0xb8;
	[tilespmem:$0x10300] =	vst v63  }
0x5a4: {  	v3 =	vld [tilespmem:$0x210];
	_ =	sdelay $0x4  }
0x5a5: {  	v34 =	vshll.u32 v3, $0x1  }
0x5a6: {  	v3 =	vand.u32 $0x7, v3;
	v4 =	vand.u32 $0xFFFFFFF0, v34  }
0x5a7: {  	v3 =	vor.u32 v3, v4  }
0x5a8: {  	v4 =	vperm.xlane v3, v0;
	_ =	sdelay $0x1  }
0x5a9: {  	v3 =	vperm.xlane v3, v2;
	v4 =	vadd.s32 v1, v4;
	_ =	sdelay $0x1  }
0x5aa: {  	v3 =	vadd.s32 v1, v3;
	_ =	sdelay $0x1  }
0x5ab: {  	s14 =	simm.s32 $0x1300  }
0x5ac: {  	[tilespmem:s14], [sflag:$0x1] =	stream.indirect_vreg.gather [hbm4b:s1+s3], $0x80, v4, vm0, $0xb8;
	[tilespmem:$0x10300] =	vst v63  }
0x5ad: {  	s14 =	simm.s32 $0x1B00  }
0x5ae: {  	[tilespmem:s14], [sflag:$0x1] =	stream.indirect_vreg.gather [hbm4b:s1+s3], $0x80, v3, vm0, $0xb8;
	[tilespmem:$0x10300] =	vst v63  }
0x5af: {  	v3 =	vld [tilespmem:$0x220];
	_ =	sdelay $0x4  }
0x5b0: {  	v35 =	vshll.u32 v3, $0x1  }
0x5b1: {  	v3 =	vand.u32 $0x7, v3;
	v4 =	vand.u32 $0xFFFFFFF0, v35  }
0x5b2: {  	v3 =	vor.u32 v3, v4  }
0x5b3: {  	v4 =	vperm.xlane v3, v0;
	_ =	sdelay $0x1  }
0x5b4: {  	v3 =	vperm.xlane v3, v2;
	v4 =	vadd.s32 v1, v4;
	_ =	sdelay $0x1  }
0x5b5: {  	v3 =	vadd.s32 v1, v3;
	_ =	sdelay $0x1  }
0x5b6: {  	s16 =	simm.s32 $0x2300  }
0x5b7: {  	[tilespmem:s16], [sflag:$0x1] =	stream.indirect_vreg.gather [hbm4b:s1+s3], $0x80, v4, vm0, $0xb8;
	[tilespmem:$0x10300] =	vst v63  }
0x5b8: {  	s16 =	simm.s32 $0x2B00  }
0x5b9: {  	[tilespmem:s16], [sflag:$0x1] =	stream.indirect_vreg.gather [hbm4b:s1+s3], $0x80, v3, vm0, $0xb8;
	[tilespmem:$0x10300] =	vst v63  }
0x5ba: {  	v3 =	vld [tilespmem:$0x230];
	_ =	sdelay $0x4  }
0x5bb: {  	v36 =	vshll.u32 v3, $0x1  }
0x5bc: {  	v3 =	vand.u32 $0x7, v3;
	v4 =	vand.u32 $0xFFFFFFF0, v36  }
0x5bd: {  	v3 =	vor.u32 v3, v4  }
0x5be: {  	v4 =	vperm.xlane v3, v0;
	_ =	sdelay $0x1  }
0x5bf: {  	v3 =	vperm.xlane v3, v2;
	v4 =	vadd.s32 v1, v4;
	_ =	sdelay $0x1  }
0x5c0: {  	v3 =	vadd.s32 v1, v3;
	_ =	sdelay $0x1  }
0x5c1: {  	s17 =	simm.s32 $0x3300  }
0x5c2: {  	[tilespmem:s17], [sflag:$0x1] =	stream.indirect_vreg.gather [hbm4b:s1+s3], $0x80, v4, vm0, $0xb8;
	[tilespmem:$0x10300] =	vst v63  }
0x5c3: {  	s20 =	simm.s32 $0x3B00  }
0x5c4: {  	[tilespmem:s20], [sflag:$0x1] =	stream.indirect_vreg.gather [hbm4b:s1+s3], $0x80, v3, vm0, $0xb8;
	[tilespmem:$0x10300] =	vst v63  }
0x5c5: {  	v3 =	vld [tilespmem:$0x240];
	_ =	sdelay $0x4  }
0x5c6: {  	v37 =	vshll.u32 v3, $0x1  }
0x5c7: {  	v3 =	vand.u32 $0x7, v3;
	v4 =	vand.u32 $0xFFFFFFF0, v37  }
0x5c8: {  	v3 =	vor.u32 v3, v4  }
0x5c9: {  	v4 =	vperm.xlane v3, v0;
	_ =	sdelay $0x1  }
0x5ca: {  	v3 =	vperm.xlane v3, v2;
	v4 =	vadd.s32 v1, v4;
	_ =	sdelay $0x1  }
0x5cb: {  	v3 =	vadd.s32 v1, v3;
	_ =	sdelay $0x1  }
0x5cc: {  	s19 =	simm.s32 $0x4300  }
0x5cd: {  	[tilespmem:s19], [sflag:$0x1] =	stream.indirect_vreg.gather [hbm4b:s1+s3], $0x80, v4, vm0, $0xb8;
	[tilespmem:$0x10300] =	vst v63  }
0x5ce: {  	s20 =	simm.s32 $0x4B00  }
0x5cf: {  	[tilespmem:s20], [sflag:$0x1] =	stream.indirect_vreg.gather [hbm4b:s1+s3], $0x80, v3, vm0, $0xb8;
	[tilespmem:$0x10300] =	vst v63  }
0x5d0: {  	v3 =	vld [tilespmem:$0x250];
	_ =	sdelay $0x4  }
0x5d1: {  	v38 =	vshll.u32 v3, $0x1  }
0x5d2: {  	v3 =	vand.u32 $0x7, v3;
	v4 =	vand.u32 $0xFFFFFFF0, v38  }
0x5d3: {  	v3 =	vor.u32 v3, v4  }
0x5d4: {  	v4 =	vperm.xlane v3, v0;
	_ =	sdelay $0x1  }
0x5d5: {  	v3 =	vperm.xlane v3, v2;
	v4 =	vadd.s32 v1, v4;
	_ =	sdelay $0x1  }
0x5d6: {  	v3 =	vadd.s32 v1, v3;
	_ =	sdelay $0x1  }
0x5d7: {  	s21 =	simm.s32 $0x5300  }
0x5d8: {  	[tilespmem:s21], [sflag:$0x1] =	stream.indirect_vreg.gather [hbm4b:s1+s3], $0x80, v4, vm0, $0xb8;
	[tilespmem:$0x10300] =	vst v63  }
0x5d9: {  	s23 =	simm.s32 $0x5B00  }
0x5da: {  	[tilespmem:s23], [sflag:$0x1] =	stream.indirect_vreg.gather [hbm4b:s1+s3], $0x80, v3, vm0, $0xb8;
	[tilespmem:$0x10300] =	vst v63  }
0x5db: {  	v3 =	vld [tilespmem:$0x260];
	_ =	sdelay $0x4  }
0x5dc: {  	v39 =	vshll.u32 v3, $0x1  }
0x5dd: {  	v3 =	vand.u32 $0x7, v3;
	v4 =	vand.u32 $0xFFFFFFF0, v39  }
0x5de: {  	v3 =	vor.u32 v3, v4  }
0x5df: {  	v4 =	vperm.xlane v3, v0;
	_ =	sdelay $0x1  }
0x5e0: {  	v3 =	vperm.xlane v3, v2;
	v4 =	vadd.s32 v1, v4;
	_ =	sdelay $0x1  }
0x5e1: {  	v3 =	vadd.s32 v1, v3;
	_ =	sdelay $0x1  }
0x5e2: {  	s24 =	simm.s32 $0x6300  }
0x5e3: {  	[tilespmem:s24], [sflag:$0x1] =	stream.indirect_vreg.gather [hbm4b:s1+s3], $0x80, v4, vm0, $0xb8;
	[tilespmem:$0x10300] =	vst v63  }
0x5e4: {  	s25 =	simm.s32 $0x6B00  }
0x5e5: {  	[tilespmem:s25], [sflag:$0x1] =	stream.indirect_vreg.gather [hbm4b:s1+s3], $0x80, v3, vm0, $0xb8;
	[tilespmem:$0x10300] =	vst v63  }
0x5e6: {  	v3 =	vld [tilespmem:$0x270];
	_ =	sdelay $0x4  }
0x5e7: {  	v40 =	vshll.u32 v3, $0x1  }
0x5e8: {  	v3 =	vand.u32 $0x7, v3;
	v4 =	vand.u32 $0xFFFFFFF0, v40  }
0x5e9: {  	v3 =	vor.u32 v3, v4  }
0x5ea: {  	v4 =	vperm.xlane v3, v0;
	_ =	sdelay $0x1  }
0x5eb: {  	v3 =	vperm.xlane v3, v2;
	v4 =	vadd.s32 v1, v4;
	_ =	sdelay $0x1  }
0x5ec: {  	v3 =	vadd.s32 v1, v3;
	_ =	sdelay $0x1  }
0x5ed: {  	s26 =	simm.s32 $0x7300  }
0x5ee: {  	[tilespmem:s26], [sflag:$0x1] =	stream.indirect_vreg.gather [hbm4b:s1+s3], $0x80, v4, vm0, $0xb8;
	[tilespmem:$0x10300] =	vst v63  }
0x5ef: {  	s29 =	simm.s32 $0x7B00  }
0x5f0: {  	[tilespmem:s29], [sflag:$0x1] =	stream.indirect_vreg.gather [hbm4b:s1+s3], $0x80, v3, vm0, $0xb8;
	[tilespmem:$0x10300] =	vst v63  }
0x5f1: {  	_ =	swait.ge [sflag:s13], $0x8000  }
0x5f2: {  	[sflag:s13] =	ssyncset.done $0x0  }
0x5f3: {  	s25 =	rddreg [dreg:$0x12];
	[sflag:s13] =	ssyncadd.s32 $0xFFFF8000  }
0x5f4: {  	[hbm4b:s25+s3] =	stream.linear.scatter [tilespmem:s22], [sflag:$0x3], $0x8000, $0x38;
	[tilespmem:$0x10300] =	vst v63  }
0x5f5: {  	_ =	swait.ge [sflag:s5], $0x8000  }
0x5f6: {  	[sflag:s5] =	ssyncset.done $0x0  }
0x5f7: {  	[sflag:s5] =	ssyncadd.s32 $0xFFFF8000  }
0x5f8: {  	v3 =	vld [tilespmem:$0x180];
	_ =	sdelay $0x2  }
0x5f9: {  	v41 =	vld [tilespmem:$0x190]  }
0x5fa: {  	v42 =	vld [tilespmem:$0x1A0]  }
0x5fb: {  	v44 =	vld [tilespmem:$0x1B0];
	v43 =	vadd.s32 $0xBB8, v3  }
0x5fc: {  	v45 =	vld [tilespmem:$0x1C0];
	v46 =	vshll.u32 v43, $0x1  }
0x5fd: {  	v47 =	vld [tilespmem:$0x1D0];
	v3 =	vand.u32 $0x7, v3;
	v9 =	vand.u32 $0xFFFFFFF0, v46  }
0x5fe: {  	v48 =	vld [tilespmem:$0x1E0];
	v4 =	vadd.s32 $0xBB8, v41;
	[tilespmem:$0x280] =	vst v43;
	v3 =	vor.u32 v3, v9  }
0x5ff: {  	v50 =	vld [tilespmem:$0x1F0];
	v49 =	vadd.s32 $0xBB8, v42;
	[tilespmem:$0x290] =	vst v4;
	v9 =	vperm.xlane v3, v0  }
0x600: {  	v51 =	vadd.s32 $0xBB8, v44;
	[tilespmem:$0x2A0] =	vst v49  }
0x601: {  	v52 =	vadd.s32 $0xBB8, v45;
	[tilespmem:$0x2B0] =	vst v51;
	v3 =	vperm.xlane v3, v2;
	v53 =	vadd.s32 v1, v9  }
0x602: {  	v54 =	vadd.s32 $0xBB8, v47;
	[tilespmem:$0x2C0] =	vst v52  }
0x603: {  	v55 =	vadd.s32 $0xBB8, v48;
	[tilespmem:$0x2D0] =	vst v54;
	v3 =	vadd.s32 v1, v3  }
0x604: {  	v56 =	vadd.s32 $0xBB8, v50;
	[tilespmem:$0x2E0] =	vst v55  }
0x605: {  	[tilespmem:$0x2F0] =	vst v56  }
0x606: {  	[tilespmem:s22], [sflag:$0x2] =	stream.indirect_vreg.gather [hbm4b:s1+s3], $0x80, v53, vm0, $0xb8;
	[tilespmem:$0x10300] =	vst v63  }
0x607: {  	s31 =	simm.s32 $0x8B00  }
0x608: {  	[tilespmem:s31], [sflag:$0x2] =	stream.indirect_vreg.gather [hbm4b:s1+s3], $0x80, v3, vm0, $0xb8;
	[tilespmem:$0x10300] =	vst v63  }
0x609: {  	v3 =	vld [tilespmem:$0x290];
	_ =	sdelay $0x4  }
0x60a: {  	v57 =	vshll.u32 v3, $0x1  }
0x60b: {  	v3 =	vand.u32 $0x7, v3;
	v4 =	vand.u32 $0xFFFFFFF0, v57  }
0x60c: {  	v3 =	vor.u32 v3, v4  }
0x60d: {  	v4 =	vperm.xlane v3, v0;
	_ =	sdelay $0x1  }
0x60e: {  	v3 =	vperm.xlane v3, v2;
	v4 =	vadd.s32 v1, v4;
	_ =	sdelay $0x1  }
0x60f: {  	v3 =	vadd.s32 v1, v3;
	_ =	sdelay $0x1  }
0x610: {  	s28 =	simm.s32 $0x9300  }
0x611: {  	[tilespmem:s28], [sflag:$0x2] =	stream.indirect_vreg.gather [hbm4b:s1+s3], $0x80, v4, vm0, $0xb8;
	[tilespmem:$0x10300] =	vst v63  }
0x612: {  	s26 =	simm.s32 $0x9B00  }
0x613: {  	[tilespmem:s26], [sflag:$0x2] =	stream.indirect_vreg.gather [hbm4b:s1+s3], $0x80, v3, vm0, $0xb8;
	[tilespmem:$0x10300] =	vst v63  }
0x614: {  	v3 =	vld [tilespmem:$0x2A0];
	_ =	sdelay $0x4  }
0x615: {  	v58 =	vshll.u32 v3, $0x1  }
0x616: {  	v3 =	vand.u32 $0x7, v3;
	v4 =	vand.u32 $0xFFFFFFF0, v58  }
0x617: {  	v3 =	vor.u32 v3, v4  }
0x618: {  	v4 =	vperm.xlane v3, v0;
	_ =	sdelay $0x1  }
0x619: {  	v3 =	vperm.xlane v3, v2;
	v4 =	vadd.s32 v1, v4;
	_ =	sdelay $0x1  }
0x61a: {  	v3 =	vadd.s32 v1, v3;
	_ =	sdelay $0x1  }
0x61b: {  	s8 =	simm.s32 $0xA300  }
0x61c: {  	[tilespmem:s8], [sflag:$0x2] =	stream.indirect_vreg.gather [hbm4b:s1+s3], $0x80, v4, vm0, $0xb8;
	[tilespmem:$0x10300] =	vst v63  }
0x61d: {  	s9 =	simm.s32 $0xAB00  }
0x61e: {  	[tilespmem:s9], [sflag:$0x2] =	stream.indirect_vreg.gather [hbm4b:s1+s3], $0x80, v3, vm0, $0xb8;
	[tilespmem:$0x10300] =	vst v63  }
0x61f: {  	v3 =	vld [tilespmem:$0x2B0];
	_ =	sdelay $0x4  }
0x620: {  	v59 =	vshll.u32 v3, $0x1  }
0x621: {  	v3 =	vand.u32 $0x7, v3;
	v4 =	vand.u32 $0xFFFFFFF0, v59  }
0x622: {  	v3 =	vor.u32 v3, v4  }
0x623: {  	v4 =	vperm.xlane v3, v0;
	_ =	sdelay $0x1  }
0x624: {  	v3 =	vperm.xlane v3, v2;
	v4 =	vadd.s32 v1, v4;
	_ =	sdelay $0x1  }
0x625: {  	v3 =	vadd.s32 v1, v3;
	_ =	sdelay $0x1  }
0x626: {  	s30 =	simm.s32 $0xB300  }
0x627: {  	[tilespmem:s30], [sflag:$0x2] =	stream.indirect_vreg.gather [hbm4b:s1+s3], $0x80, v4, vm0, $0xb8;
	[tilespmem:$0x10300] =	vst v63  }
0x628: {  	s28 =	simm.s32 $0xBB00  }
0x629: {  	[tilespmem:s28], [sflag:$0x2] =	stream.indirect_vreg.gather [hbm4b:s1+s3], $0x80, v3, vm0, $0xb8;
	[tilespmem:$0x10300] =	vst v63  }
0x62a: {  	v3 =	vld [tilespmem:$0x2C0];
	_ =	sdelay $0x4  }
0x62b: {  	v60 =	vshll.u32 v3, $0x1  }
0x62c: {  	v3 =	vand.u32 $0x7, v3;
	v4 =	vand.u32 $0xFFFFFFF0, v60  }
0x62d: {  	v3 =	vor.u32 v3, v4  }
0x62e: {  	v4 =	vperm.xlane v3, v0;
	_ =	sdelay $0x1  }
0x62f: {  	v3 =	vperm.xlane v3, v2;
	v4 =	vadd.s32 v1, v4;
	_ =	sdelay $0x1  }
0x630: {  	v3 =	vadd.s32 v1, v3;
	_ =	sdelay $0x1  }
0x631: {  	s18 =	simm.s32 $0xC300  }
0x632: {  	[tilespmem:s18], [sflag:$0x2] =	stream.indirect_vreg.gather [hbm4b:s1+s3], $0x80, v4, vm0, $0xb8;
	[tilespmem:$0x10300] =	vst v63  }
0x633: {  	s10 =	simm.s32 $0xCB00  }
0x634: {  	[tilespmem:s10], [sflag:$0x2] =	stream.indirect_vreg.gather [hbm4b:s1+s3], $0x80, v3, vm0, $0xb8;
	[tilespmem:$0x10300] =	vst v63  }
0x635: {  	v3 =	vld [tilespmem:$0x2D0];
	_ =	sdelay $0x4  }
0x636: {  	v61 =	vshll.u32 v3, $0x1  }
0x637: {  	v3 =	vand.u32 $0x7, v3;
	v4 =	vand.u32 $0xFFFFFFF0, v61  }
0x638: {  	v3 =	vor.u32 v3, v4  }
0x639: {  	v4 =	vperm.xlane v3, v0;
	_ =	sdelay $0x1  }
0x63a: {  	v3 =	vperm.xlane v3, v2;
	v4 =	vadd.s32 v1, v4;
	_ =	sdelay $0x1  }
0x63b: {  	v3 =	vadd.s32 v1, v3;
	_ =	sdelay $0x1  }
0x63c: {  	s0 =	simm.s32 $0xD300  }
0x63d: {  	[tilespmem:s0], [sflag:$0x2] =	stream.indirect_vreg.gather [hbm4b:s1+s3], $0x80, v4, vm0, $0xb8;
	[tilespmem:$0x10300] =	vst v63  }
0x63e: {  	s11 =	simm.s32 $0xDB00  }
0x63f: {  	[tilespmem:s11], [sflag:$0x2] =	stream.indirect_vreg.gather [hbm4b:s1+s3], $0x80, v3, vm0, $0xb8;
	[tilespmem:$0x10300] =	vst v63  }
0x640: {  	v3 =	vld [tilespmem:$0x2E0];
	_ =	sdelay $0x4  }
0x641: {  	v62 =	vshll.u32 v3, $0x1  }
0x642: {  	v3 =	vand.u32 $0x7, v3;
	v4 =	vand.u32 $0xFFFFFFF0, v62  }
0x643: {  	v3 =	vor.u32 v3, v4  }
0x644: {  	v4 =	vperm.xlane v3, v0;
	_ =	sdelay $0x1  }
0x645: {  	v3 =	vperm.xlane v3, v2;
	v4 =	vadd.s32 v1, v4;
	_ =	sdelay $0x1  }
0x646: {  	v3 =	vadd.s32 v1, v3;
	_ =	sdelay $0x1  }
0x647: {  	s2 =	simm.s32 $0xE300  }
0x648: {  	[tilespmem:s2], [sflag:$0x2] =	stream.indirect_vreg.gather [hbm4b:s1+s3], $0x80, v4, vm0, $0xb8;
	[tilespmem:$0x10300] =	vst v63  }
0x649: {  	s15 =	simm.s32 $0xEB00  }
0x64a: {  	[tilespmem:s15], [sflag:$0x2] =	stream.indirect_vreg.gather [hbm4b:s1+s3], $0x80, v3, vm0, $0xb8;
	[tilespmem:$0x10300] =	vst v63  }
0x64b: {  	v3 =	vld [tilespmem:$0x2F0];
	_ =	sdelay $0x4  }
0x64c: {  	v63 =	vshll.u32 v3, $0x1  }
0x64d: {  	v3 =	vand.u32 $0x7, v3;
	v4 =	vand.u32 $0xFFFFFFF0, v63  }
0x64e: {  	v3 =	vor.u32 v3, v4  }
0x64f: {  	v4 =	vperm.xlane v3, v0;
	_ =	sdelay $0x1  }
0x650: {  	v3 =	vperm.xlane v3, v2;
	v4 =	vadd.s32 v1, v4;
	_ =	sdelay $0x1  }
0x651: {  	v3 =	vadd.s32 v1, v3;
	_ =	sdelay $0x1  }
0x652: {  	s4 =	simm.s32 $0xF300  }
0x653: {  	[tilespmem:s4], [sflag:$0x2] =	stream.indirect_vreg.gather [hbm4b:s1+s3], $0x80, v4, vm0, $0xb8;
	[tilespmem:$0x10300] =	vst v63  }
0x654: {  	s7 =	simm.s32 $0xFB00  }
0x655: {  	[tilespmem:s7], [sflag:$0x2] =	stream.indirect_vreg.gather [hbm4b:s1+s3], $0x80, v3, vm0, $0xb8;
	[tilespmem:$0x10300] =	vst v63  }
0x656: {  	s29 =	rddreg [dreg:$0x15];
	_ =	swait.ge [sflag:s12], $0x8000  }
0x657: {  	[sflag:s12] =	ssyncset.done $0x0  }
0x658: {  	s30 =	rddreg [dreg:$0x13];
	[sflag:s12] =	ssyncadd.s32 $0xFFFF8000  }
0x659: {  	[hbm4b:s30+s3] =	stream.linear.scatter [tilespmem:s6], [sflag:$0x3], $0x8000, $0x38;
	[tilespmem:$0x10300] =	vst v63  }
0x65a: {  	_ =	swait.ge [sflag:s5], $0x8000  }
0x65b: {  	[sflag:s5] =	ssyncset.done $0x0  }
0x65c: {  	[sflag:s5] =	ssyncadd.s32 $0xFFFF8000  }
0x65d: {  	_ =	swait.ge [sflag:s13], $0x8000  }
0x65e: {  	p0 =	sne.s32 s29, $0x1;
	[sflag:s13] =	ssyncset.done $0x0  }
.Ltmp0:
0x65f: {  	s31 =	rddreg [dreg:$0x14];
	[sflag:s13] =	ssyncadd.s32 $0xFFFF8000;
	(pc) =	sbr.rel @p0 .LBB2_1-.Ltmp0, $4  }
0x660: {  	[hbm4b:s31+s3] =	stream.linear.scatter [tilespmem:s22], [sflag:$0x3], $0x8000, $0x38;
	[tilespmem:$0x10300] =	vst v63  }
0x661: {  	_ =	swait.ge [sflag:s5], $0x8000  }
0x662: {  	[sflag:s5] =	ssyncset.done $0x0  }
0x663: {  	s0 =	sadd.s32 $0xFFFFFFFF, s29;
	[sflag:s5] =	ssyncadd.s32 $0xFFFF8000  }
0x664: {  	_ =	sfence.sel $0x180000  }
0x665: {  	[bflag:$0x0] =	sbarrier.arrive $0xFFFF  }
0x666: {  	_ =	strace $0x90000047  }
0x667: {  	s0 =	stileid.u32;
	[bflag:$0x2] =	sbarrier.arrive $0xFFFF  }
0x668: {  	p0 =	sne.s32 s0, $0x0;
	s0 =	rddreg [dreg:$0x3]  }
0x669: {  	s0 =	sadd.s32 @!p0 $0x100000, s0  }
0x66a: {  	[sflag:s0] =	ssyncadd.tile.s32 @!p0 $0x1;
	_ =	shalt  }
.Lfunc_end2:
_tile_overlayer_lowered:
.L_overlay_start_2:
0x66b: {  	(tag) =	ssettag $0x2  }
0x66c: {  	s0 =	rddreg [dreg:$0x0];
	s2 =	stileid.u32  }
0x66d: {  	s1 =	rddreg [dreg:$0x1];
	p0 =	sne.s32 s2, $0x0  }
0x66e: {  	s3 =	rddreg [dreg:$0x2];
	[bflag:$0x3] =	sbarrier.arrive $0xFFFF;
	s2 =	simm.s32 @!p0 $0x1C03  }
0x66f: {  	[timem:s3], [sflag:s2] =	dma.local @!p0 [hbm:s0], s1  }
0x670: {  	s0 =	simm.s32 @!p0 $0x3  }
0x671: {  	_ =	swait.ge @!p0 [sflag:s0], s1  }
0x672: {  	s1 =	ssub.s32 @!p0 $0x0, s1;
	[sflag:s0] =	ssyncset.done @!p0 $0x0  }
0x673: {  	[sflag:s0] =	ssyncadd.s32 @!p0 s1  }
0x674: {  	[bflag:$0x3] =	sbarrier.arrive $0xFFFF  }
0x675: {  	_ =	shalt  }

</sc_bundles>
